<compile_context>
chip_gen: v7x
topology: tpu7x:2x2x1
jax: 0.10.2.dev20260603
libtpu: 0.0.44.dev20260713+nightly
codegen_flags: <defaults>
</compile_context>

<pallas_src>
import functools

import jax
import jax.numpy as jnp
from jax import lax
from jax.experimental import pallas as pl
from jax.experimental.pallas import tpu as pltpu
from jax.experimental.pallas import tpu_sc as plsc

NC = 2
NS = 16
NW = NC * NS
EMBED = 64
B = 1024
NIJ = 1024
NBUF = 4
EPART = EMBED // NBUF


def _sc_body(tbl_hbm, x_hbm, out_hbm, tbl_v, x_v, obs, sems):
    wid = lax.axis_index("s") * NC + lax.axis_index("c")
    pairs = NIJ // NW
    base = wid * pairs
    pltpu.sync_copy(tbl_hbm, tbl_v)
    pltpu.sync_copy(x_hbm.at[pl.ds(base, pairs)], x_v)

    def pair(p, carry):
        for q in range(NBUF):
            ob, sem = obs[q], sems[q]
            @pl.when(p > 0)
            def _(ob=ob, sem=sem, q=q):
                pltpu.make_async_copy(
                    ob, out_hbm.at[base + p - 1, pl.ds(q * EPART, EPART)],
                    sem).wait()

            for lb in range(4):
                ms = [x_v[p, pl.ds(lb * 256 + l * 16, 16)] == 1
                      for l in range(16)]

                @plsc.parallel_loop(0, EPART, unroll=2)
                def _(e, ms=ms, q=q, ob=ob, lb=lb):
                    t0v = tbl_v[q * EPART + e]
                    t1v = tbl_v[EMBED + q * EPART + e]
                    for l in range(16):
                        ob[e, pl.ds(lb * 256 + l * 16, 16)] = (
                            jnp.where(ms[l], t0v, t1v))
            pltpu.async_copy(
                ob, out_hbm.at[base + p, pl.ds(q * EPART, EPART)], sem)
        return carry

    lax.fori_loop(0, pairs, pair, 0)
    for q in range(NBUF):
        pltpu.make_async_copy(
            obs[q], out_hbm.at[base + pairs - 1, pl.ds(q * EPART, EPART)],
            sems[q]).wait()


def _body(tbl_hbm, x_hbm, out_hbm, tbl_v, x_v, ob0, ob1, ob2, ob3,
          sem0, sem1, sem2, sem3):
    _sc_body(tbl_hbm, x_hbm, out_hbm, tbl_v, x_v,
             (ob0, ob1, ob2, ob3), (sem0, sem1, sem2, sem3))


@functools.partial(jax.jit, static_argnames=())
def kernel(tensors, table):
    b, h, w = tensors.shape
    xt = jnp.transpose(tensors, (1, 2, 0)).reshape(h * w, b)
    tblx = jnp.repeat(table[jnp.array([0, 1])].reshape(2 * EMBED, 1), 16,
                      axis=1)

    mesh = plsc.VectorSubcoreMesh(core_axis_name="c", subcore_axis_name="s")
    out = pl.kernel(
        _body,
        out_type=jax.ShapeDtypeStruct((h * w, EMBED, b), jnp.float32),
        mesh=mesh,
        scratch_types=[
            pltpu.VMEM((2 * EMBED, 16), jnp.float32),
            pltpu.VMEM((NIJ // NW, B), jnp.int32),
        ] + [pltpu.VMEM((EPART, B), jnp.float32)] * NBUF
          + [pltpu.SemaphoreType.DMA] * NBUF,
        compiler_params=pltpu.CompilerParams(use_tc_tiling_on_sc=True,
                                             needs_layout_passes=False),
    )(tblx, xt)
    return jnp.transpose(out.reshape(h, w, EMBED, b), (3, 0, 1, 2))

# --- scband reference (transcript-rebuilt; emitter-appended) ---
"""Pipeline reference for scband-matrix-embedding-6923487282566 (READ-ONLY COPY).

The authoritative reference and input builder live on the scoring server;
editing this copy changes nothing except your own understanding.
"""

import jax, jax.numpy as jnp
import numpy as np

SIZE = 32
EMBED_DIM = 64

def setup_inputs(seed: int = 0) -> dict:
    key = jax.random.key(seed)
    k1, k2 = jax.random.split(key)
    tensors = jax.random.randint(k1, (1024, 32, 32), 0, 2, dtype=jnp.int32)
    # Embedding(3, embed_dim, padding_idx=2): normal init, padding row zeroed
    table = jax.random.normal(k2, (3, EMBED_DIM), dtype=jnp.float32)
    table = table.at[2].set(0.0)
    return {"tensors": tensors, "table": table}

def reference(tensors, table):
    size = tensors.shape[-1]
    t = jnp.where(tensors == 1, 0, 1).astype(jnp.int32)
    if size < SIZE:
        amount = (SIZE - size) // 2
        pad_width = [(0, 0)] * (t.ndim - 2) + [(amount, amount), (amount, amount)]
        t = jnp.pad(t, pad_width, constant_values=2)
    return jnp.take(table, t, axis=0)

if __name__ == "__main__":
    import jax
    _d = setup_inputs()
    print(jax.jit(kernel)(*tuple(_d.values())))

</pallas_src>

<mosaic_0001>
#map = affine_map<(d0, d1) -> (0, 0)>
#map1 = affine_map<(d0, d1) -> (0, 0, 0)>
module attributes {stable_mosaic.version = 14 : i64} {
  func.func @_body(%arg0: i32, %arg1: i32, %arg2: memref<128x16xf32, #tpu.memory_space<hbm>>, %arg3: memref<1024x1024xi32, #tpu.memory_space<hbm>>, %arg4: memref<1024x64x1024xf32, #tpu.memory_space<hbm>>, %arg5: memref<128x16xf32, #tpu.memory_space<vmem>>, %arg6: memref<32x1024xi32, #tpu.memory_space<vmem>>, %arg7: memref<16x1024xf32, #tpu.memory_space<vmem>>, %arg8: memref<16x1024xf32, #tpu.memory_space<vmem>>, %arg9: memref<16x1024xf32, #tpu.memory_space<vmem>>, %arg10: memref<16x1024xf32, #tpu.memory_space<vmem>>, %arg11: memref<!tpu.dma_semaphore, #tpu.memory_space<semaphore_mem>>, %arg12: memref<!tpu.dma_semaphore, #tpu.memory_space<semaphore_mem>>, %arg13: memref<!tpu.dma_semaphore, #tpu.memory_space<semaphore_mem>>, %arg14: memref<!tpu.dma_semaphore, #tpu.memory_space<semaphore_mem>>) attributes {dimension_semantics = [#tpu.dimension_semantics<core_parallel>, #tpu.dimension_semantics<subcore_parallel>], iteration_bounds = array<i64: 2, 16>, scalar_prefetch = 0 : i64, scratch_operands = 10 : i64, tpu.core_type = #tpu.core_type<sc_vector_subcore>, window_params = [{transform_indices = #map}, {transform_indices = #map}, {transform_indices = #map1}]} {
    %mul3A = arith.constant 2 : i32
    %mul3A_0 = arith.muli %arg1, %mul3A : i32
    %add3A = arith.addi %mul3A_0, %arg0 : i32
    %mul3A_1 = arith.constant 32 : i32
    %mul3A_2 = arith.muli %add3A, %mul3A_1 : i32
    "tpu.region"() ({
      %run_scoped3A = tpu.sem_alloc : memref<!tpu.dma_semaphore, #tpu.memory_space<semaphore_mem>>
      tpu.enqueue_dma source(%arg2 : memref<128x16xf32, #tpu.memory_space<hbm>>) target(%arg5 : memref<128x16xf32, #tpu.memory_space<vmem>>) target_semaphore(%run_scoped3A : memref<!tpu.dma_semaphore, #tpu.memory_space<semaphore_mem>>)
      tpu.wait_dma2 semaphore(%run_scoped3A : memref<!tpu.dma_semaphore, #tpu.memory_space<semaphore_mem>>) src(%arg2 : memref<128x16xf32, #tpu.memory_space<hbm>>) dst(%arg5 : memref<128x16xf32, #tpu.memory_space<vmem>>)
      tpu.yield
    }) : () -> ()
    "tpu.region"() ({
      %run_scoped3A = tpu.sem_alloc : memref<!tpu.dma_semaphore, #tpu.memory_space<semaphore_mem>>
      %dma_start3A = arith.constant 0 : i32
      %dma_start3A_54 = tpu.memref_slice %arg3[%mul3A_2, %dma_start3A] : memref<1024x1024xi32, #tpu.memory_space<hbm>> -> memref<32x1024xi32, #tpu.memory_space<hbm>>
      %dma_start3A_55 = arith.constant 0 : i32
      %dma_start3A_56 = tpu.memref_slice %arg3[%mul3A_2, %dma_start3A_55] : memref<1024x1024xi32, #tpu.memory_space<hbm>> -> memref<32x1024xi32, #tpu.memory_space<hbm>>
      tpu.enqueue_dma source(%dma_start3A_56 : memref<32x1024xi32, #tpu.memory_space<hbm>>) target(%arg6 : memref<32x1024xi32, #tpu.memory_space<vmem>>) target_semaphore(%run_scoped3A : memref<!tpu.dma_semaphore, #tpu.memory_space<semaphore_mem>>)
      %dma_wait3A_57 = arith.constant 0 : i32
      %dma_wait3A_58 = tpu.memref_slice %arg3[%mul3A_2, %dma_wait3A_57] : memref<1024x1024xi32, #tpu.memory_space<hbm>> -> memref<32x1024xi32, #tpu.memory_space<hbm>>
      %dma_wait3A_59 = arith.constant 0 : i32
      %dma_wait3A_60 = tpu.memref_slice %arg3[%mul3A_2, %dma_wait3A_59] : memref<1024x1024xi32, #tpu.memory_space<hbm>> -> memref<32x1024xi32, #tpu.memory_space<hbm>>
      tpu.wait_dma2 semaphore(%run_scoped3A : memref<!tpu.dma_semaphore, #tpu.memory_space<semaphore_mem>>) src(%dma_wait3A_60 : memref<32x1024xi32, #tpu.memory_space<hbm>>) dst(%arg6 : memref<32x1024xi32, #tpu.memory_space<vmem>>)
      tpu.yield
    }) : () -> ()
    %scan3A = arith.constant 0 : i32
    %scan3A_3 = arith.constant 0 : i32
    %scan3A_4 = arith.constant 32 : i32
    %scan3A_5 = arith.addi %scan3A_3, %scan3A_4 : i32
    %scan3A_6 = arith.constant 1 : i32
    scf.for %scan3A_54 = %scan3A_3 to %scan3A_5 step %scan3A_6  : i32 {
      %gt3A = arith.constant 0 : i32
      %gt3A_55 = arith.cmpi sgt, %scan3A_54, %gt3A : i32
      %convert_element_type3A = arith.extui %gt3A_55 : i1 to i32
      %cond3A = arith.constant 0 : i32
      %cond3A_56 = arith.cmpi ne, %convert_element_type3A, %cond3A : i32
      scf.if %cond3A_56 {
        %add3A_1688 = arith.addi %mul3A_2, %scan3A_54 : i32
        %sub3A_1689 = arith.constant 1 : i32
        %sub3A_1690 = arith.subi %add3A_1688, %sub3A_1689 : i32
        %dma_wait3A_1691 = arith.constant 0 : i32
        %dma_wait3A_1692 = arith.constant 0 : i32
        %dma_wait3A_1693 = tpu.memref_slice %arg4[%sub3A_1690, %dma_wait3A_1691, %dma_wait3A_1692] : memref<1024x64x1024xf32, #tpu.memory_space<hbm>> -> memref<1x16x1024xf32, #tpu.memory_space<hbm>>
        %dma_wait3A_1694 = tpu.memref_squeeze %dma_wait3A_1693 : memref<1x16x1024xf32, #tpu.memory_space<hbm>> -> memref<16x1024xf32, #tpu.memory_space<hbm>>
        %dma_wait3A_1695 = arith.constant 0 : i32
        %dma_wait3A_1696 = arith.constant 0 : i32
        %dma_wait3A_1697 = tpu.memref_slice %arg4[%sub3A_1690, %dma_wait3A_1695, %dma_wait3A_1696] : memref<1024x64x1024xf32, #tpu.memory_space<hbm>> -> memref<1x16x1024xf32, #tpu.memory_space<hbm>>
        %dma_wait3A_1698 = tpu.memref_squeeze %dma_wait3A_1697 : memref<1x16x1024xf32, #tpu.memory_space<hbm>> -> memref<16x1024xf32, #tpu.memory_space<hbm>>
        tpu.wait_dma2 semaphore(%arg11 : memref<!tpu.dma_semaphore, #tpu.memory_space<semaphore_mem>>) src(%arg7 : memref<16x1024xf32, #tpu.memory_space<vmem>>) dst(%dma_wait3A_1698 : memref<16x1024xf32, #tpu.memory_space<hbm>>)
      } else {
      }
      %get3A = arith.index_cast %scan3A_54 : i32 to index
      %get3A_57 = arith.constant 0 : index
      %get3A_58 = tpu.vector_load %arg6[%get3A, %get3A_57] {strides = array<i32>} : memref<32x1024xi32, #tpu.memory_space<vmem>>, vector<16xi32>,
      %eq3A = arith.constant 1 : i32
      %eq3A_59 = vector.broadcast %eq3A : i32 to vector<16xi32>
      %eq3A_60 = arith.cmpi eq, %get3A_58, %eq3A_59 : vector<16xi32>
      %get3A_61 = arith.index_cast %scan3A_54 : i32 to index
      %get3A_62 = arith.constant 16 : index
      %get3A_63 = tpu.vector_load %arg6[%get3A_61, %get3A_62] {strides = array<i32>} : memref<32x1024xi32, #tpu.memory_space<vmem>>, vector<16xi32>,
      %eq3A_64 = arith.constant 1 : i32
      %eq3A_65 = vector.broadcast %eq3A_64 : i32 to vector<16xi32>
      %eq3A_66 = arith.cmpi eq, %get3A_63, %eq3A_65 : vector<16xi32>
      %get3A_67 = arith.index_cast %scan3A_54 : i32 to index
      %get3A_68 = arith.constant 32 : index
      %get3A_69 = tpu.vector_load %arg6[%get3A_67, %get3A_68] {strides = array<i32>} : memref<32x1024xi32, #tpu.memory_space<vmem>>, vector<16xi32>,
      %eq3A_70 = arith.constant 1 : i32
      %eq3A_71 = vector.broadcast %eq3A_70 : i32 to vector<16xi32>
      %eq3A_72 = arith.cmpi eq, %get3A_69, %eq3A_71 : vector<16xi32>
      %get3A_73 = arith.index_cast %scan3A_54 : i32 to index
      %get3A_74 = arith.constant 48 : index
      %get3A_75 = tpu.vector_load %arg6[%get3A_73, %get3A_74] {strides = array<i32>} : memref<32x1024xi32, #tpu.memory_space<vmem>>, vector<16xi32>,
      %eq3A_76 = arith.constant 1 : i32
      %eq3A_77 = vector.broadcast %eq3A_76 : i32 to vector<16xi32>
      %eq3A_78 = arith.cmpi eq, %get3A_75, %eq3A_77 : vector<16xi32>
      %get3A_79 = arith.index_cast %scan3A_54 : i32 to index
      %get3A_80 = arith.constant 64 : index
      %get3A_81 = tpu.vector_load %arg6[%get3A_79, %get3A_80] {strides = array<i32>} : memref<32x1024xi32, #tpu.memory_space<vmem>>, vector<16xi32>,
      %eq3A_82 = arith.constant 1 : i32
      %eq3A_83 = vector.broadcast %eq3A_82 : i32 to vector<16xi32>
      %eq3A_84 = arith.cmpi eq, %get3A_81, %eq3A_83 : vector<16xi32>
      %get3A_85 = arith.index_cast %scan3A_54 : i32 to index
      %get3A_86 = arith.constant 80 : index
      %get3A_87 = tpu.vector_load %arg6[%get3A_85, %get3A_86] {strides = array<i32>} : memref<32x1024xi32, #tpu.memory_space<vmem>>, vector<16xi32>,
      %eq3A_88 = arith.constant 1 : i32
      %eq3A_89 = vector.broadcast %eq3A_88 : i32 to vector<16xi32>
      %eq3A_90 = arith.cmpi eq, %get3A_87, %eq3A_89 : vector<16xi32>
      %get3A_91 = arith.index_cast %scan3A_54 : i32 to index
      %get3A_92 = arith.constant 96 : index
      %get3A_93 = tpu.vector_load %arg6[%get3A_91, %get3A_92] {strides = array<i32>} : memref<32x1024xi32, #tpu.memory_space<vmem>>, vector<16xi32>,
      %eq3A_94 = arith.constant 1 : i32
      %eq3A_95 = vector.broadcast %eq3A_94 : i32 to vector<16xi32>
      %eq3A_96 = arith.cmpi eq, %get3A_93, %eq3A_95 : vector<16xi32>
      %get3A_97 = arith.index_cast %scan3A_54 : i32 to index
      %get3A_98 = arith.constant 112 : index
      %get3A_99 = tpu.vector_load %arg6[%get3A_97, %get3A_98] {strides = array<i32>} : memref<32x1024xi32, #tpu.memory_space<vmem>>, vector<16xi32>,
      %eq3A_100 = arith.constant 1 : i32
      %eq3A_101 = vector.broadcast %eq3A_100 : i32 to vector<16xi32>
      %eq3A_102 = arith.cmpi eq, %get3A_99, %eq3A_101 : vector<16xi32>
      %get3A_103 = arith.index_cast %scan3A_54 : i32 to index
      %get3A_104 = arith.constant 128 : index
      %get3A_105 = tpu.vector_load %arg6[%get3A_103, %get3A_104] {strides = array<i32>} : memref<32x1024xi32, #tpu.memory_space<vmem>>, vector<16xi32>,
      %eq3A_106 = arith.constant 1 : i32
      %eq3A_107 = vector.broadcast %eq3A_106 : i32 to vector<16xi32>
      %eq3A_108 = arith.cmpi eq, %get3A_105, %eq3A_107 : vector<16xi32>
      %get3A_109 = arith.index_cast %scan3A_54 : i32 to index
      %get3A_110 = arith.constant 144 : index
      %get3A_111 = tpu.vector_load %arg6[%get3A_109, %get3A_110] {strides = array<i32>} : memref<32x1024xi32, #tpu.memory_space<vmem>>, vector<16xi32>,
      %eq3A_112 = arith.constant 1 : i32
      %eq3A_113 = vector.broadcast %eq3A_112 : i32 to vector<16xi32>
      %eq3A_114 = arith.cmpi eq, %get3A_111, %eq3A_113 : vector<16xi32>
      %get3A_115 = arith.index_cast %scan3A_54 : i32 to index
      %get3A_116 = arith.constant 160 : index
      %get3A_117 = tpu.vector_load %arg6[%get3A_115, %get3A_116] {strides = array<i32>} : memref<32x1024xi32, #tpu.memory_space<vmem>>, vector<16xi32>,
      %eq3A_118 = arith.constant 1 : i32
      %eq3A_119 = vector.broadcast %eq3A_118 : i32 to vector<16xi32>
      %eq3A_120 = arith.cmpi eq, %get3A_117, %eq3A_119 : vector<16xi32>
      %get3A_121 = arith.index_cast %scan3A_54 : i32 to index
      %get3A_122 = arith.constant 176 : index
      %get3A_123 = tpu.vector_load %arg6[%get3A_121, %get3A_122] {strides = array<i32>} : memref<32x1024xi32, #tpu.memory_space<vmem>>, vector<16xi32>,
      %eq3A_124 = arith.constant 1 : i32
      %eq3A_125 = vector.broadcast %eq3A_124 : i32 to vector<16xi32>
      %eq3A_126 = arith.cmpi eq, %get3A_123, %eq3A_125 : vector<16xi32>
      %get3A_127 = arith.index_cast %scan3A_54 : i32 to index
      %get3A_128 = arith.constant 192 : index
      %get3A_129 = tpu.vector_load %arg6[%get3A_127, %get3A_128] {strides = array<i32>} : memref<32x1024xi32, #tpu.memory_space<vmem>>, vector<16xi32>,
      %eq3A_130 = arith.constant 1 : i32
      %eq3A_131 = vector.broadcast %eq3A_130 : i32 to vector<16xi32>
      %eq3A_132 = arith.cmpi eq, %get3A_129, %eq3A_131 : vector<16xi32>
      %get3A_133 = arith.index_cast %scan3A_54 : i32 to index
      %get3A_134 = arith.constant 208 : index
      %get3A_135 = tpu.vector_load %arg6[%get3A_133, %get3A_134] {strides = array<i32>} : memref<32x1024xi32, #tpu.memory_space<vmem>>, vector<16xi32>,
      %eq3A_136 = arith.constant 1 : i32
      %eq3A_137 = vector.broadcast %eq3A_136 : i32 to vector<16xi32>
      %eq3A_138 = arith.cmpi eq, %get3A_135, %eq3A_137 : vector<16xi32>
      %get3A_139 = arith.index_cast %scan3A_54 : i32 to index
      %get3A_140 = arith.constant 224 : index
      %get3A_141 = tpu.vector_load %arg6[%get3A_139, %get3A_140] {strides = array<i32>} : memref<32x1024xi32, #tpu.memory_space<vmem>>, vector<16xi32>,
      %eq3A_142 = arith.constant 1 : i32
      %eq3A_143 = vector.broadcast %eq3A_142 : i32 to vector<16xi32>
      %eq3A_144 = arith.cmpi eq, %get3A_141, %eq3A_143 : vector<16xi32>
      %get3A_145 = arith.index_cast %scan3A_54 : i32 to index
      %get3A_146 = arith.constant 240 : index
      %get3A_147 = tpu.vector_load %arg6[%get3A_145, %get3A_146] {strides = array<i32>} : memref<32x1024xi32, #tpu.memory_space<vmem>>, vector<16xi32>,
      %eq3A_148 = arith.constant 1 : i32
      %eq3A_149 = vector.broadcast %eq3A_148 : i32 to vector<16xi32>
      %eq3A_150 = arith.cmpi eq, %get3A_147, %eq3A_149 : vector<16xi32>
      %parallel_loop3A = arith.constant 0 : i32
      %parallel_loop3A_151 = arith.constant 16 : i32
      %parallel_loop3A_152 = arith.constant 1 : i32
      scf.for %parallel_loop3A_1688 = %parallel_loop3A to %parallel_loop3A_151 step %parallel_loop3A_152  : i32 {
        %parallel_loop3A_1689 = arith.constant 0 : i32
        %parallel_loop3A_1690 = arith.addi %parallel_loop3A_1689, %parallel_loop3A_1688 : i32
        %parallel_loop3A_1691 = arith.index_cast %parallel_loop3A_1690 : i32 to index
        %parallel_loop3A_1692 = arith.constant 0 : index
        %parallel_loop3A_1693 = tpu.vector_load %arg5[%parallel_loop3A_1691, %parallel_loop3A_1692] {strides = array<i32>} : memref<128x16xf32, #tpu.memory_space<vmem>>, vector<16xf32>,
        %parallel_loop3A_1694 = arith.constant 64 : i32
        %parallel_loop3A_1695 = arith.addi %parallel_loop3A_1694, %parallel_loop3A_1688 : i32
        %parallel_loop3A_1696 = arith.index_cast %parallel_loop3A_1695 : i32 to index
        %parallel_loop3A_1697 = arith.constant 0 : index
        %parallel_loop3A_1698 = tpu.vector_load %arg5[%parallel_loop3A_1696, %parallel_loop3A_1697] {strides = array<i32>} : memref<128x16xf32, #tpu.memory_space<vmem>>, vector<16xf32>,
        %parallel_loop3A_1699 = arith.select %eq3A_60, %parallel_loop3A_1693, %parallel_loop3A_1698 : vector<16xi1>, vector<16xf32>
        %parallel_loop3A_1700 = arith.index_cast %parallel_loop3A_1688 : i32 to index
        %parallel_loop3A_1701 = arith.constant 0 : index
        %parallel_loop3A_1702 = tpu.vector_load %arg7[%parallel_loop3A_1700, %parallel_loop3A_1701] {strides = array<i32>} : memref<16x1024xf32, #tpu.memory_space<vmem>>, vector<16xf32>,
        tpu.vector_store %arg7[%parallel_loop3A_1700, %parallel_loop3A_1701], %parallel_loop3A_1699 {strides = array<i32>} : memref<16x1024xf32, #tpu.memory_space<vmem>>, vector<16xf32>,
        %parallel_loop3A_1703 = arith.select %eq3A_66, %parallel_loop3A_1693, %parallel_loop3A_1698 : vector<16xi1>, vector<16xf32>
        %parallel_loop3A_1704 = arith.index_cast %parallel_loop3A_1688 : i32 to index
        %parallel_loop3A_1705 = arith.constant 16 : index
        %parallel_loop3A_1706 = tpu.vector_load %arg7[%parallel_loop3A_1704, %parallel_loop3A_1705] {strides = array<i32>} : memref<16x1024xf32, #tpu.memory_space<vmem>>, vector<16xf32>,
        tpu.vector_store %arg7[%parallel_loop3A_1704, %parallel_loop3A_1705], %parallel_loop3A_1703 {strides = array<i32>} : memref<16x1024xf32, #tpu.memory_space<vmem>>, vector<16xf32>,
        %parallel_loop3A_1707 = arith.select %eq3A_72, %parallel_loop3A_1693, %parallel_loop3A_1698 : vector<16xi1>, vector<16xf32>
        %parallel_loop3A_1708 = arith.index_cast %parallel_loop3A_1688 : i32 to index
        %parallel_loop3A_1709 = arith.constant 32 : index
        %parallel_loop3A_1710 = tpu.vector_load %arg7[%parallel_loop3A_1708, %parallel_loop3A_1709] {strides = array<i32>} : memref<16x1024xf32, #tpu.memory_space<vmem>>, vector<16xf32>,
        tpu.vector_store %arg7[%parallel_loop3A_1708, %parallel_loop3A_1709], %parallel_loop3A_1707 {strides = array<i32>} : memref<16x1024xf32, #tpu.memory_space<vmem>>, vector<16xf32>,
        %parallel_loop3A_1711 = arith.select %eq3A_78, %parallel_loop3A_1693, %parallel_loop3A_1698 : vector<16xi1>, vector<16xf32>
        %parallel_loop3A_1712 = arith.index_cast %parallel_loop3A_1688 : i32 to index
        %parallel_loop3A_1713 = arith.constant 48 : index
        %parallel_loop3A_1714 = tpu.vector_load %arg7[%parallel_loop3A_1712, %parallel_loop3A_1713] {strides = array<i32>} : memref<16x1024xf32, #tpu.memory_space<vmem>>, vector<16xf32>,
        tpu.vector_store %arg7[%parallel_loop3A_1712, %parallel_loop3A_1713], %parallel_loop3A_1711 {strides = array<i32>} : memref<16x1024xf32, #tpu.memory_space<vmem>>, vector<16xf32>,
        %parallel_loop3A_1715 = arith.select %eq3A_84, %parallel_loop3A_1693, %parallel_loop3A_1698 : vector<16xi1>, vector<16xf32>
        %parallel_loop3A_1716 = arith.index_cast %parallel_loop3A_1688 : i32 to index
        %parallel_loop3A_1717 = arith.constant 64 : index
        %parallel_loop3A_1718 = tpu.vector_load %arg7[%parallel_loop3A_1716, %parallel_loop3A_1717] {strides = array<i32>} : memref<16x1024xf32, #tpu.memory_space<vmem>>, vector<16xf32>,
        tpu.vector_store %arg7[%parallel_loop3A_1716, %parallel_loop3A_1717], %parallel_loop3A_1715 {strides = array<i32>} : memref<16x1024xf32, #tpu.memory_space<vmem>>, vector<16xf32>,
        %parallel_loop3A_1719 = arith.select %eq3A_90, %parallel_loop3A_1693, %parallel_loop3A_1698 : vector<16xi1>, vector<16xf32>
        %parallel_loop3A_1720 = arith.index_cast %parallel_loop3A_1688 : i32 to index
        %parallel_loop3A_1721 = arith.constant 80 : index
        %parallel_loop3A_1722 = tpu.vector_load %arg7[%parallel_loop3A_1720, %parallel_loop3A_1721] {strides = array<i32>} : memref<16x1024xf32, #tpu.memory_space<vmem>>, vector<16xf32>,
        tpu.vector_store %arg7[%parallel_loop3A_1720, %parallel_loop3A_1721], %parallel_loop3A_1719 {strides = array<i32>} : memref<16x1024xf32, #tpu.memory_space<vmem>>, vector<16xf32>,
        %parallel_loop3A_1723 = arith.select %eq3A_96, %parallel_loop3A_1693, %parallel_loop3A_1698 : vector<16xi1>, vector<16xf32>
        %parallel_loop3A_1724 = arith.index_cast %parallel_loop3A_1688 : i32 to index
        %parallel_loop3A_1725 = arith.constant 96 : index
        %parallel_loop3A_1726 = tpu.vector_load %arg7[%parallel_loop3A_1724, %parallel_loop3A_1725] {strides = array<i32>} : memref<16x1024xf32, #tpu.memory_space<vmem>>, vector<16xf32>,
        tpu.vector_store %arg7[%parallel_loop3A_1724, %parallel_loop3A_1725], %parallel_loop3A_1723 {strides = array<i32>} : memref<16x1024xf32, #tpu.memory_space<vmem>>, vector<16xf32>,
        %parallel_loop3A_1727 = arith.select %eq3A_102, %parallel_loop3A_1693, %parallel_loop3A_1698 : vector<16xi1>, vector<16xf32>
        %parallel_loop3A_1728 = arith.index_cast %parallel_loop3A_1688 : i32 to index
        %parallel_loop3A_1729 = arith.constant 112 : index
        %parallel_loop3A_1730 = tpu.vector_load %arg7[%parallel_loop3A_1728, %parallel_loop3A_1729] {strides = array<i32>} : memref<16x1024xf32, #tpu.memory_space<vmem>>, vector<16xf32>,
        tpu.vector_store %arg7[%parallel_loop3A_1728, %parallel_loop3A_1729], %parallel_loop3A_1727 {strides = array<i32>} : memref<16x1024xf32, #tpu.memory_space<vmem>>, vector<16xf32>,
        %parallel_loop3A_1731 = arith.select %eq3A_108, %parallel_loop3A_1693, %parallel_loop3A_1698 : vector<16xi1>, vector<16xf32>
        %parallel_loop3A_1732 = arith.index_cast %parallel_loop3A_1688 : i32 to index
        %parallel_loop3A_1733 = arith.constant 128 : index
        %parallel_loop3A_1734 = tpu.vector_load %arg7[%parallel_loop3A_1732, %parallel_loop3A_1733] {strides = array<i32>} : memref<16x1024xf32, #tpu.memory_space<vmem>>, vector<16xf32>,
        tpu.vector_store %arg7[%parallel_loop3A_1732, %parallel_loop3A_1733], %parallel_loop3A_1731 {strides = array<i32>} : memref<16x1024xf32, #tpu.memory_space<vmem>>, vector<16xf32>,
        %parallel_loop3A_1735 = arith.select %eq3A_114, %parallel_loop3A_1693, %parallel_loop3A_1698 : vector<16xi1>, vector<16xf32>
        %parallel_loop3A_1736 = arith.index_cast %parallel_loop3A_1688 : i32 to index
        %parallel_loop3A_1737 = arith.constant 144 : index
        %parallel_loop3A_1738 = tpu.vector_load %arg7[%parallel_loop3A_1736, %parallel_loop3A_1737] {strides = array<i32>} : memref<16x1024xf32, #tpu.memory_space<vmem>>, vector<16xf32>,
        tpu.vector_store %arg7[%parallel_loop3A_1736, %parallel_loop3A_1737], %parallel_loop3A_1735 {strides = array<i32>} : memref<16x1024xf32, #tpu.memory_space<vmem>>, vector<16xf32>,
        %parallel_loop3A_1739 = arith.select %eq3A_120, %parallel_loop3A_1693, %parallel_loop3A_1698 : vector<16xi1>, vector<16xf32>
        %parallel_loop3A_1740 = arith.index_cast %parallel_loop3A_1688 : i32 to index
        %parallel_loop3A_1741 = arith.constant 160 : index
        %parallel_loop3A_1742 = tpu.vector_load %arg7[%parallel_loop3A_1740, %parallel_loop3A_1741] {strides = array<i32>} : memref<16x1024xf32, #tpu.memory_space<vmem>>, vector<16xf32>,
        tpu.vector_store %arg7[%parallel_loop3A_1740, %parallel_loop3A_1741], %parallel_loop3A_1739 {strides = array<i32>} : memref<16x1024xf32, #tpu.memory_space<vmem>>, vector<16xf32>,
        %parallel_loop3A_1743 = arith.select %eq3A_126, %parallel_loop3A_1693, %parallel_loop3A_1698 : vector<16xi1>, vector<16xf32>
        %parallel_loop3A_1744 = arith.index_cast %parallel_loop3A_1688 : i32 to index
        %parallel_loop3A_1745 = arith.constant 176 : index
        %parallel_loop3A_1746 = tpu.vector_load %arg7[%parallel_loop3A_1744, %parallel_loop3A_1745] {strides = array<i32>} : memref<16x1024xf32, #tpu.memory_space<vmem>>, vector<16xf32>,
        tpu.vector_store %arg7[%parallel_loop3A_1744, %parallel_loop3A_1745], %parallel_loop3A_1743 {strides = array<i32>} : memref<16x1024xf32, #tpu.memory_space<vmem>>, vector<16xf32>,
        %parallel_loop3A_1747 = arith.select %eq3A_132, %parallel_loop3A_1693, %parallel_loop3A_1698 : vector<16xi1>, vector<16xf32>
        %parallel_loop3A_1748 = arith.index_cast %parallel_loop3A_1688 : i32 to index
        %parallel_loop3A_1749 = arith.constant 192 : index
        %parallel_loop3A_1750 = tpu.vector_load %arg7[%parallel_loop3A_1748, %parallel_loop3A_1749] {strides = array<i32>} : memref<16x1024xf32, #tpu.memory_space<vmem>>, vector<16xf32>,
        tpu.vector_store %arg7[%parallel_loop3A_1748, %parallel_loop3A_1749], %parallel_loop3A_1747 {strides = array<i32>} : memref<16x1024xf32, #tpu.memory_space<vmem>>, vector<16xf32>,
        %parallel_loop3A_1751 = arith.select %eq3A_138, %parallel_loop3A_1693, %parallel_loop3A_1698 : vector<16xi1>, vector<16xf32>
        %parallel_loop3A_1752 = arith.index_cast %parallel_loop3A_1688 : i32 to index
        %parallel_loop3A_1753 = arith.constant 208 : index
        %parallel_loop3A_1754 = tpu.vector_load %arg7[%parallel_loop3A_1752, %parallel_loop3A_1753] {strides = array<i32>} : memref<16x1024xf32, #tpu.memory_space<vmem>>, vector<16xf32>,
        tpu.vector_store %arg7[%parallel_loop3A_1752, %parallel_loop3A_1753], %parallel_loop3A_1751 {strides = array<i32>} : memref<16x1024xf32, #tpu.memory_space<vmem>>, vector<16xf32>,
        %parallel_loop3A_1755 = arith.select %eq3A_144, %parallel_loop3A_1693, %parallel_loop3A_1698 : vector<16xi1>, vector<16xf32>
        %parallel_loop3A_1756 = arith.index_cast %parallel_loop3A_1688 : i32 to index
        %parallel_loop3A_1757 = arith.constant 224 : index
        %parallel_loop3A_1758 = tpu.vector_load %arg7[%parallel_loop3A_1756, %parallel_loop3A_1757] {strides = array<i32>} : memref<16x1024xf32, #tpu.memory_space<vmem>>, vector<16xf32>,
        tpu.vector_store %arg7[%parallel_loop3A_1756, %parallel_loop3A_1757], %parallel_loop3A_1755 {strides = array<i32>} : memref<16x1024xf32, #tpu.memory_space<vmem>>, vector<16xf32>,
        %parallel_loop3A_1759 = arith.select %eq3A_150, %parallel_loop3A_1693, %parallel_loop3A_1698 : vector<16xi1>, vector<16xf32>
        %parallel_loop3A_1760 = arith.index_cast %parallel_loop3A_1688 : i32 to index
        %parallel_loop3A_1761 = arith.constant 240 : index
        %parallel_loop3A_1762 = tpu.vector_load %arg7[%parallel_loop3A_1760, %parallel_loop3A_1761] {strides = array<i32>} : memref<16x1024xf32, #tpu.memory_space<vmem>>, vector<16xf32>,
        tpu.vector_store %arg7[%parallel_loop3A_1760, %parallel_loop3A_1761], %parallel_loop3A_1759 {strides = array<i32>} : memref<16x1024xf32, #tpu.memory_space<vmem>>, vector<16xf32>,
      } {sc.loop_unroll_factor = 2 : i64, sc.parallel_access}
      %get3A_153 = arith.index_cast %scan3A_54 : i32 to index
      %get3A_154 = arith.constant 256 : index
      %get3A_155 = tpu.vector_load %arg6[%get3A_153, %get3A_154] {strides = array<i32>} : memref<32x1024xi32, #tpu.memory_space<vmem>>, vector<16xi32>,
      %eq3A_156 = arith.constant 1 : i32
      %eq3A_157 = vector.broadcast %eq3A_156 : i32 to vector<16xi32>
      %eq3A_158 = arith.cmpi eq, %get3A_155, %eq3A_157 : vector<16xi32>
      %get3A_159 = arith.index_cast %scan3A_54 : i32 to index
      %get3A_160 = arith.constant 272 : index
      %get3A_161 = tpu.vector_load %arg6[%get3A_159, %get3A_160] {strides = array<i32>} : memref<32x1024xi32, #tpu.memory_space<vmem>>, vector<16xi32>,
      %eq3A_162 = arith.constant 1 : i32
      %eq3A_163 = vector.broadcast %eq3A_162 : i32 to vector<16xi32>
      %eq3A_164 = arith.cmpi eq, %get3A_161, %eq3A_163 : vector<16xi32>
      %get3A_165 = arith.index_cast %scan3A_54 : i32 to index
      %get3A_166 = arith.constant 288 : index
      %get3A_167 = tpu.vector_load %arg6[%get3A_165, %get3A_166] {strides = array<i32>} : memref<32x1024xi32, #tpu.memory_space<vmem>>, vector<16xi32>,
      %eq3A_168 = arith.constant 1 : i32
      %eq3A_169 = vector.broadcast %eq3A_168 : i32 to vector<16xi32>
      %eq3A_170 = arith.cmpi eq, %get3A_167, %eq3A_169 : vector<16xi32>
      %get3A_171 = arith.index_cast %scan3A_54 : i32 to index
      %get3A_172 = arith.constant 304 : index
      %get3A_173 = tpu.vector_load %arg6[%get3A_171, %get3A_172] {strides = array<i32>} : memref<32x1024xi32, #tpu.memory_space<vmem>>, vector<16xi32>,
      %eq3A_174 = arith.constant 1 : i32
      %eq3A_175 = vector.broadcast %eq3A_174 : i32 to vector<16xi32>
      %eq3A_176 = arith.cmpi eq, %get3A_173, %eq3A_175 : vector<16xi32>
      %get3A_177 = arith.index_cast %scan3A_54 : i32 to index
      %get3A_178 = arith.constant 320 : index
      %get3A_179 = tpu.vector_load %arg6[%get3A_177, %get3A_178] {strides = array<i32>} : memref<32x1024xi32, #tpu.memory_space<vmem>>, vector<16xi32>,
      %eq3A_180 = arith.constant 1 : i32
      %eq3A_181 = vector.broadcast %eq3A_180 : i32 to vector<16xi32>
      %eq3A_182 = arith.cmpi eq, %get3A_179, %eq3A_181 : vector<16xi32>
      %get3A_183 = arith.index_cast %scan3A_54 : i32 to index
      %get3A_184 = arith.constant 336 : index
      %get3A_185 = tpu.vector_load %arg6[%get3A_183, %get3A_184] {strides = array<i32>} : memref<32x1024xi32, #tpu.memory_space<vmem>>, vector<16xi32>,
      %eq3A_186 = arith.constant 1 : i32
      %eq3A_187 = vector.broadcast %eq3A_186 : i32 to vector<16xi32>
      %eq3A_188 = arith.cmpi eq, %get3A_185, %eq3A_187 : vector<16xi32>
      %get3A_189 = arith.index_cast %scan3A_54 : i32 to index
      %get3A_190 = arith.constant 352 : index
      %get3A_191 = tpu.vector_load %arg6[%get3A_189, %get3A_190] {strides = array<i32>} : memref<32x1024xi32, #tpu.memory_space<vmem>>, vector<16xi32>,
      %eq3A_192 = arith.constant 1 : i32
      %eq3A_193 = vector.broadcast %eq3A_192 : i32 to vector<16xi32>
      %eq3A_194 = arith.cmpi eq, %get3A_191, %eq3A_193 : vector<16xi32>
      %get3A_195 = arith.index_cast %scan3A_54 : i32 to index
      %get3A_196 = arith.constant 368 : index
      %get3A_197 = tpu.vector_load %arg6[%get3A_195, %get3A_196] {strides = array<i32>} : memref<32x1024xi32, #tpu.memory_space<vmem>>, vector<16xi32>,
      %eq3A_198 = arith.constant 1 : i32
      %eq3A_199 = vector.broadcast %eq3A_198 : i32 to vector<16xi32>
      %eq3A_200 = arith.cmpi eq, %get3A_197, %eq3A_199 : vector<16xi32>
      %get3A_201 = arith.index_cast %scan3A_54 : i32 to index
      %get3A_202 = arith.constant 384 : index
      %get3A_203 = tpu.vector_load %arg6[%get3A_201, %get3A_202] {strides = array<i32>} : memref<32x1024xi32, #tpu.memory_space<vmem>>, vector<16xi32>,
      %eq3A_204 = arith.constant 1 : i32
      %eq3A_205 = vector.broadcast %eq3A_204 : i32 to vector<16xi32>
      %eq3A_206 = arith.cmpi eq, %get3A_203, %eq3A_205 : vector<16xi32>
      %get3A_207 = arith.index_cast %scan3A_54 : i32 to index
      %get3A_208 = arith.constant 400 : index
      %get3A_209 = tpu.vector_load %arg6[%get3A_207, %get3A_208] {strides = array<i32>} : memref<32x1024xi32, #tpu.memory_space<vmem>>, vector<16xi32>,
      %eq3A_210 = arith.constant 1 : i32
      %eq3A_211 = vector.broadcast %eq3A_210 : i32 to vector<16xi32>
      %eq3A_212 = arith.cmpi eq, %get3A_209, %eq3A_211 : vector<16xi32>
      %get3A_213 = arith.index_cast %scan3A_54 : i32 to index
      %get3A_214 = arith.constant 416 : index
      %get3A_215 = tpu.vector_load %arg6[%get3A_213, %get3A_214] {strides = array<i32>} : memref<32x1024xi32, #tpu.memory_space<vmem>>, vector<16xi32>,
      %eq3A_216 = arith.constant 1 : i32
      %eq3A_217 = vector.broadcast %eq3A_216 : i32 to vector<16xi32>
      %eq3A_218 = arith.cmpi eq, %get3A_215, %eq3A_217 : vector<16xi32>
      %get3A_219 = arith.index_cast %scan3A_54 : i32 to index
      %get3A_220 = arith.constant 432 : index
      %get3A_221 = tpu.vector_load %arg6[%get3A_219, %get3A_220] {strides = array<i32>} : memref<32x1024xi32, #tpu.memory_space<vmem>>, vector<16xi32>,
      %eq3A_222 = arith.constant 1 : i32
      %eq3A_223 = vector.broadcast %eq3A_222 : i32 to vector<16xi32>
      %eq3A_224 = arith.cmpi eq, %get3A_221, %eq3A_223 : vector<16xi32>
      %get3A_225 = arith.index_cast %scan3A_54 : i32 to index
      %get3A_226 = arith.constant 448 : index
      %get3A_227 = tpu.vector_load %arg6[%get3A_225, %get3A_226] {strides = array<i32>} : memref<32x1024xi32, #tpu.memory_space<vmem>>, vector<16xi32>,
      %eq3A_228 = arith.constant 1 : i32
      %eq3A_229 = vector.broadcast %eq3A_228 : i32 to vector<16xi32>
      %eq3A_230 = arith.cmpi eq, %get3A_227, %eq3A_229 : vector<16xi32>
      %get3A_231 = arith.index_cast %scan3A_54 : i32 to index
      %get3A_232 = arith.constant 464 : index
      %get3A_233 = tpu.vector_load %arg6[%get3A_231, %get3A_232] {strides = array<i32>} : memref<32x1024xi32, #tpu.memory_space<vmem>>, vector<16xi32>,
      %eq3A_234 = arith.constant 1 : i32
      %eq3A_235 = vector.broadcast %eq3A_234 : i32 to vector<16xi32>
      %eq3A_236 = arith.cmpi eq, %get3A_233, %eq3A_235 : vector<16xi32>
      %get3A_237 = arith.index_cast %scan3A_54 : i32 to index
      %get3A_238 = arith.constant 480 : index
      %get3A_239 = tpu.vector_load %arg6[%get3A_237, %get3A_238] {strides = array<i32>} : memref<32x1024xi32, #tpu.memory_space<vmem>>, vector<16xi32>,
      %eq3A_240 = arith.constant 1 : i32
      %eq3A_241 = vector.broadcast %eq3A_240 : i32 to vector<16xi32>
      %eq3A_242 = arith.cmpi eq, %get3A_239, %eq3A_241 : vector<16xi32>
      %get3A_243 = arith.index_cast %scan3A_54 : i32 to index
      %get3A_244 = arith.constant 496 : index
      %get3A_245 = tpu.vector_load %arg6[%get3A_243, %get3A_244] {strides = array<i32>} : memref<32x1024xi32, #tpu.memory_space<vmem>>, vector<16xi32>,
      %eq3A_246 = arith.constant 1 : i32
      %eq3A_247 = vector.broadcast %eq3A_246 : i32 to vector<16xi32>
      %eq3A_248 = arith.cmpi eq, %get3A_245, %eq3A_247 : vector<16xi32>
      %parallel_loop3A_249 = arith.constant 0 : i32
      %parallel_loop3A_250 = arith.constant 16 : i32
      %parallel_loop3A_251 = arith.constant 1 : i32
      scf.for %parallel_loop3A_1688 = %parallel_loop3A_249 to %parallel_loop3A_250 step %parallel_loop3A_251  : i32 {
        %parallel_loop3A_1689 = arith.constant 0 : i32
        %parallel_loop3A_1690 = arith.addi %parallel_loop3A_1689, %parallel_loop3A_1688 : i32
        %parallel_loop3A_1691 = arith.index_cast %parallel_loop3A_1690 : i32 to index
        %parallel_loop3A_1692 = arith.constant 0 : index
        %parallel_loop3A_1693 = tpu.vector_load %arg5[%parallel_loop3A_1691, %parallel_loop3A_1692] {strides = array<i32>} : memref<128x16xf32, #tpu.memory_space<vmem>>, vector<16xf32>,
        %parallel_loop3A_1694 = arith.constant 64 : i32
        %parallel_loop3A_1695 = arith.addi %parallel_loop3A_1694, %parallel_loop3A_1688 : i32
        %parallel_loop3A_1696 = arith.index_cast %parallel_loop3A_1695 : i32 to index
        %parallel_loop3A_1697 = arith.constant 0 : index
        %parallel_loop3A_1698 = tpu.vector_load %arg5[%parallel_loop3A_1696, %parallel_loop3A_1697] {strides = array<i32>} : memref<128x16xf32, #tpu.memory_space<vmem>>, vector<16xf32>,
        %parallel_loop3A_1699 = arith.select %eq3A_158, %parallel_loop3A_1693, %parallel_loop3A_1698 : vector<16xi1>, vector<16xf32>
        %parallel_loop3A_1700 = arith.index_cast %parallel_loop3A_1688 : i32 to index
        %parallel_loop3A_1701 = arith.constant 256 : index
        %parallel_loop3A_1702 = tpu.vector_load %arg7[%parallel_loop3A_1700, %parallel_loop3A_1701] {strides = array<i32>} : memref<16x1024xf32, #tpu.memory_space<vmem>>, vector<16xf32>,
        tpu.vector_store %arg7[%parallel_loop3A_1700, %parallel_loop3A_1701], %parallel_loop3A_1699 {strides = array<i32>} : memref<16x1024xf32, #tpu.memory_space<vmem>>, vector<16xf32>,
        %parallel_loop3A_1703 = arith.select %eq3A_164, %parallel_loop3A_1693, %parallel_loop3A_1698 : vector<16xi1>, vector<16xf32>
        %parallel_loop3A_1704 = arith.index_cast %parallel_loop3A_1688 : i32 to index
        %parallel_loop3A_1705 = arith.constant 272 : index
        %parallel_loop3A_1706 = tpu.vector_load %arg7[%parallel_loop3A_1704, %parallel_loop3A_1705] {strides = array<i32>} : memref<16x1024xf32, #tpu.memory_space<vmem>>, vector<16xf32>,
        tpu.vector_store %arg7[%parallel_loop3A_1704, %parallel_loop3A_1705], %parallel_loop3A_1703 {strides = array<i32>} : memref<16x1024xf32, #tpu.memory_space<vmem>>, vector<16xf32>,
        %parallel_loop3A_1707 = arith.select %eq3A_170, %parallel_loop3A_1693, %parallel_loop3A_1698 : vector<16xi1>, vector<16xf32>
        %parallel_loop3A_1708 = arith.index_cast %parallel_loop3A_1688 : i32 to index
        %parallel_loop3A_1709 = arith.constant 288 : index
        %parallel_loop3A_1710 = tpu.vector_load %arg7[%parallel_loop3A_1708, %parallel_loop3A_1709] {strides = array<i32>} : memref<16x1024xf32, #tpu.memory_space<vmem>>, vector<16xf32>,
        tpu.vector_store %arg7[%parallel_loop3A_1708, %parallel_loop3A_1709], %parallel_loop3A_1707 {strides = array<i32>} : memref<16x1024xf32, #tpu.memory_space<vmem>>, vector<16xf32>,
        %parallel_loop3A_1711 = arith.select %eq3A_176, %parallel_loop3A_1693, %parallel_loop3A_1698 : vector<16xi1>, vector<16xf32>
        %parallel_loop3A_1712 = arith.index_cast %parallel_loop3A_1688 : i32 to index
        %parallel_loop3A_1713 = arith.constant 304 : index
        %parallel_loop3A_1714 = tpu.vector_load %arg7[%parallel_loop3A_1712, %parallel_loop3A_1713] {strides = array<i32>} : memref<16x1024xf32, #tpu.memory_space<vmem>>, vector<16xf32>,
        tpu.vector_store %arg7[%parallel_loop3A_1712, %parallel_loop3A_1713], %parallel_loop3A_1711 {strides = array<i32>} : memref<16x1024xf32, #tpu.memory_space<vmem>>, vector<16xf32>,
        %parallel_loop3A_1715 = arith.select %eq3A_182, %parallel_loop3A_1693, %parallel_loop3A_1698 : vector<16xi1>, vector<16xf32>
        %parallel_loop3A_1716 = arith.index_cast %parallel_loop3A_1688 : i32 to index
        %parallel_loop3A_1717 = arith.constant 320 : index
        %parallel_loop3A_1718 = tpu.vector_load %arg7[%parallel_loop3A_1716, %parallel_loop3A_1717] {strides = array<i32>} : memref<16x1024xf32, #tpu.memory_space<vmem>>, vector<16xf32>,
        tpu.vector_store %arg7[%parallel_loop3A_1716, %parallel_loop3A_1717], %parallel_loop3A_1715 {strides = array<i32>} : memref<16x1024xf32, #tpu.memory_space<vmem>>, vector<16xf32>,
        %parallel_loop3A_1719 = arith.select %eq3A_188, %parallel_loop3A_1693, %parallel_loop3A_1698 : vector<16xi1>, vector<16xf32>
        %parallel_loop3A_1720 = arith.index_cast %parallel_loop3A_1688 : i32 to index
        %parallel_loop3A_1721 = arith.constant 336 : index
        %parallel_loop3A_1722 = tpu.vector_load %arg7[%parallel_loop3A_1720, %parallel_loop3A_1721] {strides = array<i32>} : memref<16x1024xf32, #tpu.memory_space<vmem>>, vector<16xf32>,
        tpu.vector_store %arg7[%parallel_loop3A_1720, %parallel_loop3A_1721], %parallel_loop3A_1719 {strides = array<i32>} : memref<16x1024xf32, #tpu.memory_space<vmem>>, vector<16xf32>,
        %parallel_loop3A_1723 = arith.select %eq3A_194, %parallel_loop3A_1693, %parallel_loop3A_1698 : vector<16xi1>, vector<16xf32>
        %parallel_loop3A_1724 = arith.index_cast %parallel_loop3A_1688 : i32 to index
        %parallel_loop3A_1725 = arith.constant 352 : index
        %parallel_loop3A_1726 = tpu.vector_load %arg7[%parallel_loop3A_1724, %parallel_loop3A_1725] {strides = array<i32>} : memref<16x1024xf32, #tpu.memory_space<vmem>>, vector<16xf32>,
        tpu.vector_store %arg7[%parallel_loop3A_1724, %parallel_loop3A_1725], %parallel_loop3A_1723 {strides = array<i32>} : memref<16x1024xf32, #tpu.memory_space<vmem>>, vector<16xf32>,
        %parallel_loop3A_1727 = arith.select %eq3A_200, %parallel_loop3A_1693, %parallel_loop3A_1698 : vector<16xi1>, vector<16xf32>
        %parallel_loop3A_1728 = arith.index_cast %parallel_loop3A_1688 : i32 to index
        %parallel_loop3A_1729 = arith.constant 368 : index
        %parallel_loop3A_1730 = tpu.vector_load %arg7[%parallel_loop3A_1728, %parallel_loop3A_1729] {strides = array<i32>} : memref<16x1024xf32, #tpu.memory_space<vmem>>, vector<16xf32>,
        tpu.vector_store %arg7[%parallel_loop3A_1728, %parallel_loop3A_1729], %parallel_loop3A_1727 {strides = array<i32>} : memref<16x1024xf32, #tpu.memory_space<vmem>>, vector<16xf32>,
        %parallel_loop3A_1731 = arith.select %eq3A_206, %parallel_loop3A_1693, %parallel_loop3A_1698 : vector<16xi1>, vector<16xf32>
        %parallel_loop3A_1732 = arith.index_cast %parallel_loop3A_1688 : i32 to index
        %parallel_loop3A_1733 = arith.constant 384 : index
        %parallel_loop3A_1734 = tpu.vector_load %arg7[%parallel_loop3A_1732, %parallel_loop3A_1733] {strides = array<i32>} : memref<16x1024xf32, #tpu.memory_space<vmem>>, vector<16xf32>,
        tpu.vector_store %arg7[%parallel_loop3A_1732, %parallel_loop3A_1733], %parallel_loop3A_1731 {strides = array<i32>} : memref<16x1024xf32, #tpu.memory_space<vmem>>, vector<16xf32>,
        %parallel_loop3A_1735 = arith.select %eq3A_212, %parallel_loop3A_1693, %parallel_loop3A_1698 : vector<16xi1>, vector<16xf32>
        %parallel_loop3A_1736 = arith.index_cast %parallel_loop3A_1688 : i32 to index
        %parallel_loop3A_1737 = arith.constant 400 : index
        %parallel_loop3A_1738 = tpu.vector_load %arg7[%parallel_loop3A_1736, %parallel_loop3A_1737] {strides = array<i32>} : memref<16x1024xf32, #tpu.memory_space<vmem>>, vector<16xf32>,
        tpu.vector_store %arg7[%parallel_loop3A_1736, %parallel_loop3A_1737], %parallel_loop3A_1735 {strides = array<i32>} : memref<16x1024xf32, #tpu.memory_space<vmem>>, vector<16xf32>,
        %parallel_loop3A_1739 = arith.select %eq3A_218, %parallel_loop3A_1693, %parallel_loop3A_1698 : vector<16xi1>, vector<16xf32>
        %parallel_loop3A_1740 = arith.index_cast %parallel_loop3A_1688 : i32 to index
        %parallel_loop3A_1741 = arith.constant 416 : index
        %parallel_loop3A_1742 = tpu.vector_load %arg7[%parallel_loop3A_1740, %parallel_loop3A_1741] {strides = array<i32>} : memref<16x1024xf32, #tpu.memory_space<vmem>>, vector<16xf32>,
        tpu.vector_store %arg7[%parallel_loop3A_1740, %parallel_loop3A_1741], %parallel_loop3A_1739 {strides = array<i32>} : memref<16x1024xf32, #tpu.memory_space<vmem>>, vector<16xf32>,
        %parallel_loop3A_1743 = arith.select %eq3A_224, %parallel_loop3A_1693, %parallel_loop3A_1698 : vector<16xi1>, vector<16xf32>
        %parallel_loop3A_1744 = arith.index_cast %parallel_loop3A_1688 : i32 to index
        %parallel_loop3A_1745 = arith.constant 432 : index
        %parallel_loop3A_1746 = tpu.vector_load %arg7[%parallel_loop3A_1744, %parallel_loop3A_1745] {strides = array<i32>} : memref<16x1024xf32, #tpu.memory_space<vmem>>, vector<16xf32>,
        tpu.vector_store %arg7[%parallel_loop3A_1744, %parallel_loop3A_1745], %parallel_loop3A_1743 {strides = array<i32>} : memref<16x1024xf32, #tpu.memory_space<vmem>>, vector<16xf32>,
        %parallel_loop3A_1747 = arith.select %eq3A_230, %parallel_loop3A_1693, %parallel_loop3A_1698 : vector<16xi1>, vector<16xf32>
        %parallel_loop3A_1748 = arith.index_cast %parallel_loop3A_1688 : i32 to index
        %parallel_loop3A_1749 = arith.constant 448 : index
        %parallel_loop3A_1750 = tpu.vector_load %arg7[%parallel_loop3A_1748, %parallel_loop3A_1749] {strides = array<i32>} : memref<16x1024xf32, #tpu.memory_space<vmem>>, vector<16xf32>,
        tpu.vector_store %arg7[%parallel_loop3A_1748, %parallel_loop3A_1749], %parallel_loop3A_1747 {strides = array<i32>} : memref<16x1024xf32, #tpu.memory_space<vmem>>, vector<16xf32>,
        %parallel_loop3A_1751 = arith.select %eq3A_236, %parallel_loop3A_1693, %parallel_loop3A_1698 : vector<16xi1>, vector<16xf32>
        %parallel_loop3A_1752 = arith.index_cast %parallel_loop3A_1688 : i32 to index
        %parallel_loop3A_1753 = arith.constant 464 : index
        %parallel_loop3A_1754 = tpu.vector_load %arg7[%parallel_loop3A_1752, %parallel_loop3A_1753] {strides = array<i32>} : memref<16x1024xf32, #tpu.memory_space<vmem>>, vector<16xf32>,
        tpu.vector_store %arg7[%parallel_loop3A_1752, %parallel_loop3A_1753], %parallel_loop3A_1751 {strides = array<i32>} : memref<16x1024xf32, #tpu.memory_space<vmem>>, vector<16xf32>,
        %parallel_loop3A_1755 = arith.select %eq3A_242, %parallel_loop3A_1693, %parallel_loop3A_1698 : vector<16xi1>, vector<16xf32>
        %parallel_loop3A_1756 = arith.index_cast %parallel_loop3A_1688 : i32 to index
        %parallel_loop3A_1757 = arith.constant 480 : index
        %parallel_loop3A_1758 = tpu.vector_load %arg7[%parallel_loop3A_1756, %parallel_loop3A_1757] {strides = array<i32>} : memref<16x1024xf32, #tpu.memory_space<vmem>>, vector<16xf32>,
        tpu.vector_store %arg7[%parallel_loop3A_1756, %parallel_loop3A_1757], %parallel_loop3A_1755 {strides = array<i32>} : memref<16x1024xf32, #tpu.memory_space<vmem>>, vector<16xf32>,
        %parallel_loop3A_1759 = arith.select %eq3A_248, %parallel_loop3A_1693, %parallel_loop3A_1698 : vector<16xi1>, vector<16xf32>
        %parallel_loop3A_1760 = arith.index_cast %parallel_loop3A_1688 : i32 to index
        %parallel_loop3A_1761 = arith.constant 496 : index
        %parallel_loop3A_1762 = tpu.vector_load %arg7[%parallel_loop3A_1760, %parallel_loop3A_1761] {strides = array<i32>} : memref<16x1024xf32, #tpu.memory_space<vmem>>, vector<16xf32>,
        tpu.vector_store %arg7[%parallel_loop3A_1760, %parallel_loop3A_1761], %parallel_loop3A_1759 {strides = array<i32>} : memref<16x1024xf32, #tpu.memory_space<vmem>>, vector<16xf32>,
      } {sc.loop_unroll_factor = 2 : i64, sc.parallel_access}
      %get3A_252 = arith.index_cast %scan3A_54 : i32 to index
      %get3A_253 = arith.constant 512 : index
      %get3A_254 = tpu.vector_load %arg6[%get3A_252, %get3A_253] {strides = array<i32>} : memref<32x1024xi32, #tpu.memory_space<vmem>>, vector<16xi32>,
      %eq3A_255 = arith.constant 1 : i32
      %eq3A_256 = vector.broadcast %eq3A_255 : i32 to vector<16xi32>
      %eq3A_257 = arith.cmpi eq, %get3A_254, %eq3A_256 : vector<16xi32>
      %get3A_258 = arith.index_cast %scan3A_54 : i32 to index
      %get3A_259 = arith.constant 528 : index
      %get3A_260 = tpu.vector_load %arg6[%get3A_258, %get3A_259] {strides = array<i32>} : memref<32x1024xi32, #tpu.memory_space<vmem>>, vector<16xi32>,
      %eq3A_261 = arith.constant 1 : i32
      %eq3A_262 = vector.broadcast %eq3A_261 : i32 to vector<16xi32>
      %eq3A_263 = arith.cmpi eq, %get3A_260, %eq3A_262 : vector<16xi32>
      %get3A_264 = arith.index_cast %scan3A_54 : i32 to index
      %get3A_265 = arith.constant 544 : index
      %get3A_266 = tpu.vector_load %arg6[%get3A_264, %get3A_265] {strides = array<i32>} : memref<32x1024xi32, #tpu.memory_space<vmem>>, vector<16xi32>,
      %eq3A_267 = arith.constant 1 : i32
      %eq3A_268 = vector.broadcast %eq3A_267 : i32 to vector<16xi32>
      %eq3A_269 = arith.cmpi eq, %get3A_266, %eq3A_268 : vector<16xi32>
      %get3A_270 = arith.index_cast %scan3A_54 : i32 to index
      %get3A_271 = arith.constant 560 : index
      %get3A_272 = tpu.vector_load %arg6[%get3A_270, %get3A_271] {strides = array<i32>} : memref<32x1024xi32, #tpu.memory_space<vmem>>, vector<16xi32>,
      %eq3A_273 = arith.constant 1 : i32
      %eq3A_274 = vector.broadcast %eq3A_273 : i32 to vector<16xi32>
      %eq3A_275 = arith.cmpi eq, %get3A_272, %eq3A_274 : vector<16xi32>
      %get3A_276 = arith.index_cast %scan3A_54 : i32 to index
      %get3A_277 = arith.constant 576 : index
      %get3A_278 = tpu.vector_load %arg6[%get3A_276, %get3A_277] {strides = array<i32>} : memref<32x1024xi32, #tpu.memory_space<vmem>>, vector<16xi32>,
      %eq3A_279 = arith.constant 1 : i32
      %eq3A_280 = vector.broadcast %eq3A_279 : i32 to vector<16xi32>
      %eq3A_281 = arith.cmpi eq, %get3A_278, %eq3A_280 : vector<16xi32>
      %get3A_282 = arith.index_cast %scan3A_54 : i32 to index
      %get3A_283 = arith.constant 592 : index
      %get3A_284 = tpu.vector_load %arg6[%get3A_282, %get3A_283] {strides = array<i32>} : memref<32x1024xi32, #tpu.memory_space<vmem>>, vector<16xi32>,
      %eq3A_285 = arith.constant 1 : i32
      %eq3A_286 = vector.broadcast %eq3A_285 : i32 to vector<16xi32>
      %eq3A_287 = arith.cmpi eq, %get3A_284, %eq3A_286 : vector<16xi32>
      %get3A_288 = arith.index_cast %scan3A_54 : i32 to index
      %get3A_289 = arith.constant 608 : index
      %get3A_290 = tpu.vector_load %arg6[%get3A_288, %get3A_289] {strides = array<i32>} : memref<32x1024xi32, #tpu.memory_space<vmem>>, vector<16xi32>,
      %eq3A_291 = arith.constant 1 : i32
      %eq3A_292 = vector.broadcast %eq3A_291 : i32 to vector<16xi32>
      %eq3A_293 = arith.cmpi eq, %get3A_290, %eq3A_292 : vector<16xi32>
      %get3A_294 = arith.index_cast %scan3A_54 : i32 to index
      %get3A_295 = arith.constant 624 : index
      %get3A_296 = tpu.vector_load %arg6[%get3A_294, %get3A_295] {strides = array<i32>} : memref<32x1024xi32, #tpu.memory_space<vmem>>, vector<16xi32>,
      %eq3A_297 = arith.constant 1 : i32
      %eq3A_298 = vector.broadcast %eq3A_297 : i32 to vector<16xi32>
      %eq3A_299 = arith.cmpi eq, %get3A_296, %eq3A_298 : vector<16xi32>
      %get3A_300 = arith.index_cast %scan3A_54 : i32 to index
      %get3A_301 = arith.constant 640 : index
      %get3A_302 = tpu.vector_load %arg6[%get3A_300, %get3A_301] {strides = array<i32>} : memref<32x1024xi32, #tpu.memory_space<vmem>>, vector<16xi32>,
      %eq3A_303 = arith.constant 1 : i32
      %eq3A_304 = vector.broadcast %eq3A_303 : i32 to vector<16xi32>
      %eq3A_305 = arith.cmpi eq, %get3A_302, %eq3A_304 : vector<16xi32>
      %get3A_306 = arith.index_cast %scan3A_54 : i32 to index
      %get3A_307 = arith.constant 656 : index
      %get3A_308 = tpu.vector_load %arg6[%get3A_306, %get3A_307] {strides = array<i32>} : memref<32x1024xi32, #tpu.memory_space<vmem>>, vector<16xi32>,
      %eq3A_309 = arith.constant 1 : i32
      %eq3A_310 = vector.broadcast %eq3A_309 : i32 to vector<16xi32>
      %eq3A_311 = arith.cmpi eq, %get3A_308, %eq3A_310 : vector<16xi32>
      %get3A_312 = arith.index_cast %scan3A_54 : i32 to index
      %get3A_313 = arith.constant 672 : index
      %get3A_314 = tpu.vector_load %arg6[%get3A_312, %get3A_313] {strides = array<i32>} : memref<32x1024xi32, #tpu.memory_space<vmem>>, vector<16xi32>,
      %eq3A_315 = arith.constant 1 : i32
      %eq3A_316 = vector.broadcast %eq3A_315 : i32 to vector<16xi32>
      %eq3A_317 = arith.cmpi eq, %get3A_314, %eq3A_316 : vector<16xi32>
      %get3A_318 = arith.index_cast %scan3A_54 : i32 to index
      %get3A_319 = arith.constant 688 : index
      %get3A_320 = tpu.vector_load %arg6[%get3A_318, %get3A_319] {strides = array<i32>} : memref<32x1024xi32, #tpu.memory_space<vmem>>, vector<16xi32>,
      %eq3A_321 = arith.constant 1 : i32
      %eq3A_322 = vector.broadcast %eq3A_321 : i32 to vector<16xi32>
      %eq3A_323 = arith.cmpi eq, %get3A_320, %eq3A_322 : vector<16xi32>
      %get3A_324 = arith.index_cast %scan3A_54 : i32 to index
      %get3A_325 = arith.constant 704 : index
      %get3A_326 = tpu.vector_load %arg6[%get3A_324, %get3A_325] {strides = array<i32>} : memref<32x1024xi32, #tpu.memory_space<vmem>>, vector<16xi32>,
      %eq3A_327 = arith.constant 1 : i32
      %eq3A_328 = vector.broadcast %eq3A_327 : i32 to vector<16xi32>
      %eq3A_329 = arith.cmpi eq, %get3A_326, %eq3A_328 : vector<16xi32>
      %get3A_330 = arith.index_cast %scan3A_54 : i32 to index
      %get3A_331 = arith.constant 720 : index
      %get3A_332 = tpu.vector_load %arg6[%get3A_330, %get3A_331] {strides = array<i32>} : memref<32x1024xi32, #tpu.memory_space<vmem>>, vector<16xi32>,
      %eq3A_333 = arith.constant 1 : i32
      %eq3A_334 = vector.broadcast %eq3A_333 : i32 to vector<16xi32>
      %eq3A_335 = arith.cmpi eq, %get3A_332, %eq3A_334 : vector<16xi32>
      %get3A_336 = arith.index_cast %scan3A_54 : i32 to index
      %get3A_337 = arith.constant 736 : index
      %get3A_338 = tpu.vector_load %arg6[%get3A_336, %get3A_337] {strides = array<i32>} : memref<32x1024xi32, #tpu.memory_space<vmem>>, vector<16xi32>,
      %eq3A_339 = arith.constant 1 : i32
      %eq3A_340 = vector.broadcast %eq3A_339 : i32 to vector<16xi32>
      %eq3A_341 = arith.cmpi eq, %get3A_338, %eq3A_340 : vector<16xi32>
      %get3A_342 = arith.index_cast %scan3A_54 : i32 to index
      %get3A_343 = arith.constant 752 : index
      %get3A_344 = tpu.vector_load %arg6[%get3A_342, %get3A_343] {strides = array<i32>} : memref<32x1024xi32, #tpu.memory_space<vmem>>, vector<16xi32>,
      %eq3A_345 = arith.constant 1 : i32
      %eq3A_346 = vector.broadcast %eq3A_345 : i32 to vector<16xi32>
      %eq3A_347 = arith.cmpi eq, %get3A_344, %eq3A_346 : vector<16xi32>
      %parallel_loop3A_348 = arith.constant 0 : i32
      %parallel_loop3A_349 = arith.constant 16 : i32
      %parallel_loop3A_350 = arith.constant 1 : i32
      scf.for %parallel_loop3A_1688 = %parallel_loop3A_348 to %parallel_loop3A_349 step %parallel_loop3A_350  : i32 {
        %parallel_loop3A_1689 = arith.constant 0 : i32
        %parallel_loop3A_1690 = arith.addi %parallel_loop3A_1689, %parallel_loop3A_1688 : i32
        %parallel_loop3A_1691 = arith.index_cast %parallel_loop3A_1690 : i32 to index
        %parallel_loop3A_1692 = arith.constant 0 : index
        %parallel_loop3A_1693 = tpu.vector_load %arg5[%parallel_loop3A_1691, %parallel_loop3A_1692] {strides = array<i32>} : memref<128x16xf32, #tpu.memory_space<vmem>>, vector<16xf32>,
        %parallel_loop3A_1694 = arith.constant 64 : i32
        %parallel_loop3A_1695 = arith.addi %parallel_loop3A_1694, %parallel_loop3A_1688 : i32
        %parallel_loop3A_1696 = arith.index_cast %parallel_loop3A_1695 : i32 to index
        %parallel_loop3A_1697 = arith.constant 0 : index
        %parallel_loop3A_1698 = tpu.vector_load %arg5[%parallel_loop3A_1696, %parallel_loop3A_1697] {strides = array<i32>} : memref<128x16xf32, #tpu.memory_space<vmem>>, vector<16xf32>,
        %parallel_loop3A_1699 = arith.select %eq3A_257, %parallel_loop3A_1693, %parallel_loop3A_1698 : vector<16xi1>, vector<16xf32>
        %parallel_loop3A_1700 = arith.index_cast %parallel_loop3A_1688 : i32 to index
        %parallel_loop3A_1701 = arith.constant 512 : index
        %parallel_loop3A_1702 = tpu.vector_load %arg7[%parallel_loop3A_1700, %parallel_loop3A_1701] {strides = array<i32>} : memref<16x1024xf32, #tpu.memory_space<vmem>>, vector<16xf32>,
        tpu.vector_store %arg7[%parallel_loop3A_1700, %parallel_loop3A_1701], %parallel_loop3A_1699 {strides = array<i32>} : memref<16x1024xf32, #tpu.memory_space<vmem>>, vector<16xf32>,
        %parallel_loop3A_1703 = arith.select %eq3A_263, %parallel_loop3A_1693, %parallel_loop3A_1698 : vector<16xi1>, vector<16xf32>
        %parallel_loop3A_1704 = arith.index_cast %parallel_loop3A_1688 : i32 to index
        %parallel_loop3A_1705 = arith.constant 528 : index
        %parallel_loop3A_1706 = tpu.vector_load %arg7[%parallel_loop3A_1704, %parallel_loop3A_1705] {strides = array<i32>} : memref<16x1024xf32, #tpu.memory_space<vmem>>, vector<16xf32>,
        tpu.vector_store %arg7[%parallel_loop3A_1704, %parallel_loop3A_1705], %parallel_loop3A_1703 {strides = array<i32>} : memref<16x1024xf32, #tpu.memory_space<vmem>>, vector<16xf32>,
        %parallel_loop3A_1707 = arith.select %eq3A_269, %parallel_loop3A_1693, %parallel_loop3A_1698 : vector<16xi1>, vector<16xf32>
        %parallel_loop3A_1708 = arith.index_cast %parallel_loop3A_1688 : i32 to index
        %parallel_loop3A_1709 = arith.constant 544 : index
        %parallel_loop3A_1710 = tpu.vector_load %arg7[%parallel_loop3A_1708, %parallel_loop3A_1709] {strides = array<i32>} : memref<16x1024xf32, #tpu.memory_space<vmem>>, vector<16xf32>,
        tpu.vector_store %arg7[%parallel_loop3A_1708, %parallel_loop3A_1709], %parallel_loop3A_1707 {strides = array<i32>} : memref<16x1024xf32, #tpu.memory_space<vmem>>, vector<16xf32>,
        %parallel_loop3A_1711 = arith.select %eq3A_275, %parallel_loop3A_1693, %parallel_loop3A_1698 : vector<16xi1>, vector<16xf32>
        %parallel_loop3A_1712 = arith.index_cast %parallel_loop3A_1688 : i32 to index
        %parallel_loop3A_1713 = arith.constant 560 : index
        %parallel_loop3A_1714 = tpu.vector_load %arg7[%parallel_loop3A_1712, %parallel_loop3A_1713] {strides = array<i32>} : memref<16x1024xf32, #tpu.memory_space<vmem>>, vector<16xf32>,
        tpu.vector_store %arg7[%parallel_loop3A_1712, %parallel_loop3A_1713], %parallel_loop3A_1711 {strides = array<i32>} : memref<16x1024xf32, #tpu.memory_space<vmem>>, vector<16xf32>,
        %parallel_loop3A_1715 = arith.select %eq3A_281, %parallel_loop3A_1693, %parallel_loop3A_1698 : vector<16xi1>, vector<16xf32>
        %parallel_loop3A_1716 = arith.index_cast %parallel_loop3A_1688 : i32 to index
        %parallel_loop3A_1717 = arith.constant 576 : index
        %parallel_loop3A_1718 = tpu.vector_load %arg7[%parallel_loop3A_1716, %parallel_loop3A_1717] {strides = array<i32>} : memref<16x1024xf32, #tpu.memory_space<vmem>>, vector<16xf32>,
        tpu.vector_store %arg7[%parallel_loop3A_1716, %parallel_loop3A_1717], %parallel_loop3A_1715 {strides = array<i32>} : memref<16x1024xf32, #tpu.memory_space<vmem>>, vector<16xf32>,
        %parallel_loop3A_1719 = arith.select %eq3A_287, %parallel_loop3A_1693, %parallel_loop3A_1698 : vector<16xi1>, vector<16xf32>
        %parallel_loop3A_1720 = arith.index_cast %parallel_loop3A_1688 : i32 to index
        %parallel_loop3A_1721 = arith.constant 592 : index
        %parallel_loop3A_1722 = tpu.vector_load %arg7[%parallel_loop3A_1720, %parallel_loop3A_1721] {strides = array<i32>} : memref<16x1024xf32, #tpu.memory_space<vmem>>, vector<16xf32>,
        tpu.vector_store %arg7[%parallel_loop3A_1720, %parallel_loop3A_1721], %parallel_loop3A_1719 {strides = array<i32>} : memref<16x1024xf32, #tpu.memory_space<vmem>>, vector<16xf32>,
        %parallel_loop3A_1723 = arith.select %eq3A_293, %parallel_loop3A_1693, %parallel_loop3A_1698 : vector<16xi1>, vector<16xf32>
        %parallel_loop3A_1724 = arith.index_cast %parallel_loop3A_1688 : i32 to index
        %parallel_loop3A_1725 = arith.constant 608 : index
        %parallel_loop3A_1726 = tpu.vector_load %arg7[%parallel_loop3A_1724, %parallel_loop3A_1725] {strides = array<i32>} : memref<16x1024xf32, #tpu.memory_space<vmem>>, vector<16xf32>,
        tpu.vector_store %arg7[%parallel_loop3A_1724, %parallel_loop3A_1725], %parallel_loop3A_1723 {strides = array<i32>} : memref<16x1024xf32, #tpu.memory_space<vmem>>, vector<16xf32>,
        %parallel_loop3A_1727 = arith.select %eq3A_299, %parallel_loop3A_1693, %parallel_loop3A_1698 : vector<16xi1>, vector<16xf32>
        %parallel_loop3A_1728 = arith.index_cast %parallel_loop3A_1688 : i32 to index
        %parallel_loop3A_1729 = arith.constant 624 : index
        %parallel_loop3A_1730 = tpu.vector_load %arg7[%parallel_loop3A_1728, %parallel_loop3A_1729] {strides = array<i32>} : memref<16x1024xf32, #tpu.memory_space<vmem>>, vector<16xf32>,
        tpu.vector_store %arg7[%parallel_loop3A_1728, %parallel_loop3A_1729], %parallel_loop3A_1727 {strides = array<i32>} : memref<16x1024xf32, #tpu.memory_space<vmem>>, vector<16xf32>,
        %parallel_loop3A_1731 = arith.select %eq3A_305, %parallel_loop3A_1693, %parallel_loop3A_1698 : vector<16xi1>, vector<16xf32>
        %parallel_loop3A_1732 = arith.index_cast %parallel_loop3A_1688 : i32 to index
        %parallel_loop3A_1733 = arith.constant 640 : index
        %parallel_loop3A_1734 = tpu.vector_load %arg7[%parallel_loop3A_1732, %parallel_loop3A_1733] {strides = array<i32>} : memref<16x1024xf32, #tpu.memory_space<vmem>>, vector<16xf32>,
        tpu.vector_store %arg7[%parallel_loop3A_1732, %parallel_loop3A_1733], %parallel_loop3A_1731 {strides = array<i32>} : memref<16x1024xf32, #tpu.memory_space<vmem>>, vector<16xf32>,
        %parallel_loop3A_1735 = arith.select %eq3A_311, %parallel_loop3A_1693, %parallel_loop3A_1698 : vector<16xi1>, vector<16xf32>
        %parallel_loop3A_1736 = arith.index_cast %parallel_loop3A_1688 : i32 to index
        %parallel_loop3A_1737 = arith.constant 656 : index
        %parallel_loop3A_1738 = tpu.vector_load %arg7[%parallel_loop3A_1736, %parallel_loop3A_1737] {strides = array<i32>} : memref<16x1024xf32, #tpu.memory_space<vmem>>, vector<16xf32>,
        tpu.vector_store %arg7[%parallel_loop3A_1736, %parallel_loop3A_1737], %parallel_loop3A_1735 {strides = array<i32>} : memref<16x1024xf32, #tpu.memory_space<vmem>>, vector<16xf32>,
        %parallel_loop3A_1739 = arith.select %eq3A_317, %parallel_loop3A_1693, %parallel_loop3A_1698 : vector<16xi1>, vector<16xf32>
        %parallel_loop3A_1740 = arith.index_cast %parallel_loop3A_1688 : i32 to index
        %parallel_loop3A_1741 = arith.constant 672 : index
        %parallel_loop3A_1742 = tpu.vector_load %arg7[%parallel_loop3A_1740, %parallel_loop3A_1741] {strides = array<i32>} : memref<16x1024xf32, #tpu.memory_space<vmem>>, vector<16xf32>,
        tpu.vector_store %arg7[%parallel_loop3A_1740, %parallel_loop3A_1741], %parallel_loop3A_1739 {strides = array<i32>} : memref<16x1024xf32, #tpu.memory_space<vmem>>, vector<16xf32>,
        %parallel_loop3A_1743 = arith.select %eq3A_323, %parallel_loop3A_1693, %parallel_loop3A_1698 : vector<16xi1>, vector<16xf32>
        %parallel_loop3A_1744 = arith.index_cast %parallel_loop3A_1688 : i32 to index
        %parallel_loop3A_1745 = arith.constant 688 : index
        %parallel_loop3A_1746 = tpu.vector_load %arg7[%parallel_loop3A_1744, %parallel_loop3A_1745] {strides = array<i32>} : memref<16x1024xf32, #tpu.memory_space<vmem>>, vector<16xf32>,
        tpu.vector_store %arg7[%parallel_loop3A_1744, %parallel_loop3A_1745], %parallel_loop3A_1743 {strides = array<i32>} : memref<16x1024xf32, #tpu.memory_space<vmem>>, vector<16xf32>,
        %parallel_loop3A_1747 = arith.select %eq3A_329, %parallel_loop3A_1693, %parallel_loop3A_1698 : vector<16xi1>, vector<16xf32>
        %parallel_loop3A_1748 = arith.index_cast %parallel_loop3A_1688 : i32 to index
        %parallel_loop3A_1749 = arith.constant 704 : index
        %parallel_loop3A_1750 = tpu.vector_load %arg7[%parallel_loop3A_1748, %parallel_loop3A_1749] {strides = array<i32>} : memref<16x1024xf32, #tpu.memory_space<vmem>>, vector<16xf32>,
        tpu.vector_store %arg7[%parallel_loop3A_1748, %parallel_loop3A_1749], %parallel_loop3A_1747 {strides = array<i32>} : memref<16x1024xf32, #tpu.memory_space<vmem>>, vector<16xf32>,
        %parallel_loop3A_1751 = arith.select %eq3A_335, %parallel_loop3A_1693, %parallel_loop3A_1698 : vector<16xi1>, vector<16xf32>
        %parallel_loop3A_1752 = arith.index_cast %parallel_loop3A_1688 : i32 to index
        %parallel_loop3A_1753 = arith.constant 720 : index
        %parallel_loop3A_1754 = tpu.vector_load %arg7[%parallel_loop3A_1752, %parallel_loop3A_1753] {strides = array<i32>} : memref<16x1024xf32, #tpu.memory_space<vmem>>, vector<16xf32>,
        tpu.vector_store %arg7[%parallel_loop3A_1752, %parallel_loop3A_1753], %parallel_loop3A_1751 {strides = array<i32>} : memref<16x1024xf32, #tpu.memory_space<vmem>>, vector<16xf32>,
        %parallel_loop3A_1755 = arith.select %eq3A_341, %parallel_loop3A_1693, %parallel_loop3A_1698 : vector<16xi1>, vector<16xf32>
        %parallel_loop3A_1756 = arith.index_cast %parallel_loop3A_1688 : i32 to index
        %parallel_loop3A_1757 = arith.constant 736 : index
        %parallel_loop3A_1758 = tpu.vector_load %arg7[%parallel_loop3A_1756, %parallel_loop3A_1757] {strides = array<i32>} : memref<16x1024xf32, #tpu.memory_space<vmem>>, vector<16xf32>,
        tpu.vector_store %arg7[%parallel_loop3A_1756, %parallel_loop3A_1757], %parallel_loop3A_1755 {strides = array<i32>} : memref<16x1024xf32, #tpu.memory_space<vmem>>, vector<16xf32>,
        %parallel_loop3A_1759 = arith.select %eq3A_347, %parallel_loop3A_1693, %parallel_loop3A_1698 : vector<16xi1>, vector<16xf32>
        %parallel_loop3A_1760 = arith.index_cast %parallel_loop3A_1688 : i32 to index
        %parallel_loop3A_1761 = arith.constant 752 : index
        %parallel_loop3A_1762 = tpu.vector_load %arg7[%parallel_loop3A_1760, %parallel_loop3A_1761] {strides = array<i32>} : memref<16x1024xf32, #tpu.memory_space<vmem>>, vector<16xf32>,
        tpu.vector_store %arg7[%parallel_loop3A_1760, %parallel_loop3A_1761], %parallel_loop3A_1759 {strides = array<i32>} : memref<16x1024xf32, #tpu.memory_space<vmem>>, vector<16xf32>,
      } {sc.loop_unroll_factor = 2 : i64, sc.parallel_access}
      %get3A_351 = arith.index_cast %scan3A_54 : i32 to index
      %get3A_352 = arith.constant 768 : index
      %get3A_353 = tpu.vector_load %arg6[%get3A_351, %get3A_352] {strides = array<i32>} : memref<32x1024xi32, #tpu.memory_space<vmem>>, vector<16xi32>,
      %eq3A_354 = arith.constant 1 : i32
      %eq3A_355 = vector.broadcast %eq3A_354 : i32 to vector<16xi32>
      %eq3A_356 = arith.cmpi eq, %get3A_353, %eq3A_355 : vector<16xi32>
      %get3A_357 = arith.index_cast %scan3A_54 : i32 to index
      %get3A_358 = arith.constant 784 : index
      %get3A_359 = tpu.vector_load %arg6[%get3A_357, %get3A_358] {strides = array<i32>} : memref<32x1024xi32, #tpu.memory_space<vmem>>, vector<16xi32>,
      %eq3A_360 = arith.constant 1 : i32
      %eq3A_361 = vector.broadcast %eq3A_360 : i32 to vector<16xi32>
      %eq3A_362 = arith.cmpi eq, %get3A_359, %eq3A_361 : vector<16xi32>
      %get3A_363 = arith.index_cast %scan3A_54 : i32 to index
      %get3A_364 = arith.constant 800 : index
      %get3A_365 = tpu.vector_load %arg6[%get3A_363, %get3A_364] {strides = array<i32>} : memref<32x1024xi32, #tpu.memory_space<vmem>>, vector<16xi32>,
      %eq3A_366 = arith.constant 1 : i32
      %eq3A_367 = vector.broadcast %eq3A_366 : i32 to vector<16xi32>
      %eq3A_368 = arith.cmpi eq, %get3A_365, %eq3A_367 : vector<16xi32>
      %get3A_369 = arith.index_cast %scan3A_54 : i32 to index
      %get3A_370 = arith.constant 816 : index
      %get3A_371 = tpu.vector_load %arg6[%get3A_369, %get3A_370] {strides = array<i32>} : memref<32x1024xi32, #tpu.memory_space<vmem>>, vector<16xi32>,
      %eq3A_372 = arith.constant 1 : i32
      %eq3A_373 = vector.broadcast %eq3A_372 : i32 to vector<16xi32>
      %eq3A_374 = arith.cmpi eq, %get3A_371, %eq3A_373 : vector<16xi32>
      %get3A_375 = arith.index_cast %scan3A_54 : i32 to index
      %get3A_376 = arith.constant 832 : index
      %get3A_377 = tpu.vector_load %arg6[%get3A_375, %get3A_376] {strides = array<i32>} : memref<32x1024xi32, #tpu.memory_space<vmem>>, vector<16xi32>,
      %eq3A_378 = arith.constant 1 : i32
      %eq3A_379 = vector.broadcast %eq3A_378 : i32 to vector<16xi32>
      %eq3A_380 = arith.cmpi eq, %get3A_377, %eq3A_379 : vector<16xi32>
      %get3A_381 = arith.index_cast %scan3A_54 : i32 to index
      %get3A_382 = arith.constant 848 : index
      %get3A_383 = tpu.vector_load %arg6[%get3A_381, %get3A_382] {strides = array<i32>} : memref<32x1024xi32, #tpu.memory_space<vmem>>, vector<16xi32>,
      %eq3A_384 = arith.constant 1 : i32
      %eq3A_385 = vector.broadcast %eq3A_384 : i32 to vector<16xi32>
      %eq3A_386 = arith.cmpi eq, %get3A_383, %eq3A_385 : vector<16xi32>
      %get3A_387 = arith.index_cast %scan3A_54 : i32 to index
      %get3A_388 = arith.constant 864 : index
      %get3A_389 = tpu.vector_load %arg6[%get3A_387, %get3A_388] {strides = array<i32>} : memref<32x1024xi32, #tpu.memory_space<vmem>>, vector<16xi32>,
      %eq3A_390 = arith.constant 1 : i32
      %eq3A_391 = vector.broadcast %eq3A_390 : i32 to vector<16xi32>
      %eq3A_392 = arith.cmpi eq, %get3A_389, %eq3A_391 : vector<16xi32>
      %get3A_393 = arith.index_cast %scan3A_54 : i32 to index
      %get3A_394 = arith.constant 880 : index
      %get3A_395 = tpu.vector_load %arg6[%get3A_393, %get3A_394] {strides = array<i32>} : memref<32x1024xi32, #tpu.memory_space<vmem>>, vector<16xi32>,
      %eq3A_396 = arith.constant 1 : i32
      %eq3A_397 = vector.broadcast %eq3A_396 : i32 to vector<16xi32>
      %eq3A_398 = arith.cmpi eq, %get3A_395, %eq3A_397 : vector<16xi32>
      %get3A_399 = arith.index_cast %scan3A_54 : i32 to index
      %get3A_400 = arith.constant 896 : index
      %get3A_401 = tpu.vector_load %arg6[%get3A_399, %get3A_400] {strides = array<i32>} : memref<32x1024xi32, #tpu.memory_space<vmem>>, vector<16xi32>,
      %eq3A_402 = arith.constant 1 : i32
      %eq3A_403 = vector.broadcast %eq3A_402 : i32 to vector<16xi32>
      %eq3A_404 = arith.cmpi eq, %get3A_401, %eq3A_403 : vector<16xi32>
      %get3A_405 = arith.index_cast %scan3A_54 : i32 to index
      %get3A_406 = arith.constant 912 : index
      %get3A_407 = tpu.vector_load %arg6[%get3A_405, %get3A_406] {strides = array<i32>} : memref<32x1024xi32, #tpu.memory_space<vmem>>, vector<16xi32>,
      %eq3A_408 = arith.constant 1 : i32
      %eq3A_409 = vector.broadcast %eq3A_408 : i32 to vector<16xi32>
      %eq3A_410 = arith.cmpi eq, %get3A_407, %eq3A_409 : vector<16xi32>
      %get3A_411 = arith.index_cast %scan3A_54 : i32 to index
      %get3A_412 = arith.constant 928 : index
      %get3A_413 = tpu.vector_load %arg6[%get3A_411, %get3A_412] {strides = array<i32>} : memref<32x1024xi32, #tpu.memory_space<vmem>>, vector<16xi32>,
      %eq3A_414 = arith.constant 1 : i32
      %eq3A_415 = vector.broadcast %eq3A_414 : i32 to vector<16xi32>
      %eq3A_416 = arith.cmpi eq, %get3A_413, %eq3A_415 : vector<16xi32>
      %get3A_417 = arith.index_cast %scan3A_54 : i32 to index
      %get3A_418 = arith.constant 944 : index
      %get3A_419 = tpu.vector_load %arg6[%get3A_417, %get3A_418] {strides = array<i32>} : memref<32x1024xi32, #tpu.memory_space<vmem>>, vector<16xi32>,
      %eq3A_420 = arith.constant 1 : i32
      %eq3A_421 = vector.broadcast %eq3A_420 : i32 to vector<16xi32>
      %eq3A_422 = arith.cmpi eq, %get3A_419, %eq3A_421 : vector<16xi32>
      %get3A_423 = arith.index_cast %scan3A_54 : i32 to index
      %get3A_424 = arith.constant 960 : index
      %get3A_425 = tpu.vector_load %arg6[%get3A_423, %get3A_424] {strides = array<i32>} : memref<32x1024xi32, #tpu.memory_space<vmem>>, vector<16xi32>,
      %eq3A_426 = arith.constant 1 : i32
      %eq3A_427 = vector.broadcast %eq3A_426 : i32 to vector<16xi32>
      %eq3A_428 = arith.cmpi eq, %get3A_425, %eq3A_427 : vector<16xi32>
      %get3A_429 = arith.index_cast %scan3A_54 : i32 to index
      %get3A_430 = arith.constant 976 : index
      %get3A_431 = tpu.vector_load %arg6[%get3A_429, %get3A_430] {strides = array<i32>} : memref<32x1024xi32, #tpu.memory_space<vmem>>, vector<16xi32>,
      %eq3A_432 = arith.constant 1 : i32
      %eq3A_433 = vector.broadcast %eq3A_432 : i32 to vector<16xi32>
      %eq3A_434 = arith.cmpi eq, %get3A_431, %eq3A_433 : vector<16xi32>
      %get3A_435 = arith.index_cast %scan3A_54 : i32 to index
      %get3A_436 = arith.constant 992 : index
      %get3A_437 = tpu.vector_load %arg6[%get3A_435, %get3A_436] {strides = array<i32>} : memref<32x1024xi32, #tpu.memory_space<vmem>>, vector<16xi32>,
      %eq3A_438 = arith.constant 1 : i32
      %eq3A_439 = vector.broadcast %eq3A_438 : i32 to vector<16xi32>
      %eq3A_440 = arith.cmpi eq, %get3A_437, %eq3A_439 : vector<16xi32>
      %get3A_441 = arith.index_cast %scan3A_54 : i32 to index
      %get3A_442 = arith.constant 1008 : index
      %get3A_443 = tpu.vector_load %arg6[%get3A_441, %get3A_442] {strides = array<i32>} : memref<32x1024xi32, #tpu.memory_space<vmem>>, vector<16xi32>,
      %eq3A_444 = arith.constant 1 : i32
      %eq3A_445 = vector.broadcast %eq3A_444 : i32 to vector<16xi32>
      %eq3A_446 = arith.cmpi eq, %get3A_443, %eq3A_445 : vector<16xi32>
      %parallel_loop3A_447 = arith.constant 0 : i32
      %parallel_loop3A_448 = arith.constant 16 : i32
      %parallel_loop3A_449 = arith.constant 1 : i32
      scf.for %parallel_loop3A_1688 = %parallel_loop3A_447 to %parallel_loop3A_448 step %parallel_loop3A_449  : i32 {
        %parallel_loop3A_1689 = arith.constant 0 : i32
        %parallel_loop3A_1690 = arith.addi %parallel_loop3A_1689, %parallel_loop3A_1688 : i32
        %parallel_loop3A_1691 = arith.index_cast %parallel_loop3A_1690 : i32 to index
        %parallel_loop3A_1692 = arith.constant 0 : index
        %parallel_loop3A_1693 = tpu.vector_load %arg5[%parallel_loop3A_1691, %parallel_loop3A_1692] {strides = array<i32>} : memref<128x16xf32, #tpu.memory_space<vmem>>, vector<16xf32>,
        %parallel_loop3A_1694 = arith.constant 64 : i32
        %parallel_loop3A_1695 = arith.addi %parallel_loop3A_1694, %parallel_loop3A_1688 : i32
        %parallel_loop3A_1696 = arith.index_cast %parallel_loop3A_1695 : i32 to index
        %parallel_loop3A_1697 = arith.constant 0 : index
        %parallel_loop3A_1698 = tpu.vector_load %arg5[%parallel_loop3A_1696, %parallel_loop3A_1697] {strides = array<i32>} : memref<128x16xf32, #tpu.memory_space<vmem>>, vector<16xf32>,
        %parallel_loop3A_1699 = arith.select %eq3A_356, %parallel_loop3A_1693, %parallel_loop3A_1698 : vector<16xi1>, vector<16xf32>
        %parallel_loop3A_1700 = arith.index_cast %parallel_loop3A_1688 : i32 to index
        %parallel_loop3A_1701 = arith.constant 768 : index
        %parallel_loop3A_1702 = tpu.vector_load %arg7[%parallel_loop3A_1700, %parallel_loop3A_1701] {strides = array<i32>} : memref<16x1024xf32, #tpu.memory_space<vmem>>, vector<16xf32>,
        tpu.vector_store %arg7[%parallel_loop3A_1700, %parallel_loop3A_1701], %parallel_loop3A_1699 {strides = array<i32>} : memref<16x1024xf32, #tpu.memory_space<vmem>>, vector<16xf32>,
        %parallel_loop3A_1703 = arith.select %eq3A_362, %parallel_loop3A_1693, %parallel_loop3A_1698 : vector<16xi1>, vector<16xf32>
        %parallel_loop3A_1704 = arith.index_cast %parallel_loop3A_1688 : i32 to index
        %parallel_loop3A_1705 = arith.constant 784 : index
        %parallel_loop3A_1706 = tpu.vector_load %arg7[%parallel_loop3A_1704, %parallel_loop3A_1705] {strides = array<i32>} : memref<16x1024xf32, #tpu.memory_space<vmem>>, vector<16xf32>,
        tpu.vector_store %arg7[%parallel_loop3A_1704, %parallel_loop3A_1705], %parallel_loop3A_1703 {strides = array<i32>} : memref<16x1024xf32, #tpu.memory_space<vmem>>, vector<16xf32>,
        %parallel_loop3A_1707 = arith.select %eq3A_368, %parallel_loop3A_1693, %parallel_loop3A_1698 : vector<16xi1>, vector<16xf32>
        %parallel_loop3A_1708 = arith.index_cast %parallel_loop3A_1688 : i32 to index
        %parallel_loop3A_1709 = arith.constant 800 : index
        %parallel_loop3A_1710 = tpu.vector_load %arg7[%parallel_loop3A_1708, %parallel_loop3A_1709] {strides = array<i32>} : memref<16x1024xf32, #tpu.memory_space<vmem>>, vector<16xf32>,
        tpu.vector_store %arg7[%parallel_loop3A_1708, %parallel_loop3A_1709], %parallel_loop3A_1707 {strides = array<i32>} : memref<16x1024xf32, #tpu.memory_space<vmem>>, vector<16xf32>,
        %parallel_loop3A_1711 = arith.select %eq3A_374, %parallel_loop3A_1693, %parallel_loop3A_1698 : vector<16xi1>, vector<16xf32>
        %parallel_loop3A_1712 = arith.index_cast %parallel_loop3A_1688 : i32 to index
        %parallel_loop3A_1713 = arith.constant 816 : index
        %parallel_loop3A_1714 = tpu.vector_load %arg7[%parallel_loop3A_1712, %parallel_loop3A_1713] {strides = array<i32>} : memref<16x1024xf32, #tpu.memory_space<vmem>>, vector<16xf32>,
        tpu.vector_store %arg7[%parallel_loop3A_1712, %parallel_loop3A_1713], %parallel_loop3A_1711 {strides = array<i32>} : memref<16x1024xf32, #tpu.memory_space<vmem>>, vector<16xf32>,
        %parallel_loop3A_1715 = arith.select %eq3A_380, %parallel_loop3A_1693, %parallel_loop3A_1698 : vector<16xi1>, vector<16xf32>
        %parallel_loop3A_1716 = arith.index_cast %parallel_loop3A_1688 : i32 to index
        %parallel_loop3A_1717 = arith.constant 832 : index
        %parallel_loop3A_1718 = tpu.vector_load %arg7[%parallel_loop3A_1716, %parallel_loop3A_1717] {strides = array<i32>} : memref<16x1024xf32, #tpu.memory_space<vmem>>, vector<16xf32>,
        tpu.vector_store %arg7[%parallel_loop3A_1716, %parallel_loop3A_1717], %parallel_loop3A_1715 {strides = array<i32>} : memref<16x1024xf32, #tpu.memory_space<vmem>>, vector<16xf32>,
        %parallel_loop3A_1719 = arith.select %eq3A_386, %parallel_loop3A_1693, %parallel_loop3A_1698 : vector<16xi1>, vector<16xf32>
        %parallel_loop3A_1720 = arith.index_cast %parallel_loop3A_1688 : i32 to index
        %parallel_loop3A_1721 = arith.constant 848 : index
        %parallel_loop3A_1722 = tpu.vector_load %arg7[%parallel_loop3A_1720, %parallel_loop3A_1721] {strides = array<i32>} : memref<16x1024xf32, #tpu.memory_space<vmem>>, vector<16xf32>,
        tpu.vector_store %arg7[%parallel_loop3A_1720, %parallel_loop3A_1721], %parallel_loop3A_1719 {strides = array<i32>} : memref<16x1024xf32, #tpu.memory_space<vmem>>, vector<16xf32>,
        %parallel_loop3A_1723 = arith.select %eq3A_392, %parallel_loop3A_1693, %parallel_loop3A_1698 : vector<16xi1>, vector<16xf32>
        %parallel_loop3A_1724 = arith.index_cast %parallel_loop3A_1688 : i32 to index
        %parallel_loop3A_1725 = arith.constant 864 : index
        %parallel_loop3A_1726 = tpu.vector_load %arg7[%parallel_loop3A_1724, %parallel_loop3A_1725] {strides = array<i32>} : memref<16x1024xf32, #tpu.memory_space<vmem>>, vector<16xf32>,
        tpu.vector_store %arg7[%parallel_loop3A_1724, %parallel_loop3A_1725], %parallel_loop3A_1723 {strides = array<i32>} : memref<16x1024xf32, #tpu.memory_space<vmem>>, vector<16xf32>,
        %parallel_loop3A_1727 = arith.select %eq3A_398, %parallel_loop3A_1693, %parallel_loop3A_1698 : vector<16xi1>, vector<16xf32>
        %parallel_loop3A_1728 = arith.index_cast %parallel_loop3A_1688 : i32 to index
        %parallel_loop3A_1729 = arith.constant 880 : index
        %parallel_loop3A_1730 = tpu.vector_load %arg7[%parallel_loop3A_1728, %parallel_loop3A_1729] {strides = array<i32>} : memref<16x1024xf32, #tpu.memory_space<vmem>>, vector<16xf32>,
        tpu.vector_store %arg7[%parallel_loop3A_1728, %parallel_loop3A_1729], %parallel_loop3A_1727 {strides = array<i32>} : memref<16x1024xf32, #tpu.memory_space<vmem>>, vector<16xf32>,
        %parallel_loop3A_1731 = arith.select %eq3A_404, %parallel_loop3A_1693, %parallel_loop3A_1698 : vector<16xi1>, vector<16xf32>
        %parallel_loop3A_1732 = arith.index_cast %parallel_loop3A_1688 : i32 to index
        %parallel_loop3A_1733 = arith.constant 896 : index
        %parallel_loop3A_1734 = tpu.vector_load %arg7[%parallel_loop3A_1732, %parallel_loop3A_1733] {strides = array<i32>} : memref<16x1024xf32, #tpu.memory_space<vmem>>, vector<16xf32>,
        tpu.vector_store %arg7[%parallel_loop3A_1732, %parallel_loop3A_1733], %parallel_loop3A_1731 {strides = array<i32>} : memref<16x1024xf32, #tpu.memory_space<vmem>>, vector<16xf32>,
        %parallel_loop3A_1735 = arith.select %eq3A_410, %parallel_loop3A_1693, %parallel_loop3A_1698 : vector<16xi1>, vector<16xf32>
        %parallel_loop3A_1736 = arith.index_cast %parallel_loop3A_1688 : i32 to index
        %parallel_loop3A_1737 = arith.constant 912 : index
        %parallel_loop3A_1738 = tpu.vector_load %arg7[%parallel_loop3A_1736, %parallel_loop3A_1737] {strides = array<i32>} : memref<16x1024xf32, #tpu.memory_space<vmem>>, vector<16xf32>,
        tpu.vector_store %arg7[%parallel_loop3A_1736, %parallel_loop3A_1737], %parallel_loop3A_1735 {strides = array<i32>} : memref<16x1024xf32, #tpu.memory_space<vmem>>, vector<16xf32>,
        %parallel_loop3A_1739 = arith.select %eq3A_416, %parallel_loop3A_1693, %parallel_loop3A_1698 : vector<16xi1>, vector<16xf32>
        %parallel_loop3A_1740 = arith.index_cast %parallel_loop3A_1688 : i32 to index
        %parallel_loop3A_1741 = arith.constant 928 : index
        %parallel_loop3A_1742 = tpu.vector_load %arg7[%parallel_loop3A_1740, %parallel_loop3A_1741] {strides = array<i32>} : memref<16x1024xf32, #tpu.memory_space<vmem>>, vector<16xf32>,
        tpu.vector_store %arg7[%parallel_loop3A_1740, %parallel_loop3A_1741], %parallel_loop3A_1739 {strides = array<i32>} : memref<16x1024xf32, #tpu.memory_space<vmem>>, vector<16xf32>,
        %parallel_loop3A_1743 = arith.select %eq3A_422, %parallel_loop3A_1693, %parallel_loop3A_1698 : vector<16xi1>, vector<16xf32>
        %parallel_loop3A_1744 = arith.index_cast %parallel_loop3A_1688 : i32 to index
        %parallel_loop3A_1745 = arith.constant 944 : index
        %parallel_loop3A_1746 = tpu.vector_load %arg7[%parallel_loop3A_1744, %parallel_loop3A_1745] {strides = array<i32>} : memref<16x1024xf32, #tpu.memory_space<vmem>>, vector<16xf32>,
        tpu.vector_store %arg7[%parallel_loop3A_1744, %parallel_loop3A_1745], %parallel_loop3A_1743 {strides = array<i32>} : memref<16x1024xf32, #tpu.memory_space<vmem>>, vector<16xf32>,
        %parallel_loop3A_1747 = arith.select %eq3A_428, %parallel_loop3A_1693, %parallel_loop3A_1698 : vector<16xi1>, vector<16xf32>
        %parallel_loop3A_1748 = arith.index_cast %parallel_loop3A_1688 : i32 to index
        %parallel_loop3A_1749 = arith.constant 960 : index
        %parallel_loop3A_1750 = tpu.vector_load %arg7[%parallel_loop3A_1748, %parallel_loop3A_1749] {strides = array<i32>} : memref<16x1024xf32, #tpu.memory_space<vmem>>, vector<16xf32>,
        tpu.vector_store %arg7[%parallel_loop3A_1748, %parallel_loop3A_1749], %parallel_loop3A_1747 {strides = array<i32>} : memref<16x1024xf32, #tpu.memory_space<vmem>>, vector<16xf32>,
        %parallel_loop3A_1751 = arith.select %eq3A_434, %parallel_loop3A_1693, %parallel_loop3A_1698 : vector<16xi1>, vector<16xf32>
        %parallel_loop3A_1752 = arith.index_cast %parallel_loop3A_1688 : i32 to index
        %parallel_loop3A_1753 = arith.constant 976 : index
        %parallel_loop3A_1754 = tpu.vector_load %arg7[%parallel_loop3A_1752, %parallel_loop3A_1753] {strides = array<i32>} : memref<16x1024xf32, #tpu.memory_space<vmem>>, vector<16xf32>,
        tpu.vector_store %arg7[%parallel_loop3A_1752, %parallel_loop3A_1753], %parallel_loop3A_1751 {strides = array<i32>} : memref<16x1024xf32, #tpu.memory_space<vmem>>, vector<16xf32>,
        %parallel_loop3A_1755 = arith.select %eq3A_440, %parallel_loop3A_1693, %parallel_loop3A_1698 : vector<16xi1>, vector<16xf32>
        %parallel_loop3A_1756 = arith.index_cast %parallel_loop3A_1688 : i32 to index
        %parallel_loop3A_1757 = arith.constant 992 : index
        %parallel_loop3A_1758 = tpu.vector_load %arg7[%parallel_loop3A_1756, %parallel_loop3A_1757] {strides = array<i32>} : memref<16x1024xf32, #tpu.memory_space<vmem>>, vector<16xf32>,
        tpu.vector_store %arg7[%parallel_loop3A_1756, %parallel_loop3A_1757], %parallel_loop3A_1755 {strides = array<i32>} : memref<16x1024xf32, #tpu.memory_space<vmem>>, vector<16xf32>,
        %parallel_loop3A_1759 = arith.select %eq3A_446, %parallel_loop3A_1693, %parallel_loop3A_1698 : vector<16xi1>, vector<16xf32>
        %parallel_loop3A_1760 = arith.index_cast %parallel_loop3A_1688 : i32 to index
        %parallel_loop3A_1761 = arith.constant 1008 : index
        %parallel_loop3A_1762 = tpu.vector_load %arg7[%parallel_loop3A_1760, %parallel_loop3A_1761] {strides = array<i32>} : memref<16x1024xf32, #tpu.memory_space<vmem>>, vector<16xf32>,
        tpu.vector_store %arg7[%parallel_loop3A_1760, %parallel_loop3A_1761], %parallel_loop3A_1759 {strides = array<i32>} : memref<16x1024xf32, #tpu.memory_space<vmem>>, vector<16xf32>,
      } {sc.loop_unroll_factor = 2 : i64, sc.parallel_access}
      %add3A_450 = arith.addi %mul3A_2, %scan3A_54 : i32
      %dma_start3A = arith.constant 0 : i32
      %dma_start3A_451 = arith.constant 0 : i32
      %dma_start3A_452 = tpu.memref_slice %arg4[%add3A_450, %dma_start3A, %dma_start3A_451] : memref<1024x64x1024xf32, #tpu.memory_space<hbm>> -> memref<1x16x1024xf32, #tpu.memory_space<hbm>>
      %dma_start3A_453 = tpu.memref_squeeze %dma_start3A_452 : memref<1x16x1024xf32, #tpu.memory_space<hbm>> -> memref<16x1024xf32, #tpu.memory_space<hbm>>
      %dma_start3A_454 = arith.constant 0 : i32
      %dma_start3A_455 = arith.constant 0 : i32
      %dma_start3A_456 = tpu.memref_slice %arg4[%add3A_450, %dma_start3A_454, %dma_start3A_455] : memref<1024x64x1024xf32, #tpu.memory_space<hbm>> -> memref<1x16x1024xf32, #tpu.memory_space<hbm>>
      %dma_start3A_457 = tpu.memref_squeeze %dma_start3A_456 : memref<1x16x1024xf32, #tpu.memory_space<hbm>> -> memref<16x1024xf32, #tpu.memory_space<hbm>>
      tpu.enqueue_dma source(%arg7 : memref<16x1024xf32, #tpu.memory_space<vmem>>) target(%dma_start3A_457 : memref<16x1024xf32, #tpu.memory_space<hbm>>) target_semaphore(%arg11 : memref<!tpu.dma_semaphore, #tpu.memory_space<semaphore_mem>>)
      %gt3A_458 = arith.constant 0 : i32
      %gt3A_459 = arith.cmpi sgt, %scan3A_54, %gt3A_458 : i32
      %convert_element_type3A_460 = arith.extui %gt3A_459 : i1 to i32
      %cond3A_461 = arith.constant 0 : i32
      %cond3A_462 = arith.cmpi ne, %convert_element_type3A_460, %cond3A_461 : i32
      scf.if %cond3A_462 {
        %add3A_1688 = arith.addi %mul3A_2, %scan3A_54 : i32
        %sub3A_1689 = arith.constant 1 : i32
        %sub3A_1690 = arith.subi %add3A_1688, %sub3A_1689 : i32
        %dma_wait3A_1691 = arith.constant 16 : i32
        %dma_wait3A_1692 = arith.constant 0 : i32
        %dma_wait3A_1693 = tpu.memref_slice %arg4[%sub3A_1690, %dma_wait3A_1691, %dma_wait3A_1692] : memref<1024x64x1024xf32, #tpu.memory_space<hbm>> -> memref<1x16x1024xf32, #tpu.memory_space<hbm>>
        %dma_wait3A_1694 = tpu.memref_squeeze %dma_wait3A_1693 : memref<1x16x1024xf32, #tpu.memory_space<hbm>> -> memref<16x1024xf32, #tpu.memory_space<hbm>>
        %dma_wait3A_1695 = arith.constant 16 : i32
        %dma_wait3A_1696 = arith.constant 0 : i32
        %dma_wait3A_1697 = tpu.memref_slice %arg4[%sub3A_1690, %dma_wait3A_1695, %dma_wait3A_1696] : memref<1024x64x1024xf32, #tpu.memory_space<hbm>> -> memref<1x16x1024xf32, #tpu.memory_space<hbm>>
        %dma_wait3A_1698 = tpu.memref_squeeze %dma_wait3A_1697 : memref<1x16x1024xf32, #tpu.memory_space<hbm>> -> memref<16x1024xf32, #tpu.memory_space<hbm>>
        tpu.wait_dma2 semaphore(%arg12 : memref<!tpu.dma_semaphore, #tpu.memory_space<semaphore_mem>>) src(%arg8 : memref<16x1024xf32, #tpu.memory_space<vmem>>) dst(%dma_wait3A_1698 : memref<16x1024xf32, #tpu.memory_space<hbm>>)
      } else {
      }
      %get3A_463 = arith.index_cast %scan3A_54 : i32 to index
      %get3A_464 = arith.constant 0 : index
      %get3A_465 = tpu.vector_load %arg6[%get3A_463, %get3A_464] {strides = array<i32>} : memref<32x1024xi32, #tpu.memory_space<vmem>>, vector<16xi32>,
      %eq3A_466 = arith.constant 1 : i32
      %eq3A_467 = vector.broadcast %eq3A_466 : i32 to vector<16xi32>
      %eq3A_468 = arith.cmpi eq, %get3A_465, %eq3A_467 : vector<16xi32>
      %get3A_469 = arith.index_cast %scan3A_54 : i32 to index
      %get3A_470 = arith.constant 16 : index
      %get3A_471 = tpu.vector_load %arg6[%get3A_469, %get3A_470] {strides = array<i32>} : memref<32x1024xi32, #tpu.memory_space<vmem>>, vector<16xi32>,
      %eq3A_472 = arith.constant 1 : i32
      %eq3A_473 = vector.broadcast %eq3A_472 : i32 to vector<16xi32>
      %eq3A_474 = arith.cmpi eq, %get3A_471, %eq3A_473 : vector<16xi32>
      %get3A_475 = arith.index_cast %scan3A_54 : i32 to index
      %get3A_476 = arith.constant 32 : index
      %get3A_477 = tpu.vector_load %arg6[%get3A_475, %get3A_476] {strides = array<i32>} : memref<32x1024xi32, #tpu.memory_space<vmem>>, vector<16xi32>,
      %eq3A_478 = arith.constant 1 : i32
      %eq3A_479 = vector.broadcast %eq3A_478 : i32 to vector<16xi32>
      %eq3A_480 = arith.cmpi eq, %get3A_477, %eq3A_479 : vector<16xi32>
      %get3A_481 = arith.index_cast %scan3A_54 : i32 to index
      %get3A_482 = arith.constant 48 : index
      %get3A_483 = tpu.vector_load %arg6[%get3A_481, %get3A_482] {strides = array<i32>} : memref<32x1024xi32, #tpu.memory_space<vmem>>, vector<16xi32>,
      %eq3A_484 = arith.constant 1 : i32
      %eq3A_485 = vector.broadcast %eq3A_484 : i32 to vector<16xi32>
      %eq3A_486 = arith.cmpi eq, %get3A_483, %eq3A_485 : vector<16xi32>
      %get3A_487 = arith.index_cast %scan3A_54 : i32 to index
      %get3A_488 = arith.constant 64 : index
      %get3A_489 = tpu.vector_load %arg6[%get3A_487, %get3A_488] {strides = array<i32>} : memref<32x1024xi32, #tpu.memory_space<vmem>>, vector<16xi32>,
      %eq3A_490 = arith.constant 1 : i32
      %eq3A_491 = vector.broadcast %eq3A_490 : i32 to vector<16xi32>
      %eq3A_492 = arith.cmpi eq, %get3A_489, %eq3A_491 : vector<16xi32>
      %get3A_493 = arith.index_cast %scan3A_54 : i32 to index
      %get3A_494 = arith.constant 80 : index
      %get3A_495 = tpu.vector_load %arg6[%get3A_493, %get3A_494] {strides = array<i32>} : memref<32x1024xi32, #tpu.memory_space<vmem>>, vector<16xi32>,
      %eq3A_496 = arith.constant 1 : i32
      %eq3A_497 = vector.broadcast %eq3A_496 : i32 to vector<16xi32>
      %eq3A_498 = arith.cmpi eq, %get3A_495, %eq3A_497 : vector<16xi32>
      %get3A_499 = arith.index_cast %scan3A_54 : i32 to index
      %get3A_500 = arith.constant 96 : index
      %get3A_501 = tpu.vector_load %arg6[%get3A_499, %get3A_500] {strides = array<i32>} : memref<32x1024xi32, #tpu.memory_space<vmem>>, vector<16xi32>,
      %eq3A_502 = arith.constant 1 : i32
      %eq3A_503 = vector.broadcast %eq3A_502 : i32 to vector<16xi32>
      %eq3A_504 = arith.cmpi eq, %get3A_501, %eq3A_503 : vector<16xi32>
      %get3A_505 = arith.index_cast %scan3A_54 : i32 to index
      %get3A_506 = arith.constant 112 : index
      %get3A_507 = tpu.vector_load %arg6[%get3A_505, %get3A_506] {strides = array<i32>} : memref<32x1024xi32, #tpu.memory_space<vmem>>, vector<16xi32>,
      %eq3A_508 = arith.constant 1 : i32
      %eq3A_509 = vector.broadcast %eq3A_508 : i32 to vector<16xi32>
      %eq3A_510 = arith.cmpi eq, %get3A_507, %eq3A_509 : vector<16xi32>
      %get3A_511 = arith.index_cast %scan3A_54 : i32 to index
      %get3A_512 = arith.constant 128 : index
      %get3A_513 = tpu.vector_load %arg6[%get3A_511, %get3A_512] {strides = array<i32>} : memref<32x1024xi32, #tpu.memory_space<vmem>>, vector<16xi32>,
      %eq3A_514 = arith.constant 1 : i32
      %eq3A_515 = vector.broadcast %eq3A_514 : i32 to vector<16xi32>
      %eq3A_516 = arith.cmpi eq, %get3A_513, %eq3A_515 : vector<16xi32>
      %get3A_517 = arith.index_cast %scan3A_54 : i32 to index
      %get3A_518 = arith.constant 144 : index
      %get3A_519 = tpu.vector_load %arg6[%get3A_517, %get3A_518] {strides = array<i32>} : memref<32x1024xi32, #tpu.memory_space<vmem>>, vector<16xi32>,
      %eq3A_520 = arith.constant 1 : i32
      %eq3A_521 = vector.broadcast %eq3A_520 : i32 to vector<16xi32>
      %eq3A_522 = arith.cmpi eq, %get3A_519, %eq3A_521 : vector<16xi32>
      %get3A_523 = arith.index_cast %scan3A_54 : i32 to index
      %get3A_524 = arith.constant 160 : index
      %get3A_525 = tpu.vector_load %arg6[%get3A_523, %get3A_524] {strides = array<i32>} : memref<32x1024xi32, #tpu.memory_space<vmem>>, vector<16xi32>,
      %eq3A_526 = arith.constant 1 : i32
      %eq3A_527 = vector.broadcast %eq3A_526 : i32 to vector<16xi32>
      %eq3A_528 = arith.cmpi eq, %get3A_525, %eq3A_527 : vector<16xi32>
      %get3A_529 = arith.index_cast %scan3A_54 : i32 to index
      %get3A_530 = arith.constant 176 : index
      %get3A_531 = tpu.vector_load %arg6[%get3A_529, %get3A_530] {strides = array<i32>} : memref<32x1024xi32, #tpu.memory_space<vmem>>, vector<16xi32>,
      %eq3A_532 = arith.constant 1 : i32
      %eq3A_533 = vector.broadcast %eq3A_532 : i32 to vector<16xi32>
      %eq3A_534 = arith.cmpi eq, %get3A_531, %eq3A_533 : vector<16xi32>
      %get3A_535 = arith.index_cast %scan3A_54 : i32 to index
      %get3A_536 = arith.constant 192 : index
      %get3A_537 = tpu.vector_load %arg6[%get3A_535, %get3A_536] {strides = array<i32>} : memref<32x1024xi32, #tpu.memory_space<vmem>>, vector<16xi32>,
      %eq3A_538 = arith.constant 1 : i32
      %eq3A_539 = vector.broadcast %eq3A_538 : i32 to vector<16xi32>
      %eq3A_540 = arith.cmpi eq, %get3A_537, %eq3A_539 : vector<16xi32>
      %get3A_541 = arith.index_cast %scan3A_54 : i32 to index
      %get3A_542 = arith.constant 208 : index
      %get3A_543 = tpu.vector_load %arg6[%get3A_541, %get3A_542] {strides = array<i32>} : memref<32x1024xi32, #tpu.memory_space<vmem>>, vector<16xi32>,
      %eq3A_544 = arith.constant 1 : i32
      %eq3A_545 = vector.broadcast %eq3A_544 : i32 to vector<16xi32>
      %eq3A_546 = arith.cmpi eq, %get3A_543, %eq3A_545 : vector<16xi32>
      %get3A_547 = arith.index_cast %scan3A_54 : i32 to index
      %get3A_548 = arith.constant 224 : index
      %get3A_549 = tpu.vector_load %arg6[%get3A_547, %get3A_548] {strides = array<i32>} : memref<32x1024xi32, #tpu.memory_space<vmem>>, vector<16xi32>,
      %eq3A_550 = arith.constant 1 : i32
      %eq3A_551 = vector.broadcast %eq3A_550 : i32 to vector<16xi32>
      %eq3A_552 = arith.cmpi eq, %get3A_549, %eq3A_551 : vector<16xi32>
      %get3A_553 = arith.index_cast %scan3A_54 : i32 to index
      %get3A_554 = arith.constant 240 : index
      %get3A_555 = tpu.vector_load %arg6[%get3A_553, %get3A_554] {strides = array<i32>} : memref<32x1024xi32, #tpu.memory_space<vmem>>, vector<16xi32>,
      %eq3A_556 = arith.constant 1 : i32
      %eq3A_557 = vector.broadcast %eq3A_556 : i32 to vector<16xi32>
      %eq3A_558 = arith.cmpi eq, %get3A_555, %eq3A_557 : vector<16xi32>
      %parallel_loop3A_559 = arith.constant 0 : i32
      %parallel_loop3A_560 = arith.constant 16 : i32
      %parallel_loop3A_561 = arith.constant 1 : i32
      scf.for %parallel_loop3A_1688 = %parallel_loop3A_559 to %parallel_loop3A_560 step %parallel_loop3A_561  : i32 {
        %parallel_loop3A_1689 = arith.constant 16 : i32
        %parallel_loop3A_1690 = arith.addi %parallel_loop3A_1689, %parallel_loop3A_1688 : i32
        %parallel_loop3A_1691 = arith.index_cast %parallel_loop3A_1690 : i32 to index
        %parallel_loop3A_1692 = arith.constant 0 : index
        %parallel_loop3A_1693 = tpu.vector_load %arg5[%parallel_loop3A_1691, %parallel_loop3A_1692] {strides = array<i32>} : memref<128x16xf32, #tpu.memory_space<vmem>>, vector<16xf32>,
        %parallel_loop3A_1694 = arith.constant 80 : i32
        %parallel_loop3A_1695 = arith.addi %parallel_loop3A_1694, %parallel_loop3A_1688 : i32
        %parallel_loop3A_1696 = arith.index_cast %parallel_loop3A_1695 : i32 to index
        %parallel_loop3A_1697 = arith.constant 0 : index
        %parallel_loop3A_1698 = tpu.vector_load %arg5[%parallel_loop3A_1696, %parallel_loop3A_1697] {strides = array<i32>} : memref<128x16xf32, #tpu.memory_space<vmem>>, vector<16xf32>,
        %parallel_loop3A_1699 = arith.select %eq3A_468, %parallel_loop3A_1693, %parallel_loop3A_1698 : vector<16xi1>, vector<16xf32>
        %parallel_loop3A_1700 = arith.index_cast %parallel_loop3A_1688 : i32 to index
        %parallel_loop3A_1701 = arith.constant 0 : index
        %parallel_loop3A_1702 = tpu.vector_load %arg8[%parallel_loop3A_1700, %parallel_loop3A_1701] {strides = array<i32>} : memref<16x1024xf32, #tpu.memory_space<vmem>>, vector<16xf32>,
        tpu.vector_store %arg8[%parallel_loop3A_1700, %parallel_loop3A_1701], %parallel_loop3A_1699 {strides = array<i32>} : memref<16x1024xf32, #tpu.memory_space<vmem>>, vector<16xf32>,
        %parallel_loop3A_1703 = arith.select %eq3A_474, %parallel_loop3A_1693, %parallel_loop3A_1698 : vector<16xi1>, vector<16xf32>
        %parallel_loop3A_1704 = arith.index_cast %parallel_loop3A_1688 : i32 to index
        %parallel_loop3A_1705 = arith.constant 16 : index
        %parallel_loop3A_1706 = tpu.vector_load %arg8[%parallel_loop3A_1704, %parallel_loop3A_1705] {strides = array<i32>} : memref<16x1024xf32, #tpu.memory_space<vmem>>, vector<16xf32>,
        tpu.vector_store %arg8[%parallel_loop3A_1704, %parallel_loop3A_1705], %parallel_loop3A_1703 {strides = array<i32>} : memref<16x1024xf32, #tpu.memory_space<vmem>>, vector<16xf32>,
        %parallel_loop3A_1707 = arith.select %eq3A_480, %parallel_loop3A_1693, %parallel_loop3A_1698 : vector<16xi1>, vector<16xf32>
        %parallel_loop3A_1708 = arith.index_cast %parallel_loop3A_1688 : i32 to index
        %parallel_loop3A_1709 = arith.constant 32 : index
        %parallel_loop3A_1710 = tpu.vector_load %arg8[%parallel_loop3A_1708, %parallel_loop3A_1709] {strides = array<i32>} : memref<16x1024xf32, #tpu.memory_space<vmem>>, vector<16xf32>,
        tpu.vector_store %arg8[%parallel_loop3A_1708, %parallel_loop3A_1709], %parallel_loop3A_1707 {strides = array<i32>} : memref<16x1024xf32, #tpu.memory_space<vmem>>, vector<16xf32>,
        %parallel_loop3A_1711 = arith.select %eq3A_486, %parallel_loop3A_1693, %parallel_loop3A_1698 : vector<16xi1>, vector<16xf32>
        %parallel_loop3A_1712 = arith.index_cast %parallel_loop3A_1688 : i32 to index
        %parallel_loop3A_1713 = arith.constant 48 : index
        %parallel_loop3A_1714 = tpu.vector_load %arg8[%parallel_loop3A_1712, %parallel_loop3A_1713] {strides = array<i32>} : memref<16x1024xf32, #tpu.memory_space<vmem>>, vector<16xf32>,
        tpu.vector_store %arg8[%parallel_loop3A_1712, %parallel_loop3A_1713], %parallel_loop3A_1711 {strides = array<i32>} : memref<16x1024xf32, #tpu.memory_space<vmem>>, vector<16xf32>,
        %parallel_loop3A_1715 = arith.select %eq3A_492, %parallel_loop3A_1693, %parallel_loop3A_1698 : vector<16xi1>, vector<16xf32>
        %parallel_loop3A_1716 = arith.index_cast %parallel_loop3A_1688 : i32 to index
        %parallel_loop3A_1717 = arith.constant 64 : index
        %parallel_loop3A_1718 = tpu.vector_load %arg8[%parallel_loop3A_1716, %parallel_loop3A_1717] {strides = array<i32>} : memref<16x1024xf32, #tpu.memory_space<vmem>>, vector<16xf32>,
        tpu.vector_store %arg8[%parallel_loop3A_1716, %parallel_loop3A_1717], %parallel_loop3A_1715 {strides = array<i32>} : memref<16x1024xf32, #tpu.memory_space<vmem>>, vector<16xf32>,
        %parallel_loop3A_1719 = arith.select %eq3A_498, %parallel_loop3A_1693, %parallel_loop3A_1698 : vector<16xi1>, vector<16xf32>
        %parallel_loop3A_1720 = arith.index_cast %parallel_loop3A_1688 : i32 to index
        %parallel_loop3A_1721 = arith.constant 80 : index
        %parallel_loop3A_1722 = tpu.vector_load %arg8[%parallel_loop3A_1720, %parallel_loop3A_1721] {strides = array<i32>} : memref<16x1024xf32, #tpu.memory_space<vmem>>, vector<16xf32>,
        tpu.vector_store %arg8[%parallel_loop3A_1720, %parallel_loop3A_1721], %parallel_loop3A_1719 {strides = array<i32>} : memref<16x1024xf32, #tpu.memory_space<vmem>>, vector<16xf32>,
        %parallel_loop3A_1723 = arith.select %eq3A_504, %parallel_loop3A_1693, %parallel_loop3A_1698 : vector<16xi1>, vector<16xf32>
        %parallel_loop3A_1724 = arith.index_cast %parallel_loop3A_1688 : i32 to index
        %parallel_loop3A_1725 = arith.constant 96 : index
        %parallel_loop3A_1726 = tpu.vector_load %arg8[%parallel_loop3A_1724, %parallel_loop3A_1725] {strides = array<i32>} : memref<16x1024xf32, #tpu.memory_space<vmem>>, vector<16xf32>,
        tpu.vector_store %arg8[%parallel_loop3A_1724, %parallel_loop3A_1725], %parallel_loop3A_1723 {strides = array<i32>} : memref<16x1024xf32, #tpu.memory_space<vmem>>, vector<16xf32>,
        %parallel_loop3A_1727 = arith.select %eq3A_510, %parallel_loop3A_1693, %parallel_loop3A_1698 : vector<16xi1>, vector<16xf32>
        %parallel_loop3A_1728 = arith.index_cast %parallel_loop3A_1688 : i32 to index
        %parallel_loop3A_1729 = arith.constant 112 : index
        %parallel_loop3A_1730 = tpu.vector_load %arg8[%parallel_loop3A_1728, %parallel_loop3A_1729] {strides = array<i32>} : memref<16x1024xf32, #tpu.memory_space<vmem>>, vector<16xf32>,
        tpu.vector_store %arg8[%parallel_loop3A_1728, %parallel_loop3A_1729], %parallel_loop3A_1727 {strides = array<i32>} : memref<16x1024xf32, #tpu.memory_space<vmem>>, vector<16xf32>,
        %parallel_loop3A_1731 = arith.select %eq3A_516, %parallel_loop3A_1693, %parallel_loop3A_1698 : vector<16xi1>, vector<16xf32>
        %parallel_loop3A_1732 = arith.index_cast %parallel_loop3A_1688 : i32 to index
        %parallel_loop3A_1733 = arith.constant 128 : index
        %parallel_loop3A_1734 = tpu.vector_load %arg8[%parallel_loop3A_1732, %parallel_loop3A_1733] {strides = array<i32>} : memref<16x1024xf32, #tpu.memory_space<vmem>>, vector<16xf32>,
        tpu.vector_store %arg8[%parallel_loop3A_1732, %parallel_loop3A_1733], %parallel_loop3A_1731 {strides = array<i32>} : memref<16x1024xf32, #tpu.memory_space<vmem>>, vector<16xf32>,
        %parallel_loop3A_1735 = arith.select %eq3A_522, %parallel_loop3A_1693, %parallel_loop3A_1698 : vector<16xi1>, vector<16xf32>
        %parallel_loop3A_1736 = arith.index_cast %parallel_loop3A_1688 : i32 to index
        %parallel_loop3A_1737 = arith.constant 144 : index
        %parallel_loop3A_1738 = tpu.vector_load %arg8[%parallel_loop3A_1736, %parallel_loop3A_1737] {strides = array<i32>} : memref<16x1024xf32, #tpu.memory_space<vmem>>, vector<16xf32>,
        tpu.vector_store %arg8[%parallel_loop3A_1736, %parallel_loop3A_1737], %parallel_loop3A_1735 {strides = array<i32>} : memref<16x1024xf32, #tpu.memory_space<vmem>>, vector<16xf32>,
        %parallel_loop3A_1739 = arith.select %eq3A_528, %parallel_loop3A_1693, %parallel_loop3A_1698 : vector<16xi1>, vector<16xf32>
        %parallel_loop3A_1740 = arith.index_cast %parallel_loop3A_1688 : i32 to index
        %parallel_loop3A_1741 = arith.constant 160 : index
        %parallel_loop3A_1742 = tpu.vector_load %arg8[%parallel_loop3A_1740, %parallel_loop3A_1741] {strides = array<i32>} : memref<16x1024xf32, #tpu.memory_space<vmem>>, vector<16xf32>,
        tpu.vector_store %arg8[%parallel_loop3A_1740, %parallel_loop3A_1741], %parallel_loop3A_1739 {strides = array<i32>} : memref<16x1024xf32, #tpu.memory_space<vmem>>, vector<16xf32>,
        %parallel_loop3A_1743 = arith.select %eq3A_534, %parallel_loop3A_1693, %parallel_loop3A_1698 : vector<16xi1>, vector<16xf32>
        %parallel_loop3A_1744 = arith.index_cast %parallel_loop3A_1688 : i32 to index
        %parallel_loop3A_1745 = arith.constant 176 : index
        %parallel_loop3A_1746 = tpu.vector_load %arg8[%parallel_loop3A_1744, %parallel_loop3A_1745] {strides = array<i32>} : memref<16x1024xf32, #tpu.memory_space<vmem>>, vector<16xf32>,
        tpu.vector_store %arg8[%parallel_loop3A_1744, %parallel_loop3A_1745], %parallel_loop3A_1743 {strides = array<i32>} : memref<16x1024xf32, #tpu.memory_space<vmem>>, vector<16xf32>,
        %parallel_loop3A_1747 = arith.select %eq3A_540, %parallel_loop3A_1693, %parallel_loop3A_1698 : vector<16xi1>, vector<16xf32>
        %parallel_loop3A_1748 = arith.index_cast %parallel_loop3A_1688 : i32 to index
        %parallel_loop3A_1749 = arith.constant 192 : index
        %parallel_loop3A_1750 = tpu.vector_load %arg8[%parallel_loop3A_1748, %parallel_loop3A_1749] {strides = array<i32>} : memref<16x1024xf32, #tpu.memory_space<vmem>>, vector<16xf32>,
        tpu.vector_store %arg8[%parallel_loop3A_1748, %parallel_loop3A_1749], %parallel_loop3A_1747 {strides = array<i32>} : memref<16x1024xf32, #tpu.memory_space<vmem>>, vector<16xf32>,
        %parallel_loop3A_1751 = arith.select %eq3A_546, %parallel_loop3A_1693, %parallel_loop3A_1698 : vector<16xi1>, vector<16xf32>
        %parallel_loop3A_1752 = arith.index_cast %parallel_loop3A_1688 : i32 to index
        %parallel_loop3A_1753 = arith.constant 208 : index
        %parallel_loop3A_1754 = tpu.vector_load %arg8[%parallel_loop3A_1752, %parallel_loop3A_1753] {strides = array<i32>} : memref<16x1024xf32, #tpu.memory_space<vmem>>, vector<16xf32>,
        tpu.vector_store %arg8[%parallel_loop3A_1752, %parallel_loop3A_1753], %parallel_loop3A_1751 {strides = array<i32>} : memref<16x1024xf32, #tpu.memory_space<vmem>>, vector<16xf32>,
        %parallel_loop3A_1755 = arith.select %eq3A_552, %parallel_loop3A_1693, %parallel_loop3A_1698 : vector<16xi1>, vector<16xf32>
        %parallel_loop3A_1756 = arith.index_cast %parallel_loop3A_1688 : i32 to index
        %parallel_loop3A_1757 = arith.constant 224 : index
        %parallel_loop3A_1758 = tpu.vector_load %arg8[%parallel_loop3A_1756, %parallel_loop3A_1757] {strides = array<i32>} : memref<16x1024xf32, #tpu.memory_space<vmem>>, vector<16xf32>,
        tpu.vector_store %arg8[%parallel_loop3A_1756, %parallel_loop3A_1757], %parallel_loop3A_1755 {strides = array<i32>} : memref<16x1024xf32, #tpu.memory_space<vmem>>, vector<16xf32>,
        %parallel_loop3A_1759 = arith.select %eq3A_558, %parallel_loop3A_1693, %parallel_loop3A_1698 : vector<16xi1>, vector<16xf32>
        %parallel_loop3A_1760 = arith.index_cast %parallel_loop3A_1688 : i32 to index
        %parallel_loop3A_1761 = arith.constant 240 : index
        %parallel_loop3A_1762 = tpu.vector_load %arg8[%parallel_loop3A_1760, %parallel_loop3A_1761] {strides = array<i32>} : memref<16x1024xf32, #tpu.memory_space<vmem>>, vector<16xf32>,
        tpu.vector_store %arg8[%parallel_loop3A_1760, %parallel_loop3A_1761], %parallel_loop3A_1759 {strides = array<i32>} : memref<16x1024xf32, #tpu.memory_space<vmem>>, vector<16xf32>,
      } {sc.loop_unroll_factor = 2 : i64, sc.parallel_access}
      %get3A_562 = arith.index_cast %scan3A_54 : i32 to index
      %get3A_563 = arith.constant 256 : index
      %get3A_564 = tpu.vector_load %arg6[%get3A_562, %get3A_563] {strides = array<i32>} : memref<32x1024xi32, #tpu.memory_space<vmem>>, vector<16xi32>,
      %eq3A_565 = arith.constant 1 : i32
      %eq3A_566 = vector.broadcast %eq3A_565 : i32 to vector<16xi32>
      %eq3A_567 = arith.cmpi eq, %get3A_564, %eq3A_566 : vector<16xi32>
      %get3A_568 = arith.index_cast %scan3A_54 : i32 to index
      %get3A_569 = arith.constant 272 : index
      %get3A_570 = tpu.vector_load %arg6[%get3A_568, %get3A_569] {strides = array<i32>} : memref<32x1024xi32, #tpu.memory_space<vmem>>, vector<16xi32>,
      %eq3A_571 = arith.constant 1 : i32
      %eq3A_572 = vector.broadcast %eq3A_571 : i32 to vector<16xi32>
      %eq3A_573 = arith.cmpi eq, %get3A_570, %eq3A_572 : vector<16xi32>
      %get3A_574 = arith.index_cast %scan3A_54 : i32 to index
      %get3A_575 = arith.constant 288 : index
      %get3A_576 = tpu.vector_load %arg6[%get3A_574, %get3A_575] {strides = array<i32>} : memref<32x1024xi32, #tpu.memory_space<vmem>>, vector<16xi32>,
      %eq3A_577 = arith.constant 1 : i32
      %eq3A_578 = vector.broadcast %eq3A_577 : i32 to vector<16xi32>
      %eq3A_579 = arith.cmpi eq, %get3A_576, %eq3A_578 : vector<16xi32>
      %get3A_580 = arith.index_cast %scan3A_54 : i32 to index
      %get3A_581 = arith.constant 304 : index
      %get3A_582 = tpu.vector_load %arg6[%get3A_580, %get3A_581] {strides = array<i32>} : memref<32x1024xi32, #tpu.memory_space<vmem>>, vector<16xi32>,
      %eq3A_583 = arith.constant 1 : i32
      %eq3A_584 = vector.broadcast %eq3A_583 : i32 to vector<16xi32>
      %eq3A_585 = arith.cmpi eq, %get3A_582, %eq3A_584 : vector<16xi32>
      %get3A_586 = arith.index_cast %scan3A_54 : i32 to index
      %get3A_587 = arith.constant 320 : index
      %get3A_588 = tpu.vector_load %arg6[%get3A_586, %get3A_587] {strides = array<i32>} : memref<32x1024xi32, #tpu.memory_space<vmem>>, vector<16xi32>,
      %eq3A_589 = arith.constant 1 : i32
      %eq3A_590 = vector.broadcast %eq3A_589 : i32 to vector<16xi32>
      %eq3A_591 = arith.cmpi eq, %get3A_588, %eq3A_590 : vector<16xi32>
      %get3A_592 = arith.index_cast %scan3A_54 : i32 to index
      %get3A_593 = arith.constant 336 : index
      %get3A_594 = tpu.vector_load %arg6[%get3A_592, %get3A_593] {strides = array<i32>} : memref<32x1024xi32, #tpu.memory_space<vmem>>, vector<16xi32>,
      %eq3A_595 = arith.constant 1 : i32
      %eq3A_596 = vector.broadcast %eq3A_595 : i32 to vector<16xi32>
      %eq3A_597 = arith.cmpi eq, %get3A_594, %eq3A_596 : vector<16xi32>
      %get3A_598 = arith.index_cast %scan3A_54 : i32 to index
      %get3A_599 = arith.constant 352 : index
      %get3A_600 = tpu.vector_load %arg6[%get3A_598, %get3A_599] {strides = array<i32>} : memref<32x1024xi32, #tpu.memory_space<vmem>>, vector<16xi32>,
      %eq3A_601 = arith.constant 1 : i32
      %eq3A_602 = vector.broadcast %eq3A_601 : i32 to vector<16xi32>
      %eq3A_603 = arith.cmpi eq, %get3A_600, %eq3A_602 : vector<16xi32>
      %get3A_604 = arith.index_cast %scan3A_54 : i32 to index
      %get3A_605 = arith.constant 368 : index
      %get3A_606 = tpu.vector_load %arg6[%get3A_604, %get3A_605] {strides = array<i32>} : memref<32x1024xi32, #tpu.memory_space<vmem>>, vector<16xi32>,
      %eq3A_607 = arith.constant 1 : i32
      %eq3A_608 = vector.broadcast %eq3A_607 : i32 to vector<16xi32>
      %eq3A_609 = arith.cmpi eq, %get3A_606, %eq3A_608 : vector<16xi32>
      %get3A_610 = arith.index_cast %scan3A_54 : i32 to index
      %get3A_611 = arith.constant 384 : index
      %get3A_612 = tpu.vector_load %arg6[%get3A_610, %get3A_611] {strides = array<i32>} : memref<32x1024xi32, #tpu.memory_space<vmem>>, vector<16xi32>,
      %eq3A_613 = arith.constant 1 : i32
      %eq3A_614 = vector.broadcast %eq3A_613 : i32 to vector<16xi32>
      %eq3A_615 = arith.cmpi eq, %get3A_612, %eq3A_614 : vector<16xi32>
      %get3A_616 = arith.index_cast %scan3A_54 : i32 to index
      %get3A_617 = arith.constant 400 : index
      %get3A_618 = tpu.vector_load %arg6[%get3A_616, %get3A_617] {strides = array<i32>} : memref<32x1024xi32, #tpu.memory_space<vmem>>, vector<16xi32>,
      %eq3A_619 = arith.constant 1 : i32
      %eq3A_620 = vector.broadcast %eq3A_619 : i32 to vector<16xi32>
      %eq3A_621 = arith.cmpi eq, %get3A_618, %eq3A_620 : vector<16xi32>
      %get3A_622 = arith.index_cast %scan3A_54 : i32 to index
      %get3A_623 = arith.constant 416 : index
      %get3A_624 = tpu.vector_load %arg6[%get3A_622, %get3A_623] {strides = array<i32>} : memref<32x1024xi32, #tpu.memory_space<vmem>>, vector<16xi32>,
      %eq3A_625 = arith.constant 1 : i32
      %eq3A_626 = vector.broadcast %eq3A_625 : i32 to vector<16xi32>
      %eq3A_627 = arith.cmpi eq, %get3A_624, %eq3A_626 : vector<16xi32>
      %get3A_628 = arith.index_cast %scan3A_54 : i32 to index
      %get3A_629 = arith.constant 432 : index
      %get3A_630 = tpu.vector_load %arg6[%get3A_628, %get3A_629] {strides = array<i32>} : memref<32x1024xi32, #tpu.memory_space<vmem>>, vector<16xi32>,
      %eq3A_631 = arith.constant 1 : i32
      %eq3A_632 = vector.broadcast %eq3A_631 : i32 to vector<16xi32>
      %eq3A_633 = arith.cmpi eq, %get3A_630, %eq3A_632 : vector<16xi32>
      %get3A_634 = arith.index_cast %scan3A_54 : i32 to index
      %get3A_635 = arith.constant 448 : index
      %get3A_636 = tpu.vector_load %arg6[%get3A_634, %get3A_635] {strides = array<i32>} : memref<32x1024xi32, #tpu.memory_space<vmem>>, vector<16xi32>,
      %eq3A_637 = arith.constant 1 : i32
      %eq3A_638 = vector.broadcast %eq3A_637 : i32 to vector<16xi32>
      %eq3A_639 = arith.cmpi eq, %get3A_636, %eq3A_638 : vector<16xi32>
      %get3A_640 = arith.index_cast %scan3A_54 : i32 to index
      %get3A_641 = arith.constant 464 : index
      %get3A_642 = tpu.vector_load %arg6[%get3A_640, %get3A_641] {strides = array<i32>} : memref<32x1024xi32, #tpu.memory_space<vmem>>, vector<16xi32>,
      %eq3A_643 = arith.constant 1 : i32
      %eq3A_644 = vector.broadcast %eq3A_643 : i32 to vector<16xi32>
      %eq3A_645 = arith.cmpi eq, %get3A_642, %eq3A_644 : vector<16xi32>
      %get3A_646 = arith.index_cast %scan3A_54 : i32 to index
      %get3A_647 = arith.constant 480 : index
      %get3A_648 = tpu.vector_load %arg6[%get3A_646, %get3A_647] {strides = array<i32>} : memref<32x1024xi32, #tpu.memory_space<vmem>>, vector<16xi32>,
      %eq3A_649 = arith.constant 1 : i32
      %eq3A_650 = vector.broadcast %eq3A_649 : i32 to vector<16xi32>
      %eq3A_651 = arith.cmpi eq, %get3A_648, %eq3A_650 : vector<16xi32>
      %get3A_652 = arith.index_cast %scan3A_54 : i32 to index
      %get3A_653 = arith.constant 496 : index
      %get3A_654 = tpu.vector_load %arg6[%get3A_652, %get3A_653] {strides = array<i32>} : memref<32x1024xi32, #tpu.memory_space<vmem>>, vector<16xi32>,
      %eq3A_655 = arith.constant 1 : i32
      %eq3A_656 = vector.broadcast %eq3A_655 : i32 to vector<16xi32>
      %eq3A_657 = arith.cmpi eq, %get3A_654, %eq3A_656 : vector<16xi32>
      %parallel_loop3A_658 = arith.constant 0 : i32
      %parallel_loop3A_659 = arith.constant 16 : i32
      %parallel_loop3A_660 = arith.constant 1 : i32
      scf.for %parallel_loop3A_1688 = %parallel_loop3A_658 to %parallel_loop3A_659 step %parallel_loop3A_660  : i32 {
        %parallel_loop3A_1689 = arith.constant 16 : i32
        %parallel_loop3A_1690 = arith.addi %parallel_loop3A_1689, %parallel_loop3A_1688 : i32
        %parallel_loop3A_1691 = arith.index_cast %parallel_loop3A_1690 : i32 to index
        %parallel_loop3A_1692 = arith.constant 0 : index
        %parallel_loop3A_1693 = tpu.vector_load %arg5[%parallel_loop3A_1691, %parallel_loop3A_1692] {strides = array<i32>} : memref<128x16xf32, #tpu.memory_space<vmem>>, vector<16xf32>,
        %parallel_loop3A_1694 = arith.constant 80 : i32
        %parallel_loop3A_1695 = arith.addi %parallel_loop3A_1694, %parallel_loop3A_1688 : i32
        %parallel_loop3A_1696 = arith.index_cast %parallel_loop3A_1695 : i32 to index
        %parallel_loop3A_1697 = arith.constant 0 : index
        %parallel_loop3A_1698 = tpu.vector_load %arg5[%parallel_loop3A_1696, %parallel_loop3A_1697] {strides = array<i32>} : memref<128x16xf32, #tpu.memory_space<vmem>>, vector<16xf32>,
        %parallel_loop3A_1699 = arith.select %eq3A_567, %parallel_loop3A_1693, %parallel_loop3A_1698 : vector<16xi1>, vector<16xf32>
        %parallel_loop3A_1700 = arith.index_cast %parallel_loop3A_1688 : i32 to index
        %parallel_loop3A_1701 = arith.constant 256 : index
        %parallel_loop3A_1702 = tpu.vector_load %arg8[%parallel_loop3A_1700, %parallel_loop3A_1701] {strides = array<i32>} : memref<16x1024xf32, #tpu.memory_space<vmem>>, vector<16xf32>,
        tpu.vector_store %arg8[%parallel_loop3A_1700, %parallel_loop3A_1701], %parallel_loop3A_1699 {strides = array<i32>} : memref<16x1024xf32, #tpu.memory_space<vmem>>, vector<16xf32>,
        %parallel_loop3A_1703 = arith.select %eq3A_573, %parallel_loop3A_1693, %parallel_loop3A_1698 : vector<16xi1>, vector<16xf32>
        %parallel_loop3A_1704 = arith.index_cast %parallel_loop3A_1688 : i32 to index
        %parallel_loop3A_1705 = arith.constant 272 : index
        %parallel_loop3A_1706 = tpu.vector_load %arg8[%parallel_loop3A_1704, %parallel_loop3A_1705] {strides = array<i32>} : memref<16x1024xf32, #tpu.memory_space<vmem>>, vector<16xf32>,
        tpu.vector_store %arg8[%parallel_loop3A_1704, %parallel_loop3A_1705], %parallel_loop3A_1703 {strides = array<i32>} : memref<16x1024xf32, #tpu.memory_space<vmem>>, vector<16xf32>,
        %parallel_loop3A_1707 = arith.select %eq3A_579, %parallel_loop3A_1693, %parallel_loop3A_1698 : vector<16xi1>, vector<16xf32>
        %parallel_loop3A_1708 = arith.index_cast %parallel_loop3A_1688 : i32 to index
        %parallel_loop3A_1709 = arith.constant 288 : index
        %parallel_loop3A_1710 = tpu.vector_load %arg8[%parallel_loop3A_1708, %parallel_loop3A_1709] {strides = array<i32>} : memref<16x1024xf32, #tpu.memory_space<vmem>>, vector<16xf32>,
        tpu.vector_store %arg8[%parallel_loop3A_1708, %parallel_loop3A_1709], %parallel_loop3A_1707 {strides = array<i32>} : memref<16x1024xf32, #tpu.memory_space<vmem>>, vector<16xf32>,
        %parallel_loop3A_1711 = arith.select %eq3A_585, %parallel_loop3A_1693, %parallel_loop3A_1698 : vector<16xi1>, vector<16xf32>
        %parallel_loop3A_1712 = arith.index_cast %parallel_loop3A_1688 : i32 to index
        %parallel_loop3A_1713 = arith.constant 304 : index
        %parallel_loop3A_1714 = tpu.vector_load %arg8[%parallel_loop3A_1712, %parallel_loop3A_1713] {strides = array<i32>} : memref<16x1024xf32, #tpu.memory_space<vmem>>, vector<16xf32>,
        tpu.vector_store %arg8[%parallel_loop3A_1712, %parallel_loop3A_1713], %parallel_loop3A_1711 {strides = array<i32>} : memref<16x1024xf32, #tpu.memory_space<vmem>>, vector<16xf32>,
        %parallel_loop3A_1715 = arith.select %eq3A_591, %parallel_loop3A_1693, %parallel_loop3A_1698 : vector<16xi1>, vector<16xf32>
        %parallel_loop3A_1716 = arith.index_cast %parallel_loop3A_1688 : i32 to index
        %parallel_loop3A_1717 = arith.constant 320 : index
        %parallel_loop3A_1718 = tpu.vector_load %arg8[%parallel_loop3A_1716, %parallel_loop3A_1717] {strides = array<i32>} : memref<16x1024xf32, #tpu.memory_space<vmem>>, vector<16xf32>,
        tpu.vector_store %arg8[%parallel_loop3A_1716, %parallel_loop3A_1717], %parallel_loop3A_1715 {strides = array<i32>} : memref<16x1024xf32, #tpu.memory_space<vmem>>, vector<16xf32>,
        %parallel_loop3A_1719 = arith.select %eq3A_597, %parallel_loop3A_1693, %parallel_loop3A_1698 : vector<16xi1>, vector<16xf32>
        %parallel_loop3A_1720 = arith.index_cast %parallel_loop3A_1688 : i32 to index
        %parallel_loop3A_1721 = arith.constant 336 : index
        %parallel_loop3A_1722 = tpu.vector_load %arg8[%parallel_loop3A_1720, %parallel_loop3A_1721] {strides = array<i32>} : memref<16x1024xf32, #tpu.memory_space<vmem>>, vector<16xf32>,
        tpu.vector_store %arg8[%parallel_loop3A_1720, %parallel_loop3A_1721], %parallel_loop3A_1719 {strides = array<i32>} : memref<16x1024xf32, #tpu.memory_space<vmem>>, vector<16xf32>,
        %parallel_loop3A_1723 = arith.select %eq3A_603, %parallel_loop3A_1693, %parallel_loop3A_1698 : vector<16xi1>, vector<16xf32>
        %parallel_loop3A_1724 = arith.index_cast %parallel_loop3A_1688 : i32 to index
        %parallel_loop3A_1725 = arith.constant 352 : index
        %parallel_loop3A_1726 = tpu.vector_load %arg8[%parallel_loop3A_1724, %parallel_loop3A_1725] {strides = array<i32>} : memref<16x1024xf32, #tpu.memory_space<vmem>>, vector<16xf32>,
        tpu.vector_store %arg8[%parallel_loop3A_1724, %parallel_loop3A_1725], %parallel_loop3A_1723 {strides = array<i32>} : memref<16x1024xf32, #tpu.memory_space<vmem>>, vector<16xf32>,
        %parallel_loop3A_1727 = arith.select %eq3A_609, %parallel_loop3A_1693, %parallel_loop3A_1698 : vector<16xi1>, vector<16xf32>
        %parallel_loop3A_1728 = arith.index_cast %parallel_loop3A_1688 : i32 to index
        %parallel_loop3A_1729 = arith.constant 368 : index
        %parallel_loop3A_1730 = tpu.vector_load %arg8[%parallel_loop3A_1728, %parallel_loop3A_1729] {strides = array<i32>} : memref<16x1024xf32, #tpu.memory_space<vmem>>, vector<16xf32>,
        tpu.vector_store %arg8[%parallel_loop3A_1728, %parallel_loop3A_1729], %parallel_loop3A_1727 {strides = array<i32>} : memref<16x1024xf32, #tpu.memory_space<vmem>>, vector<16xf32>,
        %parallel_loop3A_1731 = arith.select %eq3A_615, %parallel_loop3A_1693, %parallel_loop3A_1698 : vector<16xi1>, vector<16xf32>
        %parallel_loop3A_1732 = arith.index_cast %parallel_loop3A_1688 : i32 to index
        %parallel_loop3A_1733 = arith.constant 384 : index
        %parallel_loop3A_1734 = tpu.vector_load %arg8[%parallel_loop3A_1732, %parallel_loop3A_1733] {strides = array<i32>} : memref<16x1024xf32, #tpu.memory_space<vmem>>, vector<16xf32>,
        tpu.vector_store %arg8[%parallel_loop3A_1732, %parallel_loop3A_1733], %parallel_loop3A_1731 {strides = array<i32>} : memref<16x1024xf32, #tpu.memory_space<vmem>>, vector<16xf32>,
        %parallel_loop3A_1735 = arith.select %eq3A_621, %parallel_loop3A_1693, %parallel_loop3A_1698 : vector<16xi1>, vector<16xf32>
        %parallel_loop3A_1736 = arith.index_cast %parallel_loop3A_1688 : i32 to index
        %parallel_loop3A_1737 = arith.constant 400 : index
        %parallel_loop3A_1738 = tpu.vector_load %arg8[%parallel_loop3A_1736, %parallel_loop3A_1737] {strides = array<i32>} : memref<16x1024xf32, #tpu.memory_space<vmem>>, vector<16xf32>,
        tpu.vector_store %arg8[%parallel_loop3A_1736, %parallel_loop3A_1737], %parallel_loop3A_1735 {strides = array<i32>} : memref<16x1024xf32, #tpu.memory_space<vmem>>, vector<16xf32>,
        %parallel_loop3A_1739 = arith.select %eq3A_627, %parallel_loop3A_1693, %parallel_loop3A_1698 : vector<16xi1>, vector<16xf32>
        %parallel_loop3A_1740 = arith.index_cast %parallel_loop3A_1688 : i32 to index
        %parallel_loop3A_1741 = arith.constant 416 : index
        %parallel_loop3A_1742 = tpu.vector_load %arg8[%parallel_loop3A_1740, %parallel_loop3A_1741] {strides = array<i32>} : memref<16x1024xf32, #tpu.memory_space<vmem>>, vector<16xf32>,
        tpu.vector_store %arg8[%parallel_loop3A_1740, %parallel_loop3A_1741], %parallel_loop3A_1739 {strides = array<i32>} : memref<16x1024xf32, #tpu.memory_space<vmem>>, vector<16xf32>,
        %parallel_loop3A_1743 = arith.select %eq3A_633, %parallel_loop3A_1693, %parallel_loop3A_1698 : vector<16xi1>, vector<16xf32>
        %parallel_loop3A_1744 = arith.index_cast %parallel_loop3A_1688 : i32 to index
        %parallel_loop3A_1745 = arith.constant 432 : index
        %parallel_loop3A_1746 = tpu.vector_load %arg8[%parallel_loop3A_1744, %parallel_loop3A_1745] {strides = array<i32>} : memref<16x1024xf32, #tpu.memory_space<vmem>>, vector<16xf32>,
        tpu.vector_store %arg8[%parallel_loop3A_1744, %parallel_loop3A_1745], %parallel_loop3A_1743 {strides = array<i32>} : memref<16x1024xf32, #tpu.memory_space<vmem>>, vector<16xf32>,
        %parallel_loop3A_1747 = arith.select %eq3A_639, %parallel_loop3A_1693, %parallel_loop3A_1698 : vector<16xi1>, vector<16xf32>
        %parallel_loop3A_1748 = arith.index_cast %parallel_loop3A_1688 : i32 to index
        %parallel_loop3A_1749 = arith.constant 448 : index
        %parallel_loop3A_1750 = tpu.vector_load %arg8[%parallel_loop3A_1748, %parallel_loop3A_1749] {strides = array<i32>} : memref<16x1024xf32, #tpu.memory_space<vmem>>, vector<16xf32>,
        tpu.vector_store %arg8[%parallel_loop3A_1748, %parallel_loop3A_1749], %parallel_loop3A_1747 {strides = array<i32>} : memref<16x1024xf32, #tpu.memory_space<vmem>>, vector<16xf32>,
        %parallel_loop3A_1751 = arith.select %eq3A_645, %parallel_loop3A_1693, %parallel_loop3A_1698 : vector<16xi1>, vector<16xf32>
        %parallel_loop3A_1752 = arith.index_cast %parallel_loop3A_1688 : i32 to index
        %parallel_loop3A_1753 = arith.constant 464 : index
        %parallel_loop3A_1754 = tpu.vector_load %arg8[%parallel_loop3A_1752, %parallel_loop3A_1753] {strides = array<i32>} : memref<16x1024xf32, #tpu.memory_space<vmem>>, vector<16xf32>,
        tpu.vector_store %arg8[%parallel_loop3A_1752, %parallel_loop3A_1753], %parallel_loop3A_1751 {strides = array<i32>} : memref<16x1024xf32, #tpu.memory_space<vmem>>, vector<16xf32>,
        %parallel_loop3A_1755 = arith.select %eq3A_651, %parallel_loop3A_1693, %parallel_loop3A_1698 : vector<16xi1>, vector<16xf32>
        %parallel_loop3A_1756 = arith.index_cast %parallel_loop3A_1688 : i32 to index
        %parallel_loop3A_1757 = arith.constant 480 : index
        %parallel_loop3A_1758 = tpu.vector_load %arg8[%parallel_loop3A_1756, %parallel_loop3A_1757] {strides = array<i32>} : memref<16x1024xf32, #tpu.memory_space<vmem>>, vector<16xf32>,
        tpu.vector_store %arg8[%parallel_loop3A_1756, %parallel_loop3A_1757], %parallel_loop3A_1755 {strides = array<i32>} : memref<16x1024xf32, #tpu.memory_space<vmem>>, vector<16xf32>,
        %parallel_loop3A_1759 = arith.select %eq3A_657, %parallel_loop3A_1693, %parallel_loop3A_1698 : vector<16xi1>, vector<16xf32>
        %parallel_loop3A_1760 = arith.index_cast %parallel_loop3A_1688 : i32 to index
        %parallel_loop3A_1761 = arith.constant 496 : index
        %parallel_loop3A_1762 = tpu.vector_load %arg8[%parallel_loop3A_1760, %parallel_loop3A_1761] {strides = array<i32>} : memref<16x1024xf32, #tpu.memory_space<vmem>>, vector<16xf32>,
        tpu.vector_store %arg8[%parallel_loop3A_1760, %parallel_loop3A_1761], %parallel_loop3A_1759 {strides = array<i32>} : memref<16x1024xf32, #tpu.memory_space<vmem>>, vector<16xf32>,
      } {sc.loop_unroll_factor = 2 : i64, sc.parallel_access}
      %get3A_661 = arith.index_cast %scan3A_54 : i32 to index
      %get3A_662 = arith.constant 512 : index
      %get3A_663 = tpu.vector_load %arg6[%get3A_661, %get3A_662] {strides = array<i32>} : memref<32x1024xi32, #tpu.memory_space<vmem>>, vector<16xi32>,
      %eq3A_664 = arith.constant 1 : i32
      %eq3A_665 = vector.broadcast %eq3A_664 : i32 to vector<16xi32>
      %eq3A_666 = arith.cmpi eq, %get3A_663, %eq3A_665 : vector<16xi32>
      %get3A_667 = arith.index_cast %scan3A_54 : i32 to index
      %get3A_668 = arith.constant 528 : index
      %get3A_669 = tpu.vector_load %arg6[%get3A_667, %get3A_668] {strides = array<i32>} : memref<32x1024xi32, #tpu.memory_space<vmem>>, vector<16xi32>,
      %eq3A_670 = arith.constant 1 : i32
      %eq3A_671 = vector.broadcast %eq3A_670 : i32 to vector<16xi32>
      %eq3A_672 = arith.cmpi eq, %get3A_669, %eq3A_671 : vector<16xi32>
      %get3A_673 = arith.index_cast %scan3A_54 : i32 to index
      %get3A_674 = arith.constant 544 : index
      %get3A_675 = tpu.vector_load %arg6[%get3A_673, %get3A_674] {strides = array<i32>} : memref<32x1024xi32, #tpu.memory_space<vmem>>, vector<16xi32>,
      %eq3A_676 = arith.constant 1 : i32
      %eq3A_677 = vector.broadcast %eq3A_676 : i32 to vector<16xi32>
      %eq3A_678 = arith.cmpi eq, %get3A_675, %eq3A_677 : vector<16xi32>
      %get3A_679 = arith.index_cast %scan3A_54 : i32 to index
      %get3A_680 = arith.constant 560 : index
      %get3A_681 = tpu.vector_load %arg6[%get3A_679, %get3A_680] {strides = array<i32>} : memref<32x1024xi32, #tpu.memory_space<vmem>>, vector<16xi32>,
      %eq3A_682 = arith.constant 1 : i32
      %eq3A_683 = vector.broadcast %eq3A_682 : i32 to vector<16xi32>
      %eq3A_684 = arith.cmpi eq, %get3A_681, %eq3A_683 : vector<16xi32>
      %get3A_685 = arith.index_cast %scan3A_54 : i32 to index
      %get3A_686 = arith.constant 576 : index
      %get3A_687 = tpu.vector_load %arg6[%get3A_685, %get3A_686] {strides = array<i32>} : memref<32x1024xi32, #tpu.memory_space<vmem>>, vector<16xi32>,
      %eq3A_688 = arith.constant 1 : i32
      %eq3A_689 = vector.broadcast %eq3A_688 : i32 to vector<16xi32>
      %eq3A_690 = arith.cmpi eq, %get3A_687, %eq3A_689 : vector<16xi32>
      %get3A_691 = arith.index_cast %scan3A_54 : i32 to index
      %get3A_692 = arith.constant 592 : index
      %get3A_693 = tpu.vector_load %arg6[%get3A_691, %get3A_692] {strides = array<i32>} : memref<32x1024xi32, #tpu.memory_space<vmem>>, vector<16xi32>,
      %eq3A_694 = arith.constant 1 : i32
      %eq3A_695 = vector.broadcast %eq3A_694 : i32 to vector<16xi32>
      %eq3A_696 = arith.cmpi eq, %get3A_693, %eq3A_695 : vector<16xi32>
      %get3A_697 = arith.index_cast %scan3A_54 : i32 to index
      %get3A_698 = arith.constant 608 : index
      %get3A_699 = tpu.vector_load %arg6[%get3A_697, %get3A_698] {strides = array<i32>} : memref<32x1024xi32, #tpu.memory_space<vmem>>, vector<16xi32>,
      %eq3A_700 = arith.constant 1 : i32
      %eq3A_701 = vector.broadcast %eq3A_700 : i32 to vector<16xi32>
      %eq3A_702 = arith.cmpi eq, %get3A_699, %eq3A_701 : vector<16xi32>
      %get3A_703 = arith.index_cast %scan3A_54 : i32 to index
      %get3A_704 = arith.constant 624 : index
      %get3A_705 = tpu.vector_load %arg6[%get3A_703, %get3A_704] {strides = array<i32>} : memref<32x1024xi32, #tpu.memory_space<vmem>>, vector<16xi32>,
      %eq3A_706 = arith.constant 1 : i32
      %eq3A_707 = vector.broadcast %eq3A_706 : i32 to vector<16xi32>
      %eq3A_708 = arith.cmpi eq, %get3A_705, %eq3A_707 : vector<16xi32>
      %get3A_709 = arith.index_cast %scan3A_54 : i32 to index
      %get3A_710 = arith.constant 640 : index
      %get3A_711 = tpu.vector_load %arg6[%get3A_709, %get3A_710] {strides = array<i32>} : memref<32x1024xi32, #tpu.memory_space<vmem>>, vector<16xi32>,
      %eq3A_712 = arith.constant 1 : i32
      %eq3A_713 = vector.broadcast %eq3A_712 : i32 to vector<16xi32>
      %eq3A_714 = arith.cmpi eq, %get3A_711, %eq3A_713 : vector<16xi32>
      %get3A_715 = arith.index_cast %scan3A_54 : i32 to index
      %get3A_716 = arith.constant 656 : index
      %get3A_717 = tpu.vector_load %arg6[%get3A_715, %get3A_716] {strides = array<i32>} : memref<32x1024xi32, #tpu.memory_space<vmem>>, vector<16xi32>,
      %eq3A_718 = arith.constant 1 : i32
      %eq3A_719 = vector.broadcast %eq3A_718 : i32 to vector<16xi32>
      %eq3A_720 = arith.cmpi eq, %get3A_717, %eq3A_719 : vector<16xi32>
      %get3A_721 = arith.index_cast %scan3A_54 : i32 to index
      %get3A_722 = arith.constant 672 : index
      %get3A_723 = tpu.vector_load %arg6[%get3A_721, %get3A_722] {strides = array<i32>} : memref<32x1024xi32, #tpu.memory_space<vmem>>, vector<16xi32>,
      %eq3A_724 = arith.constant 1 : i32
      %eq3A_725 = vector.broadcast %eq3A_724 : i32 to vector<16xi32>
      %eq3A_726 = arith.cmpi eq, %get3A_723, %eq3A_725 : vector<16xi32>
      %get3A_727 = arith.index_cast %scan3A_54 : i32 to index
      %get3A_728 = arith.constant 688 : index
      %get3A_729 = tpu.vector_load %arg6[%get3A_727, %get3A_728] {strides = array<i32>} : memref<32x1024xi32, #tpu.memory_space<vmem>>, vector<16xi32>,
      %eq3A_730 = arith.constant 1 : i32
      %eq3A_731 = vector.broadcast %eq3A_730 : i32 to vector<16xi32>
      %eq3A_732 = arith.cmpi eq, %get3A_729, %eq3A_731 : vector<16xi32>
      %get3A_733 = arith.index_cast %scan3A_54 : i32 to index
      %get3A_734 = arith.constant 704 : index
      %get3A_735 = tpu.vector_load %arg6[%get3A_733, %get3A_734] {strides = array<i32>} : memref<32x1024xi32, #tpu.memory_space<vmem>>, vector<16xi32>,
      %eq3A_736 = arith.constant 1 : i32
      %eq3A_737 = vector.broadcast %eq3A_736 : i32 to vector<16xi32>
      %eq3A_738 = arith.cmpi eq, %get3A_735, %eq3A_737 : vector<16xi32>
      %get3A_739 = arith.index_cast %scan3A_54 : i32 to index
      %get3A_740 = arith.constant 720 : index
      %get3A_741 = tpu.vector_load %arg6[%get3A_739, %get3A_740] {strides = array<i32>} : memref<32x1024xi32, #tpu.memory_space<vmem>>, vector<16xi32>,
      %eq3A_742 = arith.constant 1 : i32
      %eq3A_743 = vector.broadcast %eq3A_742 : i32 to vector<16xi32>
      %eq3A_744 = arith.cmpi eq, %get3A_741, %eq3A_743 : vector<16xi32>
      %get3A_745 = arith.index_cast %scan3A_54 : i32 to index
      %get3A_746 = arith.constant 736 : index
      %get3A_747 = tpu.vector_load %arg6[%get3A_745, %get3A_746] {strides = array<i32>} : memref<32x1024xi32, #tpu.memory_space<vmem>>, vector<16xi32>,
      %eq3A_748 = arith.constant 1 : i32
      %eq3A_749 = vector.broadcast %eq3A_748 : i32 to vector<16xi32>
      %eq3A_750 = arith.cmpi eq, %get3A_747, %eq3A_749 : vector<16xi32>
      %get3A_751 = arith.index_cast %scan3A_54 : i32 to index
      %get3A_752 = arith.constant 752 : index
      %get3A_753 = tpu.vector_load %arg6[%get3A_751, %get3A_752] {strides = array<i32>} : memref<32x1024xi32, #tpu.memory_space<vmem>>, vector<16xi32>,
      %eq3A_754 = arith.constant 1 : i32
      %eq3A_755 = vector.broadcast %eq3A_754 : i32 to vector<16xi32>
      %eq3A_756 = arith.cmpi eq, %get3A_753, %eq3A_755 : vector<16xi32>
      %parallel_loop3A_757 = arith.constant 0 : i32
      %parallel_loop3A_758 = arith.constant 16 : i32
      %parallel_loop3A_759 = arith.constant 1 : i32
      scf.for %parallel_loop3A_1688 = %parallel_loop3A_757 to %parallel_loop3A_758 step %parallel_loop3A_759  : i32 {
        %parallel_loop3A_1689 = arith.constant 16 : i32
        %parallel_loop3A_1690 = arith.addi %parallel_loop3A_1689, %parallel_loop3A_1688 : i32
        %parallel_loop3A_1691 = arith.index_cast %parallel_loop3A_1690 : i32 to index
        %parallel_loop3A_1692 = arith.constant 0 : index
        %parallel_loop3A_1693 = tpu.vector_load %arg5[%parallel_loop3A_1691, %parallel_loop3A_1692] {strides = array<i32>} : memref<128x16xf32, #tpu.memory_space<vmem>>, vector<16xf32>,
        %parallel_loop3A_1694 = arith.constant 80 : i32
        %parallel_loop3A_1695 = arith.addi %parallel_loop3A_1694, %parallel_loop3A_1688 : i32
        %parallel_loop3A_1696 = arith.index_cast %parallel_loop3A_1695 : i32 to index
        %parallel_loop3A_1697 = arith.constant 0 : index
        %parallel_loop3A_1698 = tpu.vector_load %arg5[%parallel_loop3A_1696, %parallel_loop3A_1697] {strides = array<i32>} : memref<128x16xf32, #tpu.memory_space<vmem>>, vector<16xf32>,
        %parallel_loop3A_1699 = arith.select %eq3A_666, %parallel_loop3A_1693, %parallel_loop3A_1698 : vector<16xi1>, vector<16xf32>
        %parallel_loop3A_1700 = arith.index_cast %parallel_loop3A_1688 : i32 to index
        %parallel_loop3A_1701 = arith.constant 512 : index
        %parallel_loop3A_1702 = tpu.vector_load %arg8[%parallel_loop3A_1700, %parallel_loop3A_1701] {strides = array<i32>} : memref<16x1024xf32, #tpu.memory_space<vmem>>, vector<16xf32>,
        tpu.vector_store %arg8[%parallel_loop3A_1700, %parallel_loop3A_1701], %parallel_loop3A_1699 {strides = array<i32>} : memref<16x1024xf32, #tpu.memory_space<vmem>>, vector<16xf32>,
        %parallel_loop3A_1703 = arith.select %eq3A_672, %parallel_loop3A_1693, %parallel_loop3A_1698 : vector<16xi1>, vector<16xf32>
        %parallel_loop3A_1704 = arith.index_cast %parallel_loop3A_1688 : i32 to index
        %parallel_loop3A_1705 = arith.constant 528 : index
        %parallel_loop3A_1706 = tpu.vector_load %arg8[%parallel_loop3A_1704, %parallel_loop3A_1705] {strides = array<i32>} : memref<16x1024xf32, #tpu.memory_space<vmem>>, vector<16xf32>,
        tpu.vector_store %arg8[%parallel_loop3A_1704, %parallel_loop3A_1705], %parallel_loop3A_1703 {strides = array<i32>} : memref<16x1024xf32, #tpu.memory_space<vmem>>, vector<16xf32>,
        %parallel_loop3A_1707 = arith.select %eq3A_678, %parallel_loop3A_1693, %parallel_loop3A_1698 : vector<16xi1>, vector<16xf32>
        %parallel_loop3A_1708 = arith.index_cast %parallel_loop3A_1688 : i32 to index
        %parallel_loop3A_1709 = arith.constant 544 : index
        %parallel_loop3A_1710 = tpu.vector_load %arg8[%parallel_loop3A_1708, %parallel_loop3A_1709] {strides = array<i32>} : memref<16x1024xf32, #tpu.memory_space<vmem>>, vector<16xf32>,
        tpu.vector_store %arg8[%parallel_loop3A_1708, %parallel_loop3A_1709], %parallel_loop3A_1707 {strides = array<i32>} : memref<16x1024xf32, #tpu.memory_space<vmem>>, vector<16xf32>,
        %parallel_loop3A_1711 = arith.select %eq3A_684, %parallel_loop3A_1693, %parallel_loop3A_1698 : vector<16xi1>, vector<16xf32>
        %parallel_loop3A_1712 = arith.index_cast %parallel_loop3A_1688 : i32 to index
        %parallel_loop3A_1713 = arith.constant 560 : index
        %parallel_loop3A_1714 = tpu.vector_load %arg8[%parallel_loop3A_1712, %parallel_loop3A_1713] {strides = array<i32>} : memref<16x1024xf32, #tpu.memory_space<vmem>>, vector<16xf32>,
        tpu.vector_store %arg8[%parallel_loop3A_1712, %parallel_loop3A_1713], %parallel_loop3A_1711 {strides = array<i32>} : memref<16x1024xf32, #tpu.memory_space<vmem>>, vector<16xf32>,
        %parallel_loop3A_1715 = arith.select %eq3A_690, %parallel_loop3A_1693, %parallel_loop3A_1698 : vector<16xi1>, vector<16xf32>
        %parallel_loop3A_1716 = arith.index_cast %parallel_loop3A_1688 : i32 to index
        %parallel_loop3A_1717 = arith.constant 576 : index
        %parallel_loop3A_1718 = tpu.vector_load %arg8[%parallel_loop3A_1716, %parallel_loop3A_1717] {strides = array<i32>} : memref<16x1024xf32, #tpu.memory_space<vmem>>, vector<16xf32>,
        tpu.vector_store %arg8[%parallel_loop3A_1716, %parallel_loop3A_1717], %parallel_loop3A_1715 {strides = array<i32>} : memref<16x1024xf32, #tpu.memory_space<vmem>>, vector<16xf32>,
        %parallel_loop3A_1719 = arith.select %eq3A_696, %parallel_loop3A_1693, %parallel_loop3A_1698 : vector<16xi1>, vector<16xf32>
        %parallel_loop3A_1720 = arith.index_cast %parallel_loop3A_1688 : i32 to index
        %parallel_loop3A_1721 = arith.constant 592 : index
        %parallel_loop3A_1722 = tpu.vector_load %arg8[%parallel_loop3A_1720, %parallel_loop3A_1721] {strides = array<i32>} : memref<16x1024xf32, #tpu.memory_space<vmem>>, vector<16xf32>,
        tpu.vector_store %arg8[%parallel_loop3A_1720, %parallel_loop3A_1721], %parallel_loop3A_1719 {strides = array<i32>} : memref<16x1024xf32, #tpu.memory_space<vmem>>, vector<16xf32>,
        %parallel_loop3A_1723 = arith.select %eq3A_702, %parallel_loop3A_1693, %parallel_loop3A_1698 : vector<16xi1>, vector<16xf32>
        %parallel_loop3A_1724 = arith.index_cast %parallel_loop3A_1688 : i32 to index
        %parallel_loop3A_1725 = arith.constant 608 : index
        %parallel_loop3A_1726 = tpu.vector_load %arg8[%parallel_loop3A_1724, %parallel_loop3A_1725] {strides = array<i32>} : memref<16x1024xf32, #tpu.memory_space<vmem>>, vector<16xf32>,
        tpu.vector_store %arg8[%parallel_loop3A_1724, %parallel_loop3A_1725], %parallel_loop3A_1723 {strides = array<i32>} : memref<16x1024xf32, #tpu.memory_space<vmem>>, vector<16xf32>,
        %parallel_loop3A_1727 = arith.select %eq3A_708, %parallel_loop3A_1693, %parallel_loop3A_1698 : vector<16xi1>, vector<16xf32>
        %parallel_loop3A_1728 = arith.index_cast %parallel_loop3A_1688 : i32 to index
        %parallel_loop3A_1729 = arith.constant 624 : index
        %parallel_loop3A_1730 = tpu.vector_load %arg8[%parallel_loop3A_1728, %parallel_loop3A_1729] {strides = array<i32>} : memref<16x1024xf32, #tpu.memory_space<vmem>>, vector<16xf32>,
        tpu.vector_store %arg8[%parallel_loop3A_1728, %parallel_loop3A_1729], %parallel_loop3A_1727 {strides = array<i32>} : memref<16x1024xf32, #tpu.memory_space<vmem>>, vector<16xf32>,
        %parallel_loop3A_1731 = arith.select %eq3A_714, %parallel_loop3A_1693, %parallel_loop3A_1698 : vector<16xi1>, vector<16xf32>
        %parallel_loop3A_1732 = arith.index_cast %parallel_loop3A_1688 : i32 to index
        %parallel_loop3A_1733 = arith.constant 640 : index
        %parallel_loop3A_1734 = tpu.vector_load %arg8[%parallel_loop3A_1732, %parallel_loop3A_1733] {strides = array<i32>} : memref<16x1024xf32, #tpu.memory_space<vmem>>, vector<16xf32>,
        tpu.vector_store %arg8[%parallel_loop3A_1732, %parallel_loop3A_1733], %parallel_loop3A_1731 {strides = array<i32>} : memref<16x1024xf32, #tpu.memory_space<vmem>>, vector<16xf32>,
        %parallel_loop3A_1735 = arith.select %eq3A_720, %parallel_loop3A_1693, %parallel_loop3A_1698 : vector<16xi1>, vector<16xf32>
        %parallel_loop3A_1736 = arith.index_cast %parallel_loop3A_1688 : i32 to index
        %parallel_loop3A_1737 = arith.constant 656 : index
        %parallel_loop3A_1738 = tpu.vector_load %arg8[%parallel_loop3A_1736, %parallel_loop3A_1737] {strides = array<i32>} : memref<16x1024xf32, #tpu.memory_space<vmem>>, vector<16xf32>,
        tpu.vector_store %arg8[%parallel_loop3A_1736, %parallel_loop3A_1737], %parallel_loop3A_1735 {strides = array<i32>} : memref<16x1024xf32, #tpu.memory_space<vmem>>, vector<16xf32>,
        %parallel_loop3A_1739 = arith.select %eq3A_726, %parallel_loop3A_1693, %parallel_loop3A_1698 : vector<16xi1>, vector<16xf32>
        %parallel_loop3A_1740 = arith.index_cast %parallel_loop3A_1688 : i32 to index
        %parallel_loop3A_1741 = arith.constant 672 : index
        %parallel_loop3A_1742 = tpu.vector_load %arg8[%parallel_loop3A_1740, %parallel_loop3A_1741] {strides = array<i32>} : memref<16x1024xf32, #tpu.memory_space<vmem>>, vector<16xf32>,
        tpu.vector_store %arg8[%parallel_loop3A_1740, %parallel_loop3A_1741], %parallel_loop3A_1739 {strides = array<i32>} : memref<16x1024xf32, #tpu.memory_space<vmem>>, vector<16xf32>,
        %parallel_loop3A_1743 = arith.select %eq3A_732, %parallel_loop3A_1693, %parallel_loop3A_1698 : vector<16xi1>, vector<16xf32>
        %parallel_loop3A_1744 = arith.index_cast %parallel_loop3A_1688 : i32 to index
        %parallel_loop3A_1745 = arith.constant 688 : index
        %parallel_loop3A_1746 = tpu.vector_load %arg8[%parallel_loop3A_1744, %parallel_loop3A_1745] {strides = array<i32>} : memref<16x1024xf32, #tpu.memory_space<vmem>>, vector<16xf32>,
        tpu.vector_store %arg8[%parallel_loop3A_1744, %parallel_loop3A_1745], %parallel_loop3A_1743 {strides = array<i32>} : memref<16x1024xf32, #tpu.memory_space<vmem>>, vector<16xf32>,
        %parallel_loop3A_1747 = arith.select %eq3A_738, %parallel_loop3A_1693, %parallel_loop3A_1698 : vector<16xi1>, vector<16xf32>
        %parallel_loop3A_1748 = arith.index_cast %parallel_loop3A_1688 : i32 to index
        %parallel_loop3A_1749 = arith.constant 704 : index
        %parallel_loop3A_1750 = tpu.vector_load %arg8[%parallel_loop3A_1748, %parallel_loop3A_1749] {strides = array<i32>} : memref<16x1024xf32, #tpu.memory_space<vmem>>, vector<16xf32>,
        tpu.vector_store %arg8[%parallel_loop3A_1748, %parallel_loop3A_1749], %parallel_loop3A_1747 {strides = array<i32>} : memref<16x1024xf32, #tpu.memory_space<vmem>>, vector<16xf32>,
        %parallel_loop3A_1751 = arith.select %eq3A_744, %parallel_loop3A_1693, %parallel_loop3A_1698 : vector<16xi1>, vector<16xf32>
        %parallel_loop3A_1752 = arith.index_cast %parallel_loop3A_1688 : i32 to index
        %parallel_loop3A_1753 = arith.constant 720 : index
        %parallel_loop3A_1754 = tpu.vector_load %arg8[%parallel_loop3A_1752, %parallel_loop3A_1753] {strides = array<i32>} : memref<16x1024xf32, #tpu.memory_space<vmem>>, vector<16xf32>,
        tpu.vector_store %arg8[%parallel_loop3A_1752, %parallel_loop3A_1753], %parallel_loop3A_1751 {strides = array<i32>} : memref<16x1024xf32, #tpu.memory_space<vmem>>, vector<16xf32>,
        %parallel_loop3A_1755 = arith.select %eq3A_750, %parallel_loop3A_1693, %parallel_loop3A_1698 : vector<16xi1>, vector<16xf32>
        %parallel_loop3A_1756 = arith.index_cast %parallel_loop3A_1688 : i32 to index
        %parallel_loop3A_1757 = arith.constant 736 : index
        %parallel_loop3A_1758 = tpu.vector_load %arg8[%parallel_loop3A_1756, %parallel_loop3A_1757] {strides = array<i32>} : memref<16x1024xf32, #tpu.memory_space<vmem>>, vector<16xf32>,
        tpu.vector_store %arg8[%parallel_loop3A_1756, %parallel_loop3A_1757], %parallel_loop3A_1755 {strides = array<i32>} : memref<16x1024xf32, #tpu.memory_space<vmem>>, vector<16xf32>,
        %parallel_loop3A_1759 = arith.select %eq3A_756, %parallel_loop3A_1693, %parallel_loop3A_1698 : vector<16xi1>, vector<16xf32>
        %parallel_loop3A_1760 = arith.index_cast %parallel_loop3A_1688 : i32 to index
        %parallel_loop3A_1761 = arith.constant 752 : index
        %parallel_loop3A_1762 = tpu.vector_load %arg8[%parallel_loop3A_1760, %parallel_loop3A_1761] {strides = array<i32>} : memref<16x1024xf32, #tpu.memory_space<vmem>>, vector<16xf32>,
        tpu.vector_store %arg8[%parallel_loop3A_1760, %parallel_loop3A_1761], %parallel_loop3A_1759 {strides = array<i32>} : memref<16x1024xf32, #tpu.memory_space<vmem>>, vector<16xf32>,
      } {sc.loop_unroll_factor = 2 : i64, sc.parallel_access}
      %get3A_760 = arith.index_cast %scan3A_54 : i32 to index
      %get3A_761 = arith.constant 768 : index
      %get3A_762 = tpu.vector_load %arg6[%get3A_760, %get3A_761] {strides = array<i32>} : memref<32x1024xi32, #tpu.memory_space<vmem>>, vector<16xi32>,
      %eq3A_763 = arith.constant 1 : i32
      %eq3A_764 = vector.broadcast %eq3A_763 : i32 to vector<16xi32>
      %eq3A_765 = arith.cmpi eq, %get3A_762, %eq3A_764 : vector<16xi32>
      %get3A_766 = arith.index_cast %scan3A_54 : i32 to index
      %get3A_767 = arith.constant 784 : index
      %get3A_768 = tpu.vector_load %arg6[%get3A_766, %get3A_767] {strides = array<i32>} : memref<32x1024xi32, #tpu.memory_space<vmem>>, vector<16xi32>,
      %eq3A_769 = arith.constant 1 : i32
      %eq3A_770 = vector.broadcast %eq3A_769 : i32 to vector<16xi32>
      %eq3A_771 = arith.cmpi eq, %get3A_768, %eq3A_770 : vector<16xi32>
      %get3A_772 = arith.index_cast %scan3A_54 : i32 to index
      %get3A_773 = arith.constant 800 : index
      %get3A_774 = tpu.vector_load %arg6[%get3A_772, %get3A_773] {strides = array<i32>} : memref<32x1024xi32, #tpu.memory_space<vmem>>, vector<16xi32>,
      %eq3A_775 = arith.constant 1 : i32
      %eq3A_776 = vector.broadcast %eq3A_775 : i32 to vector<16xi32>
      %eq3A_777 = arith.cmpi eq, %get3A_774, %eq3A_776 : vector<16xi32>
      %get3A_778 = arith.index_cast %scan3A_54 : i32 to index
      %get3A_779 = arith.constant 816 : index
      %get3A_780 = tpu.vector_load %arg6[%get3A_778, %get3A_779] {strides = array<i32>} : memref<32x1024xi32, #tpu.memory_space<vmem>>, vector<16xi32>,
      %eq3A_781 = arith.constant 1 : i32
      %eq3A_782 = vector.broadcast %eq3A_781 : i32 to vector<16xi32>
      %eq3A_783 = arith.cmpi eq, %get3A_780, %eq3A_782 : vector<16xi32>
      %get3A_784 = arith.index_cast %scan3A_54 : i32 to index
      %get3A_785 = arith.constant 832 : index
      %get3A_786 = tpu.vector_load %arg6[%get3A_784, %get3A_785] {strides = array<i32>} : memref<32x1024xi32, #tpu.memory_space<vmem>>, vector<16xi32>,
      %eq3A_787 = arith.constant 1 : i32
      %eq3A_788 = vector.broadcast %eq3A_787 : i32 to vector<16xi32>
      %eq3A_789 = arith.cmpi eq, %get3A_786, %eq3A_788 : vector<16xi32>
      %get3A_790 = arith.index_cast %scan3A_54 : i32 to index
      %get3A_791 = arith.constant 848 : index
      %get3A_792 = tpu.vector_load %arg6[%get3A_790, %get3A_791] {strides = array<i32>} : memref<32x1024xi32, #tpu.memory_space<vmem>>, vector<16xi32>,
      %eq3A_793 = arith.constant 1 : i32
      %eq3A_794 = vector.broadcast %eq3A_793 : i32 to vector<16xi32>
      %eq3A_795 = arith.cmpi eq, %get3A_792, %eq3A_794 : vector<16xi32>
      %get3A_796 = arith.index_cast %scan3A_54 : i32 to index
      %get3A_797 = arith.constant 864 : index
      %get3A_798 = tpu.vector_load %arg6[%get3A_796, %get3A_797] {strides = array<i32>} : memref<32x1024xi32, #tpu.memory_space<vmem>>, vector<16xi32>,
      %eq3A_799 = arith.constant 1 : i32
      %eq3A_800 = vector.broadcast %eq3A_799 : i32 to vector<16xi32>
      %eq3A_801 = arith.cmpi eq, %get3A_798, %eq3A_800 : vector<16xi32>
      %get3A_802 = arith.index_cast %scan3A_54 : i32 to index
      %get3A_803 = arith.constant 880 : index
      %get3A_804 = tpu.vector_load %arg6[%get3A_802, %get3A_803] {strides = array<i32>} : memref<32x1024xi32, #tpu.memory_space<vmem>>, vector<16xi32>,
      %eq3A_805 = arith.constant 1 : i32
      %eq3A_806 = vector.broadcast %eq3A_805 : i32 to vector<16xi32>
      %eq3A_807 = arith.cmpi eq, %get3A_804, %eq3A_806 : vector<16xi32>
      %get3A_808 = arith.index_cast %scan3A_54 : i32 to index
      %get3A_809 = arith.constant 896 : index
      %get3A_810 = tpu.vector_load %arg6[%get3A_808, %get3A_809] {strides = array<i32>} : memref<32x1024xi32, #tpu.memory_space<vmem>>, vector<16xi32>,
      %eq3A_811 = arith.constant 1 : i32
      %eq3A_812 = vector.broadcast %eq3A_811 : i32 to vector<16xi32>
      %eq3A_813 = arith.cmpi eq, %get3A_810, %eq3A_812 : vector<16xi32>
      %get3A_814 = arith.index_cast %scan3A_54 : i32 to index
      %get3A_815 = arith.constant 912 : index
      %get3A_816 = tpu.vector_load %arg6[%get3A_814, %get3A_815] {strides = array<i32>} : memref<32x1024xi32, #tpu.memory_space<vmem>>, vector<16xi32>,
      %eq3A_817 = arith.constant 1 : i32
      %eq3A_818 = vector.broadcast %eq3A_817 : i32 to vector<16xi32>
      %eq3A_819 = arith.cmpi eq, %get3A_816, %eq3A_818 : vector<16xi32>
      %get3A_820 = arith.index_cast %scan3A_54 : i32 to index
      %get3A_821 = arith.constant 928 : index
      %get3A_822 = tpu.vector_load %arg6[%get3A_820, %get3A_821] {strides = array<i32>} : memref<32x1024xi32, #tpu.memory_space<vmem>>, vector<16xi32>,
      %eq3A_823 = arith.constant 1 : i32
      %eq3A_824 = vector.broadcast %eq3A_823 : i32 to vector<16xi32>
      %eq3A_825 = arith.cmpi eq, %get3A_822, %eq3A_824 : vector<16xi32>
      %get3A_826 = arith.index_cast %scan3A_54 : i32 to index
      %get3A_827 = arith.constant 944 : index
      %get3A_828 = tpu.vector_load %arg6[%get3A_826, %get3A_827] {strides = array<i32>} : memref<32x1024xi32, #tpu.memory_space<vmem>>, vector<16xi32>,
      %eq3A_829 = arith.constant 1 : i32
      %eq3A_830 = vector.broadcast %eq3A_829 : i32 to vector<16xi32>
      %eq3A_831 = arith.cmpi eq, %get3A_828, %eq3A_830 : vector<16xi32>
      %get3A_832 = arith.index_cast %scan3A_54 : i32 to index
      %get3A_833 = arith.constant 960 : index
      %get3A_834 = tpu.vector_load %arg6[%get3A_832, %get3A_833] {strides = array<i32>} : memref<32x1024xi32, #tpu.memory_space<vmem>>, vector<16xi32>,
      %eq3A_835 = arith.constant 1 : i32
      %eq3A_836 = vector.broadcast %eq3A_835 : i32 to vector<16xi32>
      %eq3A_837 = arith.cmpi eq, %get3A_834, %eq3A_836 : vector<16xi32>
      %get3A_838 = arith.index_cast %scan3A_54 : i32 to index
      %get3A_839 = arith.constant 976 : index
      %get3A_840 = tpu.vector_load %arg6[%get3A_838, %get3A_839] {strides = array<i32>} : memref<32x1024xi32, #tpu.memory_space<vmem>>, vector<16xi32>,
      %eq3A_841 = arith.constant 1 : i32
      %eq3A_842 = vector.broadcast %eq3A_841 : i32 to vector<16xi32>
      %eq3A_843 = arith.cmpi eq, %get3A_840, %eq3A_842 : vector<16xi32>
      %get3A_844 = arith.index_cast %scan3A_54 : i32 to index
      %get3A_845 = arith.constant 992 : index
      %get3A_846 = tpu.vector_load %arg6[%get3A_844, %get3A_845] {strides = array<i32>} : memref<32x1024xi32, #tpu.memory_space<vmem>>, vector<16xi32>,
      %eq3A_847 = arith.constant 1 : i32
      %eq3A_848 = vector.broadcast %eq3A_847 : i32 to vector<16xi32>
      %eq3A_849 = arith.cmpi eq, %get3A_846, %eq3A_848 : vector<16xi32>
      %get3A_850 = arith.index_cast %scan3A_54 : i32 to index
      %get3A_851 = arith.constant 1008 : index
      %get3A_852 = tpu.vector_load %arg6[%get3A_850, %get3A_851] {strides = array<i32>} : memref<32x1024xi32, #tpu.memory_space<vmem>>, vector<16xi32>,
      %eq3A_853 = arith.constant 1 : i32
      %eq3A_854 = vector.broadcast %eq3A_853 : i32 to vector<16xi32>
      %eq3A_855 = arith.cmpi eq, %get3A_852, %eq3A_854 : vector<16xi32>
      %parallel_loop3A_856 = arith.constant 0 : i32
      %parallel_loop3A_857 = arith.constant 16 : i32
      %parallel_loop3A_858 = arith.constant 1 : i32
      scf.for %parallel_loop3A_1688 = %parallel_loop3A_856 to %parallel_loop3A_857 step %parallel_loop3A_858  : i32 {
        %parallel_loop3A_1689 = arith.constant 16 : i32
        %parallel_loop3A_1690 = arith.addi %parallel_loop3A_1689, %parallel_loop3A_1688 : i32
        %parallel_loop3A_1691 = arith.index_cast %parallel_loop3A_1690 : i32 to index
        %parallel_loop3A_1692 = arith.constant 0 : index
        %parallel_loop3A_1693 = tpu.vector_load %arg5[%parallel_loop3A_1691, %parallel_loop3A_1692] {strides = array<i32>} : memref<128x16xf32, #tpu.memory_space<vmem>>, vector<16xf32>,
        %parallel_loop3A_1694 = arith.constant 80 : i32
        %parallel_loop3A_1695 = arith.addi %parallel_loop3A_1694, %parallel_loop3A_1688 : i32
        %parallel_loop3A_1696 = arith.index_cast %parallel_loop3A_1695 : i32 to index
        %parallel_loop3A_1697 = arith.constant 0 : index
        %parallel_loop3A_1698 = tpu.vector_load %arg5[%parallel_loop3A_1696, %parallel_loop3A_1697] {strides = array<i32>} : memref<128x16xf32, #tpu.memory_space<vmem>>, vector<16xf32>,
        %parallel_loop3A_1699 = arith.select %eq3A_765, %parallel_loop3A_1693, %parallel_loop3A_1698 : vector<16xi1>, vector<16xf32>
        %parallel_loop3A_1700 = arith.index_cast %parallel_loop3A_1688 : i32 to index
        %parallel_loop3A_1701 = arith.constant 768 : index
        %parallel_loop3A_1702 = tpu.vector_load %arg8[%parallel_loop3A_1700, %parallel_loop3A_1701] {strides = array<i32>} : memref<16x1024xf32, #tpu.memory_space<vmem>>, vector<16xf32>,
        tpu.vector_store %arg8[%parallel_loop3A_1700, %parallel_loop3A_1701], %parallel_loop3A_1699 {strides = array<i32>} : memref<16x1024xf32, #tpu.memory_space<vmem>>, vector<16xf32>,
        %parallel_loop3A_1703 = arith.select %eq3A_771, %parallel_loop3A_1693, %parallel_loop3A_1698 : vector<16xi1>, vector<16xf32>
        %parallel_loop3A_1704 = arith.index_cast %parallel_loop3A_1688 : i32 to index
        %parallel_loop3A_1705 = arith.constant 784 : index
        %parallel_loop3A_1706 = tpu.vector_load %arg8[%parallel_loop3A_1704, %parallel_loop3A_1705] {strides = array<i32>} : memref<16x1024xf32, #tpu.memory_space<vmem>>, vector<16xf32>,
        tpu.vector_store %arg8[%parallel_loop3A_1704, %parallel_loop3A_1705], %parallel_loop3A_1703 {strides = array<i32>} : memref<16x1024xf32, #tpu.memory_space<vmem>>, vector<16xf32>,
        %parallel_loop3A_1707 = arith.select %eq3A_777, %parallel_loop3A_1693, %parallel_loop3A_1698 : vector<16xi1>, vector<16xf32>
        %parallel_loop3A_1708 = arith.index_cast %parallel_loop3A_1688 : i32 to index
        %parallel_loop3A_1709 = arith.constant 800 : index
        %parallel_loop3A_1710 = tpu.vector_load %arg8[%parallel_loop3A_1708, %parallel_loop3A_1709] {strides = array<i32>} : memref<16x1024xf32, #tpu.memory_space<vmem>>, vector<16xf32>,
        tpu.vector_store %arg8[%parallel_loop3A_1708, %parallel_loop3A_1709], %parallel_loop3A_1707 {strides = array<i32>} : memref<16x1024xf32, #tpu.memory_space<vmem>>, vector<16xf32>,
        %parallel_loop3A_1711 = arith.select %eq3A_783, %parallel_loop3A_1693, %parallel_loop3A_1698 : vector<16xi1>, vector<16xf32>
        %parallel_loop3A_1712 = arith.index_cast %parallel_loop3A_1688 : i32 to index
        %parallel_loop3A_1713 = arith.constant 816 : index
        %parallel_loop3A_1714 = tpu.vector_load %arg8[%parallel_loop3A_1712, %parallel_loop3A_1713] {strides = array<i32>} : memref<16x1024xf32, #tpu.memory_space<vmem>>, vector<16xf32>,
        tpu.vector_store %arg8[%parallel_loop3A_1712, %parallel_loop3A_1713], %parallel_loop3A_1711 {strides = array<i32>} : memref<16x1024xf32, #tpu.memory_space<vmem>>, vector<16xf32>,
        %parallel_loop3A_1715 = arith.select %eq3A_789, %parallel_loop3A_1693, %parallel_loop3A_1698 : vector<16xi1>, vector<16xf32>
        %parallel_loop3A_1716 = arith.index_cast %parallel_loop3A_1688 : i32 to index
        %parallel_loop3A_1717 = arith.constant 832 : index
        %parallel_loop3A_1718 = tpu.vector_load %arg8[%parallel_loop3A_1716, %parallel_loop3A_1717] {strides = array<i32>} : memref<16x1024xf32, #tpu.memory_space<vmem>>, vector<16xf32>,
        tpu.vector_store %arg8[%parallel_loop3A_1716, %parallel_loop3A_1717], %parallel_loop3A_1715 {strides = array<i32>} : memref<16x1024xf32, #tpu.memory_space<vmem>>, vector<16xf32>,
        %parallel_loop3A_1719 = arith.select %eq3A_795, %parallel_loop3A_1693, %parallel_loop3A_1698 : vector<16xi1>, vector<16xf32>
        %parallel_loop3A_1720 = arith.index_cast %parallel_loop3A_1688 : i32 to index
        %parallel_loop3A_1721 = arith.constant 848 : index
        %parallel_loop3A_1722 = tpu.vector_load %arg8[%parallel_loop3A_1720, %parallel_loop3A_1721] {strides = array<i32>} : memref<16x1024xf32, #tpu.memory_space<vmem>>, vector<16xf32>,
        tpu.vector_store %arg8[%parallel_loop3A_1720, %parallel_loop3A_1721], %parallel_loop3A_1719 {strides = array<i32>} : memref<16x1024xf32, #tpu.memory_space<vmem>>, vector<16xf32>,
        %parallel_loop3A_1723 = arith.select %eq3A_801, %parallel_loop3A_1693, %parallel_loop3A_1698 : vector<16xi1>, vector<16xf32>
        %parallel_loop3A_1724 = arith.index_cast %parallel_loop3A_1688 : i32 to index
        %parallel_loop3A_1725 = arith.constant 864 : index
        %parallel_loop3A_1726 = tpu.vector_load %arg8[%parallel_loop3A_1724, %parallel_loop3A_1725] {strides = array<i32>} : memref<16x1024xf32, #tpu.memory_space<vmem>>, vector<16xf32>,
        tpu.vector_store %arg8[%parallel_loop3A_1724, %parallel_loop3A_1725], %parallel_loop3A_1723 {strides = array<i32>} : memref<16x1024xf32, #tpu.memory_space<vmem>>, vector<16xf32>,
        %parallel_loop3A_1727 = arith.select %eq3A_807, %parallel_loop3A_1693, %parallel_loop3A_1698 : vector<16xi1>, vector<16xf32>
        %parallel_loop3A_1728 = arith.index_cast %parallel_loop3A_1688 : i32 to index
        %parallel_loop3A_1729 = arith.constant 880 : index
        %parallel_loop3A_1730 = tpu.vector_load %arg8[%parallel_loop3A_1728, %parallel_loop3A_1729] {strides = array<i32>} : memref<16x1024xf32, #tpu.memory_space<vmem>>, vector<16xf32>,
        tpu.vector_store %arg8[%parallel_loop3A_1728, %parallel_loop3A_1729], %parallel_loop3A_1727 {strides = array<i32>} : memref<16x1024xf32, #tpu.memory_space<vmem>>, vector<16xf32>,
        %parallel_loop3A_1731 = arith.select %eq3A_813, %parallel_loop3A_1693, %parallel_loop3A_1698 : vector<16xi1>, vector<16xf32>
        %parallel_loop3A_1732 = arith.index_cast %parallel_loop3A_1688 : i32 to index
        %parallel_loop3A_1733 = arith.constant 896 : index
        %parallel_loop3A_1734 = tpu.vector_load %arg8[%parallel_loop3A_1732, %parallel_loop3A_1733] {strides = array<i32>} : memref<16x1024xf32, #tpu.memory_space<vmem>>, vector<16xf32>,
        tpu.vector_store %arg8[%parallel_loop3A_1732, %parallel_loop3A_1733], %parallel_loop3A_1731 {strides = array<i32>} : memref<16x1024xf32, #tpu.memory_space<vmem>>, vector<16xf32>,
        %parallel_loop3A_1735 = arith.select %eq3A_819, %parallel_loop3A_1693, %parallel_loop3A_1698 : vector<16xi1>, vector<16xf32>
        %parallel_loop3A_1736 = arith.index_cast %parallel_loop3A_1688 : i32 to index
        %parallel_loop3A_1737 = arith.constant 912 : index
        %parallel_loop3A_1738 = tpu.vector_load %arg8[%parallel_loop3A_1736, %parallel_loop3A_1737] {strides = array<i32>} : memref<16x1024xf32, #tpu.memory_space<vmem>>, vector<16xf32>,
        tpu.vector_store %arg8[%parallel_loop3A_1736, %parallel_loop3A_1737], %parallel_loop3A_1735 {strides = array<i32>} : memref<16x1024xf32, #tpu.memory_space<vmem>>, vector<16xf32>,
        %parallel_loop3A_1739 = arith.select %eq3A_825, %parallel_loop3A_1693, %parallel_loop3A_1698 : vector<16xi1>, vector<16xf32>
        %parallel_loop3A_1740 = arith.index_cast %parallel_loop3A_1688 : i32 to index
        %parallel_loop3A_1741 = arith.constant 928 : index
        %parallel_loop3A_1742 = tpu.vector_load %arg8[%parallel_loop3A_1740, %parallel_loop3A_1741] {strides = array<i32>} : memref<16x1024xf32, #tpu.memory_space<vmem>>, vector<16xf32>,
        tpu.vector_store %arg8[%parallel_loop3A_1740, %parallel_loop3A_1741], %parallel_loop3A_1739 {strides = array<i32>} : memref<16x1024xf32, #tpu.memory_space<vmem>>, vector<16xf32>,
        %parallel_loop3A_1743 = arith.select %eq3A_831, %parallel_loop3A_1693, %parallel_loop3A_1698 : vector<16xi1>, vector<16xf32>
        %parallel_loop3A_1744 = arith.index_cast %parallel_loop3A_1688 : i32 to index
        %parallel_loop3A_1745 = arith.constant 944 : index
        %parallel_loop3A_1746 = tpu.vector_load %arg8[%parallel_loop3A_1744, %parallel_loop3A_1745] {strides = array<i32>} : memref<16x1024xf32, #tpu.memory_space<vmem>>, vector<16xf32>,
        tpu.vector_store %arg8[%parallel_loop3A_1744, %parallel_loop3A_1745], %parallel_loop3A_1743 {strides = array<i32>} : memref<16x1024xf32, #tpu.memory_space<vmem>>, vector<16xf32>,
        %parallel_loop3A_1747 = arith.select %eq3A_837, %parallel_loop3A_1693, %parallel_loop3A_1698 : vector<16xi1>, vector<16xf32>
        %parallel_loop3A_1748 = arith.index_cast %parallel_loop3A_1688 : i32 to index
        %parallel_loop3A_1749 = arith.constant 960 : index
        %parallel_loop3A_1750 = tpu.vector_load %arg8[%parallel_loop3A_1748, %parallel_loop3A_1749] {strides = array<i32>} : memref<16x1024xf32, #tpu.memory_space<vmem>>, vector<16xf32>,
        tpu.vector_store %arg8[%parallel_loop3A_1748, %parallel_loop3A_1749], %parallel_loop3A_1747 {strides = array<i32>} : memref<16x1024xf32, #tpu.memory_space<vmem>>, vector<16xf32>,
        %parallel_loop3A_1751 = arith.select %eq3A_843, %parallel_loop3A_1693, %parallel_loop3A_1698 : vector<16xi1>, vector<16xf32>
        %parallel_loop3A_1752 = arith.index_cast %parallel_loop3A_1688 : i32 to index
        %parallel_loop3A_1753 = arith.constant 976 : index
        %parallel_loop3A_1754 = tpu.vector_load %arg8[%parallel_loop3A_1752, %parallel_loop3A_1753] {strides = array<i32>} : memref<16x1024xf32, #tpu.memory_space<vmem>>, vector<16xf32>,
        tpu.vector_store %arg8[%parallel_loop3A_1752, %parallel_loop3A_1753], %parallel_loop3A_1751 {strides = array<i32>} : memref<16x1024xf32, #tpu.memory_space<vmem>>, vector<16xf32>,
        %parallel_loop3A_1755 = arith.select %eq3A_849, %parallel_loop3A_1693, %parallel_loop3A_1698 : vector<16xi1>, vector<16xf32>
        %parallel_loop3A_1756 = arith.index_cast %parallel_loop3A_1688 : i32 to index
        %parallel_loop3A_1757 = arith.constant 992 : index
        %parallel_loop3A_1758 = tpu.vector_load %arg8[%parallel_loop3A_1756, %parallel_loop3A_1757] {strides = array<i32>} : memref<16x1024xf32, #tpu.memory_space<vmem>>, vector<16xf32>,
        tpu.vector_store %arg8[%parallel_loop3A_1756, %parallel_loop3A_1757], %parallel_loop3A_1755 {strides = array<i32>} : memref<16x1024xf32, #tpu.memory_space<vmem>>, vector<16xf32>,
        %parallel_loop3A_1759 = arith.select %eq3A_855, %parallel_loop3A_1693, %parallel_loop3A_1698 : vector<16xi1>, vector<16xf32>
        %parallel_loop3A_1760 = arith.index_cast %parallel_loop3A_1688 : i32 to index
        %parallel_loop3A_1761 = arith.constant 1008 : index
        %parallel_loop3A_1762 = tpu.vector_load %arg8[%parallel_loop3A_1760, %parallel_loop3A_1761] {strides = array<i32>} : memref<16x1024xf32, #tpu.memory_space<vmem>>, vector<16xf32>,
        tpu.vector_store %arg8[%parallel_loop3A_1760, %parallel_loop3A_1761], %parallel_loop3A_1759 {strides = array<i32>} : memref<16x1024xf32, #tpu.memory_space<vmem>>, vector<16xf32>,
      } {sc.loop_unroll_factor = 2 : i64, sc.parallel_access}
      %add3A_859 = arith.addi %mul3A_2, %scan3A_54 : i32
      %dma_start3A_860 = arith.constant 16 : i32
      %dma_start3A_861 = arith.constant 0 : i32
      %dma_start3A_862 = tpu.memref_slice %arg4[%add3A_859, %dma_start3A_860, %dma_start3A_861] : memref<1024x64x1024xf32, #tpu.memory_space<hbm>> -> memref<1x16x1024xf32, #tpu.memory_space<hbm>>
      %dma_start3A_863 = tpu.memref_squeeze %dma_start3A_862 : memref<1x16x1024xf32, #tpu.memory_space<hbm>> -> memref<16x1024xf32, #tpu.memory_space<hbm>>
      %dma_start3A_864 = arith.constant 16 : i32
      %dma_start3A_865 = arith.constant 0 : i32
      %dma_start3A_866 = tpu.memref_slice %arg4[%add3A_859, %dma_start3A_864, %dma_start3A_865] : memref<1024x64x1024xf32, #tpu.memory_space<hbm>> -> memref<1x16x1024xf32, #tpu.memory_space<hbm>>
      %dma_start3A_867 = tpu.memref_squeeze %dma_start3A_866 : memref<1x16x1024xf32, #tpu.memory_space<hbm>> -> memref<16x1024xf32, #tpu.memory_space<hbm>>
      tpu.enqueue_dma source(%arg8 : memref<16x1024xf32, #tpu.memory_space<vmem>>) target(%dma_start3A_867 : memref<16x1024xf32, #tpu.memory_space<hbm>>) target_semaphore(%arg12 : memref<!tpu.dma_semaphore, #tpu.memory_space<semaphore_mem>>)
      %gt3A_868 = arith.constant 0 : i32
      %gt3A_869 = arith.cmpi sgt, %scan3A_54, %gt3A_868 : i32
      %convert_element_type3A_870 = arith.extui %gt3A_869 : i1 to i32
      %cond3A_871 = arith.constant 0 : i32
      %cond3A_872 = arith.cmpi ne, %convert_element_type3A_870, %cond3A_871 : i32
      scf.if %cond3A_872 {
        %add3A_1688 = arith.addi %mul3A_2, %scan3A_54 : i32
        %sub3A_1689 = arith.constant 1 : i32
        %sub3A_1690 = arith.subi %add3A_1688, %sub3A_1689 : i32
        %dma_wait3A_1691 = arith.constant 32 : i32
        %dma_wait3A_1692 = arith.constant 0 : i32
        %dma_wait3A_1693 = tpu.memref_slice %arg4[%sub3A_1690, %dma_wait3A_1691, %dma_wait3A_1692] : memref<1024x64x1024xf32, #tpu.memory_space<hbm>> -> memref<1x16x1024xf32, #tpu.memory_space<hbm>>
        %dma_wait3A_1694 = tpu.memref_squeeze %dma_wait3A_1693 : memref<1x16x1024xf32, #tpu.memory_space<hbm>> -> memref<16x1024xf32, #tpu.memory_space<hbm>>
        %dma_wait3A_1695 = arith.constant 32 : i32
        %dma_wait3A_1696 = arith.constant 0 : i32
        %dma_wait3A_1697 = tpu.memref_slice %arg4[%sub3A_1690, %dma_wait3A_1695, %dma_wait3A_1696] : memref<1024x64x1024xf32, #tpu.memory_space<hbm>> -> memref<1x16x1024xf32, #tpu.memory_space<hbm>>
        %dma_wait3A_1698 = tpu.memref_squeeze %dma_wait3A_1697 : memref<1x16x1024xf32, #tpu.memory_space<hbm>> -> memref<16x1024xf32, #tpu.memory_space<hbm>>
        tpu.wait_dma2 semaphore(%arg13 : memref<!tpu.dma_semaphore, #tpu.memory_space<semaphore_mem>>) src(%arg9 : memref<16x1024xf32, #tpu.memory_space<vmem>>) dst(%dma_wait3A_1698 : memref<16x1024xf32, #tpu.memory_space<hbm>>)
      } else {
      }
      %get3A_873 = arith.index_cast %scan3A_54 : i32 to index
      %get3A_874 = arith.constant 0 : index
      %get3A_875 = tpu.vector_load %arg6[%get3A_873, %get3A_874] {strides = array<i32>} : memref<32x1024xi32, #tpu.memory_space<vmem>>, vector<16xi32>,
      %eq3A_876 = arith.constant 1 : i32
      %eq3A_877 = vector.broadcast %eq3A_876 : i32 to vector<16xi32>
      %eq3A_878 = arith.cmpi eq, %get3A_875, %eq3A_877 : vector<16xi32>
      %get3A_879 = arith.index_cast %scan3A_54 : i32 to index
      %get3A_880 = arith.constant 16 : index
      %get3A_881 = tpu.vector_load %arg6[%get3A_879, %get3A_880] {strides = array<i32>} : memref<32x1024xi32, #tpu.memory_space<vmem>>, vector<16xi32>,
      %eq3A_882 = arith.constant 1 : i32
      %eq3A_883 = vector.broadcast %eq3A_882 : i32 to vector<16xi32>
      %eq3A_884 = arith.cmpi eq, %get3A_881, %eq3A_883 : vector<16xi32>
      %get3A_885 = arith.index_cast %scan3A_54 : i32 to index
      %get3A_886 = arith.constant 32 : index
      %get3A_887 = tpu.vector_load %arg6[%get3A_885, %get3A_886] {strides = array<i32>} : memref<32x1024xi32, #tpu.memory_space<vmem>>, vector<16xi32>,
      %eq3A_888 = arith.constant 1 : i32
      %eq3A_889 = vector.broadcast %eq3A_888 : i32 to vector<16xi32>
      %eq3A_890 = arith.cmpi eq, %get3A_887, %eq3A_889 : vector<16xi32>
      %get3A_891 = arith.index_cast %scan3A_54 : i32 to index
      %get3A_892 = arith.constant 48 : index
      %get3A_893 = tpu.vector_load %arg6[%get3A_891, %get3A_892] {strides = array<i32>} : memref<32x1024xi32, #tpu.memory_space<vmem>>, vector<16xi32>,
      %eq3A_894 = arith.constant 1 : i32
      %eq3A_895 = vector.broadcast %eq3A_894 : i32 to vector<16xi32>
      %eq3A_896 = arith.cmpi eq, %get3A_893, %eq3A_895 : vector<16xi32>
      %get3A_897 = arith.index_cast %scan3A_54 : i32 to index
      %get3A_898 = arith.constant 64 : index
      %get3A_899 = tpu.vector_load %arg6[%get3A_897, %get3A_898] {strides = array<i32>} : memref<32x1024xi32, #tpu.memory_space<vmem>>, vector<16xi32>,
      %eq3A_900 = arith.constant 1 : i32
      %eq3A_901 = vector.broadcast %eq3A_900 : i32 to vector<16xi32>
      %eq3A_902 = arith.cmpi eq, %get3A_899, %eq3A_901 : vector<16xi32>
      %get3A_903 = arith.index_cast %scan3A_54 : i32 to index
      %get3A_904 = arith.constant 80 : index
      %get3A_905 = tpu.vector_load %arg6[%get3A_903, %get3A_904] {strides = array<i32>} : memref<32x1024xi32, #tpu.memory_space<vmem>>, vector<16xi32>,
      %eq3A_906 = arith.constant 1 : i32
      %eq3A_907 = vector.broadcast %eq3A_906 : i32 to vector<16xi32>
      %eq3A_908 = arith.cmpi eq, %get3A_905, %eq3A_907 : vector<16xi32>
      %get3A_909 = arith.index_cast %scan3A_54 : i32 to index
      %get3A_910 = arith.constant 96 : index
      %get3A_911 = tpu.vector_load %arg6[%get3A_909, %get3A_910] {strides = array<i32>} : memref<32x1024xi32, #tpu.memory_space<vmem>>, vector<16xi32>,
      %eq3A_912 = arith.constant 1 : i32
      %eq3A_913 = vector.broadcast %eq3A_912 : i32 to vector<16xi32>
      %eq3A_914 = arith.cmpi eq, %get3A_911, %eq3A_913 : vector<16xi32>
      %get3A_915 = arith.index_cast %scan3A_54 : i32 to index
      %get3A_916 = arith.constant 112 : index
      %get3A_917 = tpu.vector_load %arg6[%get3A_915, %get3A_916] {strides = array<i32>} : memref<32x1024xi32, #tpu.memory_space<vmem>>, vector<16xi32>,
      %eq3A_918 = arith.constant 1 : i32
      %eq3A_919 = vector.broadcast %eq3A_918 : i32 to vector<16xi32>
      %eq3A_920 = arith.cmpi eq, %get3A_917, %eq3A_919 : vector<16xi32>
      %get3A_921 = arith.index_cast %scan3A_54 : i32 to index
      %get3A_922 = arith.constant 128 : index
      %get3A_923 = tpu.vector_load %arg6[%get3A_921, %get3A_922] {strides = array<i32>} : memref<32x1024xi32, #tpu.memory_space<vmem>>, vector<16xi32>,
      %eq3A_924 = arith.constant 1 : i32
      %eq3A_925 = vector.broadcast %eq3A_924 : i32 to vector<16xi32>
      %eq3A_926 = arith.cmpi eq, %get3A_923, %eq3A_925 : vector<16xi32>
      %get3A_927 = arith.index_cast %scan3A_54 : i32 to index
      %get3A_928 = arith.constant 144 : index
      %get3A_929 = tpu.vector_load %arg6[%get3A_927, %get3A_928] {strides = array<i32>} : memref<32x1024xi32, #tpu.memory_space<vmem>>, vector<16xi32>,
      %eq3A_930 = arith.constant 1 : i32
      %eq3A_931 = vector.broadcast %eq3A_930 : i32 to vector<16xi32>
      %eq3A_932 = arith.cmpi eq, %get3A_929, %eq3A_931 : vector<16xi32>
      %get3A_933 = arith.index_cast %scan3A_54 : i32 to index
      %get3A_934 = arith.constant 160 : index
      %get3A_935 = tpu.vector_load %arg6[%get3A_933, %get3A_934] {strides = array<i32>} : memref<32x1024xi32, #tpu.memory_space<vmem>>, vector<16xi32>,
      %eq3A_936 = arith.constant 1 : i32
      %eq3A_937 = vector.broadcast %eq3A_936 : i32 to vector<16xi32>
      %eq3A_938 = arith.cmpi eq, %get3A_935, %eq3A_937 : vector<16xi32>
      %get3A_939 = arith.index_cast %scan3A_54 : i32 to index
      %get3A_940 = arith.constant 176 : index
      %get3A_941 = tpu.vector_load %arg6[%get3A_939, %get3A_940] {strides = array<i32>} : memref<32x1024xi32, #tpu.memory_space<vmem>>, vector<16xi32>,
      %eq3A_942 = arith.constant 1 : i32
      %eq3A_943 = vector.broadcast %eq3A_942 : i32 to vector<16xi32>
      %eq3A_944 = arith.cmpi eq, %get3A_941, %eq3A_943 : vector<16xi32>
      %get3A_945 = arith.index_cast %scan3A_54 : i32 to index
      %get3A_946 = arith.constant 192 : index
      %get3A_947 = tpu.vector_load %arg6[%get3A_945, %get3A_946] {strides = array<i32>} : memref<32x1024xi32, #tpu.memory_space<vmem>>, vector<16xi32>,
      %eq3A_948 = arith.constant 1 : i32
      %eq3A_949 = vector.broadcast %eq3A_948 : i32 to vector<16xi32>
      %eq3A_950 = arith.cmpi eq, %get3A_947, %eq3A_949 : vector<16xi32>
      %get3A_951 = arith.index_cast %scan3A_54 : i32 to index
      %get3A_952 = arith.constant 208 : index
      %get3A_953 = tpu.vector_load %arg6[%get3A_951, %get3A_952] {strides = array<i32>} : memref<32x1024xi32, #tpu.memory_space<vmem>>, vector<16xi32>,
      %eq3A_954 = arith.constant 1 : i32
      %eq3A_955 = vector.broadcast %eq3A_954 : i32 to vector<16xi32>
      %eq3A_956 = arith.cmpi eq, %get3A_953, %eq3A_955 : vector<16xi32>
      %get3A_957 = arith.index_cast %scan3A_54 : i32 to index
      %get3A_958 = arith.constant 224 : index
      %get3A_959 = tpu.vector_load %arg6[%get3A_957, %get3A_958] {strides = array<i32>} : memref<32x1024xi32, #tpu.memory_space<vmem>>, vector<16xi32>,
      %eq3A_960 = arith.constant 1 : i32
      %eq3A_961 = vector.broadcast %eq3A_960 : i32 to vector<16xi32>
      %eq3A_962 = arith.cmpi eq, %get3A_959, %eq3A_961 : vector<16xi32>
      %get3A_963 = arith.index_cast %scan3A_54 : i32 to index
      %get3A_964 = arith.constant 240 : index
      %get3A_965 = tpu.vector_load %arg6[%get3A_963, %get3A_964] {strides = array<i32>} : memref<32x1024xi32, #tpu.memory_space<vmem>>, vector<16xi32>,
      %eq3A_966 = arith.constant 1 : i32
      %eq3A_967 = vector.broadcast %eq3A_966 : i32 to vector<16xi32>
      %eq3A_968 = arith.cmpi eq, %get3A_965, %eq3A_967 : vector<16xi32>
      %parallel_loop3A_969 = arith.constant 0 : i32
      %parallel_loop3A_970 = arith.constant 16 : i32
      %parallel_loop3A_971 = arith.constant 1 : i32
      scf.for %parallel_loop3A_1688 = %parallel_loop3A_969 to %parallel_loop3A_970 step %parallel_loop3A_971  : i32 {
        %parallel_loop3A_1689 = arith.constant 32 : i32
        %parallel_loop3A_1690 = arith.addi %parallel_loop3A_1689, %parallel_loop3A_1688 : i32
        %parallel_loop3A_1691 = arith.index_cast %parallel_loop3A_1690 : i32 to index
        %parallel_loop3A_1692 = arith.constant 0 : index
        %parallel_loop3A_1693 = tpu.vector_load %arg5[%parallel_loop3A_1691, %parallel_loop3A_1692] {strides = array<i32>} : memref<128x16xf32, #tpu.memory_space<vmem>>, vector<16xf32>,
        %parallel_loop3A_1694 = arith.constant 96 : i32
        %parallel_loop3A_1695 = arith.addi %parallel_loop3A_1694, %parallel_loop3A_1688 : i32
        %parallel_loop3A_1696 = arith.index_cast %parallel_loop3A_1695 : i32 to index
        %parallel_loop3A_1697 = arith.constant 0 : index
        %parallel_loop3A_1698 = tpu.vector_load %arg5[%parallel_loop3A_1696, %parallel_loop3A_1697] {strides = array<i32>} : memref<128x16xf32, #tpu.memory_space<vmem>>, vector<16xf32>,
        %parallel_loop3A_1699 = arith.select %eq3A_878, %parallel_loop3A_1693, %parallel_loop3A_1698 : vector<16xi1>, vector<16xf32>
        %parallel_loop3A_1700 = arith.index_cast %parallel_loop3A_1688 : i32 to index
        %parallel_loop3A_1701 = arith.constant 0 : index
        %parallel_loop3A_1702 = tpu.vector_load %arg9[%parallel_loop3A_1700, %parallel_loop3A_1701] {strides = array<i32>} : memref<16x1024xf32, #tpu.memory_space<vmem>>, vector<16xf32>,
        tpu.vector_store %arg9[%parallel_loop3A_1700, %parallel_loop3A_1701], %parallel_loop3A_1699 {strides = array<i32>} : memref<16x1024xf32, #tpu.memory_space<vmem>>, vector<16xf32>,
        %parallel_loop3A_1703 = arith.select %eq3A_884, %parallel_loop3A_1693, %parallel_loop3A_1698 : vector<16xi1>, vector<16xf32>
        %parallel_loop3A_1704 = arith.index_cast %parallel_loop3A_1688 : i32 to index
        %parallel_loop3A_1705 = arith.constant 16 : index
        %parallel_loop3A_1706 = tpu.vector_load %arg9[%parallel_loop3A_1704, %parallel_loop3A_1705] {strides = array<i32>} : memref<16x1024xf32, #tpu.memory_space<vmem>>, vector<16xf32>,
        tpu.vector_store %arg9[%parallel_loop3A_1704, %parallel_loop3A_1705], %parallel_loop3A_1703 {strides = array<i32>} : memref<16x1024xf32, #tpu.memory_space<vmem>>, vector<16xf32>,
        %parallel_loop3A_1707 = arith.select %eq3A_890, %parallel_loop3A_1693, %parallel_loop3A_1698 : vector<16xi1>, vector<16xf32>
        %parallel_loop3A_1708 = arith.index_cast %parallel_loop3A_1688 : i32 to index
        %parallel_loop3A_1709 = arith.constant 32 : index
        %parallel_loop3A_1710 = tpu.vector_load %arg9[%parallel_loop3A_1708, %parallel_loop3A_1709] {strides = array<i32>} : memref<16x1024xf32, #tpu.memory_space<vmem>>, vector<16xf32>,
        tpu.vector_store %arg9[%parallel_loop3A_1708, %parallel_loop3A_1709], %parallel_loop3A_1707 {strides = array<i32>} : memref<16x1024xf32, #tpu.memory_space<vmem>>, vector<16xf32>,
        %parallel_loop3A_1711 = arith.select %eq3A_896, %parallel_loop3A_1693, %parallel_loop3A_1698 : vector<16xi1>, vector<16xf32>
        %parallel_loop3A_1712 = arith.index_cast %parallel_loop3A_1688 : i32 to index
        %parallel_loop3A_1713 = arith.constant 48 : index
        %parallel_loop3A_1714 = tpu.vector_load %arg9[%parallel_loop3A_1712, %parallel_loop3A_1713] {strides = array<i32>} : memref<16x1024xf32, #tpu.memory_space<vmem>>, vector<16xf32>,
        tpu.vector_store %arg9[%parallel_loop3A_1712, %parallel_loop3A_1713], %parallel_loop3A_1711 {strides = array<i32>} : memref<16x1024xf32, #tpu.memory_space<vmem>>, vector<16xf32>,
        %parallel_loop3A_1715 = arith.select %eq3A_902, %parallel_loop3A_1693, %parallel_loop3A_1698 : vector<16xi1>, vector<16xf32>
        %parallel_loop3A_1716 = arith.index_cast %parallel_loop3A_1688 : i32 to index
        %parallel_loop3A_1717 = arith.constant 64 : index
        %parallel_loop3A_1718 = tpu.vector_load %arg9[%parallel_loop3A_1716, %parallel_loop3A_1717] {strides = array<i32>} : memref<16x1024xf32, #tpu.memory_space<vmem>>, vector<16xf32>,
        tpu.vector_store %arg9[%parallel_loop3A_1716, %parallel_loop3A_1717], %parallel_loop3A_1715 {strides = array<i32>} : memref<16x1024xf32, #tpu.memory_space<vmem>>, vector<16xf32>,
        %parallel_loop3A_1719 = arith.select %eq3A_908, %parallel_loop3A_1693, %parallel_loop3A_1698 : vector<16xi1>, vector<16xf32>
        %parallel_loop3A_1720 = arith.index_cast %parallel_loop3A_1688 : i32 to index
        %parallel_loop3A_1721 = arith.constant 80 : index
        %parallel_loop3A_1722 = tpu.vector_load %arg9[%parallel_loop3A_1720, %parallel_loop3A_1721] {strides = array<i32>} : memref<16x1024xf32, #tpu.memory_space<vmem>>, vector<16xf32>,
        tpu.vector_store %arg9[%parallel_loop3A_1720, %parallel_loop3A_1721], %parallel_loop3A_1719 {strides = array<i32>} : memref<16x1024xf32, #tpu.memory_space<vmem>>, vector<16xf32>,
        %parallel_loop3A_1723 = arith.select %eq3A_914, %parallel_loop3A_1693, %parallel_loop3A_1698 : vector<16xi1>, vector<16xf32>
        %parallel_loop3A_1724 = arith.index_cast %parallel_loop3A_1688 : i32 to index
        %parallel_loop3A_1725 = arith.constant 96 : index
        %parallel_loop3A_1726 = tpu.vector_load %arg9[%parallel_loop3A_1724, %parallel_loop3A_1725] {strides = array<i32>} : memref<16x1024xf32, #tpu.memory_space<vmem>>, vector<16xf32>,
        tpu.vector_store %arg9[%parallel_loop3A_1724, %parallel_loop3A_1725], %parallel_loop3A_1723 {strides = array<i32>} : memref<16x1024xf32, #tpu.memory_space<vmem>>, vector<16xf32>,
        %parallel_loop3A_1727 = arith.select %eq3A_920, %parallel_loop3A_1693, %parallel_loop3A_1698 : vector<16xi1>, vector<16xf32>
        %parallel_loop3A_1728 = arith.index_cast %parallel_loop3A_1688 : i32 to index
        %parallel_loop3A_1729 = arith.constant 112 : index
        %parallel_loop3A_1730 = tpu.vector_load %arg9[%parallel_loop3A_1728, %parallel_loop3A_1729] {strides = array<i32>} : memref<16x1024xf32, #tpu.memory_space<vmem>>, vector<16xf32>,
        tpu.vector_store %arg9[%parallel_loop3A_1728, %parallel_loop3A_1729], %parallel_loop3A_1727 {strides = array<i32>} : memref<16x1024xf32, #tpu.memory_space<vmem>>, vector<16xf32>,
        %parallel_loop3A_1731 = arith.select %eq3A_926, %parallel_loop3A_1693, %parallel_loop3A_1698 : vector<16xi1>, vector<16xf32>
        %parallel_loop3A_1732 = arith.index_cast %parallel_loop3A_1688 : i32 to index
        %parallel_loop3A_1733 = arith.constant 128 : index
        %parallel_loop3A_1734 = tpu.vector_load %arg9[%parallel_loop3A_1732, %parallel_loop3A_1733] {strides = array<i32>} : memref<16x1024xf32, #tpu.memory_space<vmem>>, vector<16xf32>,
        tpu.vector_store %arg9[%parallel_loop3A_1732, %parallel_loop3A_1733], %parallel_loop3A_1731 {strides = array<i32>} : memref<16x1024xf32, #tpu.memory_space<vmem>>, vector<16xf32>,
        %parallel_loop3A_1735 = arith.select %eq3A_932, %parallel_loop3A_1693, %parallel_loop3A_1698 : vector<16xi1>, vector<16xf32>
        %parallel_loop3A_1736 = arith.index_cast %parallel_loop3A_1688 : i32 to index
        %parallel_loop3A_1737 = arith.constant 144 : index
        %parallel_loop3A_1738 = tpu.vector_load %arg9[%parallel_loop3A_1736, %parallel_loop3A_1737] {strides = array<i32>} : memref<16x1024xf32, #tpu.memory_space<vmem>>, vector<16xf32>,
        tpu.vector_store %arg9[%parallel_loop3A_1736, %parallel_loop3A_1737], %parallel_loop3A_1735 {strides = array<i32>} : memref<16x1024xf32, #tpu.memory_space<vmem>>, vector<16xf32>,
        %parallel_loop3A_1739 = arith.select %eq3A_938, %parallel_loop3A_1693, %parallel_loop3A_1698 : vector<16xi1>, vector<16xf32>
        %parallel_loop3A_1740 = arith.index_cast %parallel_loop3A_1688 : i32 to index
        %parallel_loop3A_1741 = arith.constant 160 : index
        %parallel_loop3A_1742 = tpu.vector_load %arg9[%parallel_loop3A_1740, %parallel_loop3A_1741] {strides = array<i32>} : memref<16x1024xf32, #tpu.memory_space<vmem>>, vector<16xf32>,
        tpu.vector_store %arg9[%parallel_loop3A_1740, %parallel_loop3A_1741], %parallel_loop3A_1739 {strides = array<i32>} : memref<16x1024xf32, #tpu.memory_space<vmem>>, vector<16xf32>,
        %parallel_loop3A_1743 = arith.select %eq3A_944, %parallel_loop3A_1693, %parallel_loop3A_1698 : vector<16xi1>, vector<16xf32>
        %parallel_loop3A_1744 = arith.index_cast %parallel_loop3A_1688 : i32 to index
        %parallel_loop3A_1745 = arith.constant 176 : index
        %parallel_loop3A_1746 = tpu.vector_load %arg9[%parallel_loop3A_1744, %parallel_loop3A_1745] {strides = array<i32>} : memref<16x1024xf32, #tpu.memory_space<vmem>>, vector<16xf32>,
        tpu.vector_store %arg9[%parallel_loop3A_1744, %parallel_loop3A_1745], %parallel_loop3A_1743 {strides = array<i32>} : memref<16x1024xf32, #tpu.memory_space<vmem>>, vector<16xf32>,
        %parallel_loop3A_1747 = arith.select %eq3A_950, %parallel_loop3A_1693, %parallel_loop3A_1698 : vector<16xi1>, vector<16xf32>
        %parallel_loop3A_1748 = arith.index_cast %parallel_loop3A_1688 : i32 to index
        %parallel_loop3A_1749 = arith.constant 192 : index
        %parallel_loop3A_1750 = tpu.vector_load %arg9[%parallel_loop3A_1748, %parallel_loop3A_1749] {strides = array<i32>} : memref<16x1024xf32, #tpu.memory_space<vmem>>, vector<16xf32>,
        tpu.vector_store %arg9[%parallel_loop3A_1748, %parallel_loop3A_1749], %parallel_loop3A_1747 {strides = array<i32>} : memref<16x1024xf32, #tpu.memory_space<vmem>>, vector<16xf32>,
        %parallel_loop3A_1751 = arith.select %eq3A_956, %parallel_loop3A_1693, %parallel_loop3A_1698 : vector<16xi1>, vector<16xf32>
        %parallel_loop3A_1752 = arith.index_cast %parallel_loop3A_1688 : i32 to index
        %parallel_loop3A_1753 = arith.constant 208 : index
        %parallel_loop3A_1754 = tpu.vector_load %arg9[%parallel_loop3A_1752, %parallel_loop3A_1753] {strides = array<i32>} : memref<16x1024xf32, #tpu.memory_space<vmem>>, vector<16xf32>,
        tpu.vector_store %arg9[%parallel_loop3A_1752, %parallel_loop3A_1753], %parallel_loop3A_1751 {strides = array<i32>} : memref<16x1024xf32, #tpu.memory_space<vmem>>, vector<16xf32>,
        %parallel_loop3A_1755 = arith.select %eq3A_962, %parallel_loop3A_1693, %parallel_loop3A_1698 : vector<16xi1>, vector<16xf32>
        %parallel_loop3A_1756 = arith.index_cast %parallel_loop3A_1688 : i32 to index
        %parallel_loop3A_1757 = arith.constant 224 : index
        %parallel_loop3A_1758 = tpu.vector_load %arg9[%parallel_loop3A_1756, %parallel_loop3A_1757] {strides = array<i32>} : memref<16x1024xf32, #tpu.memory_space<vmem>>, vector<16xf32>,
        tpu.vector_store %arg9[%parallel_loop3A_1756, %parallel_loop3A_1757], %parallel_loop3A_1755 {strides = array<i32>} : memref<16x1024xf32, #tpu.memory_space<vmem>>, vector<16xf32>,
        %parallel_loop3A_1759 = arith.select %eq3A_968, %parallel_loop3A_1693, %parallel_loop3A_1698 : vector<16xi1>, vector<16xf32>
        %parallel_loop3A_1760 = arith.index_cast %parallel_loop3A_1688 : i32 to index
        %parallel_loop3A_1761 = arith.constant 240 : index
        %parallel_loop3A_1762 = tpu.vector_load %arg9[%parallel_loop3A_1760, %parallel_loop3A_1761] {strides = array<i32>} : memref<16x1024xf32, #tpu.memory_space<vmem>>, vector<16xf32>,
        tpu.vector_store %arg9[%parallel_loop3A_1760, %parallel_loop3A_1761], %parallel_loop3A_1759 {strides = array<i32>} : memref<16x1024xf32, #tpu.memory_space<vmem>>, vector<16xf32>,
      } {sc.loop_unroll_factor = 2 : i64, sc.parallel_access}
      %get3A_972 = arith.index_cast %scan3A_54 : i32 to index
      %get3A_973 = arith.constant 256 : index
      %get3A_974 = tpu.vector_load %arg6[%get3A_972, %get3A_973] {strides = array<i32>} : memref<32x1024xi32, #tpu.memory_space<vmem>>, vector<16xi32>,
      %eq3A_975 = arith.constant 1 : i32
      %eq3A_976 = vector.broadcast %eq3A_975 : i32 to vector<16xi32>
      %eq3A_977 = arith.cmpi eq, %get3A_974, %eq3A_976 : vector<16xi32>
      %get3A_978 = arith.index_cast %scan3A_54 : i32 to index
      %get3A_979 = arith.constant 272 : index
      %get3A_980 = tpu.vector_load %arg6[%get3A_978, %get3A_979] {strides = array<i32>} : memref<32x1024xi32, #tpu.memory_space<vmem>>, vector<16xi32>,
      %eq3A_981 = arith.constant 1 : i32
      %eq3A_982 = vector.broadcast %eq3A_981 : i32 to vector<16xi32>
      %eq3A_983 = arith.cmpi eq, %get3A_980, %eq3A_982 : vector<16xi32>
      %get3A_984 = arith.index_cast %scan3A_54 : i32 to index
      %get3A_985 = arith.constant 288 : index
      %get3A_986 = tpu.vector_load %arg6[%get3A_984, %get3A_985] {strides = array<i32>} : memref<32x1024xi32, #tpu.memory_space<vmem>>, vector<16xi32>,
      %eq3A_987 = arith.constant 1 : i32
      %eq3A_988 = vector.broadcast %eq3A_987 : i32 to vector<16xi32>
      %eq3A_989 = arith.cmpi eq, %get3A_986, %eq3A_988 : vector<16xi32>
      %get3A_990 = arith.index_cast %scan3A_54 : i32 to index
      %get3A_991 = arith.constant 304 : index
      %get3A_992 = tpu.vector_load %arg6[%get3A_990, %get3A_991] {strides = array<i32>} : memref<32x1024xi32, #tpu.memory_space<vmem>>, vector<16xi32>,
      %eq3A_993 = arith.constant 1 : i32
      %eq3A_994 = vector.broadcast %eq3A_993 : i32 to vector<16xi32>
      %eq3A_995 = arith.cmpi eq, %get3A_992, %eq3A_994 : vector<16xi32>
      %get3A_996 = arith.index_cast %scan3A_54 : i32 to index
      %get3A_997 = arith.constant 320 : index
      %get3A_998 = tpu.vector_load %arg6[%get3A_996, %get3A_997] {strides = array<i32>} : memref<32x1024xi32, #tpu.memory_space<vmem>>, vector<16xi32>,
      %eq3A_999 = arith.constant 1 : i32
      %eq3A_1000 = vector.broadcast %eq3A_999 : i32 to vector<16xi32>
      %eq3A_1001 = arith.cmpi eq, %get3A_998, %eq3A_1000 : vector<16xi32>
      %get3A_1002 = arith.index_cast %scan3A_54 : i32 to index
      %get3A_1003 = arith.constant 336 : index
      %get3A_1004 = tpu.vector_load %arg6[%get3A_1002, %get3A_1003] {strides = array<i32>} : memref<32x1024xi32, #tpu.memory_space<vmem>>, vector<16xi32>,
      %eq3A_1005 = arith.constant 1 : i32
      %eq3A_1006 = vector.broadcast %eq3A_1005 : i32 to vector<16xi32>
      %eq3A_1007 = arith.cmpi eq, %get3A_1004, %eq3A_1006 : vector<16xi32>
      %get3A_1008 = arith.index_cast %scan3A_54 : i32 to index
      %get3A_1009 = arith.constant 352 : index
      %get3A_1010 = tpu.vector_load %arg6[%get3A_1008, %get3A_1009] {strides = array<i32>} : memref<32x1024xi32, #tpu.memory_space<vmem>>, vector<16xi32>,
      %eq3A_1011 = arith.constant 1 : i32
      %eq3A_1012 = vector.broadcast %eq3A_1011 : i32 to vector<16xi32>
      %eq3A_1013 = arith.cmpi eq, %get3A_1010, %eq3A_1012 : vector<16xi32>
      %get3A_1014 = arith.index_cast %scan3A_54 : i32 to index
      %get3A_1015 = arith.constant 368 : index
      %get3A_1016 = tpu.vector_load %arg6[%get3A_1014, %get3A_1015] {strides = array<i32>} : memref<32x1024xi32, #tpu.memory_space<vmem>>, vector<16xi32>,
      %eq3A_1017 = arith.constant 1 : i32
      %eq3A_1018 = vector.broadcast %eq3A_1017 : i32 to vector<16xi32>
      %eq3A_1019 = arith.cmpi eq, %get3A_1016, %eq3A_1018 : vector<16xi32>
      %get3A_1020 = arith.index_cast %scan3A_54 : i32 to index
      %get3A_1021 = arith.constant 384 : index
      %get3A_1022 = tpu.vector_load %arg6[%get3A_1020, %get3A_1021] {strides = array<i32>} : memref<32x1024xi32, #tpu.memory_space<vmem>>, vector<16xi32>,
      %eq3A_1023 = arith.constant 1 : i32
      %eq3A_1024 = vector.broadcast %eq3A_1023 : i32 to vector<16xi32>
      %eq3A_1025 = arith.cmpi eq, %get3A_1022, %eq3A_1024 : vector<16xi32>
      %get3A_1026 = arith.index_cast %scan3A_54 : i32 to index
      %get3A_1027 = arith.constant 400 : index
      %get3A_1028 = tpu.vector_load %arg6[%get3A_1026, %get3A_1027] {strides = array<i32>} : memref<32x1024xi32, #tpu.memory_space<vmem>>, vector<16xi32>,
      %eq3A_1029 = arith.constant 1 : i32
      %eq3A_1030 = vector.broadcast %eq3A_1029 : i32 to vector<16xi32>
      %eq3A_1031 = arith.cmpi eq, %get3A_1028, %eq3A_1030 : vector<16xi32>
      %get3A_1032 = arith.index_cast %scan3A_54 : i32 to index
      %get3A_1033 = arith.constant 416 : index
      %get3A_1034 = tpu.vector_load %arg6[%get3A_1032, %get3A_1033] {strides = array<i32>} : memref<32x1024xi32, #tpu.memory_space<vmem>>, vector<16xi32>,
      %eq3A_1035 = arith.constant 1 : i32
      %eq3A_1036 = vector.broadcast %eq3A_1035 : i32 to vector<16xi32>
      %eq3A_1037 = arith.cmpi eq, %get3A_1034, %eq3A_1036 : vector<16xi32>
      %get3A_1038 = arith.index_cast %scan3A_54 : i32 to index
      %get3A_1039 = arith.constant 432 : index
      %get3A_1040 = tpu.vector_load %arg6[%get3A_1038, %get3A_1039] {strides = array<i32>} : memref<32x1024xi32, #tpu.memory_space<vmem>>, vector<16xi32>,
      %eq3A_1041 = arith.constant 1 : i32
      %eq3A_1042 = vector.broadcast %eq3A_1041 : i32 to vector<16xi32>
      %eq3A_1043 = arith.cmpi eq, %get3A_1040, %eq3A_1042 : vector<16xi32>
      %get3A_1044 = arith.index_cast %scan3A_54 : i32 to index
      %get3A_1045 = arith.constant 448 : index
      %get3A_1046 = tpu.vector_load %arg6[%get3A_1044, %get3A_1045] {strides = array<i32>} : memref<32x1024xi32, #tpu.memory_space<vmem>>, vector<16xi32>,
      %eq3A_1047 = arith.constant 1 : i32
      %eq3A_1048 = vector.broadcast %eq3A_1047 : i32 to vector<16xi32>
      %eq3A_1049 = arith.cmpi eq, %get3A_1046, %eq3A_1048 : vector<16xi32>
      %get3A_1050 = arith.index_cast %scan3A_54 : i32 to index
      %get3A_1051 = arith.constant 464 : index
      %get3A_1052 = tpu.vector_load %arg6[%get3A_1050, %get3A_1051] {strides = array<i32>} : memref<32x1024xi32, #tpu.memory_space<vmem>>, vector<16xi32>,
      %eq3A_1053 = arith.constant 1 : i32
      %eq3A_1054 = vector.broadcast %eq3A_1053 : i32 to vector<16xi32>
      %eq3A_1055 = arith.cmpi eq, %get3A_1052, %eq3A_1054 : vector<16xi32>
      %get3A_1056 = arith.index_cast %scan3A_54 : i32 to index
      %get3A_1057 = arith.constant 480 : index
      %get3A_1058 = tpu.vector_load %arg6[%get3A_1056, %get3A_1057] {strides = array<i32>} : memref<32x1024xi32, #tpu.memory_space<vmem>>, vector<16xi32>,
      %eq3A_1059 = arith.constant 1 : i32
      %eq3A_1060 = vector.broadcast %eq3A_1059 : i32 to vector<16xi32>
      %eq3A_1061 = arith.cmpi eq, %get3A_1058, %eq3A_1060 : vector<16xi32>
      %get3A_1062 = arith.index_cast %scan3A_54 : i32 to index
      %get3A_1063 = arith.constant 496 : index
      %get3A_1064 = tpu.vector_load %arg6[%get3A_1062, %get3A_1063] {strides = array<i32>} : memref<32x1024xi32, #tpu.memory_space<vmem>>, vector<16xi32>,
      %eq3A_1065 = arith.constant 1 : i32
      %eq3A_1066 = vector.broadcast %eq3A_1065 : i32 to vector<16xi32>
      %eq3A_1067 = arith.cmpi eq, %get3A_1064, %eq3A_1066 : vector<16xi32>
      %parallel_loop3A_1068 = arith.constant 0 : i32
      %parallel_loop3A_1069 = arith.constant 16 : i32
      %parallel_loop3A_1070 = arith.constant 1 : i32
      scf.for %parallel_loop3A_1688 = %parallel_loop3A_1068 to %parallel_loop3A_1069 step %parallel_loop3A_1070  : i32 {
        %parallel_loop3A_1689 = arith.constant 32 : i32
        %parallel_loop3A_1690 = arith.addi %parallel_loop3A_1689, %parallel_loop3A_1688 : i32
        %parallel_loop3A_1691 = arith.index_cast %parallel_loop3A_1690 : i32 to index
        %parallel_loop3A_1692 = arith.constant 0 : index
        %parallel_loop3A_1693 = tpu.vector_load %arg5[%parallel_loop3A_1691, %parallel_loop3A_1692] {strides = array<i32>} : memref<128x16xf32, #tpu.memory_space<vmem>>, vector<16xf32>,
        %parallel_loop3A_1694 = arith.constant 96 : i32
        %parallel_loop3A_1695 = arith.addi %parallel_loop3A_1694, %parallel_loop3A_1688 : i32
        %parallel_loop3A_1696 = arith.index_cast %parallel_loop3A_1695 : i32 to index
        %parallel_loop3A_1697 = arith.constant 0 : index
        %parallel_loop3A_1698 = tpu.vector_load %arg5[%parallel_loop3A_1696, %parallel_loop3A_1697] {strides = array<i32>} : memref<128x16xf32, #tpu.memory_space<vmem>>, vector<16xf32>,
        %parallel_loop3A_1699 = arith.select %eq3A_977, %parallel_loop3A_1693, %parallel_loop3A_1698 : vector<16xi1>, vector<16xf32>
        %parallel_loop3A_1700 = arith.index_cast %parallel_loop3A_1688 : i32 to index
        %parallel_loop3A_1701 = arith.constant 256 : index
        %parallel_loop3A_1702 = tpu.vector_load %arg9[%parallel_loop3A_1700, %parallel_loop3A_1701] {strides = array<i32>} : memref<16x1024xf32, #tpu.memory_space<vmem>>, vector<16xf32>,
        tpu.vector_store %arg9[%parallel_loop3A_1700, %parallel_loop3A_1701], %parallel_loop3A_1699 {strides = array<i32>} : memref<16x1024xf32, #tpu.memory_space<vmem>>, vector<16xf32>,
        %parallel_loop3A_1703 = arith.select %eq3A_983, %parallel_loop3A_1693, %parallel_loop3A_1698 : vector<16xi1>, vector<16xf32>
        %parallel_loop3A_1704 = arith.index_cast %parallel_loop3A_1688 : i32 to index
        %parallel_loop3A_1705 = arith.constant 272 : index
        %parallel_loop3A_1706 = tpu.vector_load %arg9[%parallel_loop3A_1704, %parallel_loop3A_1705] {strides = array<i32>} : memref<16x1024xf32, #tpu.memory_space<vmem>>, vector<16xf32>,
        tpu.vector_store %arg9[%parallel_loop3A_1704, %parallel_loop3A_1705], %parallel_loop3A_1703 {strides = array<i32>} : memref<16x1024xf32, #tpu.memory_space<vmem>>, vector<16xf32>,
        %parallel_loop3A_1707 = arith.select %eq3A_989, %parallel_loop3A_1693, %parallel_loop3A_1698 : vector<16xi1>, vector<16xf32>
        %parallel_loop3A_1708 = arith.index_cast %parallel_loop3A_1688 : i32 to index
        %parallel_loop3A_1709 = arith.constant 288 : index
        %parallel_loop3A_1710 = tpu.vector_load %arg9[%parallel_loop3A_1708, %parallel_loop3A_1709] {strides = array<i32>} : memref<16x1024xf32, #tpu.memory_space<vmem>>, vector<16xf32>,
        tpu.vector_store %arg9[%parallel_loop3A_1708, %parallel_loop3A_1709], %parallel_loop3A_1707 {strides = array<i32>} : memref<16x1024xf32, #tpu.memory_space<vmem>>, vector<16xf32>,
        %parallel_loop3A_1711 = arith.select %eq3A_995, %parallel_loop3A_1693, %parallel_loop3A_1698 : vector<16xi1>, vector<16xf32>
        %parallel_loop3A_1712 = arith.index_cast %parallel_loop3A_1688 : i32 to index
        %parallel_loop3A_1713 = arith.constant 304 : index
        %parallel_loop3A_1714 = tpu.vector_load %arg9[%parallel_loop3A_1712, %parallel_loop3A_1713] {strides = array<i32>} : memref<16x1024xf32, #tpu.memory_space<vmem>>, vector<16xf32>,
        tpu.vector_store %arg9[%parallel_loop3A_1712, %parallel_loop3A_1713], %parallel_loop3A_1711 {strides = array<i32>} : memref<16x1024xf32, #tpu.memory_space<vmem>>, vector<16xf32>,
        %parallel_loop3A_1715 = arith.select %eq3A_1001, %parallel_loop3A_1693, %parallel_loop3A_1698 : vector<16xi1>, vector<16xf32>
        %parallel_loop3A_1716 = arith.index_cast %parallel_loop3A_1688 : i32 to index
        %parallel_loop3A_1717 = arith.constant 320 : index
        %parallel_loop3A_1718 = tpu.vector_load %arg9[%parallel_loop3A_1716, %parallel_loop3A_1717] {strides = array<i32>} : memref<16x1024xf32, #tpu.memory_space<vmem>>, vector<16xf32>,
        tpu.vector_store %arg9[%parallel_loop3A_1716, %parallel_loop3A_1717], %parallel_loop3A_1715 {strides = array<i32>} : memref<16x1024xf32, #tpu.memory_space<vmem>>, vector<16xf32>,
        %parallel_loop3A_1719 = arith.select %eq3A_1007, %parallel_loop3A_1693, %parallel_loop3A_1698 : vector<16xi1>, vector<16xf32>
        %parallel_loop3A_1720 = arith.index_cast %parallel_loop3A_1688 : i32 to index
        %parallel_loop3A_1721 = arith.constant 336 : index
        %parallel_loop3A_1722 = tpu.vector_load %arg9[%parallel_loop3A_1720, %parallel_loop3A_1721] {strides = array<i32>} : memref<16x1024xf32, #tpu.memory_space<vmem>>, vector<16xf32>,
        tpu.vector_store %arg9[%parallel_loop3A_1720, %parallel_loop3A_1721], %parallel_loop3A_1719 {strides = array<i32>} : memref<16x1024xf32, #tpu.memory_space<vmem>>, vector<16xf32>,
        %parallel_loop3A_1723 = arith.select %eq3A_1013, %parallel_loop3A_1693, %parallel_loop3A_1698 : vector<16xi1>, vector<16xf32>
        %parallel_loop3A_1724 = arith.index_cast %parallel_loop3A_1688 : i32 to index
        %parallel_loop3A_1725 = arith.constant 352 : index
        %parallel_loop3A_1726 = tpu.vector_load %arg9[%parallel_loop3A_1724, %parallel_loop3A_1725] {strides = array<i32>} : memref<16x1024xf32, #tpu.memory_space<vmem>>, vector<16xf32>,
        tpu.vector_store %arg9[%parallel_loop3A_1724, %parallel_loop3A_1725], %parallel_loop3A_1723 {strides = array<i32>} : memref<16x1024xf32, #tpu.memory_space<vmem>>, vector<16xf32>,
        %parallel_loop3A_1727 = arith.select %eq3A_1019, %parallel_loop3A_1693, %parallel_loop3A_1698 : vector<16xi1>, vector<16xf32>
        %parallel_loop3A_1728 = arith.index_cast %parallel_loop3A_1688 : i32 to index
        %parallel_loop3A_1729 = arith.constant 368 : index
        %parallel_loop3A_1730 = tpu.vector_load %arg9[%parallel_loop3A_1728, %parallel_loop3A_1729] {strides = array<i32>} : memref<16x1024xf32, #tpu.memory_space<vmem>>, vector<16xf32>,
        tpu.vector_store %arg9[%parallel_loop3A_1728, %parallel_loop3A_1729], %parallel_loop3A_1727 {strides = array<i32>} : memref<16x1024xf32, #tpu.memory_space<vmem>>, vector<16xf32>,
        %parallel_loop3A_1731 = arith.select %eq3A_1025, %parallel_loop3A_1693, %parallel_loop3A_1698 : vector<16xi1>, vector<16xf32>
        %parallel_loop3A_1732 = arith.index_cast %parallel_loop3A_1688 : i32 to index
        %parallel_loop3A_1733 = arith.constant 384 : index
        %parallel_loop3A_1734 = tpu.vector_load %arg9[%parallel_loop3A_1732, %parallel_loop3A_1733] {strides = array<i32>} : memref<16x1024xf32, #tpu.memory_space<vmem>>, vector<16xf32>,
        tpu.vector_store %arg9[%parallel_loop3A_1732, %parallel_loop3A_1733], %parallel_loop3A_1731 {strides = array<i32>} : memref<16x1024xf32, #tpu.memory_space<vmem>>, vector<16xf32>,
        %parallel_loop3A_1735 = arith.select %eq3A_1031, %parallel_loop3A_1693, %parallel_loop3A_1698 : vector<16xi1>, vector<16xf32>
        %parallel_loop3A_1736 = arith.index_cast %parallel_loop3A_1688 : i32 to index
        %parallel_loop3A_1737 = arith.constant 400 : index
        %parallel_loop3A_1738 = tpu.vector_load %arg9[%parallel_loop3A_1736, %parallel_loop3A_1737] {strides = array<i32>} : memref<16x1024xf32, #tpu.memory_space<vmem>>, vector<16xf32>,
        tpu.vector_store %arg9[%parallel_loop3A_1736, %parallel_loop3A_1737], %parallel_loop3A_1735 {strides = array<i32>} : memref<16x1024xf32, #tpu.memory_space<vmem>>, vector<16xf32>,
        %parallel_loop3A_1739 = arith.select %eq3A_1037, %parallel_loop3A_1693, %parallel_loop3A_1698 : vector<16xi1>, vector<16xf32>
        %parallel_loop3A_1740 = arith.index_cast %parallel_loop3A_1688 : i32 to index
        %parallel_loop3A_1741 = arith.constant 416 : index
        %parallel_loop3A_1742 = tpu.vector_load %arg9[%parallel_loop3A_1740, %parallel_loop3A_1741] {strides = array<i32>} : memref<16x1024xf32, #tpu.memory_space<vmem>>, vector<16xf32>,
        tpu.vector_store %arg9[%parallel_loop3A_1740, %parallel_loop3A_1741], %parallel_loop3A_1739 {strides = array<i32>} : memref<16x1024xf32, #tpu.memory_space<vmem>>, vector<16xf32>,
        %parallel_loop3A_1743 = arith.select %eq3A_1043, %parallel_loop3A_1693, %parallel_loop3A_1698 : vector<16xi1>, vector<16xf32>
        %parallel_loop3A_1744 = arith.index_cast %parallel_loop3A_1688 : i32 to index
        %parallel_loop3A_1745 = arith.constant 432 : index
        %parallel_loop3A_1746 = tpu.vector_load %arg9[%parallel_loop3A_1744, %parallel_loop3A_1745] {strides = array<i32>} : memref<16x1024xf32, #tpu.memory_space<vmem>>, vector<16xf32>,
        tpu.vector_store %arg9[%parallel_loop3A_1744, %parallel_loop3A_1745], %parallel_loop3A_1743 {strides = array<i32>} : memref<16x1024xf32, #tpu.memory_space<vmem>>, vector<16xf32>,
        %parallel_loop3A_1747 = arith.select %eq3A_1049, %parallel_loop3A_1693, %parallel_loop3A_1698 : vector<16xi1>, vector<16xf32>
        %parallel_loop3A_1748 = arith.index_cast %parallel_loop3A_1688 : i32 to index
        %parallel_loop3A_1749 = arith.constant 448 : index
        %parallel_loop3A_1750 = tpu.vector_load %arg9[%parallel_loop3A_1748, %parallel_loop3A_1749] {strides = array<i32>} : memref<16x1024xf32, #tpu.memory_space<vmem>>, vector<16xf32>,
        tpu.vector_store %arg9[%parallel_loop3A_1748, %parallel_loop3A_1749], %parallel_loop3A_1747 {strides = array<i32>} : memref<16x1024xf32, #tpu.memory_space<vmem>>, vector<16xf32>,
        %parallel_loop3A_1751 = arith.select %eq3A_1055, %parallel_loop3A_1693, %parallel_loop3A_1698 : vector<16xi1>, vector<16xf32>
        %parallel_loop3A_1752 = arith.index_cast %parallel_loop3A_1688 : i32 to index
        %parallel_loop3A_1753 = arith.constant 464 : index
        %parallel_loop3A_1754 = tpu.vector_load %arg9[%parallel_loop3A_1752, %parallel_loop3A_1753] {strides = array<i32>} : memref<16x1024xf32, #tpu.memory_space<vmem>>, vector<16xf32>,
        tpu.vector_store %arg9[%parallel_loop3A_1752, %parallel_loop3A_1753], %parallel_loop3A_1751 {strides = array<i32>} : memref<16x1024xf32, #tpu.memory_space<vmem>>, vector<16xf32>,
        %parallel_loop3A_1755 = arith.select %eq3A_1061, %parallel_loop3A_1693, %parallel_loop3A_1698 : vector<16xi1>, vector<16xf32>
        %parallel_loop3A_1756 = arith.index_cast %parallel_loop3A_1688 : i32 to index
        %parallel_loop3A_1757 = arith.constant 480 : index
        %parallel_loop3A_1758 = tpu.vector_load %arg9[%parallel_loop3A_1756, %parallel_loop3A_1757] {strides = array<i32>} : memref<16x1024xf32, #tpu.memory_space<vmem>>, vector<16xf32>,
        tpu.vector_store %arg9[%parallel_loop3A_1756, %parallel_loop3A_1757], %parallel_loop3A_1755 {strides = array<i32>} : memref<16x1024xf32, #tpu.memory_space<vmem>>, vector<16xf32>,
        %parallel_loop3A_1759 = arith.select %eq3A_1067, %parallel_loop3A_1693, %parallel_loop3A_1698 : vector<16xi1>, vector<16xf32>
        %parallel_loop3A_1760 = arith.index_cast %parallel_loop3A_1688 : i32 to index
        %parallel_loop3A_1761 = arith.constant 496 : index
        %parallel_loop3A_1762 = tpu.vector_load %arg9[%parallel_loop3A_1760, %parallel_loop3A_1761] {strides = array<i32>} : memref<16x1024xf32, #tpu.memory_space<vmem>>, vector<16xf32>,
        tpu.vector_store %arg9[%parallel_loop3A_1760, %parallel_loop3A_1761], %parallel_loop3A_1759 {strides = array<i32>} : memref<16x1024xf32, #tpu.memory_space<vmem>>, vector<16xf32>,
      } {sc.loop_unroll_factor = 2 : i64, sc.parallel_access}
      %get3A_1071 = arith.index_cast %scan3A_54 : i32 to index
      %get3A_1072 = arith.constant 512 : index
      %get3A_1073 = tpu.vector_load %arg6[%get3A_1071, %get3A_1072] {strides = array<i32>} : memref<32x1024xi32, #tpu.memory_space<vmem>>, vector<16xi32>,
      %eq3A_1074 = arith.constant 1 : i32
      %eq3A_1075 = vector.broadcast %eq3A_1074 : i32 to vector<16xi32>
      %eq3A_1076 = arith.cmpi eq, %get3A_1073, %eq3A_1075 : vector<16xi32>
      %get3A_1077 = arith.index_cast %scan3A_54 : i32 to index
      %get3A_1078 = arith.constant 528 : index
      %get3A_1079 = tpu.vector_load %arg6[%get3A_1077, %get3A_1078] {strides = array<i32>} : memref<32x1024xi32, #tpu.memory_space<vmem>>, vector<16xi32>,
      %eq3A_1080 = arith.constant 1 : i32
      %eq3A_1081 = vector.broadcast %eq3A_1080 : i32 to vector<16xi32>
      %eq3A_1082 = arith.cmpi eq, %get3A_1079, %eq3A_1081 : vector<16xi32>
      %get3A_1083 = arith.index_cast %scan3A_54 : i32 to index
      %get3A_1084 = arith.constant 544 : index
      %get3A_1085 = tpu.vector_load %arg6[%get3A_1083, %get3A_1084] {strides = array<i32>} : memref<32x1024xi32, #tpu.memory_space<vmem>>, vector<16xi32>,
      %eq3A_1086 = arith.constant 1 : i32
      %eq3A_1087 = vector.broadcast %eq3A_1086 : i32 to vector<16xi32>
      %eq3A_1088 = arith.cmpi eq, %get3A_1085, %eq3A_1087 : vector<16xi32>
      %get3A_1089 = arith.index_cast %scan3A_54 : i32 to index
      %get3A_1090 = arith.constant 560 : index
      %get3A_1091 = tpu.vector_load %arg6[%get3A_1089, %get3A_1090] {strides = array<i32>} : memref<32x1024xi32, #tpu.memory_space<vmem>>, vector<16xi32>,
      %eq3A_1092 = arith.constant 1 : i32
      %eq3A_1093 = vector.broadcast %eq3A_1092 : i32 to vector<16xi32>
      %eq3A_1094 = arith.cmpi eq, %get3A_1091, %eq3A_1093 : vector<16xi32>
      %get3A_1095 = arith.index_cast %scan3A_54 : i32 to index
      %get3A_1096 = arith.constant 576 : index
      %get3A_1097 = tpu.vector_load %arg6[%get3A_1095, %get3A_1096] {strides = array<i32>} : memref<32x1024xi32, #tpu.memory_space<vmem>>, vector<16xi32>,
      %eq3A_1098 = arith.constant 1 : i32
      %eq3A_1099 = vector.broadcast %eq3A_1098 : i32 to vector<16xi32>
      %eq3A_1100 = arith.cmpi eq, %get3A_1097, %eq3A_1099 : vector<16xi32>
      %get3A_1101 = arith.index_cast %scan3A_54 : i32 to index
      %get3A_1102 = arith.constant 592 : index
      %get3A_1103 = tpu.vector_load %arg6[%get3A_1101, %get3A_1102] {strides = array<i32>} : memref<32x1024xi32, #tpu.memory_space<vmem>>, vector<16xi32>,
      %eq3A_1104 = arith.constant 1 : i32
      %eq3A_1105 = vector.broadcast %eq3A_1104 : i32 to vector<16xi32>
      %eq3A_1106 = arith.cmpi eq, %get3A_1103, %eq3A_1105 : vector<16xi32>
      %get3A_1107 = arith.index_cast %scan3A_54 : i32 to index
      %get3A_1108 = arith.constant 608 : index
      %get3A_1109 = tpu.vector_load %arg6[%get3A_1107, %get3A_1108] {strides = array<i32>} : memref<32x1024xi32, #tpu.memory_space<vmem>>, vector<16xi32>,
      %eq3A_1110 = arith.constant 1 : i32
      %eq3A_1111 = vector.broadcast %eq3A_1110 : i32 to vector<16xi32>
      %eq3A_1112 = arith.cmpi eq, %get3A_1109, %eq3A_1111 : vector<16xi32>
      %get3A_1113 = arith.index_cast %scan3A_54 : i32 to index
      %get3A_1114 = arith.constant 624 : index
      %get3A_1115 = tpu.vector_load %arg6[%get3A_1113, %get3A_1114] {strides = array<i32>} : memref<32x1024xi32, #tpu.memory_space<vmem>>, vector<16xi32>,
      %eq3A_1116 = arith.constant 1 : i32
      %eq3A_1117 = vector.broadcast %eq3A_1116 : i32 to vector<16xi32>
      %eq3A_1118 = arith.cmpi eq, %get3A_1115, %eq3A_1117 : vector<16xi32>
      %get3A_1119 = arith.index_cast %scan3A_54 : i32 to index
      %get3A_1120 = arith.constant 640 : index
      %get3A_1121 = tpu.vector_load %arg6[%get3A_1119, %get3A_1120] {strides = array<i32>} : memref<32x1024xi32, #tpu.memory_space<vmem>>, vector<16xi32>,
      %eq3A_1122 = arith.constant 1 : i32
      %eq3A_1123 = vector.broadcast %eq3A_1122 : i32 to vector<16xi32>
      %eq3A_1124 = arith.cmpi eq, %get3A_1121, %eq3A_1123 : vector<16xi32>
      %get3A_1125 = arith.index_cast %scan3A_54 : i32 to index
      %get3A_1126 = arith.constant 656 : index
      %get3A_1127 = tpu.vector_load %arg6[%get3A_1125, %get3A_1126] {strides = array<i32>} : memref<32x1024xi32, #tpu.memory_space<vmem>>, vector<16xi32>,
      %eq3A_1128 = arith.constant 1 : i32
      %eq3A_1129 = vector.broadcast %eq3A_1128 : i32 to vector<16xi32>
      %eq3A_1130 = arith.cmpi eq, %get3A_1127, %eq3A_1129 : vector<16xi32>
      %get3A_1131 = arith.index_cast %scan3A_54 : i32 to index
      %get3A_1132 = arith.constant 672 : index
      %get3A_1133 = tpu.vector_load %arg6[%get3A_1131, %get3A_1132] {strides = array<i32>} : memref<32x1024xi32, #tpu.memory_space<vmem>>, vector<16xi32>,
      %eq3A_1134 = arith.constant 1 : i32
      %eq3A_1135 = vector.broadcast %eq3A_1134 : i32 to vector<16xi32>
      %eq3A_1136 = arith.cmpi eq, %get3A_1133, %eq3A_1135 : vector<16xi32>
      %get3A_1137 = arith.index_cast %scan3A_54 : i32 to index
      %get3A_1138 = arith.constant 688 : index
      %get3A_1139 = tpu.vector_load %arg6[%get3A_1137, %get3A_1138] {strides = array<i32>} : memref<32x1024xi32, #tpu.memory_space<vmem>>, vector<16xi32>,
      %eq3A_1140 = arith.constant 1 : i32
      %eq3A_1141 = vector.broadcast %eq3A_1140 : i32 to vector<16xi32>
      %eq3A_1142 = arith.cmpi eq, %get3A_1139, %eq3A_1141 : vector<16xi32>
      %get3A_1143 = arith.index_cast %scan3A_54 : i32 to index
      %get3A_1144 = arith.constant 704 : index
      %get3A_1145 = tpu.vector_load %arg6[%get3A_1143, %get3A_1144] {strides = array<i32>} : memref<32x1024xi32, #tpu.memory_space<vmem>>, vector<16xi32>,
      %eq3A_1146 = arith.constant 1 : i32
      %eq3A_1147 = vector.broadcast %eq3A_1146 : i32 to vector<16xi32>
      %eq3A_1148 = arith.cmpi eq, %get3A_1145, %eq3A_1147 : vector<16xi32>
      %get3A_1149 = arith.index_cast %scan3A_54 : i32 to index
      %get3A_1150 = arith.constant 720 : index
      %get3A_1151 = tpu.vector_load %arg6[%get3A_1149, %get3A_1150] {strides = array<i32>} : memref<32x1024xi32, #tpu.memory_space<vmem>>, vector<16xi32>,
      %eq3A_1152 = arith.constant 1 : i32
      %eq3A_1153 = vector.broadcast %eq3A_1152 : i32 to vector<16xi32>
      %eq3A_1154 = arith.cmpi eq, %get3A_1151, %eq3A_1153 : vector<16xi32>
      %get3A_1155 = arith.index_cast %scan3A_54 : i32 to index
      %get3A_1156 = arith.constant 736 : index
      %get3A_1157 = tpu.vector_load %arg6[%get3A_1155, %get3A_1156] {strides = array<i32>} : memref<32x1024xi32, #tpu.memory_space<vmem>>, vector<16xi32>,
      %eq3A_1158 = arith.constant 1 : i32
      %eq3A_1159 = vector.broadcast %eq3A_1158 : i32 to vector<16xi32>
      %eq3A_1160 = arith.cmpi eq, %get3A_1157, %eq3A_1159 : vector<16xi32>
      %get3A_1161 = arith.index_cast %scan3A_54 : i32 to index
      %get3A_1162 = arith.constant 752 : index
      %get3A_1163 = tpu.vector_load %arg6[%get3A_1161, %get3A_1162] {strides = array<i32>} : memref<32x1024xi32, #tpu.memory_space<vmem>>, vector<16xi32>,
      %eq3A_1164 = arith.constant 1 : i32
      %eq3A_1165 = vector.broadcast %eq3A_1164 : i32 to vector<16xi32>
      %eq3A_1166 = arith.cmpi eq, %get3A_1163, %eq3A_1165 : vector<16xi32>
      %parallel_loop3A_1167 = arith.constant 0 : i32
      %parallel_loop3A_1168 = arith.constant 16 : i32
      %parallel_loop3A_1169 = arith.constant 1 : i32
      scf.for %parallel_loop3A_1688 = %parallel_loop3A_1167 to %parallel_loop3A_1168 step %parallel_loop3A_1169  : i32 {
        %parallel_loop3A_1689 = arith.constant 32 : i32
        %parallel_loop3A_1690 = arith.addi %parallel_loop3A_1689, %parallel_loop3A_1688 : i32
        %parallel_loop3A_1691 = arith.index_cast %parallel_loop3A_1690 : i32 to index
        %parallel_loop3A_1692 = arith.constant 0 : index
        %parallel_loop3A_1693 = tpu.vector_load %arg5[%parallel_loop3A_1691, %parallel_loop3A_1692] {strides = array<i32>} : memref<128x16xf32, #tpu.memory_space<vmem>>, vector<16xf32>,
        %parallel_loop3A_1694 = arith.constant 96 : i32
        %parallel_loop3A_1695 = arith.addi %parallel_loop3A_1694, %parallel_loop3A_1688 : i32
        %parallel_loop3A_1696 = arith.index_cast %parallel_loop3A_1695 : i32 to index
        %parallel_loop3A_1697 = arith.constant 0 : index
        %parallel_loop3A_1698 = tpu.vector_load %arg5[%parallel_loop3A_1696, %parallel_loop3A_1697] {strides = array<i32>} : memref<128x16xf32, #tpu.memory_space<vmem>>, vector<16xf32>,
        %parallel_loop3A_1699 = arith.select %eq3A_1076, %parallel_loop3A_1693, %parallel_loop3A_1698 : vector<16xi1>, vector<16xf32>
        %parallel_loop3A_1700 = arith.index_cast %parallel_loop3A_1688 : i32 to index
        %parallel_loop3A_1701 = arith.constant 512 : index
        %parallel_loop3A_1702 = tpu.vector_load %arg9[%parallel_loop3A_1700, %parallel_loop3A_1701] {strides = array<i32>} : memref<16x1024xf32, #tpu.memory_space<vmem>>, vector<16xf32>,
        tpu.vector_store %arg9[%parallel_loop3A_1700, %parallel_loop3A_1701], %parallel_loop3A_1699 {strides = array<i32>} : memref<16x1024xf32, #tpu.memory_space<vmem>>, vector<16xf32>,
        %parallel_loop3A_1703 = arith.select %eq3A_1082, %parallel_loop3A_1693, %parallel_loop3A_1698 : vector<16xi1>, vector<16xf32>
        %parallel_loop3A_1704 = arith.index_cast %parallel_loop3A_1688 : i32 to index
        %parallel_loop3A_1705 = arith.constant 528 : index
        %parallel_loop3A_1706 = tpu.vector_load %arg9[%parallel_loop3A_1704, %parallel_loop3A_1705] {strides = array<i32>} : memref<16x1024xf32, #tpu.memory_space<vmem>>, vector<16xf32>,
        tpu.vector_store %arg9[%parallel_loop3A_1704, %parallel_loop3A_1705], %parallel_loop3A_1703 {strides = array<i32>} : memref<16x1024xf32, #tpu.memory_space<vmem>>, vector<16xf32>,
        %parallel_loop3A_1707 = arith.select %eq3A_1088, %parallel_loop3A_1693, %parallel_loop3A_1698 : vector<16xi1>, vector<16xf32>
        %parallel_loop3A_1708 = arith.index_cast %parallel_loop3A_1688 : i32 to index
        %parallel_loop3A_1709 = arith.constant 544 : index
        %parallel_loop3A_1710 = tpu.vector_load %arg9[%parallel_loop3A_1708, %parallel_loop3A_1709] {strides = array<i32>} : memref<16x1024xf32, #tpu.memory_space<vmem>>, vector<16xf32>,
        tpu.vector_store %arg9[%parallel_loop3A_1708, %parallel_loop3A_1709], %parallel_loop3A_1707 {strides = array<i32>} : memref<16x1024xf32, #tpu.memory_space<vmem>>, vector<16xf32>,
        %parallel_loop3A_1711 = arith.select %eq3A_1094, %parallel_loop3A_1693, %parallel_loop3A_1698 : vector<16xi1>, vector<16xf32>
        %parallel_loop3A_1712 = arith.index_cast %parallel_loop3A_1688 : i32 to index
        %parallel_loop3A_1713 = arith.constant 560 : index
        %parallel_loop3A_1714 = tpu.vector_load %arg9[%parallel_loop3A_1712, %parallel_loop3A_1713] {strides = array<i32>} : memref<16x1024xf32, #tpu.memory_space<vmem>>, vector<16xf32>,
        tpu.vector_store %arg9[%parallel_loop3A_1712, %parallel_loop3A_1713], %parallel_loop3A_1711 {strides = array<i32>} : memref<16x1024xf32, #tpu.memory_space<vmem>>, vector<16xf32>,
        %parallel_loop3A_1715 = arith.select %eq3A_1100, %parallel_loop3A_1693, %parallel_loop3A_1698 : vector<16xi1>, vector<16xf32>
        %parallel_loop3A_1716 = arith.index_cast %parallel_loop3A_1688 : i32 to index
        %parallel_loop3A_1717 = arith.constant 576 : index
        %parallel_loop3A_1718 = tpu.vector_load %arg9[%parallel_loop3A_1716, %parallel_loop3A_1717] {strides = array<i32>} : memref<16x1024xf32, #tpu.memory_space<vmem>>, vector<16xf32>,
        tpu.vector_store %arg9[%parallel_loop3A_1716, %parallel_loop3A_1717], %parallel_loop3A_1715 {strides = array<i32>} : memref<16x1024xf32, #tpu.memory_space<vmem>>, vector<16xf32>,
        %parallel_loop3A_1719 = arith.select %eq3A_1106, %parallel_loop3A_1693, %parallel_loop3A_1698 : vector<16xi1>, vector<16xf32>
        %parallel_loop3A_1720 = arith.index_cast %parallel_loop3A_1688 : i32 to index
        %parallel_loop3A_1721 = arith.constant 592 : index
        %parallel_loop3A_1722 = tpu.vector_load %arg9[%parallel_loop3A_1720, %parallel_loop3A_1721] {strides = array<i32>} : memref<16x1024xf32, #tpu.memory_space<vmem>>, vector<16xf32>,
        tpu.vector_store %arg9[%parallel_loop3A_1720, %parallel_loop3A_1721], %parallel_loop3A_1719 {strides = array<i32>} : memref<16x1024xf32, #tpu.memory_space<vmem>>, vector<16xf32>,
        %parallel_loop3A_1723 = arith.select %eq3A_1112, %parallel_loop3A_1693, %parallel_loop3A_1698 : vector<16xi1>, vector<16xf32>
        %parallel_loop3A_1724 = arith.index_cast %parallel_loop3A_1688 : i32 to index
        %parallel_loop3A_1725 = arith.constant 608 : index
        %parallel_loop3A_1726 = tpu.vector_load %arg9[%parallel_loop3A_1724, %parallel_loop3A_1725] {strides = array<i32>} : memref<16x1024xf32, #tpu.memory_space<vmem>>, vector<16xf32>,
        tpu.vector_store %arg9[%parallel_loop3A_1724, %parallel_loop3A_1725], %parallel_loop3A_1723 {strides = array<i32>} : memref<16x1024xf32, #tpu.memory_space<vmem>>, vector<16xf32>,
        %parallel_loop3A_1727 = arith.select %eq3A_1118, %parallel_loop3A_1693, %parallel_loop3A_1698 : vector<16xi1>, vector<16xf32>
        %parallel_loop3A_1728 = arith.index_cast %parallel_loop3A_1688 : i32 to index
        %parallel_loop3A_1729 = arith.constant 624 : index
        %parallel_loop3A_1730 = tpu.vector_load %arg9[%parallel_loop3A_1728, %parallel_loop3A_1729] {strides = array<i32>} : memref<16x1024xf32, #tpu.memory_space<vmem>>, vector<16xf32>,
        tpu.vector_store %arg9[%parallel_loop3A_1728, %parallel_loop3A_1729], %parallel_loop3A_1727 {strides = array<i32>} : memref<16x1024xf32, #tpu.memory_space<vmem>>, vector<16xf32>,
        %parallel_loop3A_1731 = arith.select %eq3A_1124, %parallel_loop3A_1693, %parallel_loop3A_1698 : vector<16xi1>, vector<16xf32>
        %parallel_loop3A_1732 = arith.index_cast %parallel_loop3A_1688 : i32 to index
        %parallel_loop3A_1733 = arith.constant 640 : index
        %parallel_loop3A_1734 = tpu.vector_load %arg9[%parallel_loop3A_1732, %parallel_loop3A_1733] {strides = array<i32>} : memref<16x1024xf32, #tpu.memory_space<vmem>>, vector<16xf32>,
        tpu.vector_store %arg9[%parallel_loop3A_1732, %parallel_loop3A_1733], %parallel_loop3A_1731 {strides = array<i32>} : memref<16x1024xf32, #tpu.memory_space<vmem>>, vector<16xf32>,
        %parallel_loop3A_1735 = arith.select %eq3A_1130, %parallel_loop3A_1693, %parallel_loop3A_1698 : vector<16xi1>, vector<16xf32>
        %parallel_loop3A_1736 = arith.index_cast %parallel_loop3A_1688 : i32 to index
        %parallel_loop3A_1737 = arith.constant 656 : index
        %parallel_loop3A_1738 = tpu.vector_load %arg9[%parallel_loop3A_1736, %parallel_loop3A_1737] {strides = array<i32>} : memref<16x1024xf32, #tpu.memory_space<vmem>>, vector<16xf32>,
        tpu.vector_store %arg9[%parallel_loop3A_1736, %parallel_loop3A_1737], %parallel_loop3A_1735 {strides = array<i32>} : memref<16x1024xf32, #tpu.memory_space<vmem>>, vector<16xf32>,
        %parallel_loop3A_1739 = arith.select %eq3A_1136, %parallel_loop3A_1693, %parallel_loop3A_1698 : vector<16xi1>, vector<16xf32>
        %parallel_loop3A_1740 = arith.index_cast %parallel_loop3A_1688 : i32 to index
        %parallel_loop3A_1741 = arith.constant 672 : index
        %parallel_loop3A_1742 = tpu.vector_load %arg9[%parallel_loop3A_1740, %parallel_loop3A_1741] {strides = array<i32>} : memref<16x1024xf32, #tpu.memory_space<vmem>>, vector<16xf32>,
        tpu.vector_store %arg9[%parallel_loop3A_1740, %parallel_loop3A_1741], %parallel_loop3A_1739 {strides = array<i32>} : memref<16x1024xf32, #tpu.memory_space<vmem>>, vector<16xf32>,
        %parallel_loop3A_1743 = arith.select %eq3A_1142, %parallel_loop3A_1693, %parallel_loop3A_1698 : vector<16xi1>, vector<16xf32>
        %parallel_loop3A_1744 = arith.index_cast %parallel_loop3A_1688 : i32 to index
        %parallel_loop3A_1745 = arith.constant 688 : index
        %parallel_loop3A_1746 = tpu.vector_load %arg9[%parallel_loop3A_1744, %parallel_loop3A_1745] {strides = array<i32>} : memref<16x1024xf32, #tpu.memory_space<vmem>>, vector<16xf32>,
        tpu.vector_store %arg9[%parallel_loop3A_1744, %parallel_loop3A_1745], %parallel_loop3A_1743 {strides = array<i32>} : memref<16x1024xf32, #tpu.memory_space<vmem>>, vector<16xf32>,
        %parallel_loop3A_1747 = arith.select %eq3A_1148, %parallel_loop3A_1693, %parallel_loop3A_1698 : vector<16xi1>, vector<16xf32>
        %parallel_loop3A_1748 = arith.index_cast %parallel_loop3A_1688 : i32 to index
        %parallel_loop3A_1749 = arith.constant 704 : index
        %parallel_loop3A_1750 = tpu.vector_load %arg9[%parallel_loop3A_1748, %parallel_loop3A_1749] {strides = array<i32>} : memref<16x1024xf32, #tpu.memory_space<vmem>>, vector<16xf32>,
        tpu.vector_store %arg9[%parallel_loop3A_1748, %parallel_loop3A_1749], %parallel_loop3A_1747 {strides = array<i32>} : memref<16x1024xf32, #tpu.memory_space<vmem>>, vector<16xf32>,
        %parallel_loop3A_1751 = arith.select %eq3A_1154, %parallel_loop3A_1693, %parallel_loop3A_1698 : vector<16xi1>, vector<16xf32>
        %parallel_loop3A_1752 = arith.index_cast %parallel_loop3A_1688 : i32 to index
        %parallel_loop3A_1753 = arith.constant 720 : index
        %parallel_loop3A_1754 = tpu.vector_load %arg9[%parallel_loop3A_1752, %parallel_loop3A_1753] {strides = array<i32>} : memref<16x1024xf32, #tpu.memory_space<vmem>>, vector<16xf32>,
        tpu.vector_store %arg9[%parallel_loop3A_1752, %parallel_loop3A_1753], %parallel_loop3A_1751 {strides = array<i32>} : memref<16x1024xf32, #tpu.memory_space<vmem>>, vector<16xf32>,
        %parallel_loop3A_1755 = arith.select %eq3A_1160, %parallel_loop3A_1693, %parallel_loop3A_1698 : vector<16xi1>, vector<16xf32>
        %parallel_loop3A_1756 = arith.index_cast %parallel_loop3A_1688 : i32 to index
        %parallel_loop3A_1757 = arith.constant 736 : index
        %parallel_loop3A_1758 = tpu.vector_load %arg9[%parallel_loop3A_1756, %parallel_loop3A_1757] {strides = array<i32>} : memref<16x1024xf32, #tpu.memory_space<vmem>>, vector<16xf32>,
        tpu.vector_store %arg9[%parallel_loop3A_1756, %parallel_loop3A_1757], %parallel_loop3A_1755 {strides = array<i32>} : memref<16x1024xf32, #tpu.memory_space<vmem>>, vector<16xf32>,
        %parallel_loop3A_1759 = arith.select %eq3A_1166, %parallel_loop3A_1693, %parallel_loop3A_1698 : vector<16xi1>, vector<16xf32>
        %parallel_loop3A_1760 = arith.index_cast %parallel_loop3A_1688 : i32 to index
        %parallel_loop3A_1761 = arith.constant 752 : index
        %parallel_loop3A_1762 = tpu.vector_load %arg9[%parallel_loop3A_1760, %parallel_loop3A_1761] {strides = array<i32>} : memref<16x1024xf32, #tpu.memory_space<vmem>>, vector<16xf32>,
        tpu.vector_store %arg9[%parallel_loop3A_1760, %parallel_loop3A_1761], %parallel_loop3A_1759 {strides = array<i32>} : memref<16x1024xf32, #tpu.memory_space<vmem>>, vector<16xf32>,
      } {sc.loop_unroll_factor = 2 : i64, sc.parallel_access}
      %get3A_1170 = arith.index_cast %scan3A_54 : i32 to index
      %get3A_1171 = arith.constant 768 : index
      %get3A_1172 = tpu.vector_load %arg6[%get3A_1170, %get3A_1171] {strides = array<i32>} : memref<32x1024xi32, #tpu.memory_space<vmem>>, vector<16xi32>,
      %eq3A_1173 = arith.constant 1 : i32
      %eq3A_1174 = vector.broadcast %eq3A_1173 : i32 to vector<16xi32>
      %eq3A_1175 = arith.cmpi eq, %get3A_1172, %eq3A_1174 : vector<16xi32>
      %get3A_1176 = arith.index_cast %scan3A_54 : i32 to index
      %get3A_1177 = arith.constant 784 : index
      %get3A_1178 = tpu.vector_load %arg6[%get3A_1176, %get3A_1177] {strides = array<i32>} : memref<32x1024xi32, #tpu.memory_space<vmem>>, vector<16xi32>,
      %eq3A_1179 = arith.constant 1 : i32
      %eq3A_1180 = vector.broadcast %eq3A_1179 : i32 to vector<16xi32>
      %eq3A_1181 = arith.cmpi eq, %get3A_1178, %eq3A_1180 : vector<16xi32>
      %get3A_1182 = arith.index_cast %scan3A_54 : i32 to index
      %get3A_1183 = arith.constant 800 : index
      %get3A_1184 = tpu.vector_load %arg6[%get3A_1182, %get3A_1183] {strides = array<i32>} : memref<32x1024xi32, #tpu.memory_space<vmem>>, vector<16xi32>,
      %eq3A_1185 = arith.constant 1 : i32
      %eq3A_1186 = vector.broadcast %eq3A_1185 : i32 to vector<16xi32>
      %eq3A_1187 = arith.cmpi eq, %get3A_1184, %eq3A_1186 : vector<16xi32>
      %get3A_1188 = arith.index_cast %scan3A_54 : i32 to index
      %get3A_1189 = arith.constant 816 : index
      %get3A_1190 = tpu.vector_load %arg6[%get3A_1188, %get3A_1189] {strides = array<i32>} : memref<32x1024xi32, #tpu.memory_space<vmem>>, vector<16xi32>,
      %eq3A_1191 = arith.constant 1 : i32
      %eq3A_1192 = vector.broadcast %eq3A_1191 : i32 to vector<16xi32>
      %eq3A_1193 = arith.cmpi eq, %get3A_1190, %eq3A_1192 : vector<16xi32>
      %get3A_1194 = arith.index_cast %scan3A_54 : i32 to index
      %get3A_1195 = arith.constant 832 : index
      %get3A_1196 = tpu.vector_load %arg6[%get3A_1194, %get3A_1195] {strides = array<i32>} : memref<32x1024xi32, #tpu.memory_space<vmem>>, vector<16xi32>,
      %eq3A_1197 = arith.constant 1 : i32
      %eq3A_1198 = vector.broadcast %eq3A_1197 : i32 to vector<16xi32>
      %eq3A_1199 = arith.cmpi eq, %get3A_1196, %eq3A_1198 : vector<16xi32>
      %get3A_1200 = arith.index_cast %scan3A_54 : i32 to index
      %get3A_1201 = arith.constant 848 : index
      %get3A_1202 = tpu.vector_load %arg6[%get3A_1200, %get3A_1201] {strides = array<i32>} : memref<32x1024xi32, #tpu.memory_space<vmem>>, vector<16xi32>,
      %eq3A_1203 = arith.constant 1 : i32
      %eq3A_1204 = vector.broadcast %eq3A_1203 : i32 to vector<16xi32>
      %eq3A_1205 = arith.cmpi eq, %get3A_1202, %eq3A_1204 : vector<16xi32>
      %get3A_1206 = arith.index_cast %scan3A_54 : i32 to index
      %get3A_1207 = arith.constant 864 : index
      %get3A_1208 = tpu.vector_load %arg6[%get3A_1206, %get3A_1207] {strides = array<i32>} : memref<32x1024xi32, #tpu.memory_space<vmem>>, vector<16xi32>,
      %eq3A_1209 = arith.constant 1 : i32
      %eq3A_1210 = vector.broadcast %eq3A_1209 : i32 to vector<16xi32>
      %eq3A_1211 = arith.cmpi eq, %get3A_1208, %eq3A_1210 : vector<16xi32>
      %get3A_1212 = arith.index_cast %scan3A_54 : i32 to index
      %get3A_1213 = arith.constant 880 : index
      %get3A_1214 = tpu.vector_load %arg6[%get3A_1212, %get3A_1213] {strides = array<i32>} : memref<32x1024xi32, #tpu.memory_space<vmem>>, vector<16xi32>,
      %eq3A_1215 = arith.constant 1 : i32
      %eq3A_1216 = vector.broadcast %eq3A_1215 : i32 to vector<16xi32>
      %eq3A_1217 = arith.cmpi eq, %get3A_1214, %eq3A_1216 : vector<16xi32>
      %get3A_1218 = arith.index_cast %scan3A_54 : i32 to index
      %get3A_1219 = arith.constant 896 : index
      %get3A_1220 = tpu.vector_load %arg6[%get3A_1218, %get3A_1219] {strides = array<i32>} : memref<32x1024xi32, #tpu.memory_space<vmem>>, vector<16xi32>,
      %eq3A_1221 = arith.constant 1 : i32
      %eq3A_1222 = vector.broadcast %eq3A_1221 : i32 to vector<16xi32>
      %eq3A_1223 = arith.cmpi eq, %get3A_1220, %eq3A_1222 : vector<16xi32>
      %get3A_1224 = arith.index_cast %scan3A_54 : i32 to index
      %get3A_1225 = arith.constant 912 : index
      %get3A_1226 = tpu.vector_load %arg6[%get3A_1224, %get3A_1225] {strides = array<i32>} : memref<32x1024xi32, #tpu.memory_space<vmem>>, vector<16xi32>,
      %eq3A_1227 = arith.constant 1 : i32
      %eq3A_1228 = vector.broadcast %eq3A_1227 : i32 to vector<16xi32>
      %eq3A_1229 = arith.cmpi eq, %get3A_1226, %eq3A_1228 : vector<16xi32>
      %get3A_1230 = arith.index_cast %scan3A_54 : i32 to index
      %get3A_1231 = arith.constant 928 : index
      %get3A_1232 = tpu.vector_load %arg6[%get3A_1230, %get3A_1231] {strides = array<i32>} : memref<32x1024xi32, #tpu.memory_space<vmem>>, vector<16xi32>,
      %eq3A_1233 = arith.constant 1 : i32
      %eq3A_1234 = vector.broadcast %eq3A_1233 : i32 to vector<16xi32>
      %eq3A_1235 = arith.cmpi eq, %get3A_1232, %eq3A_1234 : vector<16xi32>
      %get3A_1236 = arith.index_cast %scan3A_54 : i32 to index
      %get3A_1237 = arith.constant 944 : index
      %get3A_1238 = tpu.vector_load %arg6[%get3A_1236, %get3A_1237] {strides = array<i32>} : memref<32x1024xi32, #tpu.memory_space<vmem>>, vector<16xi32>,
      %eq3A_1239 = arith.constant 1 : i32
      %eq3A_1240 = vector.broadcast %eq3A_1239 : i32 to vector<16xi32>
      %eq3A_1241 = arith.cmpi eq, %get3A_1238, %eq3A_1240 : vector<16xi32>
      %get3A_1242 = arith.index_cast %scan3A_54 : i32 to index
      %get3A_1243 = arith.constant 960 : index
      %get3A_1244 = tpu.vector_load %arg6[%get3A_1242, %get3A_1243] {strides = array<i32>} : memref<32x1024xi32, #tpu.memory_space<vmem>>, vector<16xi32>,
      %eq3A_1245 = arith.constant 1 : i32
      %eq3A_1246 = vector.broadcast %eq3A_1245 : i32 to vector<16xi32>
      %eq3A_1247 = arith.cmpi eq, %get3A_1244, %eq3A_1246 : vector<16xi32>
      %get3A_1248 = arith.index_cast %scan3A_54 : i32 to index
      %get3A_1249 = arith.constant 976 : index
      %get3A_1250 = tpu.vector_load %arg6[%get3A_1248, %get3A_1249] {strides = array<i32>} : memref<32x1024xi32, #tpu.memory_space<vmem>>, vector<16xi32>,
      %eq3A_1251 = arith.constant 1 : i32
      %eq3A_1252 = vector.broadcast %eq3A_1251 : i32 to vector<16xi32>
      %eq3A_1253 = arith.cmpi eq, %get3A_1250, %eq3A_1252 : vector<16xi32>
      %get3A_1254 = arith.index_cast %scan3A_54 : i32 to index
      %get3A_1255 = arith.constant 992 : index
      %get3A_1256 = tpu.vector_load %arg6[%get3A_1254, %get3A_1255] {strides = array<i32>} : memref<32x1024xi32, #tpu.memory_space<vmem>>, vector<16xi32>,
      %eq3A_1257 = arith.constant 1 : i32
      %eq3A_1258 = vector.broadcast %eq3A_1257 : i32 to vector<16xi32>
      %eq3A_1259 = arith.cmpi eq, %get3A_1256, %eq3A_1258 : vector<16xi32>
      %get3A_1260 = arith.index_cast %scan3A_54 : i32 to index
      %get3A_1261 = arith.constant 1008 : index
      %get3A_1262 = tpu.vector_load %arg6[%get3A_1260, %get3A_1261] {strides = array<i32>} : memref<32x1024xi32, #tpu.memory_space<vmem>>, vector<16xi32>,
      %eq3A_1263 = arith.constant 1 : i32
      %eq3A_1264 = vector.broadcast %eq3A_1263 : i32 to vector<16xi32>
      %eq3A_1265 = arith.cmpi eq, %get3A_1262, %eq3A_1264 : vector<16xi32>
      %parallel_loop3A_1266 = arith.constant 0 : i32
      %parallel_loop3A_1267 = arith.constant 16 : i32
      %parallel_loop3A_1268 = arith.constant 1 : i32
      scf.for %parallel_loop3A_1688 = %parallel_loop3A_1266 to %parallel_loop3A_1267 step %parallel_loop3A_1268  : i32 {
        %parallel_loop3A_1689 = arith.constant 32 : i32
        %parallel_loop3A_1690 = arith.addi %parallel_loop3A_1689, %parallel_loop3A_1688 : i32
        %parallel_loop3A_1691 = arith.index_cast %parallel_loop3A_1690 : i32 to index
        %parallel_loop3A_1692 = arith.constant 0 : index
        %parallel_loop3A_1693 = tpu.vector_load %arg5[%parallel_loop3A_1691, %parallel_loop3A_1692] {strides = array<i32>} : memref<128x16xf32, #tpu.memory_space<vmem>>, vector<16xf32>,
        %parallel_loop3A_1694 = arith.constant 96 : i32
        %parallel_loop3A_1695 = arith.addi %parallel_loop3A_1694, %parallel_loop3A_1688 : i32
        %parallel_loop3A_1696 = arith.index_cast %parallel_loop3A_1695 : i32 to index
        %parallel_loop3A_1697 = arith.constant 0 : index
        %parallel_loop3A_1698 = tpu.vector_load %arg5[%parallel_loop3A_1696, %parallel_loop3A_1697] {strides = array<i32>} : memref<128x16xf32, #tpu.memory_space<vmem>>, vector<16xf32>,
        %parallel_loop3A_1699 = arith.select %eq3A_1175, %parallel_loop3A_1693, %parallel_loop3A_1698 : vector<16xi1>, vector<16xf32>
        %parallel_loop3A_1700 = arith.index_cast %parallel_loop3A_1688 : i32 to index
        %parallel_loop3A_1701 = arith.constant 768 : index
        %parallel_loop3A_1702 = tpu.vector_load %arg9[%parallel_loop3A_1700, %parallel_loop3A_1701] {strides = array<i32>} : memref<16x1024xf32, #tpu.memory_space<vmem>>, vector<16xf32>,
        tpu.vector_store %arg9[%parallel_loop3A_1700, %parallel_loop3A_1701], %parallel_loop3A_1699 {strides = array<i32>} : memref<16x1024xf32, #tpu.memory_space<vmem>>, vector<16xf32>,
        %parallel_loop3A_1703 = arith.select %eq3A_1181, %parallel_loop3A_1693, %parallel_loop3A_1698 : vector<16xi1>, vector<16xf32>
        %parallel_loop3A_1704 = arith.index_cast %parallel_loop3A_1688 : i32 to index
        %parallel_loop3A_1705 = arith.constant 784 : index
        %parallel_loop3A_1706 = tpu.vector_load %arg9[%parallel_loop3A_1704, %parallel_loop3A_1705] {strides = array<i32>} : memref<16x1024xf32, #tpu.memory_space<vmem>>, vector<16xf32>,
        tpu.vector_store %arg9[%parallel_loop3A_1704, %parallel_loop3A_1705], %parallel_loop3A_1703 {strides = array<i32>} : memref<16x1024xf32, #tpu.memory_space<vmem>>, vector<16xf32>,
        %parallel_loop3A_1707 = arith.select %eq3A_1187, %parallel_loop3A_1693, %parallel_loop3A_1698 : vector<16xi1>, vector<16xf32>
        %parallel_loop3A_1708 = arith.index_cast %parallel_loop3A_1688 : i32 to index
        %parallel_loop3A_1709 = arith.constant 800 : index
        %parallel_loop3A_1710 = tpu.vector_load %arg9[%parallel_loop3A_1708, %parallel_loop3A_1709] {strides = array<i32>} : memref<16x1024xf32, #tpu.memory_space<vmem>>, vector<16xf32>,
        tpu.vector_store %arg9[%parallel_loop3A_1708, %parallel_loop3A_1709], %parallel_loop3A_1707 {strides = array<i32>} : memref<16x1024xf32, #tpu.memory_space<vmem>>, vector<16xf32>,
        %parallel_loop3A_1711 = arith.select %eq3A_1193, %parallel_loop3A_1693, %parallel_loop3A_1698 : vector<16xi1>, vector<16xf32>
        %parallel_loop3A_1712 = arith.index_cast %parallel_loop3A_1688 : i32 to index
        %parallel_loop3A_1713 = arith.constant 816 : index
        %parallel_loop3A_1714 = tpu.vector_load %arg9[%parallel_loop3A_1712, %parallel_loop3A_1713] {strides = array<i32>} : memref<16x1024xf32, #tpu.memory_space<vmem>>, vector<16xf32>,
        tpu.vector_store %arg9[%parallel_loop3A_1712, %parallel_loop3A_1713], %parallel_loop3A_1711 {strides = array<i32>} : memref<16x1024xf32, #tpu.memory_space<vmem>>, vector<16xf32>,
        %parallel_loop3A_1715 = arith.select %eq3A_1199, %parallel_loop3A_1693, %parallel_loop3A_1698 : vector<16xi1>, vector<16xf32>
        %parallel_loop3A_1716 = arith.index_cast %parallel_loop3A_1688 : i32 to index
        %parallel_loop3A_1717 = arith.constant 832 : index
        %parallel_loop3A_1718 = tpu.vector_load %arg9[%parallel_loop3A_1716, %parallel_loop3A_1717] {strides = array<i32>} : memref<16x1024xf32, #tpu.memory_space<vmem>>, vector<16xf32>,
        tpu.vector_store %arg9[%parallel_loop3A_1716, %parallel_loop3A_1717], %parallel_loop3A_1715 {strides = array<i32>} : memref<16x1024xf32, #tpu.memory_space<vmem>>, vector<16xf32>,
        %parallel_loop3A_1719 = arith.select %eq3A_1205, %parallel_loop3A_1693, %parallel_loop3A_1698 : vector<16xi1>, vector<16xf32>
        %parallel_loop3A_1720 = arith.index_cast %parallel_loop3A_1688 : i32 to index
        %parallel_loop3A_1721 = arith.constant 848 : index
        %parallel_loop3A_1722 = tpu.vector_load %arg9[%parallel_loop3A_1720, %parallel_loop3A_1721] {strides = array<i32>} : memref<16x1024xf32, #tpu.memory_space<vmem>>, vector<16xf32>,
        tpu.vector_store %arg9[%parallel_loop3A_1720, %parallel_loop3A_1721], %parallel_loop3A_1719 {strides = array<i32>} : memref<16x1024xf32, #tpu.memory_space<vmem>>, vector<16xf32>,
        %parallel_loop3A_1723 = arith.select %eq3A_1211, %parallel_loop3A_1693, %parallel_loop3A_1698 : vector<16xi1>, vector<16xf32>
        %parallel_loop3A_1724 = arith.index_cast %parallel_loop3A_1688 : i32 to index
        %parallel_loop3A_1725 = arith.constant 864 : index
        %parallel_loop3A_1726 = tpu.vector_load %arg9[%parallel_loop3A_1724, %parallel_loop3A_1725] {strides = array<i32>} : memref<16x1024xf32, #tpu.memory_space<vmem>>, vector<16xf32>,
        tpu.vector_store %arg9[%parallel_loop3A_1724, %parallel_loop3A_1725], %parallel_loop3A_1723 {strides = array<i32>} : memref<16x1024xf32, #tpu.memory_space<vmem>>, vector<16xf32>,
        %parallel_loop3A_1727 = arith.select %eq3A_1217, %parallel_loop3A_1693, %parallel_loop3A_1698 : vector<16xi1>, vector<16xf32>
        %parallel_loop3A_1728 = arith.index_cast %parallel_loop3A_1688 : i32 to index
        %parallel_loop3A_1729 = arith.constant 880 : index
        %parallel_loop3A_1730 = tpu.vector_load %arg9[%parallel_loop3A_1728, %parallel_loop3A_1729] {strides = array<i32>} : memref<16x1024xf32, #tpu.memory_space<vmem>>, vector<16xf32>,
        tpu.vector_store %arg9[%parallel_loop3A_1728, %parallel_loop3A_1729], %parallel_loop3A_1727 {strides = array<i32>} : memref<16x1024xf32, #tpu.memory_space<vmem>>, vector<16xf32>,
        %parallel_loop3A_1731 = arith.select %eq3A_1223, %parallel_loop3A_1693, %parallel_loop3A_1698 : vector<16xi1>, vector<16xf32>
        %parallel_loop3A_1732 = arith.index_cast %parallel_loop3A_1688 : i32 to index
        %parallel_loop3A_1733 = arith.constant 896 : index
        %parallel_loop3A_1734 = tpu.vector_load %arg9[%parallel_loop3A_1732, %parallel_loop3A_1733] {strides = array<i32>} : memref<16x1024xf32, #tpu.memory_space<vmem>>, vector<16xf32>,
        tpu.vector_store %arg9[%parallel_loop3A_1732, %parallel_loop3A_1733], %parallel_loop3A_1731 {strides = array<i32>} : memref<16x1024xf32, #tpu.memory_space<vmem>>, vector<16xf32>,
        %parallel_loop3A_1735 = arith.select %eq3A_1229, %parallel_loop3A_1693, %parallel_loop3A_1698 : vector<16xi1>, vector<16xf32>
        %parallel_loop3A_1736 = arith.index_cast %parallel_loop3A_1688 : i32 to index
        %parallel_loop3A_1737 = arith.constant 912 : index
        %parallel_loop3A_1738 = tpu.vector_load %arg9[%parallel_loop3A_1736, %parallel_loop3A_1737] {strides = array<i32>} : memref<16x1024xf32, #tpu.memory_space<vmem>>, vector<16xf32>,
        tpu.vector_store %arg9[%parallel_loop3A_1736, %parallel_loop3A_1737], %parallel_loop3A_1735 {strides = array<i32>} : memref<16x1024xf32, #tpu.memory_space<vmem>>, vector<16xf32>,
        %parallel_loop3A_1739 = arith.select %eq3A_1235, %parallel_loop3A_1693, %parallel_loop3A_1698 : vector<16xi1>, vector<16xf32>
        %parallel_loop3A_1740 = arith.index_cast %parallel_loop3A_1688 : i32 to index
        %parallel_loop3A_1741 = arith.constant 928 : index
        %parallel_loop3A_1742 = tpu.vector_load %arg9[%parallel_loop3A_1740, %parallel_loop3A_1741] {strides = array<i32>} : memref<16x1024xf32, #tpu.memory_space<vmem>>, vector<16xf32>,
        tpu.vector_store %arg9[%parallel_loop3A_1740, %parallel_loop3A_1741], %parallel_loop3A_1739 {strides = array<i32>} : memref<16x1024xf32, #tpu.memory_space<vmem>>, vector<16xf32>,
        %parallel_loop3A_1743 = arith.select %eq3A_1241, %parallel_loop3A_1693, %parallel_loop3A_1698 : vector<16xi1>, vector<16xf32>
        %parallel_loop3A_1744 = arith.index_cast %parallel_loop3A_1688 : i32 to index
        %parallel_loop3A_1745 = arith.constant 944 : index
        %parallel_loop3A_1746 = tpu.vector_load %arg9[%parallel_loop3A_1744, %parallel_loop3A_1745] {strides = array<i32>} : memref<16x1024xf32, #tpu.memory_space<vmem>>, vector<16xf32>,
        tpu.vector_store %arg9[%parallel_loop3A_1744, %parallel_loop3A_1745], %parallel_loop3A_1743 {strides = array<i32>} : memref<16x1024xf32, #tpu.memory_space<vmem>>, vector<16xf32>,
        %parallel_loop3A_1747 = arith.select %eq3A_1247, %parallel_loop3A_1693, %parallel_loop3A_1698 : vector<16xi1>, vector<16xf32>
        %parallel_loop3A_1748 = arith.index_cast %parallel_loop3A_1688 : i32 to index
        %parallel_loop3A_1749 = arith.constant 960 : index
        %parallel_loop3A_1750 = tpu.vector_load %arg9[%parallel_loop3A_1748, %parallel_loop3A_1749] {strides = array<i32>} : memref<16x1024xf32, #tpu.memory_space<vmem>>, vector<16xf32>,
        tpu.vector_store %arg9[%parallel_loop3A_1748, %parallel_loop3A_1749], %parallel_loop3A_1747 {strides = array<i32>} : memref<16x1024xf32, #tpu.memory_space<vmem>>, vector<16xf32>,
        %parallel_loop3A_1751 = arith.select %eq3A_1253, %parallel_loop3A_1693, %parallel_loop3A_1698 : vector<16xi1>, vector<16xf32>
        %parallel_loop3A_1752 = arith.index_cast %parallel_loop3A_1688 : i32 to index
        %parallel_loop3A_1753 = arith.constant 976 : index
        %parallel_loop3A_1754 = tpu.vector_load %arg9[%parallel_loop3A_1752, %parallel_loop3A_1753] {strides = array<i32>} : memref<16x1024xf32, #tpu.memory_space<vmem>>, vector<16xf32>,
        tpu.vector_store %arg9[%parallel_loop3A_1752, %parallel_loop3A_1753], %parallel_loop3A_1751 {strides = array<i32>} : memref<16x1024xf32, #tpu.memory_space<vmem>>, vector<16xf32>,
        %parallel_loop3A_1755 = arith.select %eq3A_1259, %parallel_loop3A_1693, %parallel_loop3A_1698 : vector<16xi1>, vector<16xf32>
        %parallel_loop3A_1756 = arith.index_cast %parallel_loop3A_1688 : i32 to index
        %parallel_loop3A_1757 = arith.constant 992 : index
        %parallel_loop3A_1758 = tpu.vector_load %arg9[%parallel_loop3A_1756, %parallel_loop3A_1757] {strides = array<i32>} : memref<16x1024xf32, #tpu.memory_space<vmem>>, vector<16xf32>,
        tpu.vector_store %arg9[%parallel_loop3A_1756, %parallel_loop3A_1757], %parallel_loop3A_1755 {strides = array<i32>} : memref<16x1024xf32, #tpu.memory_space<vmem>>, vector<16xf32>,
        %parallel_loop3A_1759 = arith.select %eq3A_1265, %parallel_loop3A_1693, %parallel_loop3A_1698 : vector<16xi1>, vector<16xf32>
        %parallel_loop3A_1760 = arith.index_cast %parallel_loop3A_1688 : i32 to index
        %parallel_loop3A_1761 = arith.constant 1008 : index
        %parallel_loop3A_1762 = tpu.vector_load %arg9[%parallel_loop3A_1760, %parallel_loop3A_1761] {strides = array<i32>} : memref<16x1024xf32, #tpu.memory_space<vmem>>, vector<16xf32>,
        tpu.vector_store %arg9[%parallel_loop3A_1760, %parallel_loop3A_1761], %parallel_loop3A_1759 {strides = array<i32>} : memref<16x1024xf32, #tpu.memory_space<vmem>>, vector<16xf32>,
      } {sc.loop_unroll_factor = 2 : i64, sc.parallel_access}
      %add3A_1269 = arith.addi %mul3A_2, %scan3A_54 : i32
      %dma_start3A_1270 = arith.constant 32 : i32
      %dma_start3A_1271 = arith.constant 0 : i32
      %dma_start3A_1272 = tpu.memref_slice %arg4[%add3A_1269, %dma_start3A_1270, %dma_start3A_1271] : memref<1024x64x1024xf32, #tpu.memory_space<hbm>> -> memref<1x16x1024xf32, #tpu.memory_space<hbm>>
      %dma_start3A_1273 = tpu.memref_squeeze %dma_start3A_1272 : memref<1x16x1024xf32, #tpu.memory_space<hbm>> -> memref<16x1024xf32, #tpu.memory_space<hbm>>
      %dma_start3A_1274 = arith.constant 32 : i32
      %dma_start3A_1275 = arith.constant 0 : i32
      %dma_start3A_1276 = tpu.memref_slice %arg4[%add3A_1269, %dma_start3A_1274, %dma_start3A_1275] : memref<1024x64x1024xf32, #tpu.memory_space<hbm>> -> memref<1x16x1024xf32, #tpu.memory_space<hbm>>
      %dma_start3A_1277 = tpu.memref_squeeze %dma_start3A_1276 : memref<1x16x1024xf32, #tpu.memory_space<hbm>> -> memref<16x1024xf32, #tpu.memory_space<hbm>>
      tpu.enqueue_dma source(%arg9 : memref<16x1024xf32, #tpu.memory_space<vmem>>) target(%dma_start3A_1277 : memref<16x1024xf32, #tpu.memory_space<hbm>>) target_semaphore(%arg13 : memref<!tpu.dma_semaphore, #tpu.memory_space<semaphore_mem>>)
      %gt3A_1278 = arith.constant 0 : i32
      %gt3A_1279 = arith.cmpi sgt, %scan3A_54, %gt3A_1278 : i32
      %convert_element_type3A_1280 = arith.extui %gt3A_1279 : i1 to i32
      %cond3A_1281 = arith.constant 0 : i32
      %cond3A_1282 = arith.cmpi ne, %convert_element_type3A_1280, %cond3A_1281 : i32
      scf.if %cond3A_1282 {
        %add3A_1688 = arith.addi %mul3A_2, %scan3A_54 : i32
        %sub3A_1689 = arith.constant 1 : i32
        %sub3A_1690 = arith.subi %add3A_1688, %sub3A_1689 : i32
        %dma_wait3A_1691 = arith.constant 48 : i32
        %dma_wait3A_1692 = arith.constant 0 : i32
        %dma_wait3A_1693 = tpu.memref_slice %arg4[%sub3A_1690, %dma_wait3A_1691, %dma_wait3A_1692] : memref<1024x64x1024xf32, #tpu.memory_space<hbm>> -> memref<1x16x1024xf32, #tpu.memory_space<hbm>>
        %dma_wait3A_1694 = tpu.memref_squeeze %dma_wait3A_1693 : memref<1x16x1024xf32, #tpu.memory_space<hbm>> -> memref<16x1024xf32, #tpu.memory_space<hbm>>
        %dma_wait3A_1695 = arith.constant 48 : i32
        %dma_wait3A_1696 = arith.constant 0 : i32
        %dma_wait3A_1697 = tpu.memref_slice %arg4[%sub3A_1690, %dma_wait3A_1695, %dma_wait3A_1696] : memref<1024x64x1024xf32, #tpu.memory_space<hbm>> -> memref<1x16x1024xf32, #tpu.memory_space<hbm>>
        %dma_wait3A_1698 = tpu.memref_squeeze %dma_wait3A_1697 : memref<1x16x1024xf32, #tpu.memory_space<hbm>> -> memref<16x1024xf32, #tpu.memory_space<hbm>>
        tpu.wait_dma2 semaphore(%arg14 : memref<!tpu.dma_semaphore, #tpu.memory_space<semaphore_mem>>) src(%arg10 : memref<16x1024xf32, #tpu.memory_space<vmem>>) dst(%dma_wait3A_1698 : memref<16x1024xf32, #tpu.memory_space<hbm>>)
      } else {
      }
      %get3A_1283 = arith.index_cast %scan3A_54 : i32 to index
      %get3A_1284 = arith.constant 0 : index
      %get3A_1285 = tpu.vector_load %arg6[%get3A_1283, %get3A_1284] {strides = array<i32>} : memref<32x1024xi32, #tpu.memory_space<vmem>>, vector<16xi32>,
      %eq3A_1286 = arith.constant 1 : i32
      %eq3A_1287 = vector.broadcast %eq3A_1286 : i32 to vector<16xi32>
      %eq3A_1288 = arith.cmpi eq, %get3A_1285, %eq3A_1287 : vector<16xi32>
      %get3A_1289 = arith.index_cast %scan3A_54 : i32 to index
      %get3A_1290 = arith.constant 16 : index
      %get3A_1291 = tpu.vector_load %arg6[%get3A_1289, %get3A_1290] {strides = array<i32>} : memref<32x1024xi32, #tpu.memory_space<vmem>>, vector<16xi32>,
      %eq3A_1292 = arith.constant 1 : i32
      %eq3A_1293 = vector.broadcast %eq3A_1292 : i32 to vector<16xi32>
      %eq3A_1294 = arith.cmpi eq, %get3A_1291, %eq3A_1293 : vector<16xi32>
      %get3A_1295 = arith.index_cast %scan3A_54 : i32 to index
      %get3A_1296 = arith.constant 32 : index
      %get3A_1297 = tpu.vector_load %arg6[%get3A_1295, %get3A_1296] {strides = array<i32>} : memref<32x1024xi32, #tpu.memory_space<vmem>>, vector<16xi32>,
      %eq3A_1298 = arith.constant 1 : i32
      %eq3A_1299 = vector.broadcast %eq3A_1298 : i32 to vector<16xi32>
      %eq3A_1300 = arith.cmpi eq, %get3A_1297, %eq3A_1299 : vector<16xi32>
      %get3A_1301 = arith.index_cast %scan3A_54 : i32 to index
      %get3A_1302 = arith.constant 48 : index
      %get3A_1303 = tpu.vector_load %arg6[%get3A_1301, %get3A_1302] {strides = array<i32>} : memref<32x1024xi32, #tpu.memory_space<vmem>>, vector<16xi32>,
      %eq3A_1304 = arith.constant 1 : i32
      %eq3A_1305 = vector.broadcast %eq3A_1304 : i32 to vector<16xi32>
      %eq3A_1306 = arith.cmpi eq, %get3A_1303, %eq3A_1305 : vector<16xi32>
      %get3A_1307 = arith.index_cast %scan3A_54 : i32 to index
      %get3A_1308 = arith.constant 64 : index
      %get3A_1309 = tpu.vector_load %arg6[%get3A_1307, %get3A_1308] {strides = array<i32>} : memref<32x1024xi32, #tpu.memory_space<vmem>>, vector<16xi32>,
      %eq3A_1310 = arith.constant 1 : i32
      %eq3A_1311 = vector.broadcast %eq3A_1310 : i32 to vector<16xi32>
      %eq3A_1312 = arith.cmpi eq, %get3A_1309, %eq3A_1311 : vector<16xi32>
      %get3A_1313 = arith.index_cast %scan3A_54 : i32 to index
      %get3A_1314 = arith.constant 80 : index
      %get3A_1315 = tpu.vector_load %arg6[%get3A_1313, %get3A_1314] {strides = array<i32>} : memref<32x1024xi32, #tpu.memory_space<vmem>>, vector<16xi32>,
      %eq3A_1316 = arith.constant 1 : i32
      %eq3A_1317 = vector.broadcast %eq3A_1316 : i32 to vector<16xi32>
      %eq3A_1318 = arith.cmpi eq, %get3A_1315, %eq3A_1317 : vector<16xi32>
      %get3A_1319 = arith.index_cast %scan3A_54 : i32 to index
      %get3A_1320 = arith.constant 96 : index
      %get3A_1321 = tpu.vector_load %arg6[%get3A_1319, %get3A_1320] {strides = array<i32>} : memref<32x1024xi32, #tpu.memory_space<vmem>>, vector<16xi32>,
      %eq3A_1322 = arith.constant 1 : i32
      %eq3A_1323 = vector.broadcast %eq3A_1322 : i32 to vector<16xi32>
      %eq3A_1324 = arith.cmpi eq, %get3A_1321, %eq3A_1323 : vector<16xi32>
      %get3A_1325 = arith.index_cast %scan3A_54 : i32 to index
      %get3A_1326 = arith.constant 112 : index
      %get3A_1327 = tpu.vector_load %arg6[%get3A_1325, %get3A_1326] {strides = array<i32>} : memref<32x1024xi32, #tpu.memory_space<vmem>>, vector<16xi32>,
      %eq3A_1328 = arith.constant 1 : i32
      %eq3A_1329 = vector.broadcast %eq3A_1328 : i32 to vector<16xi32>
      %eq3A_1330 = arith.cmpi eq, %get3A_1327, %eq3A_1329 : vector<16xi32>
      %get3A_1331 = arith.index_cast %scan3A_54 : i32 to index
      %get3A_1332 = arith.constant 128 : index
      %get3A_1333 = tpu.vector_load %arg6[%get3A_1331, %get3A_1332] {strides = array<i32>} : memref<32x1024xi32, #tpu.memory_space<vmem>>, vector<16xi32>,
      %eq3A_1334 = arith.constant 1 : i32
      %eq3A_1335 = vector.broadcast %eq3A_1334 : i32 to vector<16xi32>
      %eq3A_1336 = arith.cmpi eq, %get3A_1333, %eq3A_1335 : vector<16xi32>
      %get3A_1337 = arith.index_cast %scan3A_54 : i32 to index
      %get3A_1338 = arith.constant 144 : index
      %get3A_1339 = tpu.vector_load %arg6[%get3A_1337, %get3A_1338] {strides = array<i32>} : memref<32x1024xi32, #tpu.memory_space<vmem>>, vector<16xi32>,
      %eq3A_1340 = arith.constant 1 : i32
      %eq3A_1341 = vector.broadcast %eq3A_1340 : i32 to vector<16xi32>
      %eq3A_1342 = arith.cmpi eq, %get3A_1339, %eq3A_1341 : vector<16xi32>
      %get3A_1343 = arith.index_cast %scan3A_54 : i32 to index
      %get3A_1344 = arith.constant 160 : index
      %get3A_1345 = tpu.vector_load %arg6[%get3A_1343, %get3A_1344] {strides = array<i32>} : memref<32x1024xi32, #tpu.memory_space<vmem>>, vector<16xi32>,
      %eq3A_1346 = arith.constant 1 : i32
      %eq3A_1347 = vector.broadcast %eq3A_1346 : i32 to vector<16xi32>
      %eq3A_1348 = arith.cmpi eq, %get3A_1345, %eq3A_1347 : vector<16xi32>
      %get3A_1349 = arith.index_cast %scan3A_54 : i32 to index
      %get3A_1350 = arith.constant 176 : index
      %get3A_1351 = tpu.vector_load %arg6[%get3A_1349, %get3A_1350] {strides = array<i32>} : memref<32x1024xi32, #tpu.memory_space<vmem>>, vector<16xi32>,
      %eq3A_1352 = arith.constant 1 : i32
      %eq3A_1353 = vector.broadcast %eq3A_1352 : i32 to vector<16xi32>
      %eq3A_1354 = arith.cmpi eq, %get3A_1351, %eq3A_1353 : vector<16xi32>
      %get3A_1355 = arith.index_cast %scan3A_54 : i32 to index
      %get3A_1356 = arith.constant 192 : index
      %get3A_1357 = tpu.vector_load %arg6[%get3A_1355, %get3A_1356] {strides = array<i32>} : memref<32x1024xi32, #tpu.memory_space<vmem>>, vector<16xi32>,
      %eq3A_1358 = arith.constant 1 : i32
      %eq3A_1359 = vector.broadcast %eq3A_1358 : i32 to vector<16xi32>
      %eq3A_1360 = arith.cmpi eq, %get3A_1357, %eq3A_1359 : vector<16xi32>
      %get3A_1361 = arith.index_cast %scan3A_54 : i32 to index
      %get3A_1362 = arith.constant 208 : index
      %get3A_1363 = tpu.vector_load %arg6[%get3A_1361, %get3A_1362] {strides = array<i32>} : memref<32x1024xi32, #tpu.memory_space<vmem>>, vector<16xi32>,
      %eq3A_1364 = arith.constant 1 : i32
      %eq3A_1365 = vector.broadcast %eq3A_1364 : i32 to vector<16xi32>
      %eq3A_1366 = arith.cmpi eq, %get3A_1363, %eq3A_1365 : vector<16xi32>
      %get3A_1367 = arith.index_cast %scan3A_54 : i32 to index
      %get3A_1368 = arith.constant 224 : index
      %get3A_1369 = tpu.vector_load %arg6[%get3A_1367, %get3A_1368] {strides = array<i32>} : memref<32x1024xi32, #tpu.memory_space<vmem>>, vector<16xi32>,
      %eq3A_1370 = arith.constant 1 : i32
      %eq3A_1371 = vector.broadcast %eq3A_1370 : i32 to vector<16xi32>
      %eq3A_1372 = arith.cmpi eq, %get3A_1369, %eq3A_1371 : vector<16xi32>
      %get3A_1373 = arith.index_cast %scan3A_54 : i32 to index
      %get3A_1374 = arith.constant 240 : index
      %get3A_1375 = tpu.vector_load %arg6[%get3A_1373, %get3A_1374] {strides = array<i32>} : memref<32x1024xi32, #tpu.memory_space<vmem>>, vector<16xi32>,
      %eq3A_1376 = arith.constant 1 : i32
      %eq3A_1377 = vector.broadcast %eq3A_1376 : i32 to vector<16xi32>
      %eq3A_1378 = arith.cmpi eq, %get3A_1375, %eq3A_1377 : vector<16xi32>
      %parallel_loop3A_1379 = arith.constant 0 : i32
      %parallel_loop3A_1380 = arith.constant 16 : i32
      %parallel_loop3A_1381 = arith.constant 1 : i32
      scf.for %parallel_loop3A_1688 = %parallel_loop3A_1379 to %parallel_loop3A_1380 step %parallel_loop3A_1381  : i32 {
        %parallel_loop3A_1689 = arith.constant 48 : i32
        %parallel_loop3A_1690 = arith.addi %parallel_loop3A_1689, %parallel_loop3A_1688 : i32
        %parallel_loop3A_1691 = arith.index_cast %parallel_loop3A_1690 : i32 to index
        %parallel_loop3A_1692 = arith.constant 0 : index
        %parallel_loop3A_1693 = tpu.vector_load %arg5[%parallel_loop3A_1691, %parallel_loop3A_1692] {strides = array<i32>} : memref<128x16xf32, #tpu.memory_space<vmem>>, vector<16xf32>,
        %parallel_loop3A_1694 = arith.constant 112 : i32
        %parallel_loop3A_1695 = arith.addi %parallel_loop3A_1694, %parallel_loop3A_1688 : i32
        %parallel_loop3A_1696 = arith.index_cast %parallel_loop3A_1695 : i32 to index
        %parallel_loop3A_1697 = arith.constant 0 : index
        %parallel_loop3A_1698 = tpu.vector_load %arg5[%parallel_loop3A_1696, %parallel_loop3A_1697] {strides = array<i32>} : memref<128x16xf32, #tpu.memory_space<vmem>>, vector<16xf32>,
        %parallel_loop3A_1699 = arith.select %eq3A_1288, %parallel_loop3A_1693, %parallel_loop3A_1698 : vector<16xi1>, vector<16xf32>
        %parallel_loop3A_1700 = arith.index_cast %parallel_loop3A_1688 : i32 to index
        %parallel_loop3A_1701 = arith.constant 0 : index
        %parallel_loop3A_1702 = tpu.vector_load %arg10[%parallel_loop3A_1700, %parallel_loop3A_1701] {strides = array<i32>} : memref<16x1024xf32, #tpu.memory_space<vmem>>, vector<16xf32>,
        tpu.vector_store %arg10[%parallel_loop3A_1700, %parallel_loop3A_1701], %parallel_loop3A_1699 {strides = array<i32>} : memref<16x1024xf32, #tpu.memory_space<vmem>>, vector<16xf32>,
        %parallel_loop3A_1703 = arith.select %eq3A_1294, %parallel_loop3A_1693, %parallel_loop3A_1698 : vector<16xi1>, vector<16xf32>
        %parallel_loop3A_1704 = arith.index_cast %parallel_loop3A_1688 : i32 to index
        %parallel_loop3A_1705 = arith.constant 16 : index
        %parallel_loop3A_1706 = tpu.vector_load %arg10[%parallel_loop3A_1704, %parallel_loop3A_1705] {strides = array<i32>} : memref<16x1024xf32, #tpu.memory_space<vmem>>, vector<16xf32>,
        tpu.vector_store %arg10[%parallel_loop3A_1704, %parallel_loop3A_1705], %parallel_loop3A_1703 {strides = array<i32>} : memref<16x1024xf32, #tpu.memory_space<vmem>>, vector<16xf32>,
        %parallel_loop3A_1707 = arith.select %eq3A_1300, %parallel_loop3A_1693, %parallel_loop3A_1698 : vector<16xi1>, vector<16xf32>
        %parallel_loop3A_1708 = arith.index_cast %parallel_loop3A_1688 : i32 to index
        %parallel_loop3A_1709 = arith.constant 32 : index
        %parallel_loop3A_1710 = tpu.vector_load %arg10[%parallel_loop3A_1708, %parallel_loop3A_1709] {strides = array<i32>} : memref<16x1024xf32, #tpu.memory_space<vmem>>, vector<16xf32>,
        tpu.vector_store %arg10[%parallel_loop3A_1708, %parallel_loop3A_1709], %parallel_loop3A_1707 {strides = array<i32>} : memref<16x1024xf32, #tpu.memory_space<vmem>>, vector<16xf32>,
        %parallel_loop3A_1711 = arith.select %eq3A_1306, %parallel_loop3A_1693, %parallel_loop3A_1698 : vector<16xi1>, vector<16xf32>
        %parallel_loop3A_1712 = arith.index_cast %parallel_loop3A_1688 : i32 to index
        %parallel_loop3A_1713 = arith.constant 48 : index
        %parallel_loop3A_1714 = tpu.vector_load %arg10[%parallel_loop3A_1712, %parallel_loop3A_1713] {strides = array<i32>} : memref<16x1024xf32, #tpu.memory_space<vmem>>, vector<16xf32>,
        tpu.vector_store %arg10[%parallel_loop3A_1712, %parallel_loop3A_1713], %parallel_loop3A_1711 {strides = array<i32>} : memref<16x1024xf32, #tpu.memory_space<vmem>>, vector<16xf32>,
        %parallel_loop3A_1715 = arith.select %eq3A_1312, %parallel_loop3A_1693, %parallel_loop3A_1698 : vector<16xi1>, vector<16xf32>
        %parallel_loop3A_1716 = arith.index_cast %parallel_loop3A_1688 : i32 to index
        %parallel_loop3A_1717 = arith.constant 64 : index
        %parallel_loop3A_1718 = tpu.vector_load %arg10[%parallel_loop3A_1716, %parallel_loop3A_1717] {strides = array<i32>} : memref<16x1024xf32, #tpu.memory_space<vmem>>, vector<16xf32>,
        tpu.vector_store %arg10[%parallel_loop3A_1716, %parallel_loop3A_1717], %parallel_loop3A_1715 {strides = array<i32>} : memref<16x1024xf32, #tpu.memory_space<vmem>>, vector<16xf32>,
        %parallel_loop3A_1719 = arith.select %eq3A_1318, %parallel_loop3A_1693, %parallel_loop3A_1698 : vector<16xi1>, vector<16xf32>
        %parallel_loop3A_1720 = arith.index_cast %parallel_loop3A_1688 : i32 to index
        %parallel_loop3A_1721 = arith.constant 80 : index
        %parallel_loop3A_1722 = tpu.vector_load %arg10[%parallel_loop3A_1720, %parallel_loop3A_1721] {strides = array<i32>} : memref<16x1024xf32, #tpu.memory_space<vmem>>, vector<16xf32>,
        tpu.vector_store %arg10[%parallel_loop3A_1720, %parallel_loop3A_1721], %parallel_loop3A_1719 {strides = array<i32>} : memref<16x1024xf32, #tpu.memory_space<vmem>>, vector<16xf32>,
        %parallel_loop3A_1723 = arith.select %eq3A_1324, %parallel_loop3A_1693, %parallel_loop3A_1698 : vector<16xi1>, vector<16xf32>
        %parallel_loop3A_1724 = arith.index_cast %parallel_loop3A_1688 : i32 to index
        %parallel_loop3A_1725 = arith.constant 96 : index
        %parallel_loop3A_1726 = tpu.vector_load %arg10[%parallel_loop3A_1724, %parallel_loop3A_1725] {strides = array<i32>} : memref<16x1024xf32, #tpu.memory_space<vmem>>, vector<16xf32>,
        tpu.vector_store %arg10[%parallel_loop3A_1724, %parallel_loop3A_1725], %parallel_loop3A_1723 {strides = array<i32>} : memref<16x1024xf32, #tpu.memory_space<vmem>>, vector<16xf32>,
        %parallel_loop3A_1727 = arith.select %eq3A_1330, %parallel_loop3A_1693, %parallel_loop3A_1698 : vector<16xi1>, vector<16xf32>
        %parallel_loop3A_1728 = arith.index_cast %parallel_loop3A_1688 : i32 to index
        %parallel_loop3A_1729 = arith.constant 112 : index
        %parallel_loop3A_1730 = tpu.vector_load %arg10[%parallel_loop3A_1728, %parallel_loop3A_1729] {strides = array<i32>} : memref<16x1024xf32, #tpu.memory_space<vmem>>, vector<16xf32>,
        tpu.vector_store %arg10[%parallel_loop3A_1728, %parallel_loop3A_1729], %parallel_loop3A_1727 {strides = array<i32>} : memref<16x1024xf32, #tpu.memory_space<vmem>>, vector<16xf32>,
        %parallel_loop3A_1731 = arith.select %eq3A_1336, %parallel_loop3A_1693, %parallel_loop3A_1698 : vector<16xi1>, vector<16xf32>
        %parallel_loop3A_1732 = arith.index_cast %parallel_loop3A_1688 : i32 to index
        %parallel_loop3A_1733 = arith.constant 128 : index
        %parallel_loop3A_1734 = tpu.vector_load %arg10[%parallel_loop3A_1732, %parallel_loop3A_1733] {strides = array<i32>} : memref<16x1024xf32, #tpu.memory_space<vmem>>, vector<16xf32>,
        tpu.vector_store %arg10[%parallel_loop3A_1732, %parallel_loop3A_1733], %parallel_loop3A_1731 {strides = array<i32>} : memref<16x1024xf32, #tpu.memory_space<vmem>>, vector<16xf32>,
        %parallel_loop3A_1735 = arith.select %eq3A_1342, %parallel_loop3A_1693, %parallel_loop3A_1698 : vector<16xi1>, vector<16xf32>
        %parallel_loop3A_1736 = arith.index_cast %parallel_loop3A_1688 : i32 to index
        %parallel_loop3A_1737 = arith.constant 144 : index
        %parallel_loop3A_1738 = tpu.vector_load %arg10[%parallel_loop3A_1736, %parallel_loop3A_1737] {strides = array<i32>} : memref<16x1024xf32, #tpu.memory_space<vmem>>, vector<16xf32>,
        tpu.vector_store %arg10[%parallel_loop3A_1736, %parallel_loop3A_1737], %parallel_loop3A_1735 {strides = array<i32>} : memref<16x1024xf32, #tpu.memory_space<vmem>>, vector<16xf32>,
        %parallel_loop3A_1739 = arith.select %eq3A_1348, %parallel_loop3A_1693, %parallel_loop3A_1698 : vector<16xi1>, vector<16xf32>
        %parallel_loop3A_1740 = arith.index_cast %parallel_loop3A_1688 : i32 to index
        %parallel_loop3A_1741 = arith.constant 160 : index
        %parallel_loop3A_1742 = tpu.vector_load %arg10[%parallel_loop3A_1740, %parallel_loop3A_1741] {strides = array<i32>} : memref<16x1024xf32, #tpu.memory_space<vmem>>, vector<16xf32>,
        tpu.vector_store %arg10[%parallel_loop3A_1740, %parallel_loop3A_1741], %parallel_loop3A_1739 {strides = array<i32>} : memref<16x1024xf32, #tpu.memory_space<vmem>>, vector<16xf32>,
        %parallel_loop3A_1743 = arith.select %eq3A_1354, %parallel_loop3A_1693, %parallel_loop3A_1698 : vector<16xi1>, vector<16xf32>
        %parallel_loop3A_1744 = arith.index_cast %parallel_loop3A_1688 : i32 to index
        %parallel_loop3A_1745 = arith.constant 176 : index
        %parallel_loop3A_1746 = tpu.vector_load %arg10[%parallel_loop3A_1744, %parallel_loop3A_1745] {strides = array<i32>} : memref<16x1024xf32, #tpu.memory_space<vmem>>, vector<16xf32>,
        tpu.vector_store %arg10[%parallel_loop3A_1744, %parallel_loop3A_1745], %parallel_loop3A_1743 {strides = array<i32>} : memref<16x1024xf32, #tpu.memory_space<vmem>>, vector<16xf32>,
        %parallel_loop3A_1747 = arith.select %eq3A_1360, %parallel_loop3A_1693, %parallel_loop3A_1698 : vector<16xi1>, vector<16xf32>
        %parallel_loop3A_1748 = arith.index_cast %parallel_loop3A_1688 : i32 to index
        %parallel_loop3A_1749 = arith.constant 192 : index
        %parallel_loop3A_1750 = tpu.vector_load %arg10[%parallel_loop3A_1748, %parallel_loop3A_1749] {strides = array<i32>} : memref<16x1024xf32, #tpu.memory_space<vmem>>, vector<16xf32>,
        tpu.vector_store %arg10[%parallel_loop3A_1748, %parallel_loop3A_1749], %parallel_loop3A_1747 {strides = array<i32>} : memref<16x1024xf32, #tpu.memory_space<vmem>>, vector<16xf32>,
        %parallel_loop3A_1751 = arith.select %eq3A_1366, %parallel_loop3A_1693, %parallel_loop3A_1698 : vector<16xi1>, vector<16xf32>
        %parallel_loop3A_1752 = arith.index_cast %parallel_loop3A_1688 : i32 to index
        %parallel_loop3A_1753 = arith.constant 208 : index
        %parallel_loop3A_1754 = tpu.vector_load %arg10[%parallel_loop3A_1752, %parallel_loop3A_1753] {strides = array<i32>} : memref<16x1024xf32, #tpu.memory_space<vmem>>, vector<16xf32>,
        tpu.vector_store %arg10[%parallel_loop3A_1752, %parallel_loop3A_1753], %parallel_loop3A_1751 {strides = array<i32>} : memref<16x1024xf32, #tpu.memory_space<vmem>>, vector<16xf32>,
        %parallel_loop3A_1755 = arith.select %eq3A_1372, %parallel_loop3A_1693, %parallel_loop3A_1698 : vector<16xi1>, vector<16xf32>
        %parallel_loop3A_1756 = arith.index_cast %parallel_loop3A_1688 : i32 to index
        %parallel_loop3A_1757 = arith.constant 224 : index
        %parallel_loop3A_1758 = tpu.vector_load %arg10[%parallel_loop3A_1756, %parallel_loop3A_1757] {strides = array<i32>} : memref<16x1024xf32, #tpu.memory_space<vmem>>, vector<16xf32>,
        tpu.vector_store %arg10[%parallel_loop3A_1756, %parallel_loop3A_1757], %parallel_loop3A_1755 {strides = array<i32>} : memref<16x1024xf32, #tpu.memory_space<vmem>>, vector<16xf32>,
        %parallel_loop3A_1759 = arith.select %eq3A_1378, %parallel_loop3A_1693, %parallel_loop3A_1698 : vector<16xi1>, vector<16xf32>
        %parallel_loop3A_1760 = arith.index_cast %parallel_loop3A_1688 : i32 to index
        %parallel_loop3A_1761 = arith.constant 240 : index
        %parallel_loop3A_1762 = tpu.vector_load %arg10[%parallel_loop3A_1760, %parallel_loop3A_1761] {strides = array<i32>} : memref<16x1024xf32, #tpu.memory_space<vmem>>, vector<16xf32>,
        tpu.vector_store %arg10[%parallel_loop3A_1760, %parallel_loop3A_1761], %parallel_loop3A_1759 {strides = array<i32>} : memref<16x1024xf32, #tpu.memory_space<vmem>>, vector<16xf32>,
      } {sc.loop_unroll_factor = 2 : i64, sc.parallel_access}
      %get3A_1382 = arith.index_cast %scan3A_54 : i32 to index
      %get3A_1383 = arith.constant 256 : index
      %get3A_1384 = tpu.vector_load %arg6[%get3A_1382, %get3A_1383] {strides = array<i32>} : memref<32x1024xi32, #tpu.memory_space<vmem>>, vector<16xi32>,
      %eq3A_1385 = arith.constant 1 : i32
      %eq3A_1386 = vector.broadcast %eq3A_1385 : i32 to vector<16xi32>
      %eq3A_1387 = arith.cmpi eq, %get3A_1384, %eq3A_1386 : vector<16xi32>
      %get3A_1388 = arith.index_cast %scan3A_54 : i32 to index
      %get3A_1389 = arith.constant 272 : index
      %get3A_1390 = tpu.vector_load %arg6[%get3A_1388, %get3A_1389] {strides = array<i32>} : memref<32x1024xi32, #tpu.memory_space<vmem>>, vector<16xi32>,
      %eq3A_1391 = arith.constant 1 : i32
      %eq3A_1392 = vector.broadcast %eq3A_1391 : i32 to vector<16xi32>
      %eq3A_1393 = arith.cmpi eq, %get3A_1390, %eq3A_1392 : vector<16xi32>
      %get3A_1394 = arith.index_cast %scan3A_54 : i32 to index
      %get3A_1395 = arith.constant 288 : index
      %get3A_1396 = tpu.vector_load %arg6[%get3A_1394, %get3A_1395] {strides = array<i32>} : memref<32x1024xi32, #tpu.memory_space<vmem>>, vector<16xi32>,
      %eq3A_1397 = arith.constant 1 : i32
      %eq3A_1398 = vector.broadcast %eq3A_1397 : i32 to vector<16xi32>
      %eq3A_1399 = arith.cmpi eq, %get3A_1396, %eq3A_1398 : vector<16xi32>
      %get3A_1400 = arith.index_cast %scan3A_54 : i32 to index
      %get3A_1401 = arith.constant 304 : index
      %get3A_1402 = tpu.vector_load %arg6[%get3A_1400, %get3A_1401] {strides = array<i32>} : memref<32x1024xi32, #tpu.memory_space<vmem>>, vector<16xi32>,
      %eq3A_1403 = arith.constant 1 : i32
      %eq3A_1404 = vector.broadcast %eq3A_1403 : i32 to vector<16xi32>
      %eq3A_1405 = arith.cmpi eq, %get3A_1402, %eq3A_1404 : vector<16xi32>
      %get3A_1406 = arith.index_cast %scan3A_54 : i32 to index
      %get3A_1407 = arith.constant 320 : index
      %get3A_1408 = tpu.vector_load %arg6[%get3A_1406, %get3A_1407] {strides = array<i32>} : memref<32x1024xi32, #tpu.memory_space<vmem>>, vector<16xi32>,
      %eq3A_1409 = arith.constant 1 : i32
      %eq3A_1410 = vector.broadcast %eq3A_1409 : i32 to vector<16xi32>
      %eq3A_1411 = arith.cmpi eq, %get3A_1408, %eq3A_1410 : vector<16xi32>
      %get3A_1412 = arith.index_cast %scan3A_54 : i32 to index
      %get3A_1413 = arith.constant 336 : index
      %get3A_1414 = tpu.vector_load %arg6[%get3A_1412, %get3A_1413] {strides = array<i32>} : memref<32x1024xi32, #tpu.memory_space<vmem>>, vector<16xi32>,
      %eq3A_1415 = arith.constant 1 : i32
      %eq3A_1416 = vector.broadcast %eq3A_1415 : i32 to vector<16xi32>
      %eq3A_1417 = arith.cmpi eq, %get3A_1414, %eq3A_1416 : vector<16xi32>
      %get3A_1418 = arith.index_cast %scan3A_54 : i32 to index
      %get3A_1419 = arith.constant 352 : index
      %get3A_1420 = tpu.vector_load %arg6[%get3A_1418, %get3A_1419] {strides = array<i32>} : memref<32x1024xi32, #tpu.memory_space<vmem>>, vector<16xi32>,
      %eq3A_1421 = arith.constant 1 : i32
      %eq3A_1422 = vector.broadcast %eq3A_1421 : i32 to vector<16xi32>
      %eq3A_1423 = arith.cmpi eq, %get3A_1420, %eq3A_1422 : vector<16xi32>
      %get3A_1424 = arith.index_cast %scan3A_54 : i32 to index
      %get3A_1425 = arith.constant 368 : index
      %get3A_1426 = tpu.vector_load %arg6[%get3A_1424, %get3A_1425] {strides = array<i32>} : memref<32x1024xi32, #tpu.memory_space<vmem>>, vector<16xi32>,
      %eq3A_1427 = arith.constant 1 : i32
      %eq3A_1428 = vector.broadcast %eq3A_1427 : i32 to vector<16xi32>
      %eq3A_1429 = arith.cmpi eq, %get3A_1426, %eq3A_1428 : vector<16xi32>
      %get3A_1430 = arith.index_cast %scan3A_54 : i32 to index
      %get3A_1431 = arith.constant 384 : index
      %get3A_1432 = tpu.vector_load %arg6[%get3A_1430, %get3A_1431] {strides = array<i32>} : memref<32x1024xi32, #tpu.memory_space<vmem>>, vector<16xi32>,
      %eq3A_1433 = arith.constant 1 : i32
      %eq3A_1434 = vector.broadcast %eq3A_1433 : i32 to vector<16xi32>
      %eq3A_1435 = arith.cmpi eq, %get3A_1432, %eq3A_1434 : vector<16xi32>
      %get3A_1436 = arith.index_cast %scan3A_54 : i32 to index
      %get3A_1437 = arith.constant 400 : index
      %get3A_1438 = tpu.vector_load %arg6[%get3A_1436, %get3A_1437] {strides = array<i32>} : memref<32x1024xi32, #tpu.memory_space<vmem>>, vector<16xi32>,
      %eq3A_1439 = arith.constant 1 : i32
      %eq3A_1440 = vector.broadcast %eq3A_1439 : i32 to vector<16xi32>
      %eq3A_1441 = arith.cmpi eq, %get3A_1438, %eq3A_1440 : vector<16xi32>
      %get3A_1442 = arith.index_cast %scan3A_54 : i32 to index
      %get3A_1443 = arith.constant 416 : index
      %get3A_1444 = tpu.vector_load %arg6[%get3A_1442, %get3A_1443] {strides = array<i32>} : memref<32x1024xi32, #tpu.memory_space<vmem>>, vector<16xi32>,
      %eq3A_1445 = arith.constant 1 : i32
      %eq3A_1446 = vector.broadcast %eq3A_1445 : i32 to vector<16xi32>
      %eq3A_1447 = arith.cmpi eq, %get3A_1444, %eq3A_1446 : vector<16xi32>
      %get3A_1448 = arith.index_cast %scan3A_54 : i32 to index
      %get3A_1449 = arith.constant 432 : index
      %get3A_1450 = tpu.vector_load %arg6[%get3A_1448, %get3A_1449] {strides = array<i32>} : memref<32x1024xi32, #tpu.memory_space<vmem>>, vector<16xi32>,
      %eq3A_1451 = arith.constant 1 : i32
      %eq3A_1452 = vector.broadcast %eq3A_1451 : i32 to vector<16xi32>
      %eq3A_1453 = arith.cmpi eq, %get3A_1450, %eq3A_1452 : vector<16xi32>
      %get3A_1454 = arith.index_cast %scan3A_54 : i32 to index
      %get3A_1455 = arith.constant 448 : index
      %get3A_1456 = tpu.vector_load %arg6[%get3A_1454, %get3A_1455] {strides = array<i32>} : memref<32x1024xi32, #tpu.memory_space<vmem>>, vector<16xi32>,
      %eq3A_1457 = arith.constant 1 : i32
      %eq3A_1458 = vector.broadcast %eq3A_1457 : i32 to vector<16xi32>
      %eq3A_1459 = arith.cmpi eq, %get3A_1456, %eq3A_1458 : vector<16xi32>
      %get3A_1460 = arith.index_cast %scan3A_54 : i32 to index
      %get3A_1461 = arith.constant 464 : index
      %get3A_1462 = tpu.vector_load %arg6[%get3A_1460, %get3A_1461] {strides = array<i32>} : memref<32x1024xi32, #tpu.memory_space<vmem>>, vector<16xi32>,
      %eq3A_1463 = arith.constant 1 : i32
      %eq3A_1464 = vector.broadcast %eq3A_1463 : i32 to vector<16xi32>
      %eq3A_1465 = arith.cmpi eq, %get3A_1462, %eq3A_1464 : vector<16xi32>
      %get3A_1466 = arith.index_cast %scan3A_54 : i32 to index
      %get3A_1467 = arith.constant 480 : index
      %get3A_1468 = tpu.vector_load %arg6[%get3A_1466, %get3A_1467] {strides = array<i32>} : memref<32x1024xi32, #tpu.memory_space<vmem>>, vector<16xi32>,
      %eq3A_1469 = arith.constant 1 : i32
      %eq3A_1470 = vector.broadcast %eq3A_1469 : i32 to vector<16xi32>
      %eq3A_1471 = arith.cmpi eq, %get3A_1468, %eq3A_1470 : vector<16xi32>
      %get3A_1472 = arith.index_cast %scan3A_54 : i32 to index
      %get3A_1473 = arith.constant 496 : index
      %get3A_1474 = tpu.vector_load %arg6[%get3A_1472, %get3A_1473] {strides = array<i32>} : memref<32x1024xi32, #tpu.memory_space<vmem>>, vector<16xi32>,
      %eq3A_1475 = arith.constant 1 : i32
      %eq3A_1476 = vector.broadcast %eq3A_1475 : i32 to vector<16xi32>
      %eq3A_1477 = arith.cmpi eq, %get3A_1474, %eq3A_1476 : vector<16xi32>
      %parallel_loop3A_1478 = arith.constant 0 : i32
      %parallel_loop3A_1479 = arith.constant 16 : i32
      %parallel_loop3A_1480 = arith.constant 1 : i32
      scf.for %parallel_loop3A_1688 = %parallel_loop3A_1478 to %parallel_loop3A_1479 step %parallel_loop3A_1480  : i32 {
        %parallel_loop3A_1689 = arith.constant 48 : i32
        %parallel_loop3A_1690 = arith.addi %parallel_loop3A_1689, %parallel_loop3A_1688 : i32
        %parallel_loop3A_1691 = arith.index_cast %parallel_loop3A_1690 : i32 to index
        %parallel_loop3A_1692 = arith.constant 0 : index
        %parallel_loop3A_1693 = tpu.vector_load %arg5[%parallel_loop3A_1691, %parallel_loop3A_1692] {strides = array<i32>} : memref<128x16xf32, #tpu.memory_space<vmem>>, vector<16xf32>,
        %parallel_loop3A_1694 = arith.constant 112 : i32
        %parallel_loop3A_1695 = arith.addi %parallel_loop3A_1694, %parallel_loop3A_1688 : i32
        %parallel_loop3A_1696 = arith.index_cast %parallel_loop3A_1695 : i32 to index
        %parallel_loop3A_1697 = arith.constant 0 : index
        %parallel_loop3A_1698 = tpu.vector_load %arg5[%parallel_loop3A_1696, %parallel_loop3A_1697] {strides = array<i32>} : memref<128x16xf32, #tpu.memory_space<vmem>>, vector<16xf32>,
        %parallel_loop3A_1699 = arith.select %eq3A_1387, %parallel_loop3A_1693, %parallel_loop3A_1698 : vector<16xi1>, vector<16xf32>
        %parallel_loop3A_1700 = arith.index_cast %parallel_loop3A_1688 : i32 to index
        %parallel_loop3A_1701 = arith.constant 256 : index
        %parallel_loop3A_1702 = tpu.vector_load %arg10[%parallel_loop3A_1700, %parallel_loop3A_1701] {strides = array<i32>} : memref<16x1024xf32, #tpu.memory_space<vmem>>, vector<16xf32>,
        tpu.vector_store %arg10[%parallel_loop3A_1700, %parallel_loop3A_1701], %parallel_loop3A_1699 {strides = array<i32>} : memref<16x1024xf32, #tpu.memory_space<vmem>>, vector<16xf32>,
        %parallel_loop3A_1703 = arith.select %eq3A_1393, %parallel_loop3A_1693, %parallel_loop3A_1698 : vector<16xi1>, vector<16xf32>
        %parallel_loop3A_1704 = arith.index_cast %parallel_loop3A_1688 : i32 to index
        %parallel_loop3A_1705 = arith.constant 272 : index
        %parallel_loop3A_1706 = tpu.vector_load %arg10[%parallel_loop3A_1704, %parallel_loop3A_1705] {strides = array<i32>} : memref<16x1024xf32, #tpu.memory_space<vmem>>, vector<16xf32>,
        tpu.vector_store %arg10[%parallel_loop3A_1704, %parallel_loop3A_1705], %parallel_loop3A_1703 {strides = array<i32>} : memref<16x1024xf32, #tpu.memory_space<vmem>>, vector<16xf32>,
        %parallel_loop3A_1707 = arith.select %eq3A_1399, %parallel_loop3A_1693, %parallel_loop3A_1698 : vector<16xi1>, vector<16xf32>
        %parallel_loop3A_1708 = arith.index_cast %parallel_loop3A_1688 : i32 to index
        %parallel_loop3A_1709 = arith.constant 288 : index
        %parallel_loop3A_1710 = tpu.vector_load %arg10[%parallel_loop3A_1708, %parallel_loop3A_1709] {strides = array<i32>} : memref<16x1024xf32, #tpu.memory_space<vmem>>, vector<16xf32>,
        tpu.vector_store %arg10[%parallel_loop3A_1708, %parallel_loop3A_1709], %parallel_loop3A_1707 {strides = array<i32>} : memref<16x1024xf32, #tpu.memory_space<vmem>>, vector<16xf32>,
        %parallel_loop3A_1711 = arith.select %eq3A_1405, %parallel_loop3A_1693, %parallel_loop3A_1698 : vector<16xi1>, vector<16xf32>
        %parallel_loop3A_1712 = arith.index_cast %parallel_loop3A_1688 : i32 to index
        %parallel_loop3A_1713 = arith.constant 304 : index
        %parallel_loop3A_1714 = tpu.vector_load %arg10[%parallel_loop3A_1712, %parallel_loop3A_1713] {strides = array<i32>} : memref<16x1024xf32, #tpu.memory_space<vmem>>, vector<16xf32>,
        tpu.vector_store %arg10[%parallel_loop3A_1712, %parallel_loop3A_1713], %parallel_loop3A_1711 {strides = array<i32>} : memref<16x1024xf32, #tpu.memory_space<vmem>>, vector<16xf32>,
        %parallel_loop3A_1715 = arith.select %eq3A_1411, %parallel_loop3A_1693, %parallel_loop3A_1698 : vector<16xi1>, vector<16xf32>
        %parallel_loop3A_1716 = arith.index_cast %parallel_loop3A_1688 : i32 to index
        %parallel_loop3A_1717 = arith.constant 320 : index
        %parallel_loop3A_1718 = tpu.vector_load %arg10[%parallel_loop3A_1716, %parallel_loop3A_1717] {strides = array<i32>} : memref<16x1024xf32, #tpu.memory_space<vmem>>, vector<16xf32>,
        tpu.vector_store %arg10[%parallel_loop3A_1716, %parallel_loop3A_1717], %parallel_loop3A_1715 {strides = array<i32>} : memref<16x1024xf32, #tpu.memory_space<vmem>>, vector<16xf32>,
        %parallel_loop3A_1719 = arith.select %eq3A_1417, %parallel_loop3A_1693, %parallel_loop3A_1698 : vector<16xi1>, vector<16xf32>
        %parallel_loop3A_1720 = arith.index_cast %parallel_loop3A_1688 : i32 to index
        %parallel_loop3A_1721 = arith.constant 336 : index
        %parallel_loop3A_1722 = tpu.vector_load %arg10[%parallel_loop3A_1720, %parallel_loop3A_1721] {strides = array<i32>} : memref<16x1024xf32, #tpu.memory_space<vmem>>, vector<16xf32>,
        tpu.vector_store %arg10[%parallel_loop3A_1720, %parallel_loop3A_1721], %parallel_loop3A_1719 {strides = array<i32>} : memref<16x1024xf32, #tpu.memory_space<vmem>>, vector<16xf32>,
        %parallel_loop3A_1723 = arith.select %eq3A_1423, %parallel_loop3A_1693, %parallel_loop3A_1698 : vector<16xi1>, vector<16xf32>
        %parallel_loop3A_1724 = arith.index_cast %parallel_loop3A_1688 : i32 to index
        %parallel_loop3A_1725 = arith.constant 352 : index
        %parallel_loop3A_1726 = tpu.vector_load %arg10[%parallel_loop3A_1724, %parallel_loop3A_1725] {strides = array<i32>} : memref<16x1024xf32, #tpu.memory_space<vmem>>, vector<16xf32>,
        tpu.vector_store %arg10[%parallel_loop3A_1724, %parallel_loop3A_1725], %parallel_loop3A_1723 {strides = array<i32>} : memref<16x1024xf32, #tpu.memory_space<vmem>>, vector<16xf32>,
        %parallel_loop3A_1727 = arith.select %eq3A_1429, %parallel_loop3A_1693, %parallel_loop3A_1698 : vector<16xi1>, vector<16xf32>
        %parallel_loop3A_1728 = arith.index_cast %parallel_loop3A_1688 : i32 to index
        %parallel_loop3A_1729 = arith.constant 368 : index
        %parallel_loop3A_1730 = tpu.vector_load %arg10[%parallel_loop3A_1728, %parallel_loop3A_1729] {strides = array<i32>} : memref<16x1024xf32, #tpu.memory_space<vmem>>, vector<16xf32>,
        tpu.vector_store %arg10[%parallel_loop3A_1728, %parallel_loop3A_1729], %parallel_loop3A_1727 {strides = array<i32>} : memref<16x1024xf32, #tpu.memory_space<vmem>>, vector<16xf32>,
        %parallel_loop3A_1731 = arith.select %eq3A_1435, %parallel_loop3A_1693, %parallel_loop3A_1698 : vector<16xi1>, vector<16xf32>
        %parallel_loop3A_1732 = arith.index_cast %parallel_loop3A_1688 : i32 to index
        %parallel_loop3A_1733 = arith.constant 384 : index
        %parallel_loop3A_1734 = tpu.vector_load %arg10[%parallel_loop3A_1732, %parallel_loop3A_1733] {strides = array<i32>} : memref<16x1024xf32, #tpu.memory_space<vmem>>, vector<16xf32>,
        tpu.vector_store %arg10[%parallel_loop3A_1732, %parallel_loop3A_1733], %parallel_loop3A_1731 {strides = array<i32>} : memref<16x1024xf32, #tpu.memory_space<vmem>>, vector<16xf32>,
        %parallel_loop3A_1735 = arith.select %eq3A_1441, %parallel_loop3A_1693, %parallel_loop3A_1698 : vector<16xi1>, vector<16xf32>
        %parallel_loop3A_1736 = arith.index_cast %parallel_loop3A_1688 : i32 to index
        %parallel_loop3A_1737 = arith.constant 400 : index
        %parallel_loop3A_1738 = tpu.vector_load %arg10[%parallel_loop3A_1736, %parallel_loop3A_1737] {strides = array<i32>} : memref<16x1024xf32, #tpu.memory_space<vmem>>, vector<16xf32>,
        tpu.vector_store %arg10[%parallel_loop3A_1736, %parallel_loop3A_1737], %parallel_loop3A_1735 {strides = array<i32>} : memref<16x1024xf32, #tpu.memory_space<vmem>>, vector<16xf32>,
        %parallel_loop3A_1739 = arith.select %eq3A_1447, %parallel_loop3A_1693, %parallel_loop3A_1698 : vector<16xi1>, vector<16xf32>
        %parallel_loop3A_1740 = arith.index_cast %parallel_loop3A_1688 : i32 to index
        %parallel_loop3A_1741 = arith.constant 416 : index
        %parallel_loop3A_1742 = tpu.vector_load %arg10[%parallel_loop3A_1740, %parallel_loop3A_1741] {strides = array<i32>} : memref<16x1024xf32, #tpu.memory_space<vmem>>, vector<16xf32>,
        tpu.vector_store %arg10[%parallel_loop3A_1740, %parallel_loop3A_1741], %parallel_loop3A_1739 {strides = array<i32>} : memref<16x1024xf32, #tpu.memory_space<vmem>>, vector<16xf32>,
        %parallel_loop3A_1743 = arith.select %eq3A_1453, %parallel_loop3A_1693, %parallel_loop3A_1698 : vector<16xi1>, vector<16xf32>
        %parallel_loop3A_1744 = arith.index_cast %parallel_loop3A_1688 : i32 to index
        %parallel_loop3A_1745 = arith.constant 432 : index
        %parallel_loop3A_1746 = tpu.vector_load %arg10[%parallel_loop3A_1744, %parallel_loop3A_1745] {strides = array<i32>} : memref<16x1024xf32, #tpu.memory_space<vmem>>, vector<16xf32>,
        tpu.vector_store %arg10[%parallel_loop3A_1744, %parallel_loop3A_1745], %parallel_loop3A_1743 {strides = array<i32>} : memref<16x1024xf32, #tpu.memory_space<vmem>>, vector<16xf32>,
        %parallel_loop3A_1747 = arith.select %eq3A_1459, %parallel_loop3A_1693, %parallel_loop3A_1698 : vector<16xi1>, vector<16xf32>
        %parallel_loop3A_1748 = arith.index_cast %parallel_loop3A_1688 : i32 to index
        %parallel_loop3A_1749 = arith.constant 448 : index
        %parallel_loop3A_1750 = tpu.vector_load %arg10[%parallel_loop3A_1748, %parallel_loop3A_1749] {strides = array<i32>} : memref<16x1024xf32, #tpu.memory_space<vmem>>, vector<16xf32>,
        tpu.vector_store %arg10[%parallel_loop3A_1748, %parallel_loop3A_1749], %parallel_loop3A_1747 {strides = array<i32>} : memref<16x1024xf32, #tpu.memory_space<vmem>>, vector<16xf32>,
        %parallel_loop3A_1751 = arith.select %eq3A_1465, %parallel_loop3A_1693, %parallel_loop3A_1698 : vector<16xi1>, vector<16xf32>
        %parallel_loop3A_1752 = arith.index_cast %parallel_loop3A_1688 : i32 to index
        %parallel_loop3A_1753 = arith.constant 464 : index
        %parallel_loop3A_1754 = tpu.vector_load %arg10[%parallel_loop3A_1752, %parallel_loop3A_1753] {strides = array<i32>} : memref<16x1024xf32, #tpu.memory_space<vmem>>, vector<16xf32>,
        tpu.vector_store %arg10[%parallel_loop3A_1752, %parallel_loop3A_1753], %parallel_loop3A_1751 {strides = array<i32>} : memref<16x1024xf32, #tpu.memory_space<vmem>>, vector<16xf32>,
        %parallel_loop3A_1755 = arith.select %eq3A_1471, %parallel_loop3A_1693, %parallel_loop3A_1698 : vector<16xi1>, vector<16xf32>
        %parallel_loop3A_1756 = arith.index_cast %parallel_loop3A_1688 : i32 to index
        %parallel_loop3A_1757 = arith.constant 480 : index
        %parallel_loop3A_1758 = tpu.vector_load %arg10[%parallel_loop3A_1756, %parallel_loop3A_1757] {strides = array<i32>} : memref<16x1024xf32, #tpu.memory_space<vmem>>, vector<16xf32>,
        tpu.vector_store %arg10[%parallel_loop3A_1756, %parallel_loop3A_1757], %parallel_loop3A_1755 {strides = array<i32>} : memref<16x1024xf32, #tpu.memory_space<vmem>>, vector<16xf32>,
        %parallel_loop3A_1759 = arith.select %eq3A_1477, %parallel_loop3A_1693, %parallel_loop3A_1698 : vector<16xi1>, vector<16xf32>
        %parallel_loop3A_1760 = arith.index_cast %parallel_loop3A_1688 : i32 to index
        %parallel_loop3A_1761 = arith.constant 496 : index
        %parallel_loop3A_1762 = tpu.vector_load %arg10[%parallel_loop3A_1760, %parallel_loop3A_1761] {strides = array<i32>} : memref<16x1024xf32, #tpu.memory_space<vmem>>, vector<16xf32>,
        tpu.vector_store %arg10[%parallel_loop3A_1760, %parallel_loop3A_1761], %parallel_loop3A_1759 {strides = array<i32>} : memref<16x1024xf32, #tpu.memory_space<vmem>>, vector<16xf32>,
      } {sc.loop_unroll_factor = 2 : i64, sc.parallel_access}
      %get3A_1481 = arith.index_cast %scan3A_54 : i32 to index
      %get3A_1482 = arith.constant 512 : index
      %get3A_1483 = tpu.vector_load %arg6[%get3A_1481, %get3A_1482] {strides = array<i32>} : memref<32x1024xi32, #tpu.memory_space<vmem>>, vector<16xi32>,
      %eq3A_1484 = arith.constant 1 : i32
      %eq3A_1485 = vector.broadcast %eq3A_1484 : i32 to vector<16xi32>
      %eq3A_1486 = arith.cmpi eq, %get3A_1483, %eq3A_1485 : vector<16xi32>
      %get3A_1487 = arith.index_cast %scan3A_54 : i32 to index
      %get3A_1488 = arith.constant 528 : index
      %get3A_1489 = tpu.vector_load %arg6[%get3A_1487, %get3A_1488] {strides = array<i32>} : memref<32x1024xi32, #tpu.memory_space<vmem>>, vector<16xi32>,
      %eq3A_1490 = arith.constant 1 : i32
      %eq3A_1491 = vector.broadcast %eq3A_1490 : i32 to vector<16xi32>
      %eq3A_1492 = arith.cmpi eq, %get3A_1489, %eq3A_1491 : vector<16xi32>
      %get3A_1493 = arith.index_cast %scan3A_54 : i32 to index
      %get3A_1494 = arith.constant 544 : index
      %get3A_1495 = tpu.vector_load %arg6[%get3A_1493, %get3A_1494] {strides = array<i32>} : memref<32x1024xi32, #tpu.memory_space<vmem>>, vector<16xi32>,
      %eq3A_1496 = arith.constant 1 : i32
      %eq3A_1497 = vector.broadcast %eq3A_1496 : i32 to vector<16xi32>
      %eq3A_1498 = arith.cmpi eq, %get3A_1495, %eq3A_1497 : vector<16xi32>
      %get3A_1499 = arith.index_cast %scan3A_54 : i32 to index
      %get3A_1500 = arith.constant 560 : index
      %get3A_1501 = tpu.vector_load %arg6[%get3A_1499, %get3A_1500] {strides = array<i32>} : memref<32x1024xi32, #tpu.memory_space<vmem>>, vector<16xi32>,
      %eq3A_1502 = arith.constant 1 : i32
      %eq3A_1503 = vector.broadcast %eq3A_1502 : i32 to vector<16xi32>
      %eq3A_1504 = arith.cmpi eq, %get3A_1501, %eq3A_1503 : vector<16xi32>
      %get3A_1505 = arith.index_cast %scan3A_54 : i32 to index
      %get3A_1506 = arith.constant 576 : index
      %get3A_1507 = tpu.vector_load %arg6[%get3A_1505, %get3A_1506] {strides = array<i32>} : memref<32x1024xi32, #tpu.memory_space<vmem>>, vector<16xi32>,
      %eq3A_1508 = arith.constant 1 : i32
      %eq3A_1509 = vector.broadcast %eq3A_1508 : i32 to vector<16xi32>
      %eq3A_1510 = arith.cmpi eq, %get3A_1507, %eq3A_1509 : vector<16xi32>
      %get3A_1511 = arith.index_cast %scan3A_54 : i32 to index
      %get3A_1512 = arith.constant 592 : index
      %get3A_1513 = tpu.vector_load %arg6[%get3A_1511, %get3A_1512] {strides = array<i32>} : memref<32x1024xi32, #tpu.memory_space<vmem>>, vector<16xi32>,
      %eq3A_1514 = arith.constant 1 : i32
      %eq3A_1515 = vector.broadcast %eq3A_1514 : i32 to vector<16xi32>
      %eq3A_1516 = arith.cmpi eq, %get3A_1513, %eq3A_1515 : vector<16xi32>
      %get3A_1517 = arith.index_cast %scan3A_54 : i32 to index
      %get3A_1518 = arith.constant 608 : index
      %get3A_1519 = tpu.vector_load %arg6[%get3A_1517, %get3A_1518] {strides = array<i32>} : memref<32x1024xi32, #tpu.memory_space<vmem>>, vector<16xi32>,
      %eq3A_1520 = arith.constant 1 : i32
      %eq3A_1521 = vector.broadcast %eq3A_1520 : i32 to vector<16xi32>
      %eq3A_1522 = arith.cmpi eq, %get3A_1519, %eq3A_1521 : vector<16xi32>
      %get3A_1523 = arith.index_cast %scan3A_54 : i32 to index
      %get3A_1524 = arith.constant 624 : index
      %get3A_1525 = tpu.vector_load %arg6[%get3A_1523, %get3A_1524] {strides = array<i32>} : memref<32x1024xi32, #tpu.memory_space<vmem>>, vector<16xi32>,
      %eq3A_1526 = arith.constant 1 : i32
      %eq3A_1527 = vector.broadcast %eq3A_1526 : i32 to vector<16xi32>
      %eq3A_1528 = arith.cmpi eq, %get3A_1525, %eq3A_1527 : vector<16xi32>
      %get3A_1529 = arith.index_cast %scan3A_54 : i32 to index
      %get3A_1530 = arith.constant 640 : index
      %get3A_1531 = tpu.vector_load %arg6[%get3A_1529, %get3A_1530] {strides = array<i32>} : memref<32x1024xi32, #tpu.memory_space<vmem>>, vector<16xi32>,
      %eq3A_1532 = arith.constant 1 : i32
      %eq3A_1533 = vector.broadcast %eq3A_1532 : i32 to vector<16xi32>
      %eq3A_1534 = arith.cmpi eq, %get3A_1531, %eq3A_1533 : vector<16xi32>
      %get3A_1535 = arith.index_cast %scan3A_54 : i32 to index
      %get3A_1536 = arith.constant 656 : index
      %get3A_1537 = tpu.vector_load %arg6[%get3A_1535, %get3A_1536] {strides = array<i32>} : memref<32x1024xi32, #tpu.memory_space<vmem>>, vector<16xi32>,
      %eq3A_1538 = arith.constant 1 : i32
      %eq3A_1539 = vector.broadcast %eq3A_1538 : i32 to vector<16xi32>
      %eq3A_1540 = arith.cmpi eq, %get3A_1537, %eq3A_1539 : vector<16xi32>
      %get3A_1541 = arith.index_cast %scan3A_54 : i32 to index
      %get3A_1542 = arith.constant 672 : index
      %get3A_1543 = tpu.vector_load %arg6[%get3A_1541, %get3A_1542] {strides = array<i32>} : memref<32x1024xi32, #tpu.memory_space<vmem>>, vector<16xi32>,
      %eq3A_1544 = arith.constant 1 : i32
      %eq3A_1545 = vector.broadcast %eq3A_1544 : i32 to vector<16xi32>
      %eq3A_1546 = arith.cmpi eq, %get3A_1543, %eq3A_1545 : vector<16xi32>
      %get3A_1547 = arith.index_cast %scan3A_54 : i32 to index
      %get3A_1548 = arith.constant 688 : index
      %get3A_1549 = tpu.vector_load %arg6[%get3A_1547, %get3A_1548] {strides = array<i32>} : memref<32x1024xi32, #tpu.memory_space<vmem>>, vector<16xi32>,
      %eq3A_1550 = arith.constant 1 : i32
      %eq3A_1551 = vector.broadcast %eq3A_1550 : i32 to vector<16xi32>
      %eq3A_1552 = arith.cmpi eq, %get3A_1549, %eq3A_1551 : vector<16xi32>
      %get3A_1553 = arith.index_cast %scan3A_54 : i32 to index
      %get3A_1554 = arith.constant 704 : index
      %get3A_1555 = tpu.vector_load %arg6[%get3A_1553, %get3A_1554] {strides = array<i32>} : memref<32x1024xi32, #tpu.memory_space<vmem>>, vector<16xi32>,
      %eq3A_1556 = arith.constant 1 : i32
      %eq3A_1557 = vector.broadcast %eq3A_1556 : i32 to vector<16xi32>
      %eq3A_1558 = arith.cmpi eq, %get3A_1555, %eq3A_1557 : vector<16xi32>
      %get3A_1559 = arith.index_cast %scan3A_54 : i32 to index
      %get3A_1560 = arith.constant 720 : index
      %get3A_1561 = tpu.vector_load %arg6[%get3A_1559, %get3A_1560] {strides = array<i32>} : memref<32x1024xi32, #tpu.memory_space<vmem>>, vector<16xi32>,
      %eq3A_1562 = arith.constant 1 : i32
      %eq3A_1563 = vector.broadcast %eq3A_1562 : i32 to vector<16xi32>
      %eq3A_1564 = arith.cmpi eq, %get3A_1561, %eq3A_1563 : vector<16xi32>
      %get3A_1565 = arith.index_cast %scan3A_54 : i32 to index
      %get3A_1566 = arith.constant 736 : index
      %get3A_1567 = tpu.vector_load %arg6[%get3A_1565, %get3A_1566] {strides = array<i32>} : memref<32x1024xi32, #tpu.memory_space<vmem>>, vector<16xi32>,
      %eq3A_1568 = arith.constant 1 : i32
      %eq3A_1569 = vector.broadcast %eq3A_1568 : i32 to vector<16xi32>
      %eq3A_1570 = arith.cmpi eq, %get3A_1567, %eq3A_1569 : vector<16xi32>
      %get3A_1571 = arith.index_cast %scan3A_54 : i32 to index
      %get3A_1572 = arith.constant 752 : index
      %get3A_1573 = tpu.vector_load %arg6[%get3A_1571, %get3A_1572] {strides = array<i32>} : memref<32x1024xi32, #tpu.memory_space<vmem>>, vector<16xi32>,
      %eq3A_1574 = arith.constant 1 : i32
      %eq3A_1575 = vector.broadcast %eq3A_1574 : i32 to vector<16xi32>
      %eq3A_1576 = arith.cmpi eq, %get3A_1573, %eq3A_1575 : vector<16xi32>
      %parallel_loop3A_1577 = arith.constant 0 : i32
      %parallel_loop3A_1578 = arith.constant 16 : i32
      %parallel_loop3A_1579 = arith.constant 1 : i32
      scf.for %parallel_loop3A_1688 = %parallel_loop3A_1577 to %parallel_loop3A_1578 step %parallel_loop3A_1579  : i32 {
        %parallel_loop3A_1689 = arith.constant 48 : i32
        %parallel_loop3A_1690 = arith.addi %parallel_loop3A_1689, %parallel_loop3A_1688 : i32
        %parallel_loop3A_1691 = arith.index_cast %parallel_loop3A_1690 : i32 to index
        %parallel_loop3A_1692 = arith.constant 0 : index
        %parallel_loop3A_1693 = tpu.vector_load %arg5[%parallel_loop3A_1691, %parallel_loop3A_1692] {strides = array<i32>} : memref<128x16xf32, #tpu.memory_space<vmem>>, vector<16xf32>,
        %parallel_loop3A_1694 = arith.constant 112 : i32
        %parallel_loop3A_1695 = arith.addi %parallel_loop3A_1694, %parallel_loop3A_1688 : i32
        %parallel_loop3A_1696 = arith.index_cast %parallel_loop3A_1695 : i32 to index
        %parallel_loop3A_1697 = arith.constant 0 : index
        %parallel_loop3A_1698 = tpu.vector_load %arg5[%parallel_loop3A_1696, %parallel_loop3A_1697] {strides = array<i32>} : memref<128x16xf32, #tpu.memory_space<vmem>>, vector<16xf32>,
        %parallel_loop3A_1699 = arith.select %eq3A_1486, %parallel_loop3A_1693, %parallel_loop3A_1698 : vector<16xi1>, vector<16xf32>
        %parallel_loop3A_1700 = arith.index_cast %parallel_loop3A_1688 : i32 to index
        %parallel_loop3A_1701 = arith.constant 512 : index
        %parallel_loop3A_1702 = tpu.vector_load %arg10[%parallel_loop3A_1700, %parallel_loop3A_1701] {strides = array<i32>} : memref<16x1024xf32, #tpu.memory_space<vmem>>, vector<16xf32>,
        tpu.vector_store %arg10[%parallel_loop3A_1700, %parallel_loop3A_1701], %parallel_loop3A_1699 {strides = array<i32>} : memref<16x1024xf32, #tpu.memory_space<vmem>>, vector<16xf32>,
        %parallel_loop3A_1703 = arith.select %eq3A_1492, %parallel_loop3A_1693, %parallel_loop3A_1698 : vector<16xi1>, vector<16xf32>
        %parallel_loop3A_1704 = arith.index_cast %parallel_loop3A_1688 : i32 to index
        %parallel_loop3A_1705 = arith.constant 528 : index
        %parallel_loop3A_1706 = tpu.vector_load %arg10[%parallel_loop3A_1704, %parallel_loop3A_1705] {strides = array<i32>} : memref<16x1024xf32, #tpu.memory_space<vmem>>, vector<16xf32>,
        tpu.vector_store %arg10[%parallel_loop3A_1704, %parallel_loop3A_1705], %parallel_loop3A_1703 {strides = array<i32>} : memref<16x1024xf32, #tpu.memory_space<vmem>>, vector<16xf32>,
        %parallel_loop3A_1707 = arith.select %eq3A_1498, %parallel_loop3A_1693, %parallel_loop3A_1698 : vector<16xi1>, vector<16xf32>
        %parallel_loop3A_1708 = arith.index_cast %parallel_loop3A_1688 : i32 to index
        %parallel_loop3A_1709 = arith.constant 544 : index
        %parallel_loop3A_1710 = tpu.vector_load %arg10[%parallel_loop3A_1708, %parallel_loop3A_1709] {strides = array<i32>} : memref<16x1024xf32, #tpu.memory_space<vmem>>, vector<16xf32>,
        tpu.vector_store %arg10[%parallel_loop3A_1708, %parallel_loop3A_1709], %parallel_loop3A_1707 {strides = array<i32>} : memref<16x1024xf32, #tpu.memory_space<vmem>>, vector<16xf32>,
        %parallel_loop3A_1711 = arith.select %eq3A_1504, %parallel_loop3A_1693, %parallel_loop3A_1698 : vector<16xi1>, vector<16xf32>
        %parallel_loop3A_1712 = arith.index_cast %parallel_loop3A_1688 : i32 to index
        %parallel_loop3A_1713 = arith.constant 560 : index
        %parallel_loop3A_1714 = tpu.vector_load %arg10[%parallel_loop3A_1712, %parallel_loop3A_1713] {strides = array<i32>} : memref<16x1024xf32, #tpu.memory_space<vmem>>, vector<16xf32>,
        tpu.vector_store %arg10[%parallel_loop3A_1712, %parallel_loop3A_1713], %parallel_loop3A_1711 {strides = array<i32>} : memref<16x1024xf32, #tpu.memory_space<vmem>>, vector<16xf32>,
        %parallel_loop3A_1715 = arith.select %eq3A_1510, %parallel_loop3A_1693, %parallel_loop3A_1698 : vector<16xi1>, vector<16xf32>
        %parallel_loop3A_1716 = arith.index_cast %parallel_loop3A_1688 : i32 to index
        %parallel_loop3A_1717 = arith.constant 576 : index
        %parallel_loop3A_1718 = tpu.vector_load %arg10[%parallel_loop3A_1716, %parallel_loop3A_1717] {strides = array<i32>} : memref<16x1024xf32, #tpu.memory_space<vmem>>, vector<16xf32>,
        tpu.vector_store %arg10[%parallel_loop3A_1716, %parallel_loop3A_1717], %parallel_loop3A_1715 {strides = array<i32>} : memref<16x1024xf32, #tpu.memory_space<vmem>>, vector<16xf32>,
        %parallel_loop3A_1719 = arith.select %eq3A_1516, %parallel_loop3A_1693, %parallel_loop3A_1698 : vector<16xi1>, vector<16xf32>
        %parallel_loop3A_1720 = arith.index_cast %parallel_loop3A_1688 : i32 to index
        %parallel_loop3A_1721 = arith.constant 592 : index
        %parallel_loop3A_1722 = tpu.vector_load %arg10[%parallel_loop3A_1720, %parallel_loop3A_1721] {strides = array<i32>} : memref<16x1024xf32, #tpu.memory_space<vmem>>, vector<16xf32>,
        tpu.vector_store %arg10[%parallel_loop3A_1720, %parallel_loop3A_1721], %parallel_loop3A_1719 {strides = array<i32>} : memref<16x1024xf32, #tpu.memory_space<vmem>>, vector<16xf32>,
        %parallel_loop3A_1723 = arith.select %eq3A_1522, %parallel_loop3A_1693, %parallel_loop3A_1698 : vector<16xi1>, vector<16xf32>
        %parallel_loop3A_1724 = arith.index_cast %parallel_loop3A_1688 : i32 to index
        %parallel_loop3A_1725 = arith.constant 608 : index
        %parallel_loop3A_1726 = tpu.vector_load %arg10[%parallel_loop3A_1724, %parallel_loop3A_1725] {strides = array<i32>} : memref<16x1024xf32, #tpu.memory_space<vmem>>, vector<16xf32>,
        tpu.vector_store %arg10[%parallel_loop3A_1724, %parallel_loop3A_1725], %parallel_loop3A_1723 {strides = array<i32>} : memref<16x1024xf32, #tpu.memory_space<vmem>>, vector<16xf32>,
        %parallel_loop3A_1727 = arith.select %eq3A_1528, %parallel_loop3A_1693, %parallel_loop3A_1698 : vector<16xi1>, vector<16xf32>
        %parallel_loop3A_1728 = arith.index_cast %parallel_loop3A_1688 : i32 to index
        %parallel_loop3A_1729 = arith.constant 624 : index
        %parallel_loop3A_1730 = tpu.vector_load %arg10[%parallel_loop3A_1728, %parallel_loop3A_1729] {strides = array<i32>} : memref<16x1024xf32, #tpu.memory_space<vmem>>, vector<16xf32>,
        tpu.vector_store %arg10[%parallel_loop3A_1728, %parallel_loop3A_1729], %parallel_loop3A_1727 {strides = array<i32>} : memref<16x1024xf32, #tpu.memory_space<vmem>>, vector<16xf32>,
        %parallel_loop3A_1731 = arith.select %eq3A_1534, %parallel_loop3A_1693, %parallel_loop3A_1698 : vector<16xi1>, vector<16xf32>
        %parallel_loop3A_1732 = arith.index_cast %parallel_loop3A_1688 : i32 to index
        %parallel_loop3A_1733 = arith.constant 640 : index
        %parallel_loop3A_1734 = tpu.vector_load %arg10[%parallel_loop3A_1732, %parallel_loop3A_1733] {strides = array<i32>} : memref<16x1024xf32, #tpu.memory_space<vmem>>, vector<16xf32>,
        tpu.vector_store %arg10[%parallel_loop3A_1732, %parallel_loop3A_1733], %parallel_loop3A_1731 {strides = array<i32>} : memref<16x1024xf32, #tpu.memory_space<vmem>>, vector<16xf32>,
        %parallel_loop3A_1735 = arith.select %eq3A_1540, %parallel_loop3A_1693, %parallel_loop3A_1698 : vector<16xi1>, vector<16xf32>
        %parallel_loop3A_1736 = arith.index_cast %parallel_loop3A_1688 : i32 to index
        %parallel_loop3A_1737 = arith.constant 656 : index
        %parallel_loop3A_1738 = tpu.vector_load %arg10[%parallel_loop3A_1736, %parallel_loop3A_1737] {strides = array<i32>} : memref<16x1024xf32, #tpu.memory_space<vmem>>, vector<16xf32>,
        tpu.vector_store %arg10[%parallel_loop3A_1736, %parallel_loop3A_1737], %parallel_loop3A_1735 {strides = array<i32>} : memref<16x1024xf32, #tpu.memory_space<vmem>>, vector<16xf32>,
        %parallel_loop3A_1739 = arith.select %eq3A_1546, %parallel_loop3A_1693, %parallel_loop3A_1698 : vector<16xi1>, vector<16xf32>
        %parallel_loop3A_1740 = arith.index_cast %parallel_loop3A_1688 : i32 to index
        %parallel_loop3A_1741 = arith.constant 672 : index
        %parallel_loop3A_1742 = tpu.vector_load %arg10[%parallel_loop3A_1740, %parallel_loop3A_1741] {strides = array<i32>} : memref<16x1024xf32, #tpu.memory_space<vmem>>, vector<16xf32>,
        tpu.vector_store %arg10[%parallel_loop3A_1740, %parallel_loop3A_1741], %parallel_loop3A_1739 {strides = array<i32>} : memref<16x1024xf32, #tpu.memory_space<vmem>>, vector<16xf32>,
        %parallel_loop3A_1743 = arith.select %eq3A_1552, %parallel_loop3A_1693, %parallel_loop3A_1698 : vector<16xi1>, vector<16xf32>
        %parallel_loop3A_1744 = arith.index_cast %parallel_loop3A_1688 : i32 to index
        %parallel_loop3A_1745 = arith.constant 688 : index
        %parallel_loop3A_1746 = tpu.vector_load %arg10[%parallel_loop3A_1744, %parallel_loop3A_1745] {strides = array<i32>} : memref<16x1024xf32, #tpu.memory_space<vmem>>, vector<16xf32>,
        tpu.vector_store %arg10[%parallel_loop3A_1744, %parallel_loop3A_1745], %parallel_loop3A_1743 {strides = array<i32>} : memref<16x1024xf32, #tpu.memory_space<vmem>>, vector<16xf32>,
        %parallel_loop3A_1747 = arith.select %eq3A_1558, %parallel_loop3A_1693, %parallel_loop3A_1698 : vector<16xi1>, vector<16xf32>
        %parallel_loop3A_1748 = arith.index_cast %parallel_loop3A_1688 : i32 to index
        %parallel_loop3A_1749 = arith.constant 704 : index
        %parallel_loop3A_1750 = tpu.vector_load %arg10[%parallel_loop3A_1748, %parallel_loop3A_1749] {strides = array<i32>} : memref<16x1024xf32, #tpu.memory_space<vmem>>, vector<16xf32>,
        tpu.vector_store %arg10[%parallel_loop3A_1748, %parallel_loop3A_1749], %parallel_loop3A_1747 {strides = array<i32>} : memref<16x1024xf32, #tpu.memory_space<vmem>>, vector<16xf32>,
        %parallel_loop3A_1751 = arith.select %eq3A_1564, %parallel_loop3A_1693, %parallel_loop3A_1698 : vector<16xi1>, vector<16xf32>
        %parallel_loop3A_1752 = arith.index_cast %parallel_loop3A_1688 : i32 to index
        %parallel_loop3A_1753 = arith.constant 720 : index
        %parallel_loop3A_1754 = tpu.vector_load %arg10[%parallel_loop3A_1752, %parallel_loop3A_1753] {strides = array<i32>} : memref<16x1024xf32, #tpu.memory_space<vmem>>, vector<16xf32>,
        tpu.vector_store %arg10[%parallel_loop3A_1752, %parallel_loop3A_1753], %parallel_loop3A_1751 {strides = array<i32>} : memref<16x1024xf32, #tpu.memory_space<vmem>>, vector<16xf32>,
        %parallel_loop3A_1755 = arith.select %eq3A_1570, %parallel_loop3A_1693, %parallel_loop3A_1698 : vector<16xi1>, vector<16xf32>
        %parallel_loop3A_1756 = arith.index_cast %parallel_loop3A_1688 : i32 to index
        %parallel_loop3A_1757 = arith.constant 736 : index
        %parallel_loop3A_1758 = tpu.vector_load %arg10[%parallel_loop3A_1756, %parallel_loop3A_1757] {strides = array<i32>} : memref<16x1024xf32, #tpu.memory_space<vmem>>, vector<16xf32>,
        tpu.vector_store %arg10[%parallel_loop3A_1756, %parallel_loop3A_1757], %parallel_loop3A_1755 {strides = array<i32>} : memref<16x1024xf32, #tpu.memory_space<vmem>>, vector<16xf32>,
        %parallel_loop3A_1759 = arith.select %eq3A_1576, %parallel_loop3A_1693, %parallel_loop3A_1698 : vector<16xi1>, vector<16xf32>
        %parallel_loop3A_1760 = arith.index_cast %parallel_loop3A_1688 : i32 to index
        %parallel_loop3A_1761 = arith.constant 752 : index
        %parallel_loop3A_1762 = tpu.vector_load %arg10[%parallel_loop3A_1760, %parallel_loop3A_1761] {strides = array<i32>} : memref<16x1024xf32, #tpu.memory_space<vmem>>, vector<16xf32>,
        tpu.vector_store %arg10[%parallel_loop3A_1760, %parallel_loop3A_1761], %parallel_loop3A_1759 {strides = array<i32>} : memref<16x1024xf32, #tpu.memory_space<vmem>>, vector<16xf32>,
      } {sc.loop_unroll_factor = 2 : i64, sc.parallel_access}
      %get3A_1580 = arith.index_cast %scan3A_54 : i32 to index
      %get3A_1581 = arith.constant 768 : index
      %get3A_1582 = tpu.vector_load %arg6[%get3A_1580, %get3A_1581] {strides = array<i32>} : memref<32x1024xi32, #tpu.memory_space<vmem>>, vector<16xi32>,
      %eq3A_1583 = arith.constant 1 : i32
      %eq3A_1584 = vector.broadcast %eq3A_1583 : i32 to vector<16xi32>
      %eq3A_1585 = arith.cmpi eq, %get3A_1582, %eq3A_1584 : vector<16xi32>
      %get3A_1586 = arith.index_cast %scan3A_54 : i32 to index
      %get3A_1587 = arith.constant 784 : index
      %get3A_1588 = tpu.vector_load %arg6[%get3A_1586, %get3A_1587] {strides = array<i32>} : memref<32x1024xi32, #tpu.memory_space<vmem>>, vector<16xi32>,
      %eq3A_1589 = arith.constant 1 : i32
      %eq3A_1590 = vector.broadcast %eq3A_1589 : i32 to vector<16xi32>
      %eq3A_1591 = arith.cmpi eq, %get3A_1588, %eq3A_1590 : vector<16xi32>
      %get3A_1592 = arith.index_cast %scan3A_54 : i32 to index
      %get3A_1593 = arith.constant 800 : index
      %get3A_1594 = tpu.vector_load %arg6[%get3A_1592, %get3A_1593] {strides = array<i32>} : memref<32x1024xi32, #tpu.memory_space<vmem>>, vector<16xi32>,
      %eq3A_1595 = arith.constant 1 : i32
      %eq3A_1596 = vector.broadcast %eq3A_1595 : i32 to vector<16xi32>
      %eq3A_1597 = arith.cmpi eq, %get3A_1594, %eq3A_1596 : vector<16xi32>
      %get3A_1598 = arith.index_cast %scan3A_54 : i32 to index
      %get3A_1599 = arith.constant 816 : index
      %get3A_1600 = tpu.vector_load %arg6[%get3A_1598, %get3A_1599] {strides = array<i32>} : memref<32x1024xi32, #tpu.memory_space<vmem>>, vector<16xi32>,
      %eq3A_1601 = arith.constant 1 : i32
      %eq3A_1602 = vector.broadcast %eq3A_1601 : i32 to vector<16xi32>
      %eq3A_1603 = arith.cmpi eq, %get3A_1600, %eq3A_1602 : vector<16xi32>
      %get3A_1604 = arith.index_cast %scan3A_54 : i32 to index
      %get3A_1605 = arith.constant 832 : index
      %get3A_1606 = tpu.vector_load %arg6[%get3A_1604, %get3A_1605] {strides = array<i32>} : memref<32x1024xi32, #tpu.memory_space<vmem>>, vector<16xi32>,
      %eq3A_1607 = arith.constant 1 : i32
      %eq3A_1608 = vector.broadcast %eq3A_1607 : i32 to vector<16xi32>
      %eq3A_1609 = arith.cmpi eq, %get3A_1606, %eq3A_1608 : vector<16xi32>
      %get3A_1610 = arith.index_cast %scan3A_54 : i32 to index
      %get3A_1611 = arith.constant 848 : index
      %get3A_1612 = tpu.vector_load %arg6[%get3A_1610, %get3A_1611] {strides = array<i32>} : memref<32x1024xi32, #tpu.memory_space<vmem>>, vector<16xi32>,
      %eq3A_1613 = arith.constant 1 : i32
      %eq3A_1614 = vector.broadcast %eq3A_1613 : i32 to vector<16xi32>
      %eq3A_1615 = arith.cmpi eq, %get3A_1612, %eq3A_1614 : vector<16xi32>
      %get3A_1616 = arith.index_cast %scan3A_54 : i32 to index
      %get3A_1617 = arith.constant 864 : index
      %get3A_1618 = tpu.vector_load %arg6[%get3A_1616, %get3A_1617] {strides = array<i32>} : memref<32x1024xi32, #tpu.memory_space<vmem>>, vector<16xi32>,
      %eq3A_1619 = arith.constant 1 : i32
      %eq3A_1620 = vector.broadcast %eq3A_1619 : i32 to vector<16xi32>
      %eq3A_1621 = arith.cmpi eq, %get3A_1618, %eq3A_1620 : vector<16xi32>
      %get3A_1622 = arith.index_cast %scan3A_54 : i32 to index
      %get3A_1623 = arith.constant 880 : index
      %get3A_1624 = tpu.vector_load %arg6[%get3A_1622, %get3A_1623] {strides = array<i32>} : memref<32x1024xi32, #tpu.memory_space<vmem>>, vector<16xi32>,
      %eq3A_1625 = arith.constant 1 : i32
      %eq3A_1626 = vector.broadcast %eq3A_1625 : i32 to vector<16xi32>
      %eq3A_1627 = arith.cmpi eq, %get3A_1624, %eq3A_1626 : vector<16xi32>
      %get3A_1628 = arith.index_cast %scan3A_54 : i32 to index
      %get3A_1629 = arith.constant 896 : index
      %get3A_1630 = tpu.vector_load %arg6[%get3A_1628, %get3A_1629] {strides = array<i32>} : memref<32x1024xi32, #tpu.memory_space<vmem>>, vector<16xi32>,
      %eq3A_1631 = arith.constant 1 : i32
      %eq3A_1632 = vector.broadcast %eq3A_1631 : i32 to vector<16xi32>
      %eq3A_1633 = arith.cmpi eq, %get3A_1630, %eq3A_1632 : vector<16xi32>
      %get3A_1634 = arith.index_cast %scan3A_54 : i32 to index
      %get3A_1635 = arith.constant 912 : index
      %get3A_1636 = tpu.vector_load %arg6[%get3A_1634, %get3A_1635] {strides = array<i32>} : memref<32x1024xi32, #tpu.memory_space<vmem>>, vector<16xi32>,
      %eq3A_1637 = arith.constant 1 : i32
      %eq3A_1638 = vector.broadcast %eq3A_1637 : i32 to vector<16xi32>
      %eq3A_1639 = arith.cmpi eq, %get3A_1636, %eq3A_1638 : vector<16xi32>
      %get3A_1640 = arith.index_cast %scan3A_54 : i32 to index
      %get3A_1641 = arith.constant 928 : index
      %get3A_1642 = tpu.vector_load %arg6[%get3A_1640, %get3A_1641] {strides = array<i32>} : memref<32x1024xi32, #tpu.memory_space<vmem>>, vector<16xi32>,
      %eq3A_1643 = arith.constant 1 : i32
      %eq3A_1644 = vector.broadcast %eq3A_1643 : i32 to vector<16xi32>
      %eq3A_1645 = arith.cmpi eq, %get3A_1642, %eq3A_1644 : vector<16xi32>
      %get3A_1646 = arith.index_cast %scan3A_54 : i32 to index
      %get3A_1647 = arith.constant 944 : index
      %get3A_1648 = tpu.vector_load %arg6[%get3A_1646, %get3A_1647] {strides = array<i32>} : memref<32x1024xi32, #tpu.memory_space<vmem>>, vector<16xi32>,
      %eq3A_1649 = arith.constant 1 : i32
      %eq3A_1650 = vector.broadcast %eq3A_1649 : i32 to vector<16xi32>
      %eq3A_1651 = arith.cmpi eq, %get3A_1648, %eq3A_1650 : vector<16xi32>
      %get3A_1652 = arith.index_cast %scan3A_54 : i32 to index
      %get3A_1653 = arith.constant 960 : index
      %get3A_1654 = tpu.vector_load %arg6[%get3A_1652, %get3A_1653] {strides = array<i32>} : memref<32x1024xi32, #tpu.memory_space<vmem>>, vector<16xi32>,
      %eq3A_1655 = arith.constant 1 : i32
      %eq3A_1656 = vector.broadcast %eq3A_1655 : i32 to vector<16xi32>
      %eq3A_1657 = arith.cmpi eq, %get3A_1654, %eq3A_1656 : vector<16xi32>
      %get3A_1658 = arith.index_cast %scan3A_54 : i32 to index
      %get3A_1659 = arith.constant 976 : index
      %get3A_1660 = tpu.vector_load %arg6[%get3A_1658, %get3A_1659] {strides = array<i32>} : memref<32x1024xi32, #tpu.memory_space<vmem>>, vector<16xi32>,
      %eq3A_1661 = arith.constant 1 : i32
      %eq3A_1662 = vector.broadcast %eq3A_1661 : i32 to vector<16xi32>
      %eq3A_1663 = arith.cmpi eq, %get3A_1660, %eq3A_1662 : vector<16xi32>
      %get3A_1664 = arith.index_cast %scan3A_54 : i32 to index
      %get3A_1665 = arith.constant 992 : index
      %get3A_1666 = tpu.vector_load %arg6[%get3A_1664, %get3A_1665] {strides = array<i32>} : memref<32x1024xi32, #tpu.memory_space<vmem>>, vector<16xi32>,
      %eq3A_1667 = arith.constant 1 : i32
      %eq3A_1668 = vector.broadcast %eq3A_1667 : i32 to vector<16xi32>
      %eq3A_1669 = arith.cmpi eq, %get3A_1666, %eq3A_1668 : vector<16xi32>
      %get3A_1670 = arith.index_cast %scan3A_54 : i32 to index
      %get3A_1671 = arith.constant 1008 : index
      %get3A_1672 = tpu.vector_load %arg6[%get3A_1670, %get3A_1671] {strides = array<i32>} : memref<32x1024xi32, #tpu.memory_space<vmem>>, vector<16xi32>,
      %eq3A_1673 = arith.constant 1 : i32
      %eq3A_1674 = vector.broadcast %eq3A_1673 : i32 to vector<16xi32>
      %eq3A_1675 = arith.cmpi eq, %get3A_1672, %eq3A_1674 : vector<16xi32>
      %parallel_loop3A_1676 = arith.constant 0 : i32
      %parallel_loop3A_1677 = arith.constant 16 : i32
      %parallel_loop3A_1678 = arith.constant 1 : i32
      scf.for %parallel_loop3A_1688 = %parallel_loop3A_1676 to %parallel_loop3A_1677 step %parallel_loop3A_1678  : i32 {
        %parallel_loop3A_1689 = arith.constant 48 : i32
        %parallel_loop3A_1690 = arith.addi %parallel_loop3A_1689, %parallel_loop3A_1688 : i32
        %parallel_loop3A_1691 = arith.index_cast %parallel_loop3A_1690 : i32 to index
        %parallel_loop3A_1692 = arith.constant 0 : index
        %parallel_loop3A_1693 = tpu.vector_load %arg5[%parallel_loop3A_1691, %parallel_loop3A_1692] {strides = array<i32>} : memref<128x16xf32, #tpu.memory_space<vmem>>, vector<16xf32>,
        %parallel_loop3A_1694 = arith.constant 112 : i32
        %parallel_loop3A_1695 = arith.addi %parallel_loop3A_1694, %parallel_loop3A_1688 : i32
        %parallel_loop3A_1696 = arith.index_cast %parallel_loop3A_1695 : i32 to index
        %parallel_loop3A_1697 = arith.constant 0 : index
        %parallel_loop3A_1698 = tpu.vector_load %arg5[%parallel_loop3A_1696, %parallel_loop3A_1697] {strides = array<i32>} : memref<128x16xf32, #tpu.memory_space<vmem>>, vector<16xf32>,
        %parallel_loop3A_1699 = arith.select %eq3A_1585, %parallel_loop3A_1693, %parallel_loop3A_1698 : vector<16xi1>, vector<16xf32>
        %parallel_loop3A_1700 = arith.index_cast %parallel_loop3A_1688 : i32 to index
        %parallel_loop3A_1701 = arith.constant 768 : index
        %parallel_loop3A_1702 = tpu.vector_load %arg10[%parallel_loop3A_1700, %parallel_loop3A_1701] {strides = array<i32>} : memref<16x1024xf32, #tpu.memory_space<vmem>>, vector<16xf32>,
        tpu.vector_store %arg10[%parallel_loop3A_1700, %parallel_loop3A_1701], %parallel_loop3A_1699 {strides = array<i32>} : memref<16x1024xf32, #tpu.memory_space<vmem>>, vector<16xf32>,
        %parallel_loop3A_1703 = arith.select %eq3A_1591, %parallel_loop3A_1693, %parallel_loop3A_1698 : vector<16xi1>, vector<16xf32>
        %parallel_loop3A_1704 = arith.index_cast %parallel_loop3A_1688 : i32 to index
        %parallel_loop3A_1705 = arith.constant 784 : index
        %parallel_loop3A_1706 = tpu.vector_load %arg10[%parallel_loop3A_1704, %parallel_loop3A_1705] {strides = array<i32>} : memref<16x1024xf32, #tpu.memory_space<vmem>>, vector<16xf32>,
        tpu.vector_store %arg10[%parallel_loop3A_1704, %parallel_loop3A_1705], %parallel_loop3A_1703 {strides = array<i32>} : memref<16x1024xf32, #tpu.memory_space<vmem>>, vector<16xf32>,
        %parallel_loop3A_1707 = arith.select %eq3A_1597, %parallel_loop3A_1693, %parallel_loop3A_1698 : vector<16xi1>, vector<16xf32>
        %parallel_loop3A_1708 = arith.index_cast %parallel_loop3A_1688 : i32 to index
        %parallel_loop3A_1709 = arith.constant 800 : index
        %parallel_loop3A_1710 = tpu.vector_load %arg10[%parallel_loop3A_1708, %parallel_loop3A_1709] {strides = array<i32>} : memref<16x1024xf32, #tpu.memory_space<vmem>>, vector<16xf32>,
        tpu.vector_store %arg10[%parallel_loop3A_1708, %parallel_loop3A_1709], %parallel_loop3A_1707 {strides = array<i32>} : memref<16x1024xf32, #tpu.memory_space<vmem>>, vector<16xf32>,
        %parallel_loop3A_1711 = arith.select %eq3A_1603, %parallel_loop3A_1693, %parallel_loop3A_1698 : vector<16xi1>, vector<16xf32>
        %parallel_loop3A_1712 = arith.index_cast %parallel_loop3A_1688 : i32 to index
        %parallel_loop3A_1713 = arith.constant 816 : index
        %parallel_loop3A_1714 = tpu.vector_load %arg10[%parallel_loop3A_1712, %parallel_loop3A_1713] {strides = array<i32>} : memref<16x1024xf32, #tpu.memory_space<vmem>>, vector<16xf32>,
        tpu.vector_store %arg10[%parallel_loop3A_1712, %parallel_loop3A_1713], %parallel_loop3A_1711 {strides = array<i32>} : memref<16x1024xf32, #tpu.memory_space<vmem>>, vector<16xf32>,
        %parallel_loop3A_1715 = arith.select %eq3A_1609, %parallel_loop3A_1693, %parallel_loop3A_1698 : vector<16xi1>, vector<16xf32>
        %parallel_loop3A_1716 = arith.index_cast %parallel_loop3A_1688 : i32 to index
        %parallel_loop3A_1717 = arith.constant 832 : index
        %parallel_loop3A_1718 = tpu.vector_load %arg10[%parallel_loop3A_1716, %parallel_loop3A_1717] {strides = array<i32>} : memref<16x1024xf32, #tpu.memory_space<vmem>>, vector<16xf32>,
        tpu.vector_store %arg10[%parallel_loop3A_1716, %parallel_loop3A_1717], %parallel_loop3A_1715 {strides = array<i32>} : memref<16x1024xf32, #tpu.memory_space<vmem>>, vector<16xf32>,
        %parallel_loop3A_1719 = arith.select %eq3A_1615, %parallel_loop3A_1693, %parallel_loop3A_1698 : vector<16xi1>, vector<16xf32>
        %parallel_loop3A_1720 = arith.index_cast %parallel_loop3A_1688 : i32 to index
        %parallel_loop3A_1721 = arith.constant 848 : index
        %parallel_loop3A_1722 = tpu.vector_load %arg10[%parallel_loop3A_1720, %parallel_loop3A_1721] {strides = array<i32>} : memref<16x1024xf32, #tpu.memory_space<vmem>>, vector<16xf32>,
        tpu.vector_store %arg10[%parallel_loop3A_1720, %parallel_loop3A_1721], %parallel_loop3A_1719 {strides = array<i32>} : memref<16x1024xf32, #tpu.memory_space<vmem>>, vector<16xf32>,
        %parallel_loop3A_1723 = arith.select %eq3A_1621, %parallel_loop3A_1693, %parallel_loop3A_1698 : vector<16xi1>, vector<16xf32>
        %parallel_loop3A_1724 = arith.index_cast %parallel_loop3A_1688 : i32 to index
        %parallel_loop3A_1725 = arith.constant 864 : index
        %parallel_loop3A_1726 = tpu.vector_load %arg10[%parallel_loop3A_1724, %parallel_loop3A_1725] {strides = array<i32>} : memref<16x1024xf32, #tpu.memory_space<vmem>>, vector<16xf32>,
        tpu.vector_store %arg10[%parallel_loop3A_1724, %parallel_loop3A_1725], %parallel_loop3A_1723 {strides = array<i32>} : memref<16x1024xf32, #tpu.memory_space<vmem>>, vector<16xf32>,
        %parallel_loop3A_1727 = arith.select %eq3A_1627, %parallel_loop3A_1693, %parallel_loop3A_1698 : vector<16xi1>, vector<16xf32>
        %parallel_loop3A_1728 = arith.index_cast %parallel_loop3A_1688 : i32 to index
        %parallel_loop3A_1729 = arith.constant 880 : index
        %parallel_loop3A_1730 = tpu.vector_load %arg10[%parallel_loop3A_1728, %parallel_loop3A_1729] {strides = array<i32>} : memref<16x1024xf32, #tpu.memory_space<vmem>>, vector<16xf32>,
        tpu.vector_store %arg10[%parallel_loop3A_1728, %parallel_loop3A_1729], %parallel_loop3A_1727 {strides = array<i32>} : memref<16x1024xf32, #tpu.memory_space<vmem>>, vector<16xf32>,
        %parallel_loop3A_1731 = arith.select %eq3A_1633, %parallel_loop3A_1693, %parallel_loop3A_1698 : vector<16xi1>, vector<16xf32>
        %parallel_loop3A_1732 = arith.index_cast %parallel_loop3A_1688 : i32 to index
        %parallel_loop3A_1733 = arith.constant 896 : index
        %parallel_loop3A_1734 = tpu.vector_load %arg10[%parallel_loop3A_1732, %parallel_loop3A_1733] {strides = array<i32>} : memref<16x1024xf32, #tpu.memory_space<vmem>>, vector<16xf32>,
        tpu.vector_store %arg10[%parallel_loop3A_1732, %parallel_loop3A_1733], %parallel_loop3A_1731 {strides = array<i32>} : memref<16x1024xf32, #tpu.memory_space<vmem>>, vector<16xf32>,
        %parallel_loop3A_1735 = arith.select %eq3A_1639, %parallel_loop3A_1693, %parallel_loop3A_1698 : vector<16xi1>, vector<16xf32>
        %parallel_loop3A_1736 = arith.index_cast %parallel_loop3A_1688 : i32 to index
        %parallel_loop3A_1737 = arith.constant 912 : index
        %parallel_loop3A_1738 = tpu.vector_load %arg10[%parallel_loop3A_1736, %parallel_loop3A_1737] {strides = array<i32>} : memref<16x1024xf32, #tpu.memory_space<vmem>>, vector<16xf32>,
        tpu.vector_store %arg10[%parallel_loop3A_1736, %parallel_loop3A_1737], %parallel_loop3A_1735 {strides = array<i32>} : memref<16x1024xf32, #tpu.memory_space<vmem>>, vector<16xf32>,
        %parallel_loop3A_1739 = arith.select %eq3A_1645, %parallel_loop3A_1693, %parallel_loop3A_1698 : vector<16xi1>, vector<16xf32>
        %parallel_loop3A_1740 = arith.index_cast %parallel_loop3A_1688 : i32 to index
        %parallel_loop3A_1741 = arith.constant 928 : index
        %parallel_loop3A_1742 = tpu.vector_load %arg10[%parallel_loop3A_1740, %parallel_loop3A_1741] {strides = array<i32>} : memref<16x1024xf32, #tpu.memory_space<vmem>>, vector<16xf32>,
        tpu.vector_store %arg10[%parallel_loop3A_1740, %parallel_loop3A_1741], %parallel_loop3A_1739 {strides = array<i32>} : memref<16x1024xf32, #tpu.memory_space<vmem>>, vector<16xf32>,
        %parallel_loop3A_1743 = arith.select %eq3A_1651, %parallel_loop3A_1693, %parallel_loop3A_1698 : vector<16xi1>, vector<16xf32>
        %parallel_loop3A_1744 = arith.index_cast %parallel_loop3A_1688 : i32 to index
        %parallel_loop3A_1745 = arith.constant 944 : index
        %parallel_loop3A_1746 = tpu.vector_load %arg10[%parallel_loop3A_1744, %parallel_loop3A_1745] {strides = array<i32>} : memref<16x1024xf32, #tpu.memory_space<vmem>>, vector<16xf32>,
        tpu.vector_store %arg10[%parallel_loop3A_1744, %parallel_loop3A_1745], %parallel_loop3A_1743 {strides = array<i32>} : memref<16x1024xf32, #tpu.memory_space<vmem>>, vector<16xf32>,
        %parallel_loop3A_1747 = arith.select %eq3A_1657, %parallel_loop3A_1693, %parallel_loop3A_1698 : vector<16xi1>, vector<16xf32>
        %parallel_loop3A_1748 = arith.index_cast %parallel_loop3A_1688 : i32 to index
        %parallel_loop3A_1749 = arith.constant 960 : index
        %parallel_loop3A_1750 = tpu.vector_load %arg10[%parallel_loop3A_1748, %parallel_loop3A_1749] {strides = array<i32>} : memref<16x1024xf32, #tpu.memory_space<vmem>>, vector<16xf32>,
        tpu.vector_store %arg10[%parallel_loop3A_1748, %parallel_loop3A_1749], %parallel_loop3A_1747 {strides = array<i32>} : memref<16x1024xf32, #tpu.memory_space<vmem>>, vector<16xf32>,
        %parallel_loop3A_1751 = arith.select %eq3A_1663, %parallel_loop3A_1693, %parallel_loop3A_1698 : vector<16xi1>, vector<16xf32>
        %parallel_loop3A_1752 = arith.index_cast %parallel_loop3A_1688 : i32 to index
        %parallel_loop3A_1753 = arith.constant 976 : index
        %parallel_loop3A_1754 = tpu.vector_load %arg10[%parallel_loop3A_1752, %parallel_loop3A_1753] {strides = array<i32>} : memref<16x1024xf32, #tpu.memory_space<vmem>>, vector<16xf32>,
        tpu.vector_store %arg10[%parallel_loop3A_1752, %parallel_loop3A_1753], %parallel_loop3A_1751 {strides = array<i32>} : memref<16x1024xf32, #tpu.memory_space<vmem>>, vector<16xf32>,
        %parallel_loop3A_1755 = arith.select %eq3A_1669, %parallel_loop3A_1693, %parallel_loop3A_1698 : vector<16xi1>, vector<16xf32>
        %parallel_loop3A_1756 = arith.index_cast %parallel_loop3A_1688 : i32 to index
        %parallel_loop3A_1757 = arith.constant 992 : index
        %parallel_loop3A_1758 = tpu.vector_load %arg10[%parallel_loop3A_1756, %parallel_loop3A_1757] {strides = array<i32>} : memref<16x1024xf32, #tpu.memory_space<vmem>>, vector<16xf32>,
        tpu.vector_store %arg10[%parallel_loop3A_1756, %parallel_loop3A_1757], %parallel_loop3A_1755 {strides = array<i32>} : memref<16x1024xf32, #tpu.memory_space<vmem>>, vector<16xf32>,
        %parallel_loop3A_1759 = arith.select %eq3A_1675, %parallel_loop3A_1693, %parallel_loop3A_1698 : vector<16xi1>, vector<16xf32>
        %parallel_loop3A_1760 = arith.index_cast %parallel_loop3A_1688 : i32 to index
        %parallel_loop3A_1761 = arith.constant 1008 : index
        %parallel_loop3A_1762 = tpu.vector_load %arg10[%parallel_loop3A_1760, %parallel_loop3A_1761] {strides = array<i32>} : memref<16x1024xf32, #tpu.memory_space<vmem>>, vector<16xf32>,
        tpu.vector_store %arg10[%parallel_loop3A_1760, %parallel_loop3A_1761], %parallel_loop3A_1759 {strides = array<i32>} : memref<16x1024xf32, #tpu.memory_space<vmem>>, vector<16xf32>,
      } {sc.loop_unroll_factor = 2 : i64, sc.parallel_access}
      %add3A_1679 = arith.addi %mul3A_2, %scan3A_54 : i32
      %dma_start3A_1680 = arith.constant 48 : i32
      %dma_start3A_1681 = arith.constant 0 : i32
      %dma_start3A_1682 = tpu.memref_slice %arg4[%add3A_1679, %dma_start3A_1680, %dma_start3A_1681] : memref<1024x64x1024xf32, #tpu.memory_space<hbm>> -> memref<1x16x1024xf32, #tpu.memory_space<hbm>>
      %dma_start3A_1683 = tpu.memref_squeeze %dma_start3A_1682 : memref<1x16x1024xf32, #tpu.memory_space<hbm>> -> memref<16x1024xf32, #tpu.memory_space<hbm>>
      %dma_start3A_1684 = arith.constant 48 : i32
      %dma_start3A_1685 = arith.constant 0 : i32
      %dma_start3A_1686 = tpu.memref_slice %arg4[%add3A_1679, %dma_start3A_1684, %dma_start3A_1685] : memref<1024x64x1024xf32, #tpu.memory_space<hbm>> -> memref<1x16x1024xf32, #tpu.memory_space<hbm>>
      %dma_start3A_1687 = tpu.memref_squeeze %dma_start3A_1686 : memref<1x16x1024xf32, #tpu.memory_space<hbm>> -> memref<16x1024xf32, #tpu.memory_space<hbm>>
      tpu.enqueue_dma source(%arg10 : memref<16x1024xf32, #tpu.memory_space<vmem>>) target(%dma_start3A_1687 : memref<16x1024xf32, #tpu.memory_space<hbm>>) target_semaphore(%arg14 : memref<!tpu.dma_semaphore, #tpu.memory_space<semaphore_mem>>)
    }
    %scan3A_7 = arith.constant 32 : i32
    %add3A_8 = arith.constant 32 : i32
    %add3A_9 = arith.addi %mul3A_2, %add3A_8 : i32
    %sub3A = arith.constant 1 : i32
    %sub3A_10 = arith.subi %add3A_9, %sub3A : i32
    %dma_wait3A = arith.constant 0 : i32
    %dma_wait3A_11 = arith.constant 0 : i32
    %dma_wait3A_12 = tpu.memref_slice %arg4[%sub3A_10, %dma_wait3A, %dma_wait3A_11] : memref<1024x64x1024xf32, #tpu.memory_space<hbm>> -> memref<1x16x1024xf32, #tpu.memory_space<hbm>>
    %dma_wait3A_13 = tpu.memref_squeeze %dma_wait3A_12 : memref<1x16x1024xf32, #tpu.memory_space<hbm>> -> memref<16x1024xf32, #tpu.memory_space<hbm>>
    %dma_wait3A_14 = arith.constant 0 : i32
    %dma_wait3A_15 = arith.constant 0 : i32
    %dma_wait3A_16 = tpu.memref_slice %arg4[%sub3A_10, %dma_wait3A_14, %dma_wait3A_15] : memref<1024x64x1024xf32, #tpu.memory_space<hbm>> -> memref<1x16x1024xf32, #tpu.memory_space<hbm>>
    %dma_wait3A_17 = tpu.memref_squeeze %dma_wait3A_16 : memref<1x16x1024xf32, #tpu.memory_space<hbm>> -> memref<16x1024xf32, #tpu.memory_space<hbm>>
    tpu.wait_dma2 semaphore(%arg11 : memref<!tpu.dma_semaphore, #tpu.memory_space<semaphore_mem>>) src(%arg7 : memref<16x1024xf32, #tpu.memory_space<vmem>>) dst(%dma_wait3A_17 : memref<16x1024xf32, #tpu.memory_space<hbm>>)
    %add3A_18 = arith.constant 32 : i32
    %add3A_19 = arith.addi %mul3A_2, %add3A_18 : i32
    %sub3A_20 = arith.constant 1 : i32
    %sub3A_21 = arith.subi %add3A_19, %sub3A_20 : i32
    %dma_wait3A_22 = arith.constant 16 : i32
    %dma_wait3A_23 = arith.constant 0 : i32
    %dma_wait3A_24 = tpu.memref_slice %arg4[%sub3A_21, %dma_wait3A_22, %dma_wait3A_23] : memref<1024x64x1024xf32, #tpu.memory_space<hbm>> -> memref<1x16x1024xf32, #tpu.memory_space<hbm>>
    %dma_wait3A_25 = tpu.memref_squeeze %dma_wait3A_24 : memref<1x16x1024xf32, #tpu.memory_space<hbm>> -> memref<16x1024xf32, #tpu.memory_space<hbm>>
    %dma_wait3A_26 = arith.constant 16 : i32
    %dma_wait3A_27 = arith.constant 0 : i32
    %dma_wait3A_28 = tpu.memref_slice %arg4[%sub3A_21, %dma_wait3A_26, %dma_wait3A_27] : memref<1024x64x1024xf32, #tpu.memory_space<hbm>> -> memref<1x16x1024xf32, #tpu.memory_space<hbm>>
    %dma_wait3A_29 = tpu.memref_squeeze %dma_wait3A_28 : memref<1x16x1024xf32, #tpu.memory_space<hbm>> -> memref<16x1024xf32, #tpu.memory_space<hbm>>
    tpu.wait_dma2 semaphore(%arg12 : memref<!tpu.dma_semaphore, #tpu.memory_space<semaphore_mem>>) src(%arg8 : memref<16x1024xf32, #tpu.memory_space<vmem>>) dst(%dma_wait3A_29 : memref<16x1024xf32, #tpu.memory_space<hbm>>)
    %add3A_30 = arith.constant 32 : i32
    %add3A_31 = arith.addi %mul3A_2, %add3A_30 : i32
    %sub3A_32 = arith.constant 1 : i32
    %sub3A_33 = arith.subi %add3A_31, %sub3A_32 : i32
    %dma_wait3A_34 = arith.constant 32 : i32
    %dma_wait3A_35 = arith.constant 0 : i32
    %dma_wait3A_36 = tpu.memref_slice %arg4[%sub3A_33, %dma_wait3A_34, %dma_wait3A_35] : memref<1024x64x1024xf32, #tpu.memory_space<hbm>> -> memref<1x16x1024xf32, #tpu.memory_space<hbm>>
    %dma_wait3A_37 = tpu.memref_squeeze %dma_wait3A_36 : memref<1x16x1024xf32, #tpu.memory_space<hbm>> -> memref<16x1024xf32, #tpu.memory_space<hbm>>
    %dma_wait3A_38 = arith.constant 32 : i32
    %dma_wait3A_39 = arith.constant 0 : i32
    %dma_wait3A_40 = tpu.memref_slice %arg4[%sub3A_33, %dma_wait3A_38, %dma_wait3A_39] : memref<1024x64x1024xf32, #tpu.memory_space<hbm>> -> memref<1x16x1024xf32, #tpu.memory_space<hbm>>
    %dma_wait3A_41 = tpu.memref_squeeze %dma_wait3A_40 : memref<1x16x1024xf32, #tpu.memory_space<hbm>> -> memref<16x1024xf32, #tpu.memory_space<hbm>>
    tpu.wait_dma2 semaphore(%arg13 : memref<!tpu.dma_semaphore, #tpu.memory_space<semaphore_mem>>) src(%arg9 : memref<16x1024xf32, #tpu.memory_space<vmem>>) dst(%dma_wait3A_41 : memref<16x1024xf32, #tpu.memory_space<hbm>>)
    %add3A_42 = arith.constant 32 : i32
    %add3A_43 = arith.addi %mul3A_2, %add3A_42 : i32
    %sub3A_44 = arith.constant 1 : i32
    %sub3A_45 = arith.subi %add3A_43, %sub3A_44 : i32
    %dma_wait3A_46 = arith.constant 48 : i32
    %dma_wait3A_47 = arith.constant 0 : i32
    %dma_wait3A_48 = tpu.memref_slice %arg4[%sub3A_45, %dma_wait3A_46, %dma_wait3A_47] : memref<1024x64x1024xf32, #tpu.memory_space<hbm>> -> memref<1x16x1024xf32, #tpu.memory_space<hbm>>
    %dma_wait3A_49 = tpu.memref_squeeze %dma_wait3A_48 : memref<1x16x1024xf32, #tpu.memory_space<hbm>> -> memref<16x1024xf32, #tpu.memory_space<hbm>>
    %dma_wait3A_50 = arith.constant 48 : i32
    %dma_wait3A_51 = arith.constant 0 : i32
    %dma_wait3A_52 = tpu.memref_slice %arg4[%sub3A_45, %dma_wait3A_50, %dma_wait3A_51] : memref<1024x64x1024xf32, #tpu.memory_space<hbm>> -> memref<1x16x1024xf32, #tpu.memory_space<hbm>>
    %dma_wait3A_53 = tpu.memref_squeeze %dma_wait3A_52 : memref<1x16x1024xf32, #tpu.memory_space<hbm>> -> memref<16x1024xf32, #tpu.memory_space<hbm>>
    tpu.wait_dma2 semaphore(%arg14 : memref<!tpu.dma_semaphore, #tpu.memory_space<semaphore_mem>>) src(%arg10 : memref<16x1024xf32, #tpu.memory_space<vmem>>) dst(%dma_wait3A_53 : memref<16x1024xf32, #tpu.memory_space<hbm>>)
    return
  }
}

</mosaic_0001>

<sc_bundles>
// kernel: kernel.3.cloned.1.call-start
scs
__scs_entry_jumppad:
0x0: {  	(pc) =	sbr.rel $0x88, $3  }
0x1: {  	(tag) =	ssettag $0x0;
	lr =	simm.s32 $0x1  }
0x2: {  	[smem:$0x3F9F] =	sst lr;
	_ =	strace $0xD0000000  }
0x3: {  	_ = 	snop  }
0x4: {  	_ = 	snop  }
0x5: {  	_ = 	snop  }
0x6: {  	_ = 	snop  }
0x7: {  	_ = 	snop  }
__scs_overlays_trampoline_lowered:
0x8: {  	[smem:$0x3FAE] =	sst s0  }
0x9: {  	[smem:$0x3FAF] =	sst s1  }
0xa: {  	[smem:$0x3FB0] =	sst s2  }
0xb: {  	[smem:$0x3FB1] =	sst s3  }
0xc: {  	[smem:$0x3FB2] =	sst s4  }
0xd: {  	[smem:$0x3FB3] =	sst s5  }
0xe: {  	[smem:$0x3FB4] =	sst s6  }
0xf: {  	[smem:$0x3FB5] =	sst s7  }
0x10: {  	[smem:$0x3FB6] =	sst s8  }
0x11: {  	[smem:$0x3FB7] =	sst s9;
	s0 =	simm.s32 @!p0 $0x0  }
0x12: {  	s1 =	sld [smem:$0x3F9D];
	s0 =	simm.s32 @p0 $0x1  }
0x13: {  	[smem:$0x3FB8] =	sst s0;
	s0 =	simm.s32 @!p1 $0x0  }
0x14: {  	s2 =	sld [smem:$0x3F9C];
	s0 =	simm.s32 @p1 $0x1  }
0x15: {  	[smem:$0x3FB9] =	sst s0;
	s0 =	simm.s32 @!p2 $0x0  }
0x16: {  	s3 =	sld [smem:$0x3FDB];
	s0 =	simm.s32 @p2 $0x1  }
0x17: {  	s4 =	simm.s32 $0x1BF5;
	[smem:$0x3FBB] =	sst s0  }
0x18: {  	s0 =	sld [smem:$0x3F9E];
	_ =	swait.ge [sflag:s4], $0x0  }
0x19: {  	s7 =	sld [smem:$0x3F9F]  }
0x1a: {  	s8 =	sadd.s32 $0xFFFFE003, lr  }
0x1b: {  	s9 =	sadd.s32 $0xFFFFFEF7, lr;
	s5 =	simm.s32 $0xFFFFFFFF;
	p2 =	slt.u32 s8, $0xFFFFF086  }
0x1c: {  	p1 =	slt.u32 s9, $0xF7A;
	s5 =	simm.s32 @!p2 $0x0  }
0x1d: {  	s5 =	simm.s32 @p1 $0x1;
	p0 =	seq.s32 s7, s2  }
0x1e: {  	s7 =	smul.u32 @!p0 $0xF7A, s2;
	p2 =	seq.s32 @!p0 s5, $0x0  }
0x1f: {  	s9 =	smul.u32 $0xF7A, s1;
	s8 =	simm.s32 @!p0 $0x1BF5;
	p2 =	por !p2, p0  }
0x20: {  	[sflag:s8] =	ssyncset.s32 @!p0 $0xFFFFF086;
	s6 =	sadd.s32 @!p0 s3, s7;
	s7 =	simm.s32 @!p0 $0x108  }
0x21: {  	s3 =	sadd.s32 s3, s9;
	s6 =	sadd.s32 @!p0 $0x88, s6;
	s7 =	simm.s32 @p2 $0x1082  }
0x22: {  	[simem:s7], [sflag:s8] =	dma.local @!p0 [hbm:s6], $0xF7A  }
0x23: {  	s9 =	sor.u32 $0xD0000000, s2;
	s6 =	simm.s32 $0x108;
	_ =	swait.ge @!p0 [sflag:s8], $0x0  }
0x24: {  	s3 =	sadd.s32 $0x88, s3;
	s6 =	simm.s32 @!p1 $0x1082;
	[sflag:s4] =	ssyncset.s32 $0xFFFFF086  }
0x25: {  	[simem:s6], [sflag:s4] =	dma.local [hbm:s3], $0xF7A  }
0x26: {  	[smem:$0x3F9F] =	sst s1;
	(tag) =	ssettag s2;
	_ =	strace s9  }
0x27: {  	s1 =	sld [smem:$0x3FAF]  }
0x28: {  	s2 =	sld [smem:$0x3FB0]  }
0x29: {  	s4 =	sld [smem:$0x3FB2]  }
0x2a: {  	p0 =	seq.s32 s5, $0x0;
	s5 =	sld [smem:$0x3FB3]  }
0x2b: {  	s6 =	sld [smem:$0x3FB4]  }
0x2c: {  	s7 =	sld [smem:$0x3FB5]  }
0x2d: {  	s3 =	simm.s32 $0x108;
	s8 =	sld [smem:$0x3FB6]  }
0x2e: {  	s3 =	simm.s32 @!p0 $0x1082;
	s9 =	sld [smem:$0x3FB7]  }
0x2f: {  	lr =	sadd.s32 s0, s3;
	s0 =	sld [smem:$0x3FAE]  }
0x30: {  	s3 =	sld [smem:$0x3FB1]  }
0x31: {  	[smem:$0x3FBA] =	sst s10  }
0x32: {  	s10 =	sld [smem:$0x3FB8];
	_ =	sdelay $0x3  }
0x33: {  	p0 =	seq.s32 s10, $0x1;
	s10 =	sld [smem:$0x3FBA];
	_ =	sdelay $0x3  }
0x34: {  	[smem:$0x3FBA] =	sst s10  }
0x35: {  	s10 =	sld [smem:$0x3FB9];
	_ =	sdelay $0x3  }
0x36: {  	p1 =	seq.s32 s10, $0x1;
	s10 =	sld [smem:$0x3FBA];
	_ =	sdelay $0x3  }
0x37: {  	[smem:$0x3FBA] =	sst s10  }
0x38: {  	s10 =	sld [smem:$0x3FBB]  }
0x39: {  	_ = 	snop;
	(pc) =	sbr.ind lr, $3  }
0x3a: {  	_ = 	snop  }
0x3b: {  	_ = 	snop  }
0x3c: {  	p2 =	seq.s32 s10, $0x1;
	s10 =	sld [smem:$0x3FBA]  }
0x3d: {  	_ =	shalt  }
0x3e: {  	_ =	shalt  }
0x3f: {  	_ =	shalt  }
0x40: {  	_ =	shalt  }
0x41: {  	_ =	shalt  }
0x42: {  	_ =	shalt  }
0x43: {  	_ =	shalt  }
0x44: {  	_ =	shalt  }
0x45: {  	_ =	shalt  }
0x46: {  	_ =	shalt  }
0x47: {  	_ =	shalt  }
0x48: {  	_ =	shalt  }
0x49: {  	_ =	shalt  }
0x4a: {  	_ =	shalt  }
0x4b: {  	_ =	shalt  }
0x4c: {  	_ =	shalt  }
0x4d: {  	_ =	shalt  }
0x4e: {  	_ =	shalt  }
0x4f: {  	_ =	shalt  }
0x50: {  	_ =	shalt  }
0x51: {  	_ =	shalt  }
0x52: {  	_ =	shalt  }
0x53: {  	_ =	shalt  }
0x54: {  	_ =	shalt  }
0x55: {  	_ =	shalt  }
0x56: {  	_ =	shalt  }
0x57: {  	_ =	shalt  }
0x58: {  	_ =	shalt  }
0x59: {  	_ =	shalt  }
0x5a: {  	_ =	shalt  }
0x5b: {  	_ =	shalt  }
0x5c: {  	_ =	shalt  }
0x5d: {  	_ =	shalt  }
0x5e: {  	_ =	shalt  }
0x5f: {  	_ =	shalt  }
0x60: {  	_ =	shalt  }
0x61: {  	_ =	shalt  }
0x62: {  	_ =	shalt  }
0x63: {  	_ =	shalt  }
0x64: {  	_ =	shalt  }
0x65: {  	_ =	shalt  }
0x66: {  	_ =	shalt  }
0x67: {  	_ =	shalt  }
0x68: {  	_ =	shalt  }
0x69: {  	_ =	shalt  }
0x6a: {  	_ =	shalt  }
0x6b: {  	_ =	shalt  }
0x6c: {  	_ =	shalt  }
0x6d: {  	_ =	shalt  }
0x6e: {  	_ =	shalt  }
0x6f: {  	_ =	shalt  }
0x70: {  	_ =	shalt  }
0x71: {  	_ =	shalt  }
0x72: {  	_ =	shalt  }
0x73: {  	_ =	shalt  }
0x74: {  	_ =	shalt  }
0x75: {  	_ =	shalt  }
0x76: {  	_ =	shalt  }
0x77: {  	_ =	shalt  }
0x78: {  	_ =	shalt  }
0x79: {  	_ =	shalt  }
0x7a: {  	_ =	shalt  }
0x7b: {  	_ =	shalt  }
0x7c: {  	_ =	shalt  }
0x7d: {  	_ =	shalt  }
0x7e: {  	_ =	shalt  }
0x7f: {  	_ =	shalt  }
0x80: {  	_ =	shalt  }
0x81: {  	_ =	shalt  }
0x82: {  	_ =	shalt  }
0x83: {  	_ =	shalt  }
0x84: {  	_ =	shalt  }
0x85: {  	_ =	shalt  }
0x86: {  	_ =	shalt  }
0x87: {  	_ =	shalt  }
.Lfunc_end0:
.L_simem_size_0:
called_computation_lowered:
.L_overlay_start_0:
0x88: {  	s2 =	sld [smem:$0x3FD9]  }
0x89: {  	s3 =	sld [smem:$0x3FFE];
	_ =	sdelay $0x1  }
0x8a: {  	s1 =	srdreg.scid  }
0x8b: {  	s0 =	sand.u32 $0x1, s1  }
0x8c: {  	s17 =	sshll.u32 s0, $0xA;
	s2 =	sadd.s32 s3, s2  }
0x8d: {  	s2 =	sadd.s32 s2, s17  }
0x8e: {  	[smem:$0x3FC6] =	sst s2  }
0x8f: {  	_ = 	snop  }
0x90: {  	s2 =	sld [smem:$0x3FC9]  }
0x91: {  	s18 =	sld [smem:$0x3FD0];
	(tm) =	ssettm $0x1  }
0x92: {  	s4 =	sld [smem:$0x3FFB];
	_ =	sdelay $0x3  }
0x93: {  	_ =	strace s4  }
0x94: {  	s4 =	sld [smem:$0x3FFC];
	_ =	sdelay $0x3  }
0x95: {  	_ =	strace s4  }
0x96: {  	s4 =	sld [smem:$0x3FFD];
	_ =	sdelay $0x3  }
0x97: {  	_ =	strace s4  }
0x98: {  	_ =	strace $0x8FFFFFFF  }
0x99: {  	s19 =	sld [smem:$0x3FDB];
	_ =	sdelay $0x1  }
0x9a: {  	s5 =	simm.s32 $_scs_section_size  }
0x9b: {  	s6 =	simm.s32 $_size__tile_overlayer_lowered;
	s7 =	simm.s32 $_tile_overlayer_lowered  }
0x9c: {  	s22 =	simm.s32 $0x1BFF;
	s21 =	sshll.u32 s7, $0x1;
	s4 =	sadd.s32 s5, s19  }
0x9d: {  	s8 =	simm.s32 $0x0;
	s20 =	sshll.u32 s6, $0x1;
	s6 =	sadd.s32 s21, s4  }
0x9e: {  	[timem:s8], [sflag:s22] =	dma.local [hbm:s6], s20  }
0x9f: {  	_ =	swait.ge [sflag:s22], s20  }
0xa0: {  	s5 =	ssub.s32 $0x0, s20;
	[sflag:s22] =	ssyncset.done $0x0  }
0xa1: {  	[sflag:s22] =	ssyncadd.s32 s5;
	_ =	sdelay $0x1  }
0xa2: {  	s23 =	simm.s32 $0x1B8B  }
0xa3: {  	_ =	swait.ge [sflag:s23], $0x1  }
0xa4: {  	[sflag:s23] =	ssyncset.done $0x0  }
0xa5: {  	s25 =	simm.s32 $0x1B8E;
	s24 =	sld [smem:$0x3FFE];
	[sflag:s23] =	ssyncadd.s32 $0xFFFFFFFF  }
0xa6: {  	s26 =	simm.s32 $execute0_lowered;
	[smem:$0x3FD2] =	sst s25  }
0xa7: {  	s6 =	sshll.u32 s26, $0x1;
	_ =	strace $0x80000046;
	[dreg:$0x1] =	wrdreg $0xFFFFFFFF  }
0xa8: {  	s28 =	simm.s32 $_size_execute0_lowered;
	s4 =	sadd.s32 s4, s6;
	[dreg:$0x0] =	wrdreg $0x0  }
0xa9: {  	s6 =	sshll.u32 s28, $0x1;
	[dreg:$0x2] =	wrdreg s4  }
0xaa: {  	[dreg:$0x3] =	wrdreg s6  }
0xab: {  	[dreg:$0x4] =	wrdreg $0xC0  }
0xac: {  	_ =	task [dreg:s8], $0x5FFFF  }
0xad: {  	[dreg:$0x1] =	wrdreg $0xFFFFFFFF  }
0xae: {  	[dreg:$0x0] =	wrdreg $0x60  }
0xaf: {  	[dreg:$0x2] =	wrdreg s24  }
0xb0: {  	[dreg:$0x3] =	wrdreg s2  }
0xb1: {  	[dreg:$0x4] =	wrdreg s18  }
0xb2: {  	[dreg:$0x5] =	wrdreg $0x9  }
0xb3: {  	_ =	task.clear_ibuf [dreg:s8], $0x6FFFF;
	_ =	strace $0x90000046  }
0xb4: {  	s29 =	simm.s32 $0x9;
	_ =	strace $0x80000048  }
0xb5: {  	_ =	swait.ge [sflag:s29], $0x1  }
0xb6: {  	[sflag:s29] =	ssyncadd.s32 $0xFFFFFFFF  }
0xb7: {  	_ =	strace $0x90000048  }
0xb8: {  	_ =	sfence  }
0xb9: {  	s30 =	sld [smem:$0x0];
	_ =	sdelay $0x2  }
0xba: {  	s31 =	sshll.u32 s1, $0xD;
	s1 =	sshrl.u32 s1, $0x2  }
0xbb: {  	s3 =	sand.u32 $0x4000, s31;
	s1 =	sadd.s32 s1, s30  }
0xbc: {  	s0 =	sor.u32 s3, s0;
	s1 =	sshll.u32 s1, $0x11  }
0xbd: {  	s0 =	sor.u32 s1, s0  }
0xbe: {  	s0 =	sadd.s32 $0x8F2B, s0  }
0xbf: {  	[sflag:s0] =	ssyncadd.remote.s32 $0x1  }
0xc0: {  	_ =	sfence.sel $0xFFFF  }
0xc1: {  	[dreg:$0x0] =	wrdreg $0xFFFFFFFF;
	(pc) =	sbr.abs _section_cstart, $3  }
0xc2: {  	[dreg:$0x1] =	wrdreg $0xFFFFFFFF  }
0xc3: {  	_ =	task.clear_ibuf [dreg:s8], $0x2FFFF;
	_ =	strace $0x9FFFFFFF  }
0xc4: {  	(tm) =	ssettm $0x7FFFFFFF  }
0xc5: {  	_ =	shalt  }
tec
execute0_lowered:
.L_overlay_start_1:
0x0: {  	(tag) =	ssettag $0x1  }
0x1: {  	s0 =	rddreg [dreg:$0x0]  }
0x2: {  	s1 =	rddreg [dreg:$0x1]  }
0x3: {  	s5 =	rddreg [dreg:$0x2]  }
0x4: {  	s2 =	srdreg.scid;
	s3 =	stileid.u32  }
0x5: {  	s26 =	simm.s32 $0x0;
	s2 =	sand.u32 $0x1, s2;
	s3 =	sshll.u32 s3, $0x6  }
0x6: {  	[smem:$0x7FF] =	sst s26;
	s0 =	sadd.s32 $0x600, s0;
	s29 =	sadd.s32 $0x800, s5  }
0x7: {  	s30 =	sadd.s32 $0x1000, s5;
	_ =	strace $0x80000047;
	[dreg:$0x5] =	wrdreg s0  }
0x8: {  	s31 =	sadd.s32 $0x1800, s5;
	s4 =	sshll.u32 s2, $0x5;
	[dreg:$0x7] =	wrdreg s29  }
0x9: {  	s2 =	ssub.s32 $0x2, s2;
	[dreg:$0x8] =	wrdreg s30;
	s4 =	sor.u32 s4, s3  }
0xa: {  	s25 =	sshrl.u32 s2, $0x1;
	[dreg:$0x4] =	wrdreg s4;
	s4 =	sshll.u32 s4, $0x7  }
0xb: {  	[dreg:$0x9] =	wrdreg s31;
	s28 =	ssub.s32 s2, s25;
	s1 =	sadd.s32 s1, s4  }
0xc: {  	s0 =	smax.u32 s28, $0x1;
	[dreg:$0x6] =	wrdreg s1  }
0xd: {  	s2 =	simm.s32 $0x0;
	[dreg:$0xa] =	wrdreg s0  }
.LBB2_1:
0xe: {  	[dreg:$0xb] =	wrdreg s2  }
0xf: {  	s0 =	rddreg [dreg:$0x5];
	s1 =	simm.s32 $0x5  }
0x10: {  	[tilespmem:s26], [sflag:$0x5] =	stream.linear.gather [hbm4b:s0+s26], $0x4000, $0x38;
	[tilespmem:$0x1C000] =	vst v63  }
0x11: {  	_ =	swait.ge [sflag:s1], $0x4000  }
0x12: {  	[sflag:s1] =	ssyncset.done $0x0  }
0x13: {  	s31 =	simm.s32 $0x4000;
	s30 =	rddreg [dreg:$0x6];
	[sflag:s1] =	ssyncadd.s32 $0xFFFFC000  }
0x14: {  	[tilespmem:s31], [sflag:$0x5] =	stream.linear.gather [hbm4b:s30+s26], $0x8000, $0x38;
	[tilespmem:$0x1C000] =	vst v63  }
0x15: {  	_ =	swait.ge [sflag:s1], $0x8000  }
0x16: {  	[sflag:s1] =	ssyncset.done $0x0  }
0x17: {  	s22 =	simm.s32 $0x0;
	[sflag:s1] =	ssyncadd.s32 $0xFFFF8000  }
.LBB2_2:
0x18: {  	p0 =	seq.s32 s22, $0x0  }
0x19: {  	s2 =	simm.s32 @!p0 $0x1  }
0x1a: {  	s0 =	sshll.u32 s22, $0xA;
	s1 =	sshll.u32 s22, $0x7;
	_ =	swait.ge @!p0 [sflag:s2], $0x4000  }
0x1b: {  	s3 =	sand.u32 $0x6000, s0;
	s1 =	sand.u32 $0x380, s1;
	[sflag:s2] =	ssyncset.done @!p0 $0x0  }
0x1c: {  	s24 =	sor.u32 s1, s3;
	[sflag:s2] =	ssyncadd.s32 @!p0 $0xFFFFC000  }
0x1d: {  	v0 =	vld [tilespmem:s24+$0x4000]  }
0x1e: {  	v1 =	vld [tilespmem:s24+$0x4010]  }
0x1f: {  	v2 =	vld [tilespmem:s24+$0x4020]  }
0x20: {  	v3 =	vld [tilespmem:s24+$0x4030]  }
0x21: {  	v4 =	vld [tilespmem:s24+$0x4040]  }
0x22: {  	v5 =	vld [tilespmem:s24+$0x4050]  }
0x23: {  	v6 =	vld [tilespmem:s24+$0x4060]  }
0x24: {  	v7 =	vld [tilespmem:s24+$0x4070]  }
0x25: {  	v8 =	vld [tilespmem:s24+$0x4400]  }
0x26: {  	v9 =	vld [tilespmem:s24+$0x4410]  }
0x27: {  	v10 =	vld [tilespmem:s24+$0x4420]  }
0x28: {  	s28 =	simm.s32 $0x2080;
	v12 =	vld [tilespmem:s24+$0x4470]  }
0x29: {  	v13 =	vld [tilespmem:s28+$0xFFFFE000]  }
0x2a: {  	v14 =	vld [tilespmem:s28+$0x0]  }
0x2b: {  	v15 =	vld [tilespmem:s28+$0xFFFFFF80]  }
0x2c: {  	s5 =	simm.s32 $0x0;
	v16 =	vld [tilespmem:s28+$0xFFFFDF80]  }
0x2d: {  	s12 =	simm.s32 $0x80;
	s29 =	sand.u32 $0x2000, s5;
	v11 =	vld [tilespmem:s24+$0x4430]  }
0x2e: {  	s30 =	sand.u32 $0x380, s12;
	s2 =	sor.u32 $0xC000, s29;
	v17 =	vld [tilespmem:s24+$0x4440];
	vm0 =	veq.s32 v12, $0x1  }
0x2f: {  	s4 =	simm.s32 $0x0;
	v18 =	vld [tilespmem:s24+$0x4450];
	s25 =	sor.u32 s30, s2;
	vm1 =	veq.s32 v0, $0x1;
	v0 =	vsel vm0, v13, v14  }
0x30: {  	s31 =	sand.u32 $0x300, s4;
	v63 =	vld [tilespmem:s24+$0x4460];
	vm2 =	veq.s32 v1, $0x1;
	v19 =	vsel vm1, v13, v14;
	[tilespmem:s25+$0x470] =	vst v0  }
0x31: {  	s2 =	sor.u32 s31, s2;
	vm8 =	veq.s32 v7, $0x1;
	v1 =	vsel vm2, v16, v15;
	[tilespmem:s25+$0x0] =	vst v19  }
0x32: {  	v7 =	vsel vm8, v13, v14;
	[tilespmem:s2+$0x10] =	vst v1  }
0x33: {  	vm4 =	veq.s32 v3, $0x1;
	v0 =	vsel vm1, v16, v15;
	[tilespmem:s25+$0x70] =	vst v7  }
0x34: {  	vm3 =	veq.s32 v2, $0x1;
	v1 =	vsel vm4, v16, v15;
	[tilespmem:s2+$0x0] =	vst v0  }
0x35: {  	vm6 =	veq.s32 v5, $0x1;
	v0 =	vsel vm3, v16, v15;
	[tilespmem:s2+$0x30] =	vst v1  }
0x36: {  	vm5 =	veq.s32 v4, $0x1;
	v1 =	vsel vm6, v16, v15;
	[tilespmem:s2+$0x20] =	vst v0  }
0x37: {  	v0 =	vsel vm5, v16, v15;
	[tilespmem:s2+$0x50] =	vst v1  }
0x38: {  	vm7 =	veq.s32 v6, $0x1;
	v1 =	vsel vm8, v16, v15;
	[tilespmem:s2+$0x40] =	vst v0  }
0x39: {  	vm10 =	veq.s32 v9, $0x1;
	v0 =	vsel vm7, v16, v15;
	[tilespmem:s2+$0x70] =	vst v1  }
0x3a: {  	vm9 =	veq.s32 v8, $0x1;
	v1 =	vsel vm10, v16, v15;
	[tilespmem:s2+$0x60] =	vst v0  }
0x3b: {  	vm12 =	veq.s32 v11, $0x1;
	v0 =	vsel vm9, v16, v15;
	[tilespmem:s2+$0x410] =	vst v1  }
0x3c: {  	vm11 =	veq.s32 v10, $0x1;
	v1 =	vsel vm12, v16, v15;
	[tilespmem:s2+$0x400] =	vst v0  }
0x3d: {  	vm14 =	veq.s32 v18, $0x1;
	v0 =	vsel vm11, v16, v15;
	[tilespmem:s2+$0x430] =	vst v1  }
0x3e: {  	vm13 =	veq.s32 v17, $0x1;
	v1 =	vsel vm14, v16, v15;
	[tilespmem:s2+$0x420] =	vst v0  }
0x3f: {  	v0 =	vsel vm13, v16, v15;
	[tilespmem:s2+$0x450] =	vst v1  }
0x40: {  	vm15 =	veq.s32 v63, $0x1;
	v1 =	vsel vm0, v16, v15;
	[tilespmem:s2+$0x440] =	vst v0  }
0x41: {  	v0 =	vsel vm15, v16, v15;
	[tilespmem:s2+$0x470] =	vst v1  }
0x42: {  	v1 =	vsel vm3, v13, v14;
	[tilespmem:s2+$0x460] =	vst v0  }
0x43: {  	v0 =	vsel vm2, v13, v14;
	[tilespmem:s25+$0x20] =	vst v1  }
0x44: {  	v1 =	vsel vm5, v13, v14;
	[tilespmem:s25+$0x10] =	vst v0  }
0x45: {  	v0 =	vsel vm4, v13, v14;
	[tilespmem:s25+$0x40] =	vst v1  }
0x46: {  	v6 =	vsel vm9, v13, v14;
	v5 =	vsel vm10, v13, v14;
	v1 =	vsel vm7, v13, v14;
	[tilespmem:s25+$0x30] =	vst v0  }
0x47: {  	v4 =	vsel vm11, v13, v14;
	v2 =	vsel vm12, v13, v14;
	v0 =	vsel vm6, v13, v14;
	[tilespmem:s25+$0x60] =	vst v1  }
0x48: {  	s6 =	simm.s32 $0x0;
	s10 =	simm.s32 $0x2180;
	s23 =	sadd.s32 $0x4000, s24;
	v3 =	vsel vm13, v13, v14;
	v1 =	vsel vm14, v13, v14;
	[tilespmem:s25+$0x50] =	vst v0;
	v0 =	vsel vm15, v13, v14  }
.LBB2_3:
0x49: {  	v7 =	vld [tilespmem:s10+$0xFFFFE000];
	[tilespmem:s25+$0x400] =	vst v6  }
0x4a: {  	s6 =	sadd.s32 $0x2, s6;
	v8 =	vld [tilespmem:s10+$0x0];
	[tilespmem:s25+$0x410] =	vst v5  }
0x4b: {  	p1 =	slt.u32 s6, $0xE;
	v5 =	vld [tilespmem:s10+$0xFFFFFF80];
	[tilespmem:s25+$0x420] =	vst v4  }
0x4c: {  	s5 =	sadd.s32 $0x800, s5;
	v4 =	vld [tilespmem:s10+$0xFFFFDF80];
	[tilespmem:s25+$0x430] =	vst v2  }
0x4d: {  	s12 =	sadd.s32 $0x100, s12;
	s2 =	sand.u32 $0x2000, s5;
	[tilespmem:s25+$0x440] =	vst v3  }
0x4e: {  	s3 =	sadd.s32 $0xFFFFFF80, s12;
	s4 =	sand.u32 $0x380, s12;
	s2 =	sor.u32 $0xC000, s2;
	[tilespmem:s25+$0x450] =	vst v1  }
0x4f: {  	s3 =	sand.u32 $0x300, s3;
	v1 =	vsel vm1, v7, v8;
	v9 =	vsel vm2, v7, v8;
	v2 =	vsel vm0, v7, v8;
	[tilespmem:s25+$0x460] =	vst v0;
	s25 =	sor.u32 s4, s2  }
0x50: {  	s2 =	sor.u32 s3, s2;
	v10 =	vsel vm3, v7, v8;
	v11 =	vsel vm4, v7, v8;
	v12 =	vsel vm5, v7, v8;
	[tilespmem:s25+$0x470] =	vst v2  }
0x51: {  	v0 =	vsel vm1, v4, v5;
	v2 =	vsel vm2, v4, v5;
	v3 =	vsel vm3, v4, v5;
	[tilespmem:s25+$0x0] =	vst v1  }
0x52: {  	v1 =	vsel vm5, v4, v5;
	v6 =	vsel vm6, v4, v5;
	[tilespmem:s2+$0x0] =	vst v0;
	v0 =	vsel vm4, v4, v5  }
0x53: {  	v13 =	vsel vm8, v4, v5;
	v14 =	vsel vm9, v4, v5;
	[tilespmem:s2+$0x10] =	vst v2;
	v2 =	vsel vm7, v4, v5  }
0x54: {  	v15 =	vsel vm10, v4, v5;
	v16 =	vsel vm11, v4, v5;
	v17 =	vsel vm12, v4, v5;
	[tilespmem:s2+$0x20] =	vst v3  }
0x55: {  	v18 =	vsel vm13, v4, v5;
	v19 =	vsel vm14, v4, v5;
	v20 =	vsel vm15, v4, v5;
	[tilespmem:s2+$0x30] =	vst v0  }
0x56: {  	v22 =	vsel vm6, v7, v8;
	v23 =	vsel vm7, v7, v8;
	v21 =	vsel vm0, v4, v5;
	[tilespmem:s2+$0x40] =	vst v1  }
0x57: {  	v24 =	vsel vm8, v7, v8;
	v5 =	vsel vm10, v7, v8;
	[tilespmem:s2+$0x50] =	vst v6;
	v6 =	vsel vm9, v7, v8  }
0x58: {  	v4 =	vsel vm11, v7, v8;
	v3 =	vsel vm13, v7, v8;
	[tilespmem:s2+$0x60] =	vst v2;
	v2 =	vsel vm12, v7, v8  }
0x59: {  	v0 =	vsel vm15, v7, v8;
	v1 =	vsel vm14, v7, v8;
	[tilespmem:s2+$0x70] =	vst v13  }
0x5a: {  	[tilespmem:s2+$0x400] =	vst v14  }
0x5b: {  	[tilespmem:s2+$0x410] =	vst v15  }
0x5c: {  	[tilespmem:s2+$0x420] =	vst v16  }
0x5d: {  	[tilespmem:s2+$0x430] =	vst v17  }
0x5e: {  	[tilespmem:s2+$0x440] =	vst v18  }
0x5f: {  	[tilespmem:s2+$0x450] =	vst v19  }
0x60: {  	[tilespmem:s2+$0x460] =	vst v20  }
0x61: {  	[tilespmem:s2+$0x470] =	vst v21  }
0x62: {  	[tilespmem:s25+$0x10] =	vst v9  }
0x63: {  	[tilespmem:s25+$0x20] =	vst v10  }
.Ltmp0:
0x64: {  	[tilespmem:s25+$0x30] =	vst v11;
	(pc) =	sbr.rel @p1 .LBB2_3-.Ltmp0, $4  }
0x65: {  	[tilespmem:s25+$0x40] =	vst v12  }
0x66: {  	[tilespmem:s25+$0x50] =	vst v22  }
0x67: {  	[tilespmem:s25+$0x60] =	vst v23  }
0x68: {  	s10 =	sadd.s32 $0x100, s10;
	[tilespmem:s25+$0x70] =	vst v24  }
0x69: {  	[tilespmem:s25+$0x400] =	vst v6  }
0x6a: {  	[tilespmem:s25+$0x410] =	vst v5  }
0x6b: {  	[tilespmem:s25+$0x420] =	vst v4  }
0x6c: {  	[tilespmem:s25+$0x430] =	vst v2  }
0x6d: {  	[tilespmem:s25+$0x440] =	vst v3  }
0x6e: {  	[tilespmem:s25+$0x450] =	vst v1  }
0x6f: {  	[tilespmem:s25+$0x460] =	vst v0  }
0x70: {  	v0 =	vld [tilespmem:s23+$0x800]  }
0x71: {  	v1 =	vld [tilespmem:s23+$0x810]  }
0x72: {  	v2 =	vld [tilespmem:s23+$0x820]  }
0x73: {  	v3 =	vld [tilespmem:s23+$0x830]  }
0x74: {  	v4 =	vld [tilespmem:s23+$0x840]  }
0x75: {  	v5 =	vld [tilespmem:s23+$0x850]  }
0x76: {  	v6 =	vld [tilespmem:s23+$0x860]  }
0x77: {  	v7 =	vld [tilespmem:s23+$0x870]  }
0x78: {  	v8 =	vld [tilespmem:s23+$0xC00]  }
0x79: {  	v9 =	vld [tilespmem:s23+$0xC10]  }
0x7a: {  	v10 =	vld [tilespmem:s23+$0xC20]  }
0x7b: {  	s2 =	simm.s32 $0x2080;
	v12 =	vld [tilespmem:s23+$0xC70]  }
0x7c: {  	v13 =	vld [tilespmem:s2+$0xFFFFE000]  }
0x7d: {  	v14 =	vld [tilespmem:s2+$0x0]  }
0x7e: {  	v15 =	vld [tilespmem:s2+$0xFFFFFF80]  }
0x7f: {  	s5 =	simm.s32 $0x0;
	v16 =	vld [tilespmem:s2+$0xFFFFDF80]  }
0x80: {  	s12 =	simm.s32 $0x80;
	v11 =	vld [tilespmem:s23+$0xC30];
	s30 =	sand.u32 $0x2000, s5  }
0x81: {  	v17 =	vld [tilespmem:s23+$0xC40];
	s3 =	sand.u32 $0x380, s12;
	s2 =	sor.u32 $0xC000, s30;
	vm0 =	veq.s32 v12, $0x1  }
0x82: {  	s4 =	simm.s32 $0x0;
	v18 =	vld [tilespmem:s23+$0xC50];
	s25 =	sor.u32 s3, s2;
	vm1 =	veq.s32 v0, $0x1;
	v0 =	vsel vm0, v13, v14  }
0x83: {  	v63 =	vld [tilespmem:s23+$0xC60];
	s31 =	sand.u32 $0x300, s4;
	vm2 =	veq.s32 v1, $0x1;
	v19 =	vsel vm1, v13, v14;
	[tilespmem:s25+$0xC70] =	vst v0  }
0x84: {  	s2 =	sor.u32 s31, s2;
	vm8 =	veq.s32 v7, $0x1;
	v1 =	vsel vm2, v16, v15;
	[tilespmem:s25+$0x800] =	vst v19  }
0x85: {  	v7 =	vsel vm8, v13, v14;
	[tilespmem:s2+$0x810] =	vst v1  }
0x86: {  	vm4 =	veq.s32 v3, $0x1;
	v0 =	vsel vm1, v16, v15;
	[tilespmem:s25+$0x870] =	vst v7  }
0x87: {  	vm3 =	veq.s32 v2, $0x1;
	v1 =	vsel vm4, v16, v15;
	[tilespmem:s2+$0x800] =	vst v0  }
0x88: {  	vm6 =	veq.s32 v5, $0x1;
	v0 =	vsel vm3, v16, v15;
	[tilespmem:s2+$0x830] =	vst v1  }
0x89: {  	vm5 =	veq.s32 v4, $0x1;
	v1 =	vsel vm6, v16, v15;
	[tilespmem:s2+$0x820] =	vst v0  }
0x8a: {  	v0 =	vsel vm5, v16, v15;
	[tilespmem:s2+$0x850] =	vst v1  }
0x8b: {  	vm7 =	veq.s32 v6, $0x1;
	v1 =	vsel vm8, v16, v15;
	[tilespmem:s2+$0x840] =	vst v0  }
0x8c: {  	vm10 =	veq.s32 v9, $0x1;
	v0 =	vsel vm7, v16, v15;
	[tilespmem:s2+$0x870] =	vst v1  }
0x8d: {  	vm9 =	veq.s32 v8, $0x1;
	v1 =	vsel vm10, v16, v15;
	[tilespmem:s2+$0x860] =	vst v0  }
0x8e: {  	vm12 =	veq.s32 v11, $0x1;
	v0 =	vsel vm9, v16, v15;
	[tilespmem:s2+$0xC10] =	vst v1  }
0x8f: {  	vm11 =	veq.s32 v10, $0x1;
	v1 =	vsel vm12, v16, v15;
	[tilespmem:s2+$0xC00] =	vst v0  }
0x90: {  	vm14 =	veq.s32 v18, $0x1;
	v0 =	vsel vm11, v16, v15;
	[tilespmem:s2+$0xC30] =	vst v1  }
0x91: {  	vm13 =	veq.s32 v17, $0x1;
	v1 =	vsel vm14, v16, v15;
	[tilespmem:s2+$0xC20] =	vst v0  }
0x92: {  	v0 =	vsel vm13, v16, v15;
	[tilespmem:s2+$0xC50] =	vst v1  }
0x93: {  	vm15 =	veq.s32 v63, $0x1;
	v1 =	vsel vm0, v16, v15;
	[tilespmem:s2+$0xC40] =	vst v0  }
0x94: {  	v0 =	vsel vm15, v16, v15;
	[tilespmem:s2+$0xC70] =	vst v1  }
0x95: {  	v1 =	vsel vm3, v13, v14;
	[tilespmem:s2+$0xC60] =	vst v0  }
0x96: {  	v0 =	vsel vm2, v13, v14;
	[tilespmem:s25+$0x820] =	vst v1  }
0x97: {  	v1 =	vsel vm5, v13, v14;
	[tilespmem:s25+$0x810] =	vst v0  }
0x98: {  	v0 =	vsel vm4, v13, v14;
	[tilespmem:s25+$0x840] =	vst v1  }
0x99: {  	v6 =	vsel vm9, v13, v14;
	v5 =	vsel vm10, v13, v14;
	v1 =	vsel vm7, v13, v14;
	[tilespmem:s25+$0x830] =	vst v0  }
0x9a: {  	v4 =	vsel vm11, v13, v14;
	v3 =	vsel vm12, v13, v14;
	v0 =	vsel vm6, v13, v14;
	[tilespmem:s25+$0x860] =	vst v1  }
0x9b: {  	s6 =	simm.s32 $0x0;
	s10 =	simm.s32 $0x2180;
	v2 =	vsel vm13, v13, v14;
	v1 =	vsel vm14, v13, v14;
	[tilespmem:s25+$0x850] =	vst v0;
	v0 =	vsel vm15, v13, v14  }
.LBB2_5:
0x9c: {  	v7 =	vld [tilespmem:s10+$0xFFFFE000];
	[tilespmem:s25+$0xC00] =	vst v6  }
0x9d: {  	s6 =	sadd.s32 $0x2, s6;
	v8 =	vld [tilespmem:s10+$0x0];
	[tilespmem:s25+$0xC10] =	vst v5  }
0x9e: {  	p1 =	slt.u32 s6, $0xE;
	v5 =	vld [tilespmem:s10+$0xFFFFFF80];
	[tilespmem:s25+$0xC20] =	vst v4  }
0x9f: {  	s5 =	sadd.s32 $0x800, s5;
	v4 =	vld [tilespmem:s10+$0xFFFFDF80];
	[tilespmem:s25+$0xC30] =	vst v3  }
0xa0: {  	s12 =	sadd.s32 $0x100, s12;
	s2 =	sand.u32 $0x2000, s5;
	[tilespmem:s25+$0xC40] =	vst v2  }
0xa1: {  	s3 =	sadd.s32 $0xFFFFFF80, s12;
	s4 =	sand.u32 $0x380, s12;
	s2 =	sor.u32 $0xC000, s2;
	[tilespmem:s25+$0xC50] =	vst v1  }
0xa2: {  	s3 =	sand.u32 $0x300, s3;
	v1 =	vsel vm1, v7, v8;
	v9 =	vsel vm2, v7, v8;
	v2 =	vsel vm0, v7, v8;
	[tilespmem:s25+$0xC60] =	vst v0;
	s25 =	sor.u32 s4, s2  }
0xa3: {  	s2 =	sor.u32 s3, s2;
	v10 =	vsel vm3, v7, v8;
	v11 =	vsel vm4, v7, v8;
	v12 =	vsel vm5, v7, v8;
	[tilespmem:s25+$0xC70] =	vst v2  }
0xa4: {  	v0 =	vsel vm1, v4, v5;
	v2 =	vsel vm2, v4, v5;
	v3 =	vsel vm3, v4, v5;
	[tilespmem:s25+$0x800] =	vst v1  }
0xa5: {  	v1 =	vsel vm5, v4, v5;
	v6 =	vsel vm6, v4, v5;
	[tilespmem:s2+$0x800] =	vst v0;
	v0 =	vsel vm4, v4, v5  }
0xa6: {  	v13 =	vsel vm8, v4, v5;
	v14 =	vsel vm9, v4, v5;
	[tilespmem:s2+$0x810] =	vst v2;
	v2 =	vsel vm7, v4, v5  }
0xa7: {  	v15 =	vsel vm10, v4, v5;
	v16 =	vsel vm11, v4, v5;
	v17 =	vsel vm12, v4, v5;
	[tilespmem:s2+$0x820] =	vst v3  }
0xa8: {  	v18 =	vsel vm13, v4, v5;
	v19 =	vsel vm14, v4, v5;
	v20 =	vsel vm15, v4, v5;
	[tilespmem:s2+$0x830] =	vst v0  }
0xa9: {  	v22 =	vsel vm6, v7, v8;
	v23 =	vsel vm7, v7, v8;
	v21 =	vsel vm0, v4, v5;
	[tilespmem:s2+$0x840] =	vst v1  }
0xaa: {  	v24 =	vsel vm8, v7, v8;
	v5 =	vsel vm10, v7, v8;
	[tilespmem:s2+$0x850] =	vst v6;
	v6 =	vsel vm9, v7, v8  }
0xab: {  	v4 =	vsel vm11, v7, v8;
	v3 =	vsel vm12, v7, v8;
	[tilespmem:s2+$0x860] =	vst v2;
	v2 =	vsel vm13, v7, v8  }
0xac: {  	v0 =	vsel vm15, v7, v8;
	v1 =	vsel vm14, v7, v8;
	[tilespmem:s2+$0x870] =	vst v13  }
0xad: {  	[tilespmem:s2+$0xC00] =	vst v14  }
0xae: {  	[tilespmem:s2+$0xC10] =	vst v15  }
0xaf: {  	[tilespmem:s2+$0xC20] =	vst v16  }
0xb0: {  	[tilespmem:s2+$0xC30] =	vst v17  }
0xb1: {  	[tilespmem:s2+$0xC40] =	vst v18  }
0xb2: {  	[tilespmem:s2+$0xC50] =	vst v19  }
0xb3: {  	[tilespmem:s2+$0xC60] =	vst v20  }
0xb4: {  	[tilespmem:s2+$0xC70] =	vst v21  }
0xb5: {  	[tilespmem:s25+$0x810] =	vst v9  }
0xb6: {  	[tilespmem:s25+$0x820] =	vst v10  }
.Ltmp1:
0xb7: {  	[tilespmem:s25+$0x830] =	vst v11;
	(pc) =	sbr.rel @p1 .LBB2_5-.Ltmp1, $4  }
0xb8: {  	[tilespmem:s25+$0x840] =	vst v12  }
0xb9: {  	[tilespmem:s25+$0x850] =	vst v22  }
0xba: {  	[tilespmem:s25+$0x860] =	vst v23  }
0xbb: {  	s10 =	sadd.s32 $0x100, s10;
	[tilespmem:s25+$0x870] =	vst v24  }
0xbc: {  	[tilespmem:s25+$0xC00] =	vst v6  }
0xbd: {  	[tilespmem:s25+$0xC10] =	vst v5  }
0xbe: {  	[tilespmem:s25+$0xC20] =	vst v4  }
0xbf: {  	[tilespmem:s25+$0xC30] =	vst v3  }
0xc0: {  	[tilespmem:s25+$0xC40] =	vst v2  }
0xc1: {  	[tilespmem:s25+$0xC50] =	vst v1  }
0xc2: {  	[tilespmem:s25+$0xC60] =	vst v0  }
0xc3: {  	v0 =	vld [tilespmem:s23+$0x1000]  }
0xc4: {  	v1 =	vld [tilespmem:s23+$0x1010]  }
0xc5: {  	v2 =	vld [tilespmem:s23+$0x1020]  }
0xc6: {  	v3 =	vld [tilespmem:s23+$0x1030]  }
0xc7: {  	v4 =	vld [tilespmem:s23+$0x1040]  }
0xc8: {  	v5 =	vld [tilespmem:s23+$0x1050]  }
0xc9: {  	v6 =	vld [tilespmem:s23+$0x1060]  }
0xca: {  	v7 =	vld [tilespmem:s23+$0x1070]  }
0xcb: {  	v8 =	vld [tilespmem:s23+$0x1400]  }
0xcc: {  	v9 =	vld [tilespmem:s23+$0x1410]  }
0xcd: {  	v10 =	vld [tilespmem:s23+$0x1420]  }
0xce: {  	s2 =	simm.s32 $0x2080;
	v12 =	vld [tilespmem:s23+$0x1470]  }
0xcf: {  	v13 =	vld [tilespmem:s2+$0xFFFFE000]  }
0xd0: {  	v14 =	vld [tilespmem:s2+$0x0]  }
0xd1: {  	v15 =	vld [tilespmem:s2+$0xFFFFDF80]  }
0xd2: {  	s5 =	simm.s32 $0x0;
	v16 =	vld [tilespmem:s2+$0xFFFFFF80]  }
0xd3: {  	s12 =	simm.s32 $0x80;
	v11 =	vld [tilespmem:s23+$0x1430];
	s30 =	sand.u32 $0x2000, s5  }
0xd4: {  	v17 =	vld [tilespmem:s23+$0x1440];
	s3 =	sand.u32 $0x380, s12;
	s2 =	sor.u32 $0xC000, s30;
	vm0 =	veq.s32 v12, $0x1  }
0xd5: {  	s4 =	simm.s32 $0x0;
	v18 =	vld [tilespmem:s23+$0x1450];
	s25 =	sor.u32 s3, s2;
	vm1 =	veq.s32 v0, $0x1;
	v0 =	vsel vm0, v13, v14  }
0xd6: {  	v63 =	vld [tilespmem:s23+$0x1460];
	s31 =	sand.u32 $0x300, s4;
	vm2 =	veq.s32 v1, $0x1;
	v19 =	vsel vm1, v13, v14;
	[tilespmem:s25+$0x1470] =	vst v0  }
0xd7: {  	s2 =	sor.u32 s31, s2;
	vm8 =	veq.s32 v7, $0x1;
	v1 =	vsel vm2, v15, v16;
	[tilespmem:s25+$0x1000] =	vst v19  }
0xd8: {  	v7 =	vsel vm8, v13, v14;
	[tilespmem:s2+$0x1010] =	vst v1  }
0xd9: {  	vm4 =	veq.s32 v3, $0x1;
	v0 =	vsel vm1, v15, v16;
	[tilespmem:s25+$0x1070] =	vst v7  }
0xda: {  	vm3 =	veq.s32 v2, $0x1;
	v1 =	vsel vm4, v15, v16;
	[tilespmem:s2+$0x1000] =	vst v0  }
0xdb: {  	vm6 =	veq.s32 v5, $0x1;
	v0 =	vsel vm3, v15, v16;
	[tilespmem:s2+$0x1030] =	vst v1  }
0xdc: {  	vm5 =	veq.s32 v4, $0x1;
	v1 =	vsel vm6, v15, v16;
	[tilespmem:s2+$0x1020] =	vst v0  }
0xdd: {  	v0 =	vsel vm5, v15, v16;
	[tilespmem:s2+$0x1050] =	vst v1  }
0xde: {  	vm7 =	veq.s32 v6, $0x1;
	v1 =	vsel vm8, v15, v16;
	[tilespmem:s2+$0x1040] =	vst v0  }
0xdf: {  	vm10 =	veq.s32 v9, $0x1;
	v0 =	vsel vm7, v15, v16;
	[tilespmem:s2+$0x1070] =	vst v1  }
0xe0: {  	vm9 =	veq.s32 v8, $0x1;
	v1 =	vsel vm10, v15, v16;
	[tilespmem:s2+$0x1060] =	vst v0  }
0xe1: {  	vm12 =	veq.s32 v11, $0x1;
	v0 =	vsel vm9, v15, v16;
	[tilespmem:s2+$0x1410] =	vst v1  }
0xe2: {  	vm11 =	veq.s32 v10, $0x1;
	v1 =	vsel vm12, v15, v16;
	[tilespmem:s2+$0x1400] =	vst v0  }
0xe3: {  	vm14 =	veq.s32 v18, $0x1;
	v0 =	vsel vm11, v15, v16;
	[tilespmem:s2+$0x1430] =	vst v1  }
0xe4: {  	vm13 =	veq.s32 v17, $0x1;
	v1 =	vsel vm14, v15, v16;
	[tilespmem:s2+$0x1420] =	vst v0  }
0xe5: {  	v0 =	vsel vm13, v15, v16;
	[tilespmem:s2+$0x1450] =	vst v1  }
0xe6: {  	vm15 =	veq.s32 v63, $0x1;
	v1 =	vsel vm0, v15, v16;
	[tilespmem:s2+$0x1440] =	vst v0  }
0xe7: {  	v0 =	vsel vm15, v15, v16;
	[tilespmem:s2+$0x1470] =	vst v1  }
0xe8: {  	v1 =	vsel vm3, v13, v14;
	[tilespmem:s2+$0x1460] =	vst v0  }
0xe9: {  	v0 =	vsel vm2, v13, v14;
	[tilespmem:s25+$0x1020] =	vst v1  }
0xea: {  	v1 =	vsel vm5, v13, v14;
	[tilespmem:s25+$0x1010] =	vst v0  }
0xeb: {  	v0 =	vsel vm4, v13, v14;
	[tilespmem:s25+$0x1040] =	vst v1  }
0xec: {  	v6 =	vsel vm9, v13, v14;
	v5 =	vsel vm10, v13, v14;
	v1 =	vsel vm7, v13, v14;
	[tilespmem:s25+$0x1030] =	vst v0  }
0xed: {  	v4 =	vsel vm11, v13, v14;
	v3 =	vsel vm12, v13, v14;
	v0 =	vsel vm6, v13, v14;
	[tilespmem:s25+$0x1060] =	vst v1  }
0xee: {  	s6 =	simm.s32 $0x0;
	s10 =	simm.s32 $0x2180;
	v2 =	vsel vm13, v13, v14;
	v1 =	vsel vm14, v13, v14;
	[tilespmem:s25+$0x1050] =	vst v0;
	v0 =	vsel vm15, v13, v14  }
.LBB2_7:
0xef: {  	v7 =	vld [tilespmem:s10+$0xFFFFE000];
	[tilespmem:s25+$0x1400] =	vst v6  }
0xf0: {  	s6 =	sadd.s32 $0x2, s6;
	v8 =	vld [tilespmem:s10+$0x0];
	[tilespmem:s25+$0x1410] =	vst v5  }
0xf1: {  	p1 =	slt.u32 s6, $0xE;
	v5 =	vld [tilespmem:s10+$0xFFFFDF80];
	[tilespmem:s25+$0x1420] =	vst v4  }
0xf2: {  	s5 =	sadd.s32 $0x800, s5;
	v4 =	vld [tilespmem:s10+$0xFFFFFF80];
	[tilespmem:s25+$0x1430] =	vst v3  }
0xf3: {  	s12 =	sadd.s32 $0x100, s12;
	s2 =	sand.u32 $0x2000, s5;
	[tilespmem:s25+$0x1440] =	vst v2  }
0xf4: {  	s3 =	sadd.s32 $0xFFFFFF80, s12;
	s4 =	sand.u32 $0x380, s12;
	s2 =	sor.u32 $0xC000, s2;
	[tilespmem:s25+$0x1450] =	vst v1  }
0xf5: {  	s3 =	sand.u32 $0x300, s3;
	v1 =	vsel vm1, v7, v8;
	v9 =	vsel vm2, v7, v8;
	v2 =	vsel vm0, v7, v8;
	[tilespmem:s25+$0x1460] =	vst v0;
	s25 =	sor.u32 s4, s2  }
0xf6: {  	s2 =	sor.u32 s3, s2;
	v10 =	vsel vm3, v7, v8;
	v11 =	vsel vm4, v7, v8;
	v12 =	vsel vm5, v7, v8;
	[tilespmem:s25+$0x1470] =	vst v2  }
0xf7: {  	v0 =	vsel vm1, v5, v4;
	v2 =	vsel vm2, v5, v4;
	v3 =	vsel vm3, v5, v4;
	[tilespmem:s25+$0x1000] =	vst v1  }
0xf8: {  	v1 =	vsel vm5, v5, v4;
	v6 =	vsel vm6, v5, v4;
	[tilespmem:s2+$0x1000] =	vst v0;
	v0 =	vsel vm4, v5, v4  }
0xf9: {  	v13 =	vsel vm8, v5, v4;
	v14 =	vsel vm9, v5, v4;
	[tilespmem:s2+$0x1010] =	vst v2;
	v2 =	vsel vm7, v5, v4  }
0xfa: {  	v15 =	vsel vm10, v5, v4;
	v16 =	vsel vm11, v5, v4;
	v17 =	vsel vm12, v5, v4;
	[tilespmem:s2+$0x1020] =	vst v3  }
0xfb: {  	v18 =	vsel vm13, v5, v4;
	v19 =	vsel vm14, v5, v4;
	v20 =	vsel vm15, v5, v4;
	[tilespmem:s2+$0x1030] =	vst v0  }
0xfc: {  	v22 =	vsel vm6, v7, v8;
	v23 =	vsel vm7, v7, v8;
	v21 =	vsel vm0, v5, v4;
	[tilespmem:s2+$0x1040] =	vst v1  }
0xfd: {  	v24 =	vsel vm8, v7, v8;
	v5 =	vsel vm10, v7, v8;
	[tilespmem:s2+$0x1050] =	vst v6;
	v6 =	vsel vm9, v7, v8  }
0xfe: {  	v4 =	vsel vm11, v7, v8;
	v3 =	vsel vm12, v7, v8;
	[tilespmem:s2+$0x1060] =	vst v2;
	v2 =	vsel vm13, v7, v8  }
0xff: {  	v0 =	vsel vm15, v7, v8;
	v1 =	vsel vm14, v7, v8;
	[tilespmem:s2+$0x1070] =	vst v13  }
0x100: {  	[tilespmem:s2+$0x1400] =	vst v14  }
0x101: {  	[tilespmem:s2+$0x1410] =	vst v15  }
0x102: {  	[tilespmem:s2+$0x1420] =	vst v16  }
0x103: {  	[tilespmem:s2+$0x1430] =	vst v17  }
0x104: {  	[tilespmem:s2+$0x1440] =	vst v18  }
0x105: {  	[tilespmem:s2+$0x1450] =	vst v19  }
0x106: {  	[tilespmem:s2+$0x1460] =	vst v20  }
0x107: {  	[tilespmem:s2+$0x1470] =	vst v21  }
0x108: {  	[tilespmem:s25+$0x1010] =	vst v9  }
0x109: {  	[tilespmem:s25+$0x1020] =	vst v10  }
.Ltmp2:
0x10a: {  	[tilespmem:s25+$0x1030] =	vst v11;
	(pc) =	sbr.rel @p1 .LBB2_7-.Ltmp2, $4  }
0x10b: {  	[tilespmem:s25+$0x1040] =	vst v12  }
0x10c: {  	[tilespmem:s25+$0x1050] =	vst v22  }
0x10d: {  	[tilespmem:s25+$0x1060] =	vst v23  }
0x10e: {  	s10 =	sadd.s32 $0x100, s10;
	[tilespmem:s25+$0x1070] =	vst v24  }
0x10f: {  	[tilespmem:s25+$0x1400] =	vst v6  }
0x110: {  	[tilespmem:s25+$0x1410] =	vst v5  }
0x111: {  	[tilespmem:s25+$0x1420] =	vst v4  }
0x112: {  	[tilespmem:s25+$0x1430] =	vst v3  }
0x113: {  	[tilespmem:s25+$0x1440] =	vst v2  }
0x114: {  	[tilespmem:s25+$0x1450] =	vst v1  }
0x115: {  	[tilespmem:s25+$0x1460] =	vst v0  }
0x116: {  	v0 =	vld [tilespmem:s23+$0x1800]  }
0x117: {  	v1 =	vld [tilespmem:s23+$0x1810]  }
0x118: {  	v2 =	vld [tilespmem:s23+$0x1820]  }
0x119: {  	v3 =	vld [tilespmem:s23+$0x1830]  }
0x11a: {  	v4 =	vld [tilespmem:s23+$0x1840]  }
0x11b: {  	s1 =	sor.u32 s0, s1;
	v5 =	vld [tilespmem:s23+$0x1850]  }
0x11c: {  	v6 =	vld [tilespmem:s23+$0x1860];
	s0 =	sor.u32 $0x1C00, s1  }
0x11d: {  	v7 =	vld [tilespmem:s23+$0x1870];
	s15 =	sor.u32 $0x1C10, s1;
	[dreg:$0xc] =	wrdreg s0  }
0x11e: {  	s16 =	sor.u32 $0x1C20, s1;
	v8 =	vld [tilespmem:s0+$0x4000];
	[dreg:$0xd] =	wrdreg s15  }
0x11f: {  	s3 =	simm.s32 $0x2080;
	v9 =	vld [tilespmem:s15+$0x4000];
	[dreg:$0xe] =	wrdreg s16  }
0x120: {  	v11 =	vld [tilespmem:s3+$0xFFFFE000]  }
0x121: {  	v12 =	vld [tilespmem:s3+$0x0]  }
0x122: {  	s12 =	simm.s32 $0x0;
	s29 =	sor.u32 $0x1C30, s1;
	v10 =	vld [tilespmem:s16+$0x4000]  }
0x123: {  	s30 =	sor.u32 $0x1C40, s1;
	s2 =	sand.u32 $0x7, s12;
	v13 =	vld [tilespmem:s29+$0x4000]  }
0x124: {  	s31 =	sor.u32 $0x1C50, s1;
	v14 =	vld [tilespmem:s30+$0x4000];
	s2 =	sshll.u32 s2, $0x7  }
0x125: {  	v15 =	vld [tilespmem:s31+$0x4000];
	s0 =	sor.u32 $0x1C60, s1;
	s2 =	sadd.s32 $0x80, s2;
	vm0 =	veq.s32 v0, $0x1  }
0x126: {  	s1 =	sor.u32 $0x1C70, s1;
	v16 =	vld [tilespmem:s0+$0x4000];
	s4 =	sor.u32 $0x1800, s2;
	vm1 =	veq.s32 v1, $0x1;
	v1 =	vsel vm0, v11, v12  }
0x127: {  	s17 =	sor.u32 $0x1810, s2;
	v0 =	vld [tilespmem:s1+$0x4000];
	vm2 =	veq.s32 v2, $0x1;
	[tilespmem:s4+$0xC000] =	vst v1;
	v1 =	vsel vm1, v11, v12  }
0x128: {  	s18 =	sor.u32 $0x1820, s2;
	vm3 =	veq.s32 v3, $0x1;
	[tilespmem:s17+$0xC000] =	vst v1;
	v1 =	vsel vm2, v11, v12  }
0x129: {  	s19 =	sor.u32 $0x1830, s2;
	vm4 =	veq.s32 v4, $0x1;
	[tilespmem:s18+$0xC000] =	vst v1;
	v1 =	vsel vm3, v11, v12  }
0x12a: {  	s20 =	sor.u32 $0x1840, s2;
	vm5 =	veq.s32 v5, $0x1;
	[tilespmem:s19+$0xC000] =	vst v1;
	v1 =	vsel vm4, v11, v12  }
0x12b: {  	s21 =	sor.u32 $0x1850, s2;
	vm6 =	veq.s32 v6, $0x1;
	[tilespmem:s20+$0xC000] =	vst v1;
	v1 =	vsel vm5, v11, v12  }
0x12c: {  	s25 =	sor.u32 $0x1860, s2;
	vm7 =	veq.s32 v7, $0x1;
	[tilespmem:s21+$0xC000] =	vst v1;
	v1 =	vsel vm6, v11, v12  }
0x12d: {  	s28 =	sor.u32 $0x1870, s2;
	vm8 =	veq.s32 v8, $0x1;
	[tilespmem:s25+$0xC000] =	vst v1;
	v1 =	vsel vm7, v11, v12  }
0x12e: {  	s5 =	sor.u32 $0x1C00, s2;
	vm9 =	veq.s32 v9, $0x1;
	[tilespmem:s28+$0xC000] =	vst v1;
	v1 =	vsel vm8, v11, v12  }
0x12f: {  	s6 =	sor.u32 $0x1C10, s2;
	v7 =	vld [tilespmem:s3+$0xFFFFDF80];
	vm10 =	veq.s32 v10, $0x1;
	[tilespmem:s5+$0xC000] =	vst v1;
	v1 =	vsel vm9, v11, v12  }
0x130: {  	s7 =	sor.u32 $0x1C20, s2;
	vm11 =	veq.s32 v13, $0x1;
	v8 =	vld [tilespmem:s3+$0xFFFFFF80];
	[tilespmem:s6+$0xC000] =	vst v1;
	v1 =	vsel vm10, v11, v12  }
0x131: {  	s8 =	sor.u32 $0x1C30, s2;
	vm12 =	veq.s32 v14, $0x1;
	[tilespmem:s7+$0xC000] =	vst v1;
	v1 =	vsel vm11, v11, v12  }
0x132: {  	s10 =	sand.u32 $0x3, s12;
	s9 =	sor.u32 $0x1C40, s2;
	vm13 =	veq.s32 v15, $0x1;
	[tilespmem:s8+$0xC000] =	vst v1;
	v1 =	vsel vm12, v11, v12  }
0x133: {  	s11 =	sor.u32 $0x1C50, s2;
	vm14 =	veq.s32 v16, $0x1;
	s4 =	sshll.u32 s10, $0x8;
	[tilespmem:s9+$0xC000] =	vst v1;
	v1 =	vsel vm13, v11, v12  }
0x134: {  	s13 =	sor.u32 $0x1C60, s2;
	vm15 =	veq.s32 v0, $0x1;
	v0 =	vsel vm14, v11, v12;
	s19 =	sadd.s32 $0x0, s4;
	[tilespmem:s11+$0xC000] =	vst v1  }
0x135: {  	s14 =	sor.u32 $0x1800, s19;
	v1 =	vsel vm0, v7, v8;
	[tilespmem:s13+$0xC000] =	vst v0  }
0x136: {  	s2 =	sor.u32 $0x1C70, s2;
	v0 =	vsel vm15, v11, v12;
	[tilespmem:s14+$0xC000] =	vst v1  }
0x137: {  	s15 =	sor.u32 $0x1810, s19;
	[tilespmem:s2+$0xC000] =	vst v0;
	v0 =	vsel vm1, v7, v8  }
0x138: {  	s16 =	sor.u32 $0x1820, s19;
	v1 =	vsel vm2, v7, v8;
	[tilespmem:s15+$0xC000] =	vst v0  }
0x139: {  	s17 =	sor.u32 $0x1830, s19;
	v0 =	vsel vm3, v7, v8;
	[tilespmem:s16+$0xC000] =	vst v1  }
0x13a: {  	s18 =	sor.u32 $0x1840, s19;
	v1 =	vsel vm4, v7, v8;
	[tilespmem:s17+$0xC000] =	vst v0  }
0x13b: {  	s20 =	sor.u32 $0x1850, s19;
	v0 =	vsel vm5, v7, v8;
	[tilespmem:s18+$0xC000] =	vst v1  }
0x13c: {  	s21 =	sor.u32 $0x1860, s19;
	v1 =	vsel vm6, v7, v8;
	[tilespmem:s20+$0xC000] =	vst v0  }
0x13d: {  	s10 =	simm.s32 $0x2180;
	v3 =	vsel vm7, v7, v8;
	v63 =	vsel vm8, v7, v8;
	v2 =	vsel vm10, v7, v8;
	s25 =	sor.u32 $0x1870, s19;
	[tilespmem:s21+$0xC000] =	vst v1  }
0x13e: {  	v5 =	vsel vm11, v7, v8;
	v4 =	vsel vm12, v7, v8;
	v6 =	vsel vm13, v7, v8;
	s28 =	sor.u32 $0x1C00, s19;
	s5 =	simm.s32 $0x80;
	s6 =	simm.s32 $0x0;
	[tilespmem:s25+$0xC000] =	vst v3  }
0x13f: {  	s2 =	sor.u32 $0x1C10, s19;
	s17 =	simm.s32 $0x0;
	s18 =	simm.s32 $0x0;
	v0 =	vsel vm9, v7, v8;
	v1 =	vsel vm15, v7, v8;
	v3 =	vsel vm14, v7, v8;
	[tilespmem:s28+$0xC000] =	vst v63  }
.LBB2_9:
0x140: {  	v7 =	vld [tilespmem:s10+$0xFFFFE000];
	[tilespmem:s2+$0xC000] =	vst v0;
	s2 =	sor.u32 $0x1C20, s19  }
0x141: {  	v8 =	vld [tilespmem:s10+$0x0];
	[tilespmem:s2+$0xC000] =	vst v2;
	s2 =	sor.u32 $0x1C30, s19  }
0x142: {  	s12 =	sadd.s32 $0x2, s12;
	v9 =	vld [tilespmem:s10+$0xFFFFDF80];
	[tilespmem:s2+$0xC000] =	vst v5;
	s2 =	sor.u32 $0x1C40, s19  }
0x143: {  	s3 =	sand.u32 $0x7, s12;
	v10 =	vld [tilespmem:s10+$0xFFFFFF80];
	[tilespmem:s2+$0xC000] =	vst v4;
	s2 =	sor.u32 $0x1C50, s19  }
0x144: {  	s4 =	sor.u32 $0x1C60, s19;
	s5 =	sadd.s32 $0x800, s5;
	s3 =	sshll.u32 s3, $0x7;
	[tilespmem:s2+$0xC000] =	vst v6  }
0x145: {  	s2 =	sadd.s32 s3, s5;
	s3 =	sor.u32 $0x1C70, s19;
	[tilespmem:s4+$0xC000] =	vst v3  }
0x146: {  	s4 =	sor.u32 $0x1800, s2;
	v0 =	vsel vm0, v7, v8;
	[tilespmem:s3+$0xC000] =	vst v1  }
0x147: {  	s3 =	sor.u32 $0x1810, s2;
	[tilespmem:s4+$0xC000] =	vst v0;
	v0 =	vsel vm1, v7, v8  }
0x148: {  	v11 =	vsel vm0, v9, v10;
	[tilespmem:s3+$0xC000] =	vst v0;
	v0 =	vsel vm2, v7, v8;
	s3 =	sor.u32 $0x1820, s2  }
0x149: {  	v12 =	vsel vm1, v9, v10;
	[tilespmem:s3+$0xC000] =	vst v0;
	v0 =	vsel vm3, v7, v8;
	s3 =	sor.u32 $0x1830, s2  }
0x14a: {  	v13 =	vsel vm2, v9, v10;
	[tilespmem:s3+$0xC000] =	vst v0;
	v0 =	vsel vm4, v7, v8;
	s3 =	sor.u32 $0x1840, s2  }
0x14b: {  	v14 =	vsel vm3, v9, v10;
	[tilespmem:s3+$0xC000] =	vst v0;
	v0 =	vsel vm5, v7, v8;
	s3 =	sor.u32 $0x1850, s2  }
0x14c: {  	v15 =	vsel vm4, v9, v10;
	[tilespmem:s3+$0xC000] =	vst v0;
	v0 =	vsel vm6, v7, v8;
	s3 =	sor.u32 $0x1860, s2  }
0x14d: {  	v16 =	vsel vm5, v9, v10;
	[tilespmem:s3+$0xC000] =	vst v0;
	v0 =	vsel vm7, v7, v8;
	s3 =	sor.u32 $0x1870, s2  }
0x14e: {  	v17 =	vsel vm6, v9, v10;
	[tilespmem:s3+$0xC000] =	vst v0;
	v0 =	vsel vm8, v7, v8;
	s3 =	sor.u32 $0x1C00, s2  }
0x14f: {  	v18 =	vsel vm7, v9, v10;
	[tilespmem:s3+$0xC000] =	vst v0;
	v0 =	vsel vm9, v7, v8;
	s3 =	sor.u32 $0x1C10, s2  }
0x150: {  	s6 =	sadd.s32 $0x2, s6;
	v1 =	vsel vm10, v7, v8;
	v19 =	vsel vm8, v9, v10;
	[tilespmem:s3+$0xC000] =	vst v0;
	s3 =	sor.u32 $0x1C20, s2  }
0x151: {  	p1 =	slt.u32 s6, $0xE;
	v0 =	vsel vm9, v9, v10;
	[tilespmem:s3+$0xC000] =	vst v1;
	v1 =	vsel vm11, v7, v8;
	s3 =	sor.u32 $0x1C30, s2  }
0x152: {  	s17 =	sadd.s32 $0x1, s17;
	v2 =	vsel vm10, v9, v10;
	[tilespmem:s3+$0xC000] =	vst v1;
	v1 =	vsel vm12, v7, v8;
	s3 =	sor.u32 $0x1C40, s2  }
0x153: {  	s4 =	sand.u32 $0x3, s17;
	v5 =	vsel vm11, v9, v10;
	[tilespmem:s3+$0xC000] =	vst v1;
	v1 =	vsel vm13, v7, v8;
	s3 =	sor.u32 $0x1C50, s2  }
0x154: {  	s18 =	sadd.s32 $0x800, s18;
	s4 =	sshll.u32 s4, $0x8;
	v4 =	vsel vm12, v9, v10;
	[tilespmem:s3+$0xC000] =	vst v1;
	v1 =	vsel vm14, v7, v8;
	s3 =	sor.u32 $0x1C60, s2  }
0x155: {  	v6 =	vsel vm13, v9, v10;
	v3 =	vsel vm14, v9, v10;
	s19 =	sadd.s32 s4, s18;
	v7 =	vsel vm15, v7, v8;
	s2 =	sor.u32 $0x1C70, s2;
	[tilespmem:s3+$0xC000] =	vst v1  }
0x156: {  	s3 =	sor.u32 $0x1800, s19;
	v1 =	vsel vm15, v9, v10;
	[tilespmem:s2+$0xC000] =	vst v7  }
0x157: {  	s2 =	sor.u32 $0x1810, s19;
	[tilespmem:s3+$0xC000] =	vst v11  }
0x158: {  	[tilespmem:s2+$0xC000] =	vst v12;
	s2 =	sor.u32 $0x1820, s19  }
0x159: {  	[tilespmem:s2+$0xC000] =	vst v13;
	s2 =	sor.u32 $0x1830, s19  }
0x15a: {  	[tilespmem:s2+$0xC000] =	vst v14;
	s2 =	sor.u32 $0x1840, s19  }
.Ltmp3:
0x15b: {  	[tilespmem:s2+$0xC000] =	vst v15;
	s2 =	sor.u32 $0x1850, s19;
	(pc) =	sbr.rel @p1 .LBB2_9-.Ltmp3, $4  }
0x15c: {  	[tilespmem:s2+$0xC000] =	vst v16;
	s2 =	sor.u32 $0x1860, s19  }
0x15d: {  	[tilespmem:s2+$0xC000] =	vst v17;
	s2 =	sor.u32 $0x1870, s19  }
0x15e: {  	[tilespmem:s2+$0xC000] =	vst v18;
	s2 =	sor.u32 $0x1C00, s19  }
0x15f: {  	s10 =	sadd.s32 $0x100, s10;
	[tilespmem:s2+$0xC000] =	vst v19;
	s2 =	sor.u32 $0x1C10, s19  }
0x160: {  	[tilespmem:s2+$0xC000] =	vst v0;
	s14 =	sor.u32 $0x1C20, s19  }
0x161: {  	s15 =	sor.u32 $0x1C30, s19;
	[tilespmem:s14+$0xC000] =	vst v2  }
0x162: {  	s16 =	sor.u32 $0x1C40, s19;
	[tilespmem:s15+$0xC000] =	vst v5  }
0x163: {  	s17 =	sor.u32 $0x1C50, s19;
	[tilespmem:s16+$0xC000] =	vst v4  }
0x164: {  	[tilespmem:s17+$0xC000] =	vst v6  }
0x165: {  	s3 =	rddreg [dreg:$0x4]  }
0x166: {  	s18 =	sor.u32 $0x1C60, s19;
	s3 =	sor.u32 s3, s22  }
0x167: {  	s19 =	sor.u32 $0x1C70, s19;
	s20 =	rddreg [dreg:$0x2];
	[tilespmem:s18+$0xC000] =	vst v3;
	s12 =	sshll.u32 s3, $0xD  }
0x168: {  	s21 =	simm.s32 $0xC000;
	[tilespmem:s19+$0xC000] =	vst v1;
	s2 =	sadd.s32 s20, s12  }
0x169: {  	[hbm4b:s2+s26] =	stream.linear.scatter [tilespmem:s21], [sflag:$0x1], $0x4000, $0x38;
	[tilespmem:$0x1C000] =	vst v63  }
0x16a: {  	s2 =	simm.s32 @!p0 $0x2  }
0x16b: {  	_ =	swait.ge @!p0 [sflag:s2], $0x4000  }
0x16c: {  	[sflag:s2] =	ssyncset.done @!p0 $0x0  }
0x16d: {  	[sflag:s2] =	ssyncadd.s32 @!p0 $0xFFFFC000  }
0x16e: {  	v0 =	vld [tilespmem:s24+$0x4000]  }
0x16f: {  	v1 =	vld [tilespmem:s23+$0x10]  }
0x170: {  	v2 =	vld [tilespmem:s23+$0x20]  }
0x171: {  	v3 =	vld [tilespmem:s23+$0x30]  }
0x172: {  	v4 =	vld [tilespmem:s23+$0x40]  }
0x173: {  	v5 =	vld [tilespmem:s23+$0x50]  }
0x174: {  	v6 =	vld [tilespmem:s23+$0x60]  }
0x175: {  	v7 =	vld [tilespmem:s23+$0x70]  }
0x176: {  	v8 =	vld [tilespmem:s23+$0x400]  }
0x177: {  	v9 =	vld [tilespmem:s23+$0x410]  }
0x178: {  	v10 =	vld [tilespmem:s23+$0x420]  }
0x179: {  	s25 =	simm.s32 $0x2880;
	v12 =	vld [tilespmem:s23+$0x470]  }
0x17a: {  	v13 =	vld [tilespmem:s25+$0xFFFFE000]  }
0x17b: {  	v14 =	vld [tilespmem:s25+$0x0]  }
0x17c: {  	v15 =	vld [tilespmem:s25+$0xFFFFDF80]  }
0x17d: {  	v16 =	vld [tilespmem:s25+$0xFFFFFF80]  }
0x17e: {  	s5 =	simm.s32 $0x0;
	v11 =	vld [tilespmem:s23+$0x430]  }
0x17f: {  	s28 =	sand.u32 $0x300, s5;
	s26 =	sand.u32 $0x2000, s5;
	v17 =	vld [tilespmem:s23+$0x440];
	vm0 =	veq.s32 v12, $0x1  }
0x180: {  	s6 =	sor.u32 s28, s26;
	v18 =	vld [tilespmem:s23+$0x450];
	vm1 =	veq.s32 v0, $0x1;
	v0 =	vsel vm0, v13, v14  }
0x181: {  	v63 =	vld [tilespmem:s23+$0x460];
	vm2 =	veq.s32 v1, $0x1;
	v19 =	vsel vm1, v13, v14;
	[tilespmem:s6+$0x104F0] =	vst v0  }
0x182: {  	vm8 =	veq.s32 v7, $0x1;
	v1 =	vsel vm2, v15, v16;
	[tilespmem:s6+$0x10080] =	vst v19  }
0x183: {  	v7 =	vsel vm8, v13, v14;
	[tilespmem:s6+$0x10010] =	vst v1  }
0x184: {  	vm4 =	veq.s32 v3, $0x1;
	v0 =	vsel vm1, v15, v16;
	[tilespmem:s6+$0x100F0] =	vst v7  }
0x185: {  	vm3 =	veq.s32 v2, $0x1;
	v1 =	vsel vm4, v15, v16;
	[tilespmem:s6+$0x10000] =	vst v0  }
0x186: {  	vm6 =	veq.s32 v5, $0x1;
	v0 =	vsel vm3, v15, v16;
	[tilespmem:s6+$0x10030] =	vst v1  }
0x187: {  	vm5 =	veq.s32 v4, $0x1;
	v1 =	vsel vm6, v15, v16;
	[tilespmem:s6+$0x10020] =	vst v0  }
0x188: {  	v0 =	vsel vm5, v15, v16;
	[tilespmem:s6+$0x10050] =	vst v1  }
0x189: {  	vm7 =	veq.s32 v6, $0x1;
	v1 =	vsel vm8, v15, v16;
	[tilespmem:s6+$0x10040] =	vst v0  }
0x18a: {  	vm10 =	veq.s32 v9, $0x1;
	v0 =	vsel vm7, v15, v16;
	[tilespmem:s6+$0x10070] =	vst v1  }
0x18b: {  	vm9 =	veq.s32 v8, $0x1;
	v1 =	vsel vm10, v15, v16;
	[tilespmem:s6+$0x10060] =	vst v0  }
0x18c: {  	vm12 =	veq.s32 v11, $0x1;
	v0 =	vsel vm9, v15, v16;
	[tilespmem:s6+$0x10410] =	vst v1  }
0x18d: {  	vm11 =	veq.s32 v10, $0x1;
	v1 =	vsel vm12, v15, v16;
	[tilespmem:s6+$0x10400] =	vst v0  }
0x18e: {  	vm14 =	veq.s32 v18, $0x1;
	v0 =	vsel vm11, v15, v16;
	[tilespmem:s6+$0x10430] =	vst v1  }
0x18f: {  	vm13 =	veq.s32 v17, $0x1;
	v1 =	vsel vm14, v15, v16;
	[tilespmem:s6+$0x10420] =	vst v0  }
0x190: {  	v0 =	vsel vm13, v15, v16;
	[tilespmem:s6+$0x10450] =	vst v1  }
0x191: {  	vm15 =	veq.s32 v63, $0x1;
	v1 =	vsel vm0, v15, v16;
	[tilespmem:s6+$0x10440] =	vst v0  }
0x192: {  	v0 =	vsel vm15, v15, v16;
	[tilespmem:s6+$0x10470] =	vst v1  }
0x193: {  	v1 =	vsel vm3, v13, v14;
	[tilespmem:s6+$0x10460] =	vst v0  }
0x194: {  	v0 =	vsel vm2, v13, v14;
	[tilespmem:s6+$0x100A0] =	vst v1  }
0x195: {  	v1 =	vsel vm5, v13, v14;
	[tilespmem:s6+$0x10090] =	vst v0  }
0x196: {  	v0 =	vsel vm4, v13, v14;
	[tilespmem:s6+$0x100C0] =	vst v1  }
0x197: {  	v6 =	vsel vm9, v13, v14;
	v5 =	vsel vm10, v13, v14;
	v1 =	vsel vm7, v13, v14;
	[tilespmem:s6+$0x100B0] =	vst v0  }
0x198: {  	v4 =	vsel vm11, v13, v14;
	v2 =	vsel vm12, v13, v14;
	v0 =	vsel vm6, v13, v14;
	[tilespmem:s6+$0x100E0] =	vst v1  }
0x199: {  	s10 =	simm.s32 $0x0;
	s11 =	simm.s32 $0x0;
	s2 =	simm.s32 $0x2980;
	v3 =	vsel vm13, v13, v14;
	v1 =	vsel vm14, v13, v14;
	[tilespmem:s6+$0x100D0] =	vst v0;
	v0 =	vsel vm15, v13, v14  }
.LBB2_11:
0x19a: {  	v7 =	vld [tilespmem:s2+$0xFFFFE000];
	[tilespmem:s6+$0x10480] =	vst v6  }
0x19b: {  	s10 =	sadd.s32 $0x2, s10;
	v8 =	vld [tilespmem:s2+$0x0];
	[tilespmem:s6+$0x10490] =	vst v5  }
0x19c: {  	p1 =	slt.u32 s10, $0xE;
	v5 =	vld [tilespmem:s2+$0xFFFFDF80];
	[tilespmem:s6+$0x104A0] =	vst v4  }
0x19d: {  	v4 =	vld [tilespmem:s2+$0xFFFFFF80];
	[tilespmem:s6+$0x104B0] =	vst v2  }
0x19e: {  	s5 =	sadd.s32 $0x100, s5;
	s11 =	sadd.s32 $0x800, s11;
	[tilespmem:s6+$0x104C0] =	vst v3  }
0x19f: {  	s3 =	sand.u32 $0x2000, s11;
	s4 =	sand.u32 $0x300, s5;
	[tilespmem:s6+$0x104D0] =	vst v1  }
0x1a0: {  	v1 =	vsel vm1, v7, v8;
	v9 =	vsel vm2, v7, v8;
	v2 =	vsel vm0, v7, v8;
	[tilespmem:s6+$0x104E0] =	vst v0;
	s6 =	sor.u32 s4, s3  }
0x1a1: {  	v10 =	vsel vm3, v7, v8;
	v11 =	vsel vm4, v7, v8;
	v12 =	vsel vm5, v7, v8;
	[tilespmem:s6+$0x104F0] =	vst v2  }
0x1a2: {  	v0 =	vsel vm1, v5, v4;
	v2 =	vsel vm2, v5, v4;
	v3 =	vsel vm3, v5, v4;
	[tilespmem:s6+$0x10080] =	vst v1  }
0x1a3: {  	v1 =	vsel vm5, v5, v4;
	v6 =	vsel vm6, v5, v4;
	[tilespmem:s6+$0x10000] =	vst v0;
	v0 =	vsel vm4, v5, v4  }
0x1a4: {  	v13 =	vsel vm8, v5, v4;
	v14 =	vsel vm9, v5, v4;
	[tilespmem:s6+$0x10010] =	vst v2;
	v2 =	vsel vm7, v5, v4  }
0x1a5: {  	v15 =	vsel vm10, v5, v4;
	v16 =	vsel vm11, v5, v4;
	v17 =	vsel vm12, v5, v4;
	[tilespmem:s6+$0x10020] =	vst v3  }
0x1a6: {  	v18 =	vsel vm13, v5, v4;
	v19 =	vsel vm14, v5, v4;
	v20 =	vsel vm15, v5, v4;
	[tilespmem:s6+$0x10030] =	vst v0  }
0x1a7: {  	v22 =	vsel vm6, v7, v8;
	v23 =	vsel vm7, v7, v8;
	v21 =	vsel vm0, v5, v4;
	[tilespmem:s6+$0x10040] =	vst v1  }
0x1a8: {  	v24 =	vsel vm8, v7, v8;
	v5 =	vsel vm10, v7, v8;
	[tilespmem:s6+$0x10050] =	vst v6;
	v6 =	vsel vm9, v7, v8  }
0x1a9: {  	v4 =	vsel vm11, v7, v8;
	v3 =	vsel vm13, v7, v8;
	[tilespmem:s6+$0x10060] =	vst v2;
	v2 =	vsel vm12, v7, v8  }
0x1aa: {  	v0 =	vsel vm15, v7, v8;
	v1 =	vsel vm14, v7, v8;
	[tilespmem:s6+$0x10070] =	vst v13  }
0x1ab: {  	[tilespmem:s6+$0x10400] =	vst v14  }
0x1ac: {  	[tilespmem:s6+$0x10410] =	vst v15  }
0x1ad: {  	[tilespmem:s6+$0x10420] =	vst v16  }
0x1ae: {  	[tilespmem:s6+$0x10430] =	vst v17  }
0x1af: {  	[tilespmem:s6+$0x10440] =	vst v18  }
0x1b0: {  	[tilespmem:s6+$0x10450] =	vst v19  }
0x1b1: {  	[tilespmem:s6+$0x10460] =	vst v20  }
0x1b2: {  	[tilespmem:s6+$0x10470] =	vst v21  }
0x1b3: {  	[tilespmem:s6+$0x10090] =	vst v9  }
0x1b4: {  	[tilespmem:s6+$0x100A0] =	vst v10  }
.Ltmp4:
0x1b5: {  	[tilespmem:s6+$0x100B0] =	vst v11;
	(pc) =	sbr.rel @p1 .LBB2_11-.Ltmp4, $4  }
0x1b6: {  	[tilespmem:s6+$0x100C0] =	vst v12  }
0x1b7: {  	[tilespmem:s6+$0x100D0] =	vst v22  }
0x1b8: {  	[tilespmem:s6+$0x100E0] =	vst v23  }
0x1b9: {  	s2 =	sadd.s32 $0x100, s2;
	[tilespmem:s6+$0x100F0] =	vst v24  }
0x1ba: {  	[tilespmem:s6+$0x10480] =	vst v6  }
0x1bb: {  	[tilespmem:s6+$0x10490] =	vst v5  }
0x1bc: {  	[tilespmem:s6+$0x104A0] =	vst v4  }
0x1bd: {  	[tilespmem:s6+$0x104B0] =	vst v2  }
0x1be: {  	[tilespmem:s6+$0x104C0] =	vst v3  }
0x1bf: {  	[tilespmem:s6+$0x104D0] =	vst v1  }
0x1c0: {  	[tilespmem:s6+$0x104E0] =	vst v0  }
0x1c1: {  	v0 =	vld [tilespmem:s23+$0x800]  }
0x1c2: {  	v1 =	vld [tilespmem:s23+$0x810]  }
0x1c3: {  	v2 =	vld [tilespmem:s23+$0x820]  }
0x1c4: {  	v3 =	vld [tilespmem:s23+$0x830]  }
0x1c5: {  	v4 =	vld [tilespmem:s23+$0x840]  }
0x1c6: {  	v5 =	vld [tilespmem:s23+$0x850]  }
0x1c7: {  	v6 =	vld [tilespmem:s23+$0x860]  }
0x1c8: {  	v7 =	vld [tilespmem:s23+$0x870]  }
0x1c9: {  	v8 =	vld [tilespmem:s23+$0xC00]  }
0x1ca: {  	v9 =	vld [tilespmem:s23+$0xC10]  }
0x1cb: {  	v10 =	vld [tilespmem:s23+$0xC20]  }
0x1cc: {  	s2 =	simm.s32 $0x2880;
	v12 =	vld [tilespmem:s23+$0xC70]  }
0x1cd: {  	v13 =	vld [tilespmem:s2+$0xFFFFE000]  }
0x1ce: {  	v14 =	vld [tilespmem:s2+$0x0]  }
0x1cf: {  	v15 =	vld [tilespmem:s2+$0xFFFFDF80]  }
0x1d0: {  	v16 =	vld [tilespmem:s2+$0xFFFFFF80]  }
0x1d1: {  	s5 =	simm.s32 $0x0;
	v11 =	vld [tilespmem:s23+$0xC30]  }
0x1d2: {  	v17 =	vld [tilespmem:s23+$0xC40];
	s28 =	sand.u32 $0x2000, s5;
	s3 =	sand.u32 $0x300, s5;
	vm0 =	veq.s32 v12, $0x1  }
0x1d3: {  	v18 =	vld [tilespmem:s23+$0xC50];
	s6 =	sor.u32 s3, s28;
	vm1 =	veq.s32 v0, $0x1;
	v0 =	vsel vm0, v13, v14  }
0x1d4: {  	v63 =	vld [tilespmem:s23+$0xC60];
	vm2 =	veq.s32 v1, $0x1;
	v19 =	vsel vm1, v13, v14;
	[tilespmem:s6+$0x10CF0] =	vst v0  }
0x1d5: {  	vm8 =	veq.s32 v7, $0x1;
	v1 =	vsel vm2, v15, v16;
	[tilespmem:s6+$0x10880] =	vst v19  }
0x1d6: {  	v7 =	vsel vm8, v13, v14;
	[tilespmem:s6+$0x10810] =	vst v1  }
0x1d7: {  	vm4 =	veq.s32 v3, $0x1;
	v0 =	vsel vm1, v15, v16;
	[tilespmem:s6+$0x108F0] =	vst v7  }
0x1d8: {  	vm3 =	veq.s32 v2, $0x1;
	v1 =	vsel vm4, v15, v16;
	[tilespmem:s6+$0x10800] =	vst v0  }
0x1d9: {  	vm6 =	veq.s32 v5, $0x1;
	v0 =	vsel vm3, v15, v16;
	[tilespmem:s6+$0x10830] =	vst v1  }
0x1da: {  	vm5 =	veq.s32 v4, $0x1;
	v1 =	vsel vm6, v15, v16;
	[tilespmem:s6+$0x10820] =	vst v0  }
0x1db: {  	v0 =	vsel vm5, v15, v16;
	[tilespmem:s6+$0x10850] =	vst v1  }
0x1dc: {  	vm7 =	veq.s32 v6, $0x1;
	v1 =	vsel vm8, v15, v16;
	[tilespmem:s6+$0x10840] =	vst v0  }
0x1dd: {  	vm10 =	veq.s32 v9, $0x1;
	v0 =	vsel vm7, v15, v16;
	[tilespmem:s6+$0x10870] =	vst v1  }
0x1de: {  	vm9 =	veq.s32 v8, $0x1;
	v1 =	vsel vm10, v15, v16;
	[tilespmem:s6+$0x10860] =	vst v0  }
0x1df: {  	vm12 =	veq.s32 v11, $0x1;
	v0 =	vsel vm9, v15, v16;
	[tilespmem:s6+$0x10C10] =	vst v1  }
0x1e0: {  	vm11 =	veq.s32 v10, $0x1;
	v1 =	vsel vm12, v15, v16;
	[tilespmem:s6+$0x10C00] =	vst v0  }
0x1e1: {  	vm14 =	veq.s32 v18, $0x1;
	v0 =	vsel vm11, v15, v16;
	[tilespmem:s6+$0x10C30] =	vst v1  }
0x1e2: {  	vm13 =	veq.s32 v17, $0x1;
	v1 =	vsel vm14, v15, v16;
	[tilespmem:s6+$0x10C20] =	vst v0  }
0x1e3: {  	v0 =	vsel vm13, v15, v16;
	[tilespmem:s6+$0x10C50] =	vst v1  }
0x1e4: {  	vm15 =	veq.s32 v63, $0x1;
	v1 =	vsel vm0, v15, v16;
	[tilespmem:s6+$0x10C40] =	vst v0  }
0x1e5: {  	v0 =	vsel vm15, v15, v16;
	[tilespmem:s6+$0x10C70] =	vst v1  }
0x1e6: {  	v1 =	vsel vm3, v13, v14;
	[tilespmem:s6+$0x10C60] =	vst v0  }
0x1e7: {  	v0 =	vsel vm2, v13, v14;
	[tilespmem:s6+$0x108A0] =	vst v1  }
0x1e8: {  	v1 =	vsel vm5, v13, v14;
	[tilespmem:s6+$0x10890] =	vst v0  }
0x1e9: {  	v0 =	vsel vm4, v13, v14;
	[tilespmem:s6+$0x108C0] =	vst v1  }
0x1ea: {  	v6 =	vsel vm9, v13, v14;
	v5 =	vsel vm10, v13, v14;
	v1 =	vsel vm7, v13, v14;
	[tilespmem:s6+$0x108B0] =	vst v0  }
0x1eb: {  	v4 =	vsel vm11, v13, v14;
	v2 =	vsel vm12, v13, v14;
	v0 =	vsel vm6, v13, v14;
	[tilespmem:s6+$0x108E0] =	vst v1  }
0x1ec: {  	s10 =	simm.s32 $0x0;
	s11 =	simm.s32 $0x0;
	s2 =	simm.s32 $0x2980;
	v3 =	vsel vm13, v13, v14;
	v1 =	vsel vm14, v13, v14;
	[tilespmem:s6+$0x108D0] =	vst v0;
	v0 =	vsel vm15, v13, v14  }
.LBB2_13:
0x1ed: {  	v7 =	vld [tilespmem:s2+$0xFFFFE000];
	[tilespmem:s6+$0x10C80] =	vst v6  }
0x1ee: {  	s10 =	sadd.s32 $0x2, s10;
	v8 =	vld [tilespmem:s2+$0x0];
	[tilespmem:s6+$0x10C90] =	vst v5  }
0x1ef: {  	p1 =	slt.u32 s10, $0xE;
	v5 =	vld [tilespmem:s2+$0xFFFFDF80];
	[tilespmem:s6+$0x10CA0] =	vst v4  }
0x1f0: {  	v4 =	vld [tilespmem:s2+$0xFFFFFF80];
	[tilespmem:s6+$0x10CB0] =	vst v2  }
0x1f1: {  	s5 =	sadd.s32 $0x100, s5;
	s11 =	sadd.s32 $0x800, s11;
	[tilespmem:s6+$0x10CC0] =	vst v3  }
0x1f2: {  	s3 =	sand.u32 $0x2000, s11;
	s4 =	sand.u32 $0x300, s5;
	[tilespmem:s6+$0x10CD0] =	vst v1  }
0x1f3: {  	v1 =	vsel vm1, v7, v8;
	v9 =	vsel vm2, v7, v8;
	v2 =	vsel vm0, v7, v8;
	[tilespmem:s6+$0x10CE0] =	vst v0;
	s6 =	sor.u32 s4, s3  }
0x1f4: {  	v10 =	vsel vm3, v7, v8;
	v11 =	vsel vm4, v7, v8;
	v12 =	vsel vm5, v7, v8;
	[tilespmem:s6+$0x10CF0] =	vst v2  }
0x1f5: {  	v0 =	vsel vm1, v5, v4;
	v2 =	vsel vm2, v5, v4;
	v3 =	vsel vm3, v5, v4;
	[tilespmem:s6+$0x10880] =	vst v1  }
0x1f6: {  	v1 =	vsel vm5, v5, v4;
	v6 =	vsel vm6, v5, v4;
	[tilespmem:s6+$0x10800] =	vst v0;
	v0 =	vsel vm4, v5, v4  }
0x1f7: {  	v13 =	vsel vm8, v5, v4;
	v14 =	vsel vm9, v5, v4;
	[tilespmem:s6+$0x10810] =	vst v2;
	v2 =	vsel vm7, v5, v4  }
0x1f8: {  	v15 =	vsel vm10, v5, v4;
	v16 =	vsel vm11, v5, v4;
	v17 =	vsel vm12, v5, v4;
	[tilespmem:s6+$0x10820] =	vst v3  }
0x1f9: {  	v18 =	vsel vm13, v5, v4;
	v19 =	vsel vm14, v5, v4;
	v20 =	vsel vm15, v5, v4;
	[tilespmem:s6+$0x10830] =	vst v0  }
0x1fa: {  	v22 =	vsel vm6, v7, v8;
	v23 =	vsel vm7, v7, v8;
	v21 =	vsel vm0, v5, v4;
	[tilespmem:s6+$0x10840] =	vst v1  }
0x1fb: {  	v24 =	vsel vm8, v7, v8;
	v5 =	vsel vm10, v7, v8;
	[tilespmem:s6+$0x10850] =	vst v6;
	v6 =	vsel vm9, v7, v8  }
0x1fc: {  	v4 =	vsel vm11, v7, v8;
	v3 =	vsel vm13, v7, v8;
	[tilespmem:s6+$0x10860] =	vst v2;
	v2 =	vsel vm12, v7, v8  }
0x1fd: {  	v0 =	vsel vm15, v7, v8;
	v1 =	vsel vm14, v7, v8;
	[tilespmem:s6+$0x10870] =	vst v13  }
0x1fe: {  	[tilespmem:s6+$0x10C00] =	vst v14  }
0x1ff: {  	[tilespmem:s6+$0x10C10] =	vst v15  }
0x200: {  	[tilespmem:s6+$0x10C20] =	vst v16  }
0x201: {  	[tilespmem:s6+$0x10C30] =	vst v17  }
0x202: {  	[tilespmem:s6+$0x10C40] =	vst v18  }
0x203: {  	[tilespmem:s6+$0x10C50] =	vst v19  }
0x204: {  	[tilespmem:s6+$0x10C60] =	vst v20  }
0x205: {  	[tilespmem:s6+$0x10C70] =	vst v21  }
0x206: {  	[tilespmem:s6+$0x10890] =	vst v9  }
0x207: {  	[tilespmem:s6+$0x108A0] =	vst v10  }
.Ltmp5:
0x208: {  	[tilespmem:s6+$0x108B0] =	vst v11;
	(pc) =	sbr.rel @p1 .LBB2_13-.Ltmp5, $4  }
0x209: {  	[tilespmem:s6+$0x108C0] =	vst v12  }
0x20a: {  	[tilespmem:s6+$0x108D0] =	vst v22  }
0x20b: {  	[tilespmem:s6+$0x108E0] =	vst v23  }
0x20c: {  	s2 =	sadd.s32 $0x100, s2;
	[tilespmem:s6+$0x108F0] =	vst v24  }
0x20d: {  	[tilespmem:s6+$0x10C80] =	vst v6  }
0x20e: {  	[tilespmem:s6+$0x10C90] =	vst v5  }
0x20f: {  	[tilespmem:s6+$0x10CA0] =	vst v4  }
0x210: {  	[tilespmem:s6+$0x10CB0] =	vst v2  }
0x211: {  	[tilespmem:s6+$0x10CC0] =	vst v3  }
0x212: {  	[tilespmem:s6+$0x10CD0] =	vst v1  }
0x213: {  	[tilespmem:s6+$0x10CE0] =	vst v0  }
0x214: {  	v0 =	vld [tilespmem:s23+$0x1000]  }
0x215: {  	v1 =	vld [tilespmem:s23+$0x1010]  }
0x216: {  	v2 =	vld [tilespmem:s23+$0x1020]  }
0x217: {  	v3 =	vld [tilespmem:s23+$0x1030]  }
0x218: {  	v4 =	vld [tilespmem:s23+$0x1040]  }
0x219: {  	v5 =	vld [tilespmem:s23+$0x1050]  }
0x21a: {  	v6 =	vld [tilespmem:s23+$0x1060]  }
0x21b: {  	v7 =	vld [tilespmem:s23+$0x1070]  }
0x21c: {  	v8 =	vld [tilespmem:s23+$0x1400]  }
0x21d: {  	v9 =	vld [tilespmem:s23+$0x1410]  }
0x21e: {  	v10 =	vld [tilespmem:s23+$0x1420]  }
0x21f: {  	s2 =	simm.s32 $0x2880;
	v12 =	vld [tilespmem:s23+$0x1470]  }
0x220: {  	v13 =	vld [tilespmem:s2+$0xFFFFE000]  }
0x221: {  	v14 =	vld [tilespmem:s2+$0x0]  }
0x222: {  	v15 =	vld [tilespmem:s2+$0xFFFFDF80]  }
0x223: {  	v16 =	vld [tilespmem:s2+$0xFFFFFF80]  }
0x224: {  	s5 =	simm.s32 $0x0;
	v11 =	vld [tilespmem:s23+$0x1430]  }
0x225: {  	v17 =	vld [tilespmem:s23+$0x1440];
	s28 =	sand.u32 $0x2000, s5;
	s3 =	sand.u32 $0x300, s5;
	vm0 =	veq.s32 v12, $0x1  }
0x226: {  	v18 =	vld [tilespmem:s23+$0x1450];
	s6 =	sor.u32 s3, s28;
	vm1 =	veq.s32 v0, $0x1;
	v0 =	vsel vm0, v13, v14  }
0x227: {  	v63 =	vld [tilespmem:s23+$0x1460];
	vm2 =	veq.s32 v1, $0x1;
	v19 =	vsel vm1, v13, v14;
	[tilespmem:s6+$0x114F0] =	vst v0  }
0x228: {  	vm8 =	veq.s32 v7, $0x1;
	v1 =	vsel vm2, v15, v16;
	[tilespmem:s6+$0x11080] =	vst v19  }
0x229: {  	v7 =	vsel vm8, v13, v14;
	[tilespmem:s6+$0x11010] =	vst v1  }
0x22a: {  	vm4 =	veq.s32 v3, $0x1;
	v0 =	vsel vm1, v15, v16;
	[tilespmem:s6+$0x110F0] =	vst v7  }
0x22b: {  	vm3 =	veq.s32 v2, $0x1;
	v1 =	vsel vm4, v15, v16;
	[tilespmem:s6+$0x11000] =	vst v0  }
0x22c: {  	vm6 =	veq.s32 v5, $0x1;
	v0 =	vsel vm3, v15, v16;
	[tilespmem:s6+$0x11030] =	vst v1  }
0x22d: {  	vm5 =	veq.s32 v4, $0x1;
	v1 =	vsel vm6, v15, v16;
	[tilespmem:s6+$0x11020] =	vst v0  }
0x22e: {  	v0 =	vsel vm5, v15, v16;
	[tilespmem:s6+$0x11050] =	vst v1  }
0x22f: {  	vm7 =	veq.s32 v6, $0x1;
	v1 =	vsel vm8, v15, v16;
	[tilespmem:s6+$0x11040] =	vst v0  }
0x230: {  	vm10 =	veq.s32 v9, $0x1;
	v0 =	vsel vm7, v15, v16;
	[tilespmem:s6+$0x11070] =	vst v1  }
0x231: {  	vm9 =	veq.s32 v8, $0x1;
	v1 =	vsel vm10, v15, v16;
	[tilespmem:s6+$0x11060] =	vst v0  }
0x232: {  	vm12 =	veq.s32 v11, $0x1;
	v0 =	vsel vm9, v15, v16;
	[tilespmem:s6+$0x11410] =	vst v1  }
0x233: {  	vm11 =	veq.s32 v10, $0x1;
	v1 =	vsel vm12, v15, v16;
	[tilespmem:s6+$0x11400] =	vst v0  }
0x234: {  	vm14 =	veq.s32 v18, $0x1;
	v0 =	vsel vm11, v15, v16;
	[tilespmem:s6+$0x11430] =	vst v1  }
0x235: {  	vm13 =	veq.s32 v17, $0x1;
	v1 =	vsel vm14, v15, v16;
	[tilespmem:s6+$0x11420] =	vst v0  }
0x236: {  	v0 =	vsel vm13, v15, v16;
	[tilespmem:s6+$0x11450] =	vst v1  }
0x237: {  	vm15 =	veq.s32 v63, $0x1;
	v1 =	vsel vm0, v15, v16;
	[tilespmem:s6+$0x11440] =	vst v0  }
0x238: {  	v0 =	vsel vm15, v15, v16;
	[tilespmem:s6+$0x11470] =	vst v1  }
0x239: {  	v1 =	vsel vm3, v13, v14;
	[tilespmem:s6+$0x11460] =	vst v0  }
0x23a: {  	v0 =	vsel vm2, v13, v14;
	[tilespmem:s6+$0x110A0] =	vst v1  }
0x23b: {  	v1 =	vsel vm5, v13, v14;
	[tilespmem:s6+$0x11090] =	vst v0  }
0x23c: {  	v0 =	vsel vm4, v13, v14;
	[tilespmem:s6+$0x110C0] =	vst v1  }
0x23d: {  	v6 =	vsel vm9, v13, v14;
	v5 =	vsel vm10, v13, v14;
	v1 =	vsel vm7, v13, v14;
	[tilespmem:s6+$0x110B0] =	vst v0  }
0x23e: {  	v4 =	vsel vm11, v13, v14;
	v2 =	vsel vm12, v13, v14;
	v0 =	vsel vm6, v13, v14;
	[tilespmem:s6+$0x110E0] =	vst v1  }
0x23f: {  	s10 =	simm.s32 $0x0;
	s11 =	simm.s32 $0x0;
	s2 =	simm.s32 $0x2980;
	v3 =	vsel vm13, v13, v14;
	v1 =	vsel vm14, v13, v14;
	[tilespmem:s6+$0x110D0] =	vst v0;
	v0 =	vsel vm15, v13, v14  }
.LBB2_15:
0x240: {  	v7 =	vld [tilespmem:s2+$0xFFFFE000];
	[tilespmem:s6+$0x11480] =	vst v6  }
0x241: {  	s10 =	sadd.s32 $0x2, s10;
	v8 =	vld [tilespmem:s2+$0x0];
	[tilespmem:s6+$0x11490] =	vst v5  }
0x242: {  	p1 =	slt.u32 s10, $0xE;
	v5 =	vld [tilespmem:s2+$0xFFFFDF80];
	[tilespmem:s6+$0x114A0] =	vst v4  }
0x243: {  	v4 =	vld [tilespmem:s2+$0xFFFFFF80];
	[tilespmem:s6+$0x114B0] =	vst v2  }
0x244: {  	s5 =	sadd.s32 $0x100, s5;
	s11 =	sadd.s32 $0x800, s11;
	[tilespmem:s6+$0x114C0] =	vst v3  }
0x245: {  	s3 =	sand.u32 $0x2000, s11;
	s4 =	sand.u32 $0x300, s5;
	[tilespmem:s6+$0x114D0] =	vst v1  }
0x246: {  	v1 =	vsel vm1, v7, v8;
	v9 =	vsel vm2, v7, v8;
	v2 =	vsel vm0, v7, v8;
	[tilespmem:s6+$0x114E0] =	vst v0;
	s6 =	sor.u32 s4, s3  }
0x247: {  	v10 =	vsel vm3, v7, v8;
	v11 =	vsel vm4, v7, v8;
	v12 =	vsel vm5, v7, v8;
	[tilespmem:s6+$0x114F0] =	vst v2  }
0x248: {  	v0 =	vsel vm1, v5, v4;
	v2 =	vsel vm2, v5, v4;
	v3 =	vsel vm3, v5, v4;
	[tilespmem:s6+$0x11080] =	vst v1  }
0x249: {  	v1 =	vsel vm5, v5, v4;
	v6 =	vsel vm6, v5, v4;
	[tilespmem:s6+$0x11000] =	vst v0;
	v0 =	vsel vm4, v5, v4  }
0x24a: {  	v13 =	vsel vm8, v5, v4;
	v14 =	vsel vm9, v5, v4;
	[tilespmem:s6+$0x11010] =	vst v2;
	v2 =	vsel vm7, v5, v4  }
0x24b: {  	v15 =	vsel vm10, v5, v4;
	v16 =	vsel vm11, v5, v4;
	v17 =	vsel vm12, v5, v4;
	[tilespmem:s6+$0x11020] =	vst v3  }
0x24c: {  	v18 =	vsel vm13, v5, v4;
	v19 =	vsel vm14, v5, v4;
	v20 =	vsel vm15, v5, v4;
	[tilespmem:s6+$0x11030] =	vst v0  }
0x24d: {  	v22 =	vsel vm6, v7, v8;
	v23 =	vsel vm7, v7, v8;
	v21 =	vsel vm0, v5, v4;
	[tilespmem:s6+$0x11040] =	vst v1  }
0x24e: {  	v24 =	vsel vm8, v7, v8;
	v5 =	vsel vm10, v7, v8;
	[tilespmem:s6+$0x11050] =	vst v6;
	v6 =	vsel vm9, v7, v8  }
0x24f: {  	v4 =	vsel vm11, v7, v8;
	v3 =	vsel vm13, v7, v8;
	[tilespmem:s6+$0x11060] =	vst v2;
	v2 =	vsel vm12, v7, v8  }
0x250: {  	v0 =	vsel vm15, v7, v8;
	v1 =	vsel vm14, v7, v8;
	[tilespmem:s6+$0x11070] =	vst v13  }
0x251: {  	[tilespmem:s6+$0x11400] =	vst v14  }
0x252: {  	[tilespmem:s6+$0x11410] =	vst v15  }
0x253: {  	[tilespmem:s6+$0x11420] =	vst v16  }
0x254: {  	[tilespmem:s6+$0x11430] =	vst v17  }
0x255: {  	[tilespmem:s6+$0x11440] =	vst v18  }
0x256: {  	[tilespmem:s6+$0x11450] =	vst v19  }
0x257: {  	[tilespmem:s6+$0x11460] =	vst v20  }
0x258: {  	[tilespmem:s6+$0x11470] =	vst v21  }
0x259: {  	[tilespmem:s6+$0x11090] =	vst v9  }
0x25a: {  	[tilespmem:s6+$0x110A0] =	vst v10  }
.Ltmp6:
0x25b: {  	[tilespmem:s6+$0x110B0] =	vst v11;
	(pc) =	sbr.rel @p1 .LBB2_15-.Ltmp6, $4  }
0x25c: {  	[tilespmem:s6+$0x110C0] =	vst v12  }
0x25d: {  	[tilespmem:s6+$0x110D0] =	vst v22  }
0x25e: {  	[tilespmem:s6+$0x110E0] =	vst v23  }
0x25f: {  	s2 =	sadd.s32 $0x100, s2;
	[tilespmem:s6+$0x110F0] =	vst v24  }
0x260: {  	[tilespmem:s6+$0x11480] =	vst v6  }
0x261: {  	[tilespmem:s6+$0x11490] =	vst v5  }
0x262: {  	[tilespmem:s6+$0x114A0] =	vst v4  }
0x263: {  	[tilespmem:s6+$0x114B0] =	vst v2  }
0x264: {  	[tilespmem:s6+$0x114C0] =	vst v3  }
0x265: {  	[tilespmem:s6+$0x114D0] =	vst v1  }
0x266: {  	[tilespmem:s6+$0x114E0] =	vst v0  }
0x267: {  	v0 =	vld [tilespmem:s23+$0x1800]  }
0x268: {  	v1 =	vld [tilespmem:s23+$0x1810]  }
0x269: {  	v2 =	vld [tilespmem:s23+$0x1820]  }
0x26a: {  	v3 =	vld [tilespmem:s23+$0x1830]  }
0x26b: {  	v4 =	vld [tilespmem:s23+$0x1840]  }
0x26c: {  	v5 =	vld [tilespmem:s23+$0x1850]  }
0x26d: {  	v6 =	vld [tilespmem:s23+$0x1860]  }
0x26e: {  	s20 =	simm.s32 $0x2880;
	v7 =	vld [tilespmem:s23+$0x1870]  }
0x26f: {  	v11 =	vld [tilespmem:s20+$0xFFFFE000]  }
0x270: {  	v12 =	vld [tilespmem:s20+$0x0]  }
0x271: {  	v13 =	vld [tilespmem:s29+$0x4000]  }
0x272: {  	v14 =	vld [tilespmem:s30+$0x4000]  }
0x273: {  	s5 =	simm.s32 $0x0;
	v15 =	vld [tilespmem:s31+$0x4000]  }
0x274: {  	s2 =	rddreg [dreg:$0xc];
	s3 =	sand.u32 $0x3, s5;
	v16 =	vld [tilespmem:s0+$0x4000]  }
0x275: {  	s18 =	rddreg [dreg:$0xd];
	v8 =	vld [tilespmem:s2+$0x4000];
	s3 =	sshll.u32 s3, $0x8  }
0x276: {  	s19 =	rddreg [dreg:$0xe];
	v9 =	vld [tilespmem:s18+$0x4000];
	s6 =	sadd.s32 $0x0, s3;
	vm0 =	veq.s32 v0, $0x1  }
0x277: {  	v10 =	vld [tilespmem:s19+$0x4000];
	s3 =	sor.u32 $0x1880, s6;
	vm1 =	veq.s32 v1, $0x1;
	v1 =	vsel vm0, v11, v12  }
0x278: {  	s21 =	sor.u32 $0x1890, s6;
	v0 =	vld [tilespmem:s1+$0x4000];
	vm2 =	veq.s32 v2, $0x1;
	[tilespmem:s3+$0x10000] =	vst v1;
	v1 =	vsel vm1, v11, v12  }
0x279: {  	s25 =	sor.u32 $0x18A0, s6;
	vm3 =	veq.s32 v3, $0x1;
	[tilespmem:s21+$0x10000] =	vst v1;
	v1 =	vsel vm2, v11, v12  }
0x27a: {  	s26 =	sor.u32 $0x18B0, s6;
	vm4 =	veq.s32 v4, $0x1;
	[tilespmem:s25+$0x10000] =	vst v1;
	v1 =	vsel vm3, v11, v12  }
0x27b: {  	s28 =	sor.u32 $0x18C0, s6;
	vm5 =	veq.s32 v5, $0x1;
	[tilespmem:s26+$0x10000] =	vst v1;
	v1 =	vsel vm4, v11, v12  }
0x27c: {  	s4 =	sor.u32 $0x18D0, s6;
	vm6 =	veq.s32 v6, $0x1;
	[tilespmem:s28+$0x10000] =	vst v1;
	v1 =	vsel vm5, v11, v12  }
0x27d: {  	s7 =	sor.u32 $0x18E0, s6;
	vm7 =	veq.s32 v7, $0x1;
	[tilespmem:s4+$0x10000] =	vst v1;
	v1 =	vsel vm6, v11, v12  }
0x27e: {  	s8 =	sor.u32 $0x18F0, s6;
	vm8 =	veq.s32 v8, $0x1;
	[tilespmem:s7+$0x10000] =	vst v1;
	v1 =	vsel vm7, v11, v12  }
0x27f: {  	s9 =	sor.u32 $0x1C80, s6;
	vm9 =	veq.s32 v9, $0x1;
	[tilespmem:s8+$0x10000] =	vst v1;
	v1 =	vsel vm8, v11, v12  }
0x280: {  	s10 =	sor.u32 $0x1C90, s6;
	v4 =	vld [tilespmem:s20+$0xFFFFDF80];
	vm10 =	veq.s32 v10, $0x1;
	[tilespmem:s9+$0x10000] =	vst v1;
	v1 =	vsel vm9, v11, v12  }
0x281: {  	s11 =	sor.u32 $0x1CA0, s6;
	vm11 =	veq.s32 v13, $0x1;
	v7 =	vld [tilespmem:s20+$0xFFFFFF80];
	[tilespmem:s10+$0x10000] =	vst v1;
	v1 =	vsel vm10, v11, v12  }
0x282: {  	s13 =	sor.u32 $0x1CB0, s6;
	vm12 =	veq.s32 v14, $0x1;
	[tilespmem:s11+$0x10000] =	vst v1;
	v1 =	vsel vm11, v11, v12  }
0x283: {  	s14 =	sor.u32 $0x1CC0, s6;
	vm13 =	veq.s32 v15, $0x1;
	[tilespmem:s13+$0x10000] =	vst v1;
	v1 =	vsel vm12, v11, v12  }
0x284: {  	s15 =	sor.u32 $0x1CD0, s6;
	vm14 =	veq.s32 v16, $0x1;
	[tilespmem:s14+$0x10000] =	vst v1;
	v1 =	vsel vm13, v11, v12  }
0x285: {  	s16 =	sor.u32 $0x1CE0, s6;
	vm15 =	veq.s32 v0, $0x1;
	v0 =	vsel vm14, v11, v12;
	[tilespmem:s15+$0x10000] =	vst v1  }
0x286: {  	s18 =	sor.u32 $0x1800, s6;
	v1 =	vsel vm0, v4, v7;
	[tilespmem:s16+$0x10000] =	vst v0  }
0x287: {  	s17 =	sor.u32 $0x1CF0, s6;
	v0 =	vsel vm15, v11, v12;
	[tilespmem:s18+$0x10000] =	vst v1  }
0x288: {  	s19 =	sor.u32 $0x1810, s6;
	[tilespmem:s17+$0x10000] =	vst v0;
	v0 =	vsel vm1, v4, v7  }
0x289: {  	s20 =	sor.u32 $0x1820, s6;
	v1 =	vsel vm2, v4, v7;
	[tilespmem:s19+$0x10000] =	vst v0  }
0x28a: {  	s21 =	sor.u32 $0x1830, s6;
	v0 =	vsel vm3, v4, v7;
	[tilespmem:s20+$0x10000] =	vst v1  }
0x28b: {  	s25 =	sor.u32 $0x1840, s6;
	v1 =	vsel vm4, v4, v7;
	[tilespmem:s21+$0x10000] =	vst v0  }
0x28c: {  	s2 =	sor.u32 $0x1C50, s6;
	s26 =	sor.u32 $0x1850, s6;
	v0 =	vsel vm5, v4, v7;
	[tilespmem:s25+$0x10000] =	vst v1  }
0x28d: {  	s28 =	sor.u32 $0x1870, s6;
	s4 =	sor.u32 $0x1860, s6;
	s7 =	sor.u32 $0x1C00, s6;
	v1 =	vsel vm6, v4, v7;
	[tilespmem:s26+$0x10000] =	vst v0  }
0x28e: {  	v5 =	vsel vm7, v4, v7;
	v8 =	vsel vm8, v4, v7;
	v2 =	vsel vm11, v4, v7;
	s10 =	simm.s32 $0x2980;
	s11 =	sor.u32 $0x1C40, s6;
	s13 =	sor.u32 $0x1C60, s6;
	[tilespmem:s4+$0x10000] =	vst v1  }
0x28f: {  	v3 =	vsel vm12, v4, v7;
	v6 =	vsel vm13, v4, v7;
	s18 =	sor.u32 $0x1C10, s6;
	s17 =	simm.s32 $0x0;
	s19 =	sor.u32 $0x1C30, s6;
	v0 =	vsel vm9, v4, v7;
	[tilespmem:s28+$0x10000] =	vst v5  }
0x290: {  	s20 =	sor.u32 $0x1C70, s6;
	s21 =	sor.u32 $0x1C20, s6;
	s6 =	simm.s32 $0x0;
	v1 =	vsel vm10, v4, v7;
	v5 =	vsel vm14, v4, v7;
	v4 =	vsel vm15, v4, v7;
	[tilespmem:s7+$0x10000] =	vst v8  }
.LBB2_17:
0x291: {  	v7 =	vld [tilespmem:s10+$0xFFFFE000];
	[tilespmem:s18+$0x10000] =	vst v0  }
0x292: {  	v8 =	vld [tilespmem:s10+$0x0];
	[tilespmem:s21+$0x10000] =	vst v1  }
0x293: {  	s5 =	sadd.s32 $0x1, s5;
	v9 =	vld [tilespmem:s10+$0xFFFFDF80];
	[tilespmem:s19+$0x10000] =	vst v2  }
0x294: {  	s3 =	sand.u32 $0x3, s5;
	v10 =	vld [tilespmem:s10+$0xFFFFFF80];
	[tilespmem:s11+$0x10000] =	vst v3  }
0x295: {  	s17 =	sadd.s32 $0x800, s17;
	s3 =	sshll.u32 s3, $0x8;
	[tilespmem:s2+$0x10000] =	vst v6  }
0x296: {  	s4 =	sadd.s32 s3, s17;
	[tilespmem:s13+$0x10000] =	vst v5  }
0x297: {  	s15 =	sor.u32 $0x1800, s4;
	s14 =	sor.u32 $0x1810, s4;
	s2 =	sor.u32 $0x1880, s4;
	v0 =	vsel vm0, v7, v8;
	[tilespmem:s20+$0x10000] =	vst v4  }
0x298: {  	s7 =	sor.u32 $0x1820, s4;
	s16 =	sor.u32 $0x1830, s4;
	[tilespmem:s2+$0x10000] =	vst v0;
	v0 =	vsel vm1, v7, v8;
	s2 =	sor.u32 $0x1890, s4  }
0x299: {  	s9 =	sor.u32 $0x1840, s4;
	s8 =	sor.u32 $0x1850, s4;
	v11 =	vsel vm0, v9, v10;
	[tilespmem:s2+$0x10000] =	vst v0;
	v0 =	vsel vm2, v7, v8;
	s2 =	sor.u32 $0x18A0, s4  }
0x29a: {  	s25 =	sor.u32 $0x1860, s4;
	s3 =	sor.u32 $0x1870, s4;
	v12 =	vsel vm1, v9, v10;
	[tilespmem:s2+$0x10000] =	vst v0;
	v0 =	vsel vm3, v7, v8;
	s2 =	sor.u32 $0x18B0, s4  }
0x29b: {  	s26 =	sor.u32 $0x1C00, s4;
	s18 =	sor.u32 $0x1C10, s4;
	v13 =	vsel vm2, v9, v10;
	[tilespmem:s2+$0x10000] =	vst v0;
	v0 =	vsel vm4, v7, v8;
	s2 =	sor.u32 $0x18C0, s4  }
0x29c: {  	s21 =	sor.u32 $0x1C20, s4;
	s19 =	sor.u32 $0x1C30, s4;
	s13 =	sor.u32 $0x18D0, s4;
	v14 =	vsel vm3, v9, v10;
	[tilespmem:s2+$0x10000] =	vst v0;
	v0 =	vsel vm5, v7, v8  }
0x29d: {  	s11 =	sor.u32 $0x1C40, s4;
	s28 =	sor.u32 $0x18E0, s4;
	v15 =	vsel vm4, v9, v10;
	s2 =	sor.u32 $0x1C50, s4;
	[tilespmem:s13+$0x10000] =	vst v0;
	v0 =	vsel vm6, v7, v8  }
0x29e: {  	s20 =	sor.u32 $0x1C70, s4;
	v16 =	vsel vm5, v9, v10;
	s13 =	sor.u32 $0x1C60, s4;
	[tilespmem:s28+$0x10000] =	vst v0;
	v0 =	vsel vm7, v7, v8;
	s28 =	sor.u32 $0x18F0, s4  }
0x29f: {  	v17 =	vsel vm6, v9, v10;
	[tilespmem:s28+$0x10000] =	vst v0;
	v0 =	vsel vm8, v7, v8;
	s28 =	sor.u32 $0x1C80, s4  }
0x2a0: {  	v18 =	vsel vm7, v9, v10;
	[tilespmem:s28+$0x10000] =	vst v0;
	v0 =	vsel vm9, v7, v8;
	s28 =	sor.u32 $0x1C90, s4  }
0x2a1: {  	s6 =	sadd.s32 $0x2, s6;
	v1 =	vsel vm10, v7, v8;
	v19 =	vsel vm8, v9, v10;
	[tilespmem:s28+$0x10000] =	vst v0;
	s28 =	sor.u32 $0x1CA0, s4  }
0x2a2: {  	p1 =	slt.u32 s6, $0xE;
	v2 =	vsel vm11, v7, v8;
	v0 =	vsel vm9, v9, v10;
	[tilespmem:s28+$0x10000] =	vst v1;
	s28 =	sor.u32 $0x1CB0, s4  }
0x2a3: {  	v3 =	vsel vm12, v7, v8;
	v1 =	vsel vm10, v9, v10;
	[tilespmem:s28+$0x10000] =	vst v2;
	s28 =	sor.u32 $0x1CC0, s4  }
0x2a4: {  	v4 =	vsel vm13, v7, v8;
	v2 =	vsel vm11, v9, v10;
	[tilespmem:s28+$0x10000] =	vst v3;
	s28 =	sor.u32 $0x1CD0, s4  }
0x2a5: {  	v3 =	vsel vm12, v9, v10;
	[tilespmem:s28+$0x10000] =	vst v4;
	v4 =	vsel vm14, v7, v8;
	s28 =	sor.u32 $0x1CE0, s4  }
0x2a6: {  	v6 =	vsel vm13, v9, v10;
	v5 =	vsel vm14, v9, v10;
	v7 =	vsel vm15, v7, v8;
	s4 =	sor.u32 $0x1CF0, s4;
	[tilespmem:s28+$0x10000] =	vst v4  }
0x2a7: {  	v4 =	vsel vm15, v9, v10;
	[tilespmem:s4+$0x10000] =	vst v7  }
0x2a8: {  	[tilespmem:s15+$0x10000] =	vst v11  }
0x2a9: {  	[tilespmem:s14+$0x10000] =	vst v12  }
0x2aa: {  	[tilespmem:s7+$0x10000] =	vst v13  }
0x2ab: {  	[tilespmem:s16+$0x10000] =	vst v14  }
.Ltmp7:
0x2ac: {  	[tilespmem:s9+$0x10000] =	vst v15;
	(pc) =	sbr.rel @p1 .LBB2_17-.Ltmp7, $4  }
0x2ad: {  	[tilespmem:s8+$0x10000] =	vst v16  }
0x2ae: {  	[tilespmem:s25+$0x10000] =	vst v17  }
0x2af: {  	[tilespmem:s3+$0x10000] =	vst v18  }
0x2b0: {  	s10 =	sadd.s32 $0x100, s10;
	[tilespmem:s26+$0x10000] =	vst v19  }
0x2b1: {  	[tilespmem:s18+$0x10000] =	vst v0  }
0x2b2: {  	[tilespmem:s21+$0x10000] =	vst v1  }
0x2b3: {  	[tilespmem:s19+$0x10000] =	vst v2  }
0x2b4: {  	[tilespmem:s11+$0x10000] =	vst v3  }
0x2b5: {  	[tilespmem:s2+$0x10000] =	vst v6  }
0x2b6: {  	[tilespmem:s13+$0x10000] =	vst v5  }
0x2b7: {  	[tilespmem:s20+$0x10000] =	vst v4  }
0x2b8: {  	s2 =	rddreg [dreg:$0x7]  }
0x2b9: {  	s3 =	simm.s32 $0x0;
	s4 =	simm.s32 $0x10000;
	s2 =	sadd.s32 s12, s2  }
0x2ba: {  	[hbm4b:s2+s3] =	stream.linear.scatter [tilespmem:s4], [sflag:$0x2], $0x4000, $0x38;
	[tilespmem:$0x1C000] =	vst v63  }
0x2bb: {  	s2 =	simm.s32 @!p0 $0x3  }
0x2bc: {  	_ =	swait.ge @!p0 [sflag:s2], $0x4000  }
0x2bd: {  	[sflag:s2] =	ssyncset.done @!p0 $0x0  }
0x2be: {  	[sflag:s2] =	ssyncadd.s32 @!p0 $0xFFFFC000  }
0x2bf: {  	v0 =	vld [tilespmem:s24+$0x4000]  }
0x2c0: {  	v1 =	vld [tilespmem:s23+$0x10]  }
0x2c1: {  	v2 =	vld [tilespmem:s23+$0x20]  }
0x2c2: {  	v3 =	vld [tilespmem:s23+$0x30]  }
0x2c3: {  	v4 =	vld [tilespmem:s23+$0x40]  }
0x2c4: {  	v5 =	vld [tilespmem:s23+$0x50]  }
0x2c5: {  	v6 =	vld [tilespmem:s23+$0x60]  }
0x2c6: {  	v7 =	vld [tilespmem:s23+$0x70]  }
0x2c7: {  	v8 =	vld [tilespmem:s23+$0x400]  }
0x2c8: {  	v9 =	vld [tilespmem:s23+$0x410]  }
0x2c9: {  	v10 =	vld [tilespmem:s23+$0x420]  }
0x2ca: {  	s25 =	simm.s32 $0x3080;
	v12 =	vld [tilespmem:s23+$0x470]  }
0x2cb: {  	v13 =	vld [tilespmem:s25+$0xFFFFE000]  }
0x2cc: {  	v14 =	vld [tilespmem:s25+$0x0]  }
0x2cd: {  	v15 =	vld [tilespmem:s25+$0xFFFFDF80]  }
0x2ce: {  	v16 =	vld [tilespmem:s25+$0xFFFFFF80]  }
0x2cf: {  	s5 =	simm.s32 $0x0;
	v11 =	vld [tilespmem:s23+$0x430]  }
0x2d0: {  	s26 =	sand.u32 $0x2000, s5;
	s28 =	sand.u32 $0x300, s5;
	v17 =	vld [tilespmem:s23+$0x440];
	vm0 =	veq.s32 v12, $0x1  }
0x2d1: {  	s6 =	sor.u32 s28, s26;
	v18 =	vld [tilespmem:s23+$0x450];
	vm1 =	veq.s32 v0, $0x1;
	v0 =	vsel vm0, v13, v14  }
0x2d2: {  	v63 =	vld [tilespmem:s23+$0x460];
	vm2 =	veq.s32 v1, $0x1;
	v19 =	vsel vm1, v13, v14;
	[tilespmem:s6+$0x144F0] =	vst v0  }
0x2d3: {  	vm8 =	veq.s32 v7, $0x1;
	v1 =	vsel vm2, v15, v16;
	[tilespmem:s6+$0x14080] =	vst v19  }
0x2d4: {  	v7 =	vsel vm8, v13, v14;
	[tilespmem:s6+$0x14010] =	vst v1  }
0x2d5: {  	vm4 =	veq.s32 v3, $0x1;
	v0 =	vsel vm1, v15, v16;
	[tilespmem:s6+$0x140F0] =	vst v7  }
0x2d6: {  	vm3 =	veq.s32 v2, $0x1;
	v1 =	vsel vm4, v15, v16;
	[tilespmem:s6+$0x14000] =	vst v0  }
0x2d7: {  	vm6 =	veq.s32 v5, $0x1;
	v0 =	vsel vm3, v15, v16;
	[tilespmem:s6+$0x14030] =	vst v1  }
0x2d8: {  	vm5 =	veq.s32 v4, $0x1;
	v1 =	vsel vm6, v15, v16;
	[tilespmem:s6+$0x14020] =	vst v0  }
0x2d9: {  	v0 =	vsel vm5, v15, v16;
	[tilespmem:s6+$0x14050] =	vst v1  }
0x2da: {  	vm7 =	veq.s32 v6, $0x1;
	v1 =	vsel vm8, v15, v16;
	[tilespmem:s6+$0x14040] =	vst v0  }
0x2db: {  	vm10 =	veq.s32 v9, $0x1;
	v0 =	vsel vm7, v15, v16;
	[tilespmem:s6+$0x14070] =	vst v1  }
0x2dc: {  	vm9 =	veq.s32 v8, $0x1;
	v1 =	vsel vm10, v15, v16;
	[tilespmem:s6+$0x14060] =	vst v0  }
0x2dd: {  	vm12 =	veq.s32 v11, $0x1;
	v0 =	vsel vm9, v15, v16;
	[tilespmem:s6+$0x14410] =	vst v1  }
0x2de: {  	vm11 =	veq.s32 v10, $0x1;
	v1 =	vsel vm12, v15, v16;
	[tilespmem:s6+$0x14400] =	vst v0  }
0x2df: {  	vm14 =	veq.s32 v18, $0x1;
	v0 =	vsel vm11, v15, v16;
	[tilespmem:s6+$0x14430] =	vst v1  }
0x2e0: {  	vm13 =	veq.s32 v17, $0x1;
	v1 =	vsel vm14, v15, v16;
	[tilespmem:s6+$0x14420] =	vst v0  }
0x2e1: {  	v0 =	vsel vm13, v15, v16;
	[tilespmem:s6+$0x14450] =	vst v1  }
0x2e2: {  	vm15 =	veq.s32 v63, $0x1;
	v1 =	vsel vm0, v15, v16;
	[tilespmem:s6+$0x14440] =	vst v0  }
0x2e3: {  	v0 =	vsel vm15, v15, v16;
	[tilespmem:s6+$0x14470] =	vst v1  }
0x2e4: {  	v1 =	vsel vm3, v13, v14;
	[tilespmem:s6+$0x14460] =	vst v0  }
0x2e5: {  	v0 =	vsel vm2, v13, v14;
	[tilespmem:s6+$0x140A0] =	vst v1  }
0x2e6: {  	v1 =	vsel vm5, v13, v14;
	[tilespmem:s6+$0x14090] =	vst v0  }
0x2e7: {  	v0 =	vsel vm4, v13, v14;
	[tilespmem:s6+$0x140C0] =	vst v1  }
0x2e8: {  	v6 =	vsel vm9, v13, v14;
	v5 =	vsel vm10, v13, v14;
	v1 =	vsel vm7, v13, v14;
	[tilespmem:s6+$0x140B0] =	vst v0  }
0x2e9: {  	v4 =	vsel vm11, v13, v14;
	v2 =	vsel vm12, v13, v14;
	v0 =	vsel vm6, v13, v14;
	[tilespmem:s6+$0x140E0] =	vst v1  }
0x2ea: {  	s10 =	simm.s32 $0x0;
	s11 =	simm.s32 $0x0;
	s2 =	simm.s32 $0x3180;
	v3 =	vsel vm13, v13, v14;
	v1 =	vsel vm14, v13, v14;
	[tilespmem:s6+$0x140D0] =	vst v0;
	v0 =	vsel vm15, v13, v14  }
.LBB2_19:
0x2eb: {  	v7 =	vld [tilespmem:s2+$0xFFFFE000];
	[tilespmem:s6+$0x14480] =	vst v6  }
0x2ec: {  	s10 =	sadd.s32 $0x2, s10;
	v8 =	vld [tilespmem:s2+$0x0];
	[tilespmem:s6+$0x14490] =	vst v5  }
0x2ed: {  	p1 =	slt.u32 s10, $0xE;
	v5 =	vld [tilespmem:s2+$0xFFFFDF80];
	[tilespmem:s6+$0x144A0] =	vst v4  }
0x2ee: {  	v4 =	vld [tilespmem:s2+$0xFFFFFF80];
	[tilespmem:s6+$0x144B0] =	vst v2  }
0x2ef: {  	s5 =	sadd.s32 $0x100, s5;
	s11 =	sadd.s32 $0x800, s11;
	[tilespmem:s6+$0x144C0] =	vst v3  }
0x2f0: {  	s3 =	sand.u32 $0x2000, s11;
	s4 =	sand.u32 $0x300, s5;
	[tilespmem:s6+$0x144D0] =	vst v1  }
0x2f1: {  	v1 =	vsel vm1, v7, v8;
	v9 =	vsel vm2, v7, v8;
	v2 =	vsel vm0, v7, v8;
	[tilespmem:s6+$0x144E0] =	vst v0;
	s6 =	sor.u32 s4, s3  }
0x2f2: {  	v10 =	vsel vm3, v7, v8;
	v11 =	vsel vm4, v7, v8;
	v12 =	vsel vm5, v7, v8;
	[tilespmem:s6+$0x144F0] =	vst v2  }
0x2f3: {  	v0 =	vsel vm1, v5, v4;
	v2 =	vsel vm2, v5, v4;
	v3 =	vsel vm3, v5, v4;
	[tilespmem:s6+$0x14080] =	vst v1  }
0x2f4: {  	v1 =	vsel vm5, v5, v4;
	v6 =	vsel vm6, v5, v4;
	[tilespmem:s6+$0x14000] =	vst v0;
	v0 =	vsel vm4, v5, v4  }
0x2f5: {  	v13 =	vsel vm8, v5, v4;
	v14 =	vsel vm9, v5, v4;
	[tilespmem:s6+$0x14010] =	vst v2;
	v2 =	vsel vm7, v5, v4  }
0x2f6: {  	v15 =	vsel vm10, v5, v4;
	v16 =	vsel vm11, v5, v4;
	v17 =	vsel vm12, v5, v4;
	[tilespmem:s6+$0x14020] =	vst v3  }
0x2f7: {  	v18 =	vsel vm13, v5, v4;
	v19 =	vsel vm14, v5, v4;
	v20 =	vsel vm15, v5, v4;
	[tilespmem:s6+$0x14030] =	vst v0  }
0x2f8: {  	v22 =	vsel vm6, v7, v8;
	v23 =	vsel vm7, v7, v8;
	v21 =	vsel vm0, v5, v4;
	[tilespmem:s6+$0x14040] =	vst v1  }
0x2f9: {  	v24 =	vsel vm8, v7, v8;
	v5 =	vsel vm10, v7, v8;
	[tilespmem:s6+$0x14050] =	vst v6;
	v6 =	vsel vm9, v7, v8  }
0x2fa: {  	v4 =	vsel vm11, v7, v8;
	v3 =	vsel vm13, v7, v8;
	[tilespmem:s6+$0x14060] =	vst v2;
	v2 =	vsel vm12, v7, v8  }
0x2fb: {  	v0 =	vsel vm15, v7, v8;
	v1 =	vsel vm14, v7, v8;
	[tilespmem:s6+$0x14070] =	vst v13  }
0x2fc: {  	[tilespmem:s6+$0x14400] =	vst v14  }
0x2fd: {  	[tilespmem:s6+$0x14410] =	vst v15  }
0x2fe: {  	[tilespmem:s6+$0x14420] =	vst v16  }
0x2ff: {  	[tilespmem:s6+$0x14430] =	vst v17  }
0x300: {  	[tilespmem:s6+$0x14440] =	vst v18  }
0x301: {  	[tilespmem:s6+$0x14450] =	vst v19  }
0x302: {  	[tilespmem:s6+$0x14460] =	vst v20  }
0x303: {  	[tilespmem:s6+$0x14470] =	vst v21  }
0x304: {  	[tilespmem:s6+$0x14090] =	vst v9  }
0x305: {  	[tilespmem:s6+$0x140A0] =	vst v10  }
.Ltmp8:
0x306: {  	[tilespmem:s6+$0x140B0] =	vst v11;
	(pc) =	sbr.rel @p1 .LBB2_19-.Ltmp8, $4  }
0x307: {  	[tilespmem:s6+$0x140C0] =	vst v12  }
0x308: {  	[tilespmem:s6+$0x140D0] =	vst v22  }
0x309: {  	[tilespmem:s6+$0x140E0] =	vst v23  }
0x30a: {  	s2 =	sadd.s32 $0x100, s2;
	[tilespmem:s6+$0x140F0] =	vst v24  }
0x30b: {  	[tilespmem:s6+$0x14480] =	vst v6  }
0x30c: {  	[tilespmem:s6+$0x14490] =	vst v5  }
0x30d: {  	[tilespmem:s6+$0x144A0] =	vst v4  }
0x30e: {  	[tilespmem:s6+$0x144B0] =	vst v2  }
0x30f: {  	[tilespmem:s6+$0x144C0] =	vst v3  }
0x310: {  	[tilespmem:s6+$0x144D0] =	vst v1  }
0x311: {  	[tilespmem:s6+$0x144E0] =	vst v0  }
0x312: {  	v0 =	vld [tilespmem:s23+$0x800]  }
0x313: {  	v1 =	vld [tilespmem:s23+$0x810]  }
0x314: {  	v2 =	vld [tilespmem:s23+$0x820]  }
0x315: {  	v3 =	vld [tilespmem:s23+$0x830]  }
0x316: {  	v4 =	vld [tilespmem:s23+$0x840]  }
0x317: {  	v5 =	vld [tilespmem:s23+$0x850]  }
0x318: {  	v6 =	vld [tilespmem:s23+$0x860]  }
0x319: {  	v7 =	vld [tilespmem:s23+$0x870]  }
0x31a: {  	v8 =	vld [tilespmem:s23+$0xC00]  }
0x31b: {  	v9 =	vld [tilespmem:s23+$0xC10]  }
0x31c: {  	v10 =	vld [tilespmem:s23+$0xC20]  }
0x31d: {  	s2 =	simm.s32 $0x3080;
	v12 =	vld [tilespmem:s23+$0xC70]  }
0x31e: {  	v13 =	vld [tilespmem:s2+$0xFFFFE000]  }
0x31f: {  	v14 =	vld [tilespmem:s2+$0x0]  }
0x320: {  	v15 =	vld [tilespmem:s2+$0xFFFFDF80]  }
0x321: {  	v16 =	vld [tilespmem:s2+$0xFFFFFF80]  }
0x322: {  	s5 =	simm.s32 $0x0;
	v11 =	vld [tilespmem:s23+$0xC30]  }
0x323: {  	v17 =	vld [tilespmem:s23+$0xC40];
	s28 =	sand.u32 $0x2000, s5;
	s3 =	sand.u32 $0x300, s5;
	vm0 =	veq.s32 v12, $0x1  }
0x324: {  	v18 =	vld [tilespmem:s23+$0xC50];
	s6 =	sor.u32 s3, s28;
	vm1 =	veq.s32 v0, $0x1;
	v0 =	vsel vm0, v13, v14  }
0x325: {  	v63 =	vld [tilespmem:s23+$0xC60];
	vm2 =	veq.s32 v1, $0x1;
	v19 =	vsel vm1, v13, v14;
	[tilespmem:s6+$0x14CF0] =	vst v0  }
0x326: {  	vm8 =	veq.s32 v7, $0x1;
	v1 =	vsel vm2, v15, v16;
	[tilespmem:s6+$0x14880] =	vst v19  }
0x327: {  	v7 =	vsel vm8, v13, v14;
	[tilespmem:s6+$0x14810] =	vst v1  }
0x328: {  	vm4 =	veq.s32 v3, $0x1;
	v0 =	vsel vm1, v15, v16;
	[tilespmem:s6+$0x148F0] =	vst v7  }
0x329: {  	vm3 =	veq.s32 v2, $0x1;
	v1 =	vsel vm4, v15, v16;
	[tilespmem:s6+$0x14800] =	vst v0  }
0x32a: {  	vm6 =	veq.s32 v5, $0x1;
	v0 =	vsel vm3, v15, v16;
	[tilespmem:s6+$0x14830] =	vst v1  }
0x32b: {  	vm5 =	veq.s32 v4, $0x1;
	v1 =	vsel vm6, v15, v16;
	[tilespmem:s6+$0x14820] =	vst v0  }
0x32c: {  	v0 =	vsel vm5, v15, v16;
	[tilespmem:s6+$0x14850] =	vst v1  }
0x32d: {  	vm7 =	veq.s32 v6, $0x1;
	v1 =	vsel vm8, v15, v16;
	[tilespmem:s6+$0x14840] =	vst v0  }
0x32e: {  	vm10 =	veq.s32 v9, $0x1;
	v0 =	vsel vm7, v15, v16;
	[tilespmem:s6+$0x14870] =	vst v1  }
0x32f: {  	vm9 =	veq.s32 v8, $0x1;
	v1 =	vsel vm10, v15, v16;
	[tilespmem:s6+$0x14860] =	vst v0  }
0x330: {  	vm12 =	veq.s32 v11, $0x1;
	v0 =	vsel vm9, v15, v16;
	[tilespmem:s6+$0x14C10] =	vst v1  }
0x331: {  	vm11 =	veq.s32 v10, $0x1;
	v1 =	vsel vm12, v15, v16;
	[tilespmem:s6+$0x14C00] =	vst v0  }
0x332: {  	vm14 =	veq.s32 v18, $0x1;
	v0 =	vsel vm11, v15, v16;
	[tilespmem:s6+$0x14C30] =	vst v1  }
0x333: {  	vm13 =	veq.s32 v17, $0x1;
	v1 =	vsel vm14, v15, v16;
	[tilespmem:s6+$0x14C20] =	vst v0  }
0x334: {  	v0 =	vsel vm13, v15, v16;
	[tilespmem:s6+$0x14C50] =	vst v1  }
0x335: {  	vm15 =	veq.s32 v63, $0x1;
	v1 =	vsel vm0, v15, v16;
	[tilespmem:s6+$0x14C40] =	vst v0  }
0x336: {  	v0 =	vsel vm15, v15, v16;
	[tilespmem:s6+$0x14C70] =	vst v1  }
0x337: {  	v1 =	vsel vm3, v13, v14;
	[tilespmem:s6+$0x14C60] =	vst v0  }
0x338: {  	v0 =	vsel vm2, v13, v14;
	[tilespmem:s6+$0x148A0] =	vst v1  }
0x339: {  	v1 =	vsel vm5, v13, v14;
	[tilespmem:s6+$0x14890] =	vst v0  }
0x33a: {  	v0 =	vsel vm4, v13, v14;
	[tilespmem:s6+$0x148C0] =	vst v1  }
0x33b: {  	v6 =	vsel vm9, v13, v14;
	v5 =	vsel vm10, v13, v14;
	v1 =	vsel vm7, v13, v14;
	[tilespmem:s6+$0x148B0] =	vst v0  }
0x33c: {  	v4 =	vsel vm11, v13, v14;
	v2 =	vsel vm12, v13, v14;
	v0 =	vsel vm6, v13, v14;
	[tilespmem:s6+$0x148E0] =	vst v1  }
0x33d: {  	s10 =	simm.s32 $0x0;
	s11 =	simm.s32 $0x0;
	s2 =	simm.s32 $0x3180;
	v3 =	vsel vm13, v13, v14;
	v1 =	vsel vm14, v13, v14;
	[tilespmem:s6+$0x148D0] =	vst v0;
	v0 =	vsel vm15, v13, v14  }
.LBB2_21:
0x33e: {  	v7 =	vld [tilespmem:s2+$0xFFFFE000];
	[tilespmem:s6+$0x14C80] =	vst v6  }
0x33f: {  	s10 =	sadd.s32 $0x2, s10;
	v8 =	vld [tilespmem:s2+$0x0];
	[tilespmem:s6+$0x14C90] =	vst v5  }
0x340: {  	p1 =	slt.u32 s10, $0xE;
	v5 =	vld [tilespmem:s2+$0xFFFFDF80];
	[tilespmem:s6+$0x14CA0] =	vst v4  }
0x341: {  	v4 =	vld [tilespmem:s2+$0xFFFFFF80];
	[tilespmem:s6+$0x14CB0] =	vst v2  }
0x342: {  	s5 =	sadd.s32 $0x100, s5;
	s11 =	sadd.s32 $0x800, s11;
	[tilespmem:s6+$0x14CC0] =	vst v3  }
0x343: {  	s3 =	sand.u32 $0x2000, s11;
	s4 =	sand.u32 $0x300, s5;
	[tilespmem:s6+$0x14CD0] =	vst v1  }
0x344: {  	v1 =	vsel vm1, v7, v8;
	v9 =	vsel vm2, v7, v8;
	v2 =	vsel vm0, v7, v8;
	[tilespmem:s6+$0x14CE0] =	vst v0;
	s6 =	sor.u32 s4, s3  }
0x345: {  	v10 =	vsel vm3, v7, v8;
	v11 =	vsel vm4, v7, v8;
	v12 =	vsel vm5, v7, v8;
	[tilespmem:s6+$0x14CF0] =	vst v2  }
0x346: {  	v0 =	vsel vm1, v5, v4;
	v2 =	vsel vm2, v5, v4;
	v3 =	vsel vm3, v5, v4;
	[tilespmem:s6+$0x14880] =	vst v1  }
0x347: {  	v1 =	vsel vm5, v5, v4;
	v6 =	vsel vm6, v5, v4;
	[tilespmem:s6+$0x14800] =	vst v0;
	v0 =	vsel vm4, v5, v4  }
0x348: {  	v13 =	vsel vm8, v5, v4;
	v14 =	vsel vm9, v5, v4;
	[tilespmem:s6+$0x14810] =	vst v2;
	v2 =	vsel vm7, v5, v4  }
0x349: {  	v15 =	vsel vm10, v5, v4;
	v16 =	vsel vm11, v5, v4;
	v17 =	vsel vm12, v5, v4;
	[tilespmem:s6+$0x14820] =	vst v3  }
0x34a: {  	v18 =	vsel vm13, v5, v4;
	v19 =	vsel vm14, v5, v4;
	v20 =	vsel vm15, v5, v4;
	[tilespmem:s6+$0x14830] =	vst v0  }
0x34b: {  	v22 =	vsel vm6, v7, v8;
	v23 =	vsel vm7, v7, v8;
	v21 =	vsel vm0, v5, v4;
	[tilespmem:s6+$0x14840] =	vst v1  }
0x34c: {  	v24 =	vsel vm8, v7, v8;
	v5 =	vsel vm10, v7, v8;
	[tilespmem:s6+$0x14850] =	vst v6;
	v6 =	vsel vm9, v7, v8  }
0x34d: {  	v4 =	vsel vm11, v7, v8;
	v3 =	vsel vm13, v7, v8;
	[tilespmem:s6+$0x14860] =	vst v2;
	v2 =	vsel vm12, v7, v8  }
0x34e: {  	v0 =	vsel vm15, v7, v8;
	v1 =	vsel vm14, v7, v8;
	[tilespmem:s6+$0x14870] =	vst v13  }
0x34f: {  	[tilespmem:s6+$0x14C00] =	vst v14  }
0x350: {  	[tilespmem:s6+$0x14C10] =	vst v15  }
0x351: {  	[tilespmem:s6+$0x14C20] =	vst v16  }
0x352: {  	[tilespmem:s6+$0x14C30] =	vst v17  }
0x353: {  	[tilespmem:s6+$0x14C40] =	vst v18  }
0x354: {  	[tilespmem:s6+$0x14C50] =	vst v19  }
0x355: {  	[tilespmem:s6+$0x14C60] =	vst v20  }
0x356: {  	[tilespmem:s6+$0x14C70] =	vst v21  }
0x357: {  	[tilespmem:s6+$0x14890] =	vst v9  }
0x358: {  	[tilespmem:s6+$0x148A0] =	vst v10  }
.Ltmp9:
0x359: {  	[tilespmem:s6+$0x148B0] =	vst v11;
	(pc) =	sbr.rel @p1 .LBB2_21-.Ltmp9, $4  }
0x35a: {  	[tilespmem:s6+$0x148C0] =	vst v12  }
0x35b: {  	[tilespmem:s6+$0x148D0] =	vst v22  }
0x35c: {  	[tilespmem:s6+$0x148E0] =	vst v23  }
0x35d: {  	s2 =	sadd.s32 $0x100, s2;
	[tilespmem:s6+$0x148F0] =	vst v24  }
0x35e: {  	[tilespmem:s6+$0x14C80] =	vst v6  }
0x35f: {  	[tilespmem:s6+$0x14C90] =	vst v5  }
0x360: {  	[tilespmem:s6+$0x14CA0] =	vst v4  }
0x361: {  	[tilespmem:s6+$0x14CB0] =	vst v2  }
0x362: {  	[tilespmem:s6+$0x14CC0] =	vst v3  }
0x363: {  	[tilespmem:s6+$0x14CD0] =	vst v1  }
0x364: {  	[tilespmem:s6+$0x14CE0] =	vst v0  }
0x365: {  	v0 =	vld [tilespmem:s23+$0x1000]  }
0x366: {  	v1 =	vld [tilespmem:s23+$0x1010]  }
0x367: {  	v2 =	vld [tilespmem:s23+$0x1020]  }
0x368: {  	v3 =	vld [tilespmem:s23+$0x1030]  }
0x369: {  	v4 =	vld [tilespmem:s23+$0x1040]  }
0x36a: {  	v5 =	vld [tilespmem:s23+$0x1050]  }
0x36b: {  	v6 =	vld [tilespmem:s23+$0x1060]  }
0x36c: {  	v7 =	vld [tilespmem:s23+$0x1070]  }
0x36d: {  	v8 =	vld [tilespmem:s23+$0x1400]  }
0x36e: {  	v9 =	vld [tilespmem:s23+$0x1410]  }
0x36f: {  	v10 =	vld [tilespmem:s23+$0x1420]  }
0x370: {  	s2 =	simm.s32 $0x3080;
	v12 =	vld [tilespmem:s23+$0x1470]  }
0x371: {  	v13 =	vld [tilespmem:s2+$0xFFFFE000]  }
0x372: {  	v14 =	vld [tilespmem:s2+$0x0]  }
0x373: {  	v15 =	vld [tilespmem:s2+$0xFFFFDF80]  }
0x374: {  	v16 =	vld [tilespmem:s2+$0xFFFFFF80]  }
0x375: {  	s5 =	simm.s32 $0x0;
	v11 =	vld [tilespmem:s23+$0x1430]  }
0x376: {  	v17 =	vld [tilespmem:s23+$0x1440];
	s28 =	sand.u32 $0x2000, s5;
	s3 =	sand.u32 $0x300, s5;
	vm0 =	veq.s32 v12, $0x1  }
0x377: {  	v18 =	vld [tilespmem:s23+$0x1450];
	s6 =	sor.u32 s3, s28;
	vm1 =	veq.s32 v0, $0x1;
	v0 =	vsel vm0, v13, v14  }
0x378: {  	v63 =	vld [tilespmem:s23+$0x1460];
	vm2 =	veq.s32 v1, $0x1;
	v19 =	vsel vm1, v13, v14;
	[tilespmem:s6+$0x154F0] =	vst v0  }
0x379: {  	vm8 =	veq.s32 v7, $0x1;
	v1 =	vsel vm2, v15, v16;
	[tilespmem:s6+$0x15080] =	vst v19  }
0x37a: {  	v7 =	vsel vm8, v13, v14;
	[tilespmem:s6+$0x15010] =	vst v1  }
0x37b: {  	vm4 =	veq.s32 v3, $0x1;
	v0 =	vsel vm1, v15, v16;
	[tilespmem:s6+$0x150F0] =	vst v7  }
0x37c: {  	vm3 =	veq.s32 v2, $0x1;
	v1 =	vsel vm4, v15, v16;
	[tilespmem:s6+$0x15000] =	vst v0  }
0x37d: {  	vm6 =	veq.s32 v5, $0x1;
	v0 =	vsel vm3, v15, v16;
	[tilespmem:s6+$0x15030] =	vst v1  }
0x37e: {  	vm5 =	veq.s32 v4, $0x1;
	v1 =	vsel vm6, v15, v16;
	[tilespmem:s6+$0x15020] =	vst v0  }
0x37f: {  	v0 =	vsel vm5, v15, v16;
	[tilespmem:s6+$0x15050] =	vst v1  }
0x380: {  	vm7 =	veq.s32 v6, $0x1;
	v1 =	vsel vm8, v15, v16;
	[tilespmem:s6+$0x15040] =	vst v0  }
0x381: {  	vm10 =	veq.s32 v9, $0x1;
	v0 =	vsel vm7, v15, v16;
	[tilespmem:s6+$0x15070] =	vst v1  }
0x382: {  	vm9 =	veq.s32 v8, $0x1;
	v1 =	vsel vm10, v15, v16;
	[tilespmem:s6+$0x15060] =	vst v0  }
0x383: {  	vm12 =	veq.s32 v11, $0x1;
	v0 =	vsel vm9, v15, v16;
	[tilespmem:s6+$0x15410] =	vst v1  }
0x384: {  	vm11 =	veq.s32 v10, $0x1;
	v1 =	vsel vm12, v15, v16;
	[tilespmem:s6+$0x15400] =	vst v0  }
0x385: {  	vm14 =	veq.s32 v18, $0x1;
	v0 =	vsel vm11, v15, v16;
	[tilespmem:s6+$0x15430] =	vst v1  }
0x386: {  	vm13 =	veq.s32 v17, $0x1;
	v1 =	vsel vm14, v15, v16;
	[tilespmem:s6+$0x15420] =	vst v0  }
0x387: {  	v0 =	vsel vm13, v15, v16;
	[tilespmem:s6+$0x15450] =	vst v1  }
0x388: {  	vm15 =	veq.s32 v63, $0x1;
	v1 =	vsel vm0, v15, v16;
	[tilespmem:s6+$0x15440] =	vst v0  }
0x389: {  	v0 =	vsel vm15, v15, v16;
	[tilespmem:s6+$0x15470] =	vst v1  }
0x38a: {  	v1 =	vsel vm3, v13, v14;
	[tilespmem:s6+$0x15460] =	vst v0  }
0x38b: {  	v0 =	vsel vm2, v13, v14;
	[tilespmem:s6+$0x150A0] =	vst v1  }
0x38c: {  	v1 =	vsel vm5, v13, v14;
	[tilespmem:s6+$0x15090] =	vst v0  }
0x38d: {  	v0 =	vsel vm4, v13, v14;
	[tilespmem:s6+$0x150C0] =	vst v1  }
0x38e: {  	v6 =	vsel vm9, v13, v14;
	v5 =	vsel vm10, v13, v14;
	v1 =	vsel vm7, v13, v14;
	[tilespmem:s6+$0x150B0] =	vst v0  }
0x38f: {  	v4 =	vsel vm11, v13, v14;
	v2 =	vsel vm12, v13, v14;
	v0 =	vsel vm6, v13, v14;
	[tilespmem:s6+$0x150E0] =	vst v1  }
0x390: {  	s10 =	simm.s32 $0x0;
	s11 =	simm.s32 $0x0;
	s2 =	simm.s32 $0x3180;
	v3 =	vsel vm13, v13, v14;
	v1 =	vsel vm14, v13, v14;
	[tilespmem:s6+$0x150D0] =	vst v0;
	v0 =	vsel vm15, v13, v14  }
.LBB2_23:
0x391: {  	v7 =	vld [tilespmem:s2+$0xFFFFE000];
	[tilespmem:s6+$0x15480] =	vst v6  }
0x392: {  	s10 =	sadd.s32 $0x2, s10;
	v8 =	vld [tilespmem:s2+$0x0];
	[tilespmem:s6+$0x15490] =	vst v5  }
0x393: {  	p1 =	slt.u32 s10, $0xE;
	v5 =	vld [tilespmem:s2+$0xFFFFDF80];
	[tilespmem:s6+$0x154A0] =	vst v4  }
0x394: {  	v4 =	vld [tilespmem:s2+$0xFFFFFF80];
	[tilespmem:s6+$0x154B0] =	vst v2  }
0x395: {  	s5 =	sadd.s32 $0x100, s5;
	s11 =	sadd.s32 $0x800, s11;
	[tilespmem:s6+$0x154C0] =	vst v3  }
0x396: {  	s3 =	sand.u32 $0x2000, s11;
	s4 =	sand.u32 $0x300, s5;
	[tilespmem:s6+$0x154D0] =	vst v1  }
0x397: {  	v1 =	vsel vm1, v7, v8;
	v9 =	vsel vm2, v7, v8;
	v2 =	vsel vm0, v7, v8;
	[tilespmem:s6+$0x154E0] =	vst v0;
	s6 =	sor.u32 s4, s3  }
0x398: {  	v10 =	vsel vm3, v7, v8;
	v11 =	vsel vm4, v7, v8;
	v12 =	vsel vm5, v7, v8;
	[tilespmem:s6+$0x154F0] =	vst v2  }
0x399: {  	v0 =	vsel vm1, v5, v4;
	v2 =	vsel vm2, v5, v4;
	v3 =	vsel vm3, v5, v4;
	[tilespmem:s6+$0x15080] =	vst v1  }
0x39a: {  	v1 =	vsel vm5, v5, v4;
	v6 =	vsel vm6, v5, v4;
	[tilespmem:s6+$0x15000] =	vst v0;
	v0 =	vsel vm4, v5, v4  }
0x39b: {  	v13 =	vsel vm8, v5, v4;
	v14 =	vsel vm9, v5, v4;
	[tilespmem:s6+$0x15010] =	vst v2;
	v2 =	vsel vm7, v5, v4  }
0x39c: {  	v15 =	vsel vm10, v5, v4;
	v16 =	vsel vm11, v5, v4;
	v17 =	vsel vm12, v5, v4;
	[tilespmem:s6+$0x15020] =	vst v3  }
0x39d: {  	v18 =	vsel vm13, v5, v4;
	v19 =	vsel vm14, v5, v4;
	v20 =	vsel vm15, v5, v4;
	[tilespmem:s6+$0x15030] =	vst v0  }
0x39e: {  	v22 =	vsel vm6, v7, v8;
	v23 =	vsel vm7, v7, v8;
	v21 =	vsel vm0, v5, v4;
	[tilespmem:s6+$0x15040] =	vst v1  }
0x39f: {  	v24 =	vsel vm8, v7, v8;
	v5 =	vsel vm10, v7, v8;
	[tilespmem:s6+$0x15050] =	vst v6;
	v6 =	vsel vm9, v7, v8  }
0x3a0: {  	v4 =	vsel vm11, v7, v8;
	v3 =	vsel vm13, v7, v8;
	[tilespmem:s6+$0x15060] =	vst v2;
	v2 =	vsel vm12, v7, v8  }
0x3a1: {  	v0 =	vsel vm15, v7, v8;
	v1 =	vsel vm14, v7, v8;
	[tilespmem:s6+$0x15070] =	vst v13  }
0x3a2: {  	[tilespmem:s6+$0x15400] =	vst v14  }
0x3a3: {  	[tilespmem:s6+$0x15410] =	vst v15  }
0x3a4: {  	[tilespmem:s6+$0x15420] =	vst v16  }
0x3a5: {  	[tilespmem:s6+$0x15430] =	vst v17  }
0x3a6: {  	[tilespmem:s6+$0x15440] =	vst v18  }
0x3a7: {  	[tilespmem:s6+$0x15450] =	vst v19  }
0x3a8: {  	[tilespmem:s6+$0x15460] =	vst v20  }
0x3a9: {  	[tilespmem:s6+$0x15470] =	vst v21  }
0x3aa: {  	[tilespmem:s6+$0x15090] =	vst v9  }
0x3ab: {  	[tilespmem:s6+$0x150A0] =	vst v10  }
.Ltmp10:
0x3ac: {  	[tilespmem:s6+$0x150B0] =	vst v11;
	(pc) =	sbr.rel @p1 .LBB2_23-.Ltmp10, $4  }
0x3ad: {  	[tilespmem:s6+$0x150C0] =	vst v12  }
0x3ae: {  	[tilespmem:s6+$0x150D0] =	vst v22  }
0x3af: {  	[tilespmem:s6+$0x150E0] =	vst v23  }
0x3b0: {  	s2 =	sadd.s32 $0x100, s2;
	[tilespmem:s6+$0x150F0] =	vst v24  }
0x3b1: {  	[tilespmem:s6+$0x15480] =	vst v6  }
0x3b2: {  	[tilespmem:s6+$0x15490] =	vst v5  }
0x3b3: {  	[tilespmem:s6+$0x154A0] =	vst v4  }
0x3b4: {  	[tilespmem:s6+$0x154B0] =	vst v2  }
0x3b5: {  	[tilespmem:s6+$0x154C0] =	vst v3  }
0x3b6: {  	[tilespmem:s6+$0x154D0] =	vst v1  }
0x3b7: {  	[tilespmem:s6+$0x154E0] =	vst v0  }
0x3b8: {  	v0 =	vld [tilespmem:s23+$0x1800]  }
0x3b9: {  	v1 =	vld [tilespmem:s23+$0x1810]  }
0x3ba: {  	v2 =	vld [tilespmem:s23+$0x1820]  }
0x3bb: {  	v3 =	vld [tilespmem:s23+$0x1830]  }
0x3bc: {  	v4 =	vld [tilespmem:s23+$0x1840]  }
0x3bd: {  	v5 =	vld [tilespmem:s23+$0x1850]  }
0x3be: {  	v6 =	vld [tilespmem:s23+$0x1860]  }
0x3bf: {  	s20 =	simm.s32 $0x3080;
	v7 =	vld [tilespmem:s23+$0x1870]  }
0x3c0: {  	v11 =	vld [tilespmem:s20+$0xFFFFE000]  }
0x3c1: {  	v12 =	vld [tilespmem:s20+$0x0]  }
0x3c2: {  	v13 =	vld [tilespmem:s29+$0x4000]  }
0x3c3: {  	v14 =	vld [tilespmem:s30+$0x4000]  }
0x3c4: {  	s5 =	simm.s32 $0x0;
	v15 =	vld [tilespmem:s31+$0x4000]  }
0x3c5: {  	s2 =	rddreg [dreg:$0xc];
	s3 =	sand.u32 $0x3, s5;
	v16 =	vld [tilespmem:s0+$0x4000]  }
0x3c6: {  	s18 =	rddreg [dreg:$0xd];
	v8 =	vld [tilespmem:s2+$0x4000];
	s3 =	sshll.u32 s3, $0x8  }
0x3c7: {  	s19 =	rddreg [dreg:$0xe];
	v9 =	vld [tilespmem:s18+$0x4000];
	s6 =	sadd.s32 $0x0, s3;
	vm0 =	veq.s32 v0, $0x1  }
0x3c8: {  	v10 =	vld [tilespmem:s19+$0x4000];
	s3 =	sor.u32 $0x1880, s6;
	vm1 =	veq.s32 v1, $0x1;
	v1 =	vsel vm0, v11, v12  }
0x3c9: {  	s21 =	sor.u32 $0x1890, s6;
	v0 =	vld [tilespmem:s1+$0x4000];
	vm2 =	veq.s32 v2, $0x1;
	[tilespmem:s3+$0x14000] =	vst v1;
	v1 =	vsel vm1, v11, v12  }
0x3ca: {  	s25 =	sor.u32 $0x18A0, s6;
	vm3 =	veq.s32 v3, $0x1;
	[tilespmem:s21+$0x14000] =	vst v1;
	v1 =	vsel vm2, v11, v12  }
0x3cb: {  	s26 =	sor.u32 $0x18B0, s6;
	vm4 =	veq.s32 v4, $0x1;
	[tilespmem:s25+$0x14000] =	vst v1;
	v1 =	vsel vm3, v11, v12  }
0x3cc: {  	s28 =	sor.u32 $0x18C0, s6;
	vm5 =	veq.s32 v5, $0x1;
	[tilespmem:s26+$0x14000] =	vst v1;
	v1 =	vsel vm4, v11, v12  }
0x3cd: {  	s4 =	sor.u32 $0x18D0, s6;
	vm6 =	veq.s32 v6, $0x1;
	[tilespmem:s28+$0x14000] =	vst v1;
	v1 =	vsel vm5, v11, v12  }
0x3ce: {  	s7 =	sor.u32 $0x18E0, s6;
	vm7 =	veq.s32 v7, $0x1;
	[tilespmem:s4+$0x14000] =	vst v1;
	v1 =	vsel vm6, v11, v12  }
0x3cf: {  	s8 =	sor.u32 $0x18F0, s6;
	vm8 =	veq.s32 v8, $0x1;
	[tilespmem:s7+$0x14000] =	vst v1;
	v1 =	vsel vm7, v11, v12  }
0x3d0: {  	s9 =	sor.u32 $0x1C80, s6;
	vm9 =	veq.s32 v9, $0x1;
	[tilespmem:s8+$0x14000] =	vst v1;
	v1 =	vsel vm8, v11, v12  }
0x3d1: {  	s10 =	sor.u32 $0x1C90, s6;
	v4 =	vld [tilespmem:s20+$0xFFFFDF80];
	vm10 =	veq.s32 v10, $0x1;
	[tilespmem:s9+$0x14000] =	vst v1;
	v1 =	vsel vm9, v11, v12  }
0x3d2: {  	s11 =	sor.u32 $0x1CA0, s6;
	vm11 =	veq.s32 v13, $0x1;
	v7 =	vld [tilespmem:s20+$0xFFFFFF80];
	[tilespmem:s10+$0x14000] =	vst v1;
	v1 =	vsel vm10, v11, v12  }
0x3d3: {  	s13 =	sor.u32 $0x1CB0, s6;
	vm12 =	veq.s32 v14, $0x1;
	[tilespmem:s11+$0x14000] =	vst v1;
	v1 =	vsel vm11, v11, v12  }
0x3d4: {  	s14 =	sor.u32 $0x1CC0, s6;
	vm13 =	veq.s32 v15, $0x1;
	[tilespmem:s13+$0x14000] =	vst v1;
	v1 =	vsel vm12, v11, v12  }
0x3d5: {  	s15 =	sor.u32 $0x1CD0, s6;
	vm14 =	veq.s32 v16, $0x1;
	[tilespmem:s14+$0x14000] =	vst v1;
	v1 =	vsel vm13, v11, v12  }
0x3d6: {  	s16 =	sor.u32 $0x1CE0, s6;
	vm15 =	veq.s32 v0, $0x1;
	v0 =	vsel vm14, v11, v12;
	[tilespmem:s15+$0x14000] =	vst v1  }
0x3d7: {  	s18 =	sor.u32 $0x1800, s6;
	v1 =	vsel vm0, v4, v7;
	[tilespmem:s16+$0x14000] =	vst v0  }
0x3d8: {  	s17 =	sor.u32 $0x1CF0, s6;
	v0 =	vsel vm15, v11, v12;
	[tilespmem:s18+$0x14000] =	vst v1  }
0x3d9: {  	s19 =	sor.u32 $0x1810, s6;
	[tilespmem:s17+$0x14000] =	vst v0;
	v0 =	vsel vm1, v4, v7  }
0x3da: {  	s20 =	sor.u32 $0x1820, s6;
	v1 =	vsel vm2, v4, v7;
	[tilespmem:s19+$0x14000] =	vst v0  }
0x3db: {  	s21 =	sor.u32 $0x1830, s6;
	v0 =	vsel vm3, v4, v7;
	[tilespmem:s20+$0x14000] =	vst v1  }
0x3dc: {  	s25 =	sor.u32 $0x1840, s6;
	v1 =	vsel vm4, v4, v7;
	[tilespmem:s21+$0x14000] =	vst v0  }
0x3dd: {  	s2 =	sor.u32 $0x1C50, s6;
	s26 =	sor.u32 $0x1850, s6;
	v0 =	vsel vm5, v4, v7;
	[tilespmem:s25+$0x14000] =	vst v1  }
0x3de: {  	s28 =	sor.u32 $0x1870, s6;
	s4 =	sor.u32 $0x1860, s6;
	s7 =	sor.u32 $0x1C00, s6;
	v1 =	vsel vm6, v4, v7;
	[tilespmem:s26+$0x14000] =	vst v0  }
0x3df: {  	v5 =	vsel vm7, v4, v7;
	v8 =	vsel vm8, v4, v7;
	v2 =	vsel vm11, v4, v7;
	s10 =	simm.s32 $0x3180;
	s11 =	sor.u32 $0x1C40, s6;
	s13 =	sor.u32 $0x1C60, s6;
	[tilespmem:s4+$0x14000] =	vst v1  }
0x3e0: {  	v3 =	vsel vm12, v4, v7;
	v6 =	vsel vm13, v4, v7;
	s18 =	sor.u32 $0x1C10, s6;
	s17 =	simm.s32 $0x0;
	s19 =	sor.u32 $0x1C30, s6;
	v0 =	vsel vm9, v4, v7;
	[tilespmem:s28+$0x14000] =	vst v5  }
0x3e1: {  	s20 =	sor.u32 $0x1C70, s6;
	s21 =	sor.u32 $0x1C20, s6;
	s6 =	simm.s32 $0x0;
	v1 =	vsel vm10, v4, v7;
	v5 =	vsel vm14, v4, v7;
	v4 =	vsel vm15, v4, v7;
	[tilespmem:s7+$0x14000] =	vst v8  }
.LBB2_25:
0x3e2: {  	v7 =	vld [tilespmem:s10+$0xFFFFE000];
	[tilespmem:s18+$0x14000] =	vst v0  }
0x3e3: {  	v8 =	vld [tilespmem:s10+$0x0];
	[tilespmem:s21+$0x14000] =	vst v1  }
0x3e4: {  	s5 =	sadd.s32 $0x1, s5;
	v9 =	vld [tilespmem:s10+$0xFFFFDF80];
	[tilespmem:s19+$0x14000] =	vst v2  }
0x3e5: {  	s3 =	sand.u32 $0x3, s5;
	v10 =	vld [tilespmem:s10+$0xFFFFFF80];
	[tilespmem:s11+$0x14000] =	vst v3  }
0x3e6: {  	s17 =	sadd.s32 $0x800, s17;
	s3 =	sshll.u32 s3, $0x8;
	[tilespmem:s2+$0x14000] =	vst v6  }
0x3e7: {  	s4 =	sadd.s32 s3, s17;
	[tilespmem:s13+$0x14000] =	vst v5  }
0x3e8: {  	s15 =	sor.u32 $0x1800, s4;
	s14 =	sor.u32 $0x1810, s4;
	s2 =	sor.u32 $0x1880, s4;
	v0 =	vsel vm0, v7, v8;
	[tilespmem:s20+$0x14000] =	vst v4  }
0x3e9: {  	s7 =	sor.u32 $0x1820, s4;
	s16 =	sor.u32 $0x1830, s4;
	[tilespmem:s2+$0x14000] =	vst v0;
	v0 =	vsel vm1, v7, v8;
	s2 =	sor.u32 $0x1890, s4  }
0x3ea: {  	s9 =	sor.u32 $0x1840, s4;
	s8 =	sor.u32 $0x1850, s4;
	v11 =	vsel vm0, v9, v10;
	[tilespmem:s2+$0x14000] =	vst v0;
	v0 =	vsel vm2, v7, v8;
	s2 =	sor.u32 $0x18A0, s4  }
0x3eb: {  	s25 =	sor.u32 $0x1860, s4;
	s3 =	sor.u32 $0x1870, s4;
	v12 =	vsel vm1, v9, v10;
	[tilespmem:s2+$0x14000] =	vst v0;
	v0 =	vsel vm3, v7, v8;
	s2 =	sor.u32 $0x18B0, s4  }
0x3ec: {  	s26 =	sor.u32 $0x1C00, s4;
	s18 =	sor.u32 $0x1C10, s4;
	v13 =	vsel vm2, v9, v10;
	[tilespmem:s2+$0x14000] =	vst v0;
	v0 =	vsel vm4, v7, v8;
	s2 =	sor.u32 $0x18C0, s4  }
0x3ed: {  	s21 =	sor.u32 $0x1C20, s4;
	s19 =	sor.u32 $0x1C30, s4;
	s13 =	sor.u32 $0x18D0, s4;
	v14 =	vsel vm3, v9, v10;
	[tilespmem:s2+$0x14000] =	vst v0;
	v0 =	vsel vm5, v7, v8  }
0x3ee: {  	s11 =	sor.u32 $0x1C40, s4;
	s28 =	sor.u32 $0x18E0, s4;
	v15 =	vsel vm4, v9, v10;
	s2 =	sor.u32 $0x1C50, s4;
	[tilespmem:s13+$0x14000] =	vst v0;
	v0 =	vsel vm6, v7, v8  }
0x3ef: {  	s20 =	sor.u32 $0x1C70, s4;
	v16 =	vsel vm5, v9, v10;
	s13 =	sor.u32 $0x1C60, s4;
	[tilespmem:s28+$0x14000] =	vst v0;
	v0 =	vsel vm7, v7, v8;
	s28 =	sor.u32 $0x18F0, s4  }
0x3f0: {  	v17 =	vsel vm6, v9, v10;
	[tilespmem:s28+$0x14000] =	vst v0;
	v0 =	vsel vm8, v7, v8;
	s28 =	sor.u32 $0x1C80, s4  }
0x3f1: {  	v18 =	vsel vm7, v9, v10;
	[tilespmem:s28+$0x14000] =	vst v0;
	v0 =	vsel vm9, v7, v8;
	s28 =	sor.u32 $0x1C90, s4  }
0x3f2: {  	s6 =	sadd.s32 $0x2, s6;
	v1 =	vsel vm10, v7, v8;
	v19 =	vsel vm8, v9, v10;
	[tilespmem:s28+$0x14000] =	vst v0;
	s28 =	sor.u32 $0x1CA0, s4  }
0x3f3: {  	p1 =	slt.u32 s6, $0xE;
	v2 =	vsel vm11, v7, v8;
	v0 =	vsel vm9, v9, v10;
	[tilespmem:s28+$0x14000] =	vst v1;
	s28 =	sor.u32 $0x1CB0, s4  }
0x3f4: {  	v3 =	vsel vm12, v7, v8;
	v1 =	vsel vm10, v9, v10;
	[tilespmem:s28+$0x14000] =	vst v2;
	s28 =	sor.u32 $0x1CC0, s4  }
0x3f5: {  	v4 =	vsel vm13, v7, v8;
	v2 =	vsel vm11, v9, v10;
	[tilespmem:s28+$0x14000] =	vst v3;
	s28 =	sor.u32 $0x1CD0, s4  }
0x3f6: {  	v3 =	vsel vm12, v9, v10;
	[tilespmem:s28+$0x14000] =	vst v4;
	v4 =	vsel vm14, v7, v8;
	s28 =	sor.u32 $0x1CE0, s4  }
0x3f7: {  	v6 =	vsel vm13, v9, v10;
	v5 =	vsel vm14, v9, v10;
	v7 =	vsel vm15, v7, v8;
	s4 =	sor.u32 $0x1CF0, s4;
	[tilespmem:s28+$0x14000] =	vst v4  }
0x3f8: {  	v4 =	vsel vm15, v9, v10;
	[tilespmem:s4+$0x14000] =	vst v7  }
0x3f9: {  	[tilespmem:s15+$0x14000] =	vst v11  }
0x3fa: {  	[tilespmem:s14+$0x14000] =	vst v12  }
0x3fb: {  	[tilespmem:s7+$0x14000] =	vst v13  }
0x3fc: {  	[tilespmem:s16+$0x14000] =	vst v14  }
.Ltmp11:
0x3fd: {  	[tilespmem:s9+$0x14000] =	vst v15;
	(pc) =	sbr.rel @p1 .LBB2_25-.Ltmp11, $4  }
0x3fe: {  	[tilespmem:s8+$0x14000] =	vst v16  }
0x3ff: {  	[tilespmem:s25+$0x14000] =	vst v17  }
0x400: {  	[tilespmem:s3+$0x14000] =	vst v18  }
0x401: {  	s10 =	sadd.s32 $0x100, s10;
	[tilespmem:s26+$0x14000] =	vst v19  }
0x402: {  	[tilespmem:s18+$0x14000] =	vst v0  }
0x403: {  	[tilespmem:s21+$0x14000] =	vst v1  }
0x404: {  	[tilespmem:s19+$0x14000] =	vst v2  }
0x405: {  	[tilespmem:s11+$0x14000] =	vst v3  }
0x406: {  	[tilespmem:s2+$0x14000] =	vst v6  }
0x407: {  	[tilespmem:s13+$0x14000] =	vst v5  }
0x408: {  	[tilespmem:s20+$0x14000] =	vst v4  }
0x409: {  	s2 =	rddreg [dreg:$0x8]  }
0x40a: {  	s26 =	simm.s32 $0x0;
	s3 =	simm.s32 $0x14000;
	s2 =	sadd.s32 s12, s2  }
0x40b: {  	[hbm4b:s2+s26] =	stream.linear.scatter [tilespmem:s3], [sflag:$0x3], $0x4000, $0x38;
	[tilespmem:$0x1C000] =	vst v63  }
0x40c: {  	s2 =	simm.s32 @!p0 $0x4  }
0x40d: {  	_ =	swait.ge @!p0 [sflag:s2], $0x4000  }
0x40e: {  	[sflag:s2] =	ssyncset.done @!p0 $0x0  }
0x40f: {  	[sflag:s2] =	ssyncadd.s32 @!p0 $0xFFFFC000  }
0x410: {  	v0 =	vld [tilespmem:s24+$0x4000]  }
0x411: {  	v1 =	vld [tilespmem:s23+$0x10]  }
0x412: {  	v2 =	vld [tilespmem:s23+$0x20]  }
0x413: {  	v3 =	vld [tilespmem:s23+$0x30]  }
0x414: {  	v4 =	vld [tilespmem:s23+$0x40]  }
0x415: {  	v5 =	vld [tilespmem:s23+$0x50]  }
0x416: {  	v6 =	vld [tilespmem:s23+$0x60]  }
0x417: {  	v7 =	vld [tilespmem:s23+$0x70]  }
0x418: {  	v8 =	vld [tilespmem:s23+$0x400]  }
0x419: {  	v9 =	vld [tilespmem:s23+$0x410]  }
0x41a: {  	v10 =	vld [tilespmem:s23+$0x420]  }
0x41b: {  	v12 =	vld [tilespmem:s23+$0x470];
	s24 =	simm.s32 $0x3880  }
0x41c: {  	v13 =	vld [tilespmem:s24+$0xFFFFE000]  }
0x41d: {  	v14 =	vld [tilespmem:s24+$0x0]  }
0x41e: {  	v15 =	vld [tilespmem:s24+$0xFFFFDF80]  }
0x41f: {  	v16 =	vld [tilespmem:s24+$0xFFFFFF80]  }
0x420: {  	s5 =	simm.s32 $0x0;
	v11 =	vld [tilespmem:s23+$0x430]  }
0x421: {  	s25 =	sand.u32 $0x2000, s5;
	s28 =	sand.u32 $0x300, s5;
	v17 =	vld [tilespmem:s23+$0x440];
	vm0 =	veq.s32 v12, $0x1  }
0x422: {  	s6 =	sor.u32 s28, s25;
	v18 =	vld [tilespmem:s23+$0x450];
	vm1 =	veq.s32 v0, $0x1;
	v0 =	vsel vm0, v13, v14  }
0x423: {  	v63 =	vld [tilespmem:s23+$0x460];
	vm2 =	veq.s32 v1, $0x1;
	v19 =	vsel vm1, v13, v14;
	[tilespmem:s6+$0x184F0] =	vst v0  }
0x424: {  	vm8 =	veq.s32 v7, $0x1;
	v1 =	vsel vm2, v15, v16;
	[tilespmem:s6+$0x18080] =	vst v19  }
0x425: {  	v7 =	vsel vm8, v13, v14;
	[tilespmem:s6+$0x18010] =	vst v1  }
0x426: {  	vm4 =	veq.s32 v3, $0x1;
	v0 =	vsel vm1, v15, v16;
	[tilespmem:s6+$0x180F0] =	vst v7  }
0x427: {  	vm3 =	veq.s32 v2, $0x1;
	v1 =	vsel vm4, v15, v16;
	[tilespmem:s6+$0x18000] =	vst v0  }
0x428: {  	vm6 =	veq.s32 v5, $0x1;
	v0 =	vsel vm3, v15, v16;
	[tilespmem:s6+$0x18030] =	vst v1  }
0x429: {  	vm5 =	veq.s32 v4, $0x1;
	v1 =	vsel vm6, v15, v16;
	[tilespmem:s6+$0x18020] =	vst v0  }
0x42a: {  	v0 =	vsel vm5, v15, v16;
	[tilespmem:s6+$0x18050] =	vst v1  }
0x42b: {  	vm7 =	veq.s32 v6, $0x1;
	v1 =	vsel vm8, v15, v16;
	[tilespmem:s6+$0x18040] =	vst v0  }
0x42c: {  	vm10 =	veq.s32 v9, $0x1;
	v0 =	vsel vm7, v15, v16;
	[tilespmem:s6+$0x18070] =	vst v1  }
0x42d: {  	vm9 =	veq.s32 v8, $0x1;
	v1 =	vsel vm10, v15, v16;
	[tilespmem:s6+$0x18060] =	vst v0  }
0x42e: {  	vm12 =	veq.s32 v11, $0x1;
	v0 =	vsel vm9, v15, v16;
	[tilespmem:s6+$0x18410] =	vst v1  }
0x42f: {  	vm11 =	veq.s32 v10, $0x1;
	v1 =	vsel vm12, v15, v16;
	[tilespmem:s6+$0x18400] =	vst v0  }
0x430: {  	vm14 =	veq.s32 v18, $0x1;
	v0 =	vsel vm11, v15, v16;
	[tilespmem:s6+$0x18430] =	vst v1  }
0x431: {  	vm13 =	veq.s32 v17, $0x1;
	v1 =	vsel vm14, v15, v16;
	[tilespmem:s6+$0x18420] =	vst v0  }
0x432: {  	v0 =	vsel vm13, v15, v16;
	[tilespmem:s6+$0x18450] =	vst v1  }
0x433: {  	vm15 =	veq.s32 v63, $0x1;
	v1 =	vsel vm0, v15, v16;
	[tilespmem:s6+$0x18440] =	vst v0  }
0x434: {  	v0 =	vsel vm15, v15, v16;
	[tilespmem:s6+$0x18470] =	vst v1  }
0x435: {  	v1 =	vsel vm3, v13, v14;
	[tilespmem:s6+$0x18460] =	vst v0  }
0x436: {  	v0 =	vsel vm2, v13, v14;
	[tilespmem:s6+$0x180A0] =	vst v1  }
0x437: {  	v1 =	vsel vm5, v13, v14;
	[tilespmem:s6+$0x18090] =	vst v0  }
0x438: {  	v0 =	vsel vm4, v13, v14;
	[tilespmem:s6+$0x180C0] =	vst v1  }
0x439: {  	v6 =	vsel vm9, v13, v14;
	v5 =	vsel vm10, v13, v14;
	v1 =	vsel vm7, v13, v14;
	[tilespmem:s6+$0x180B0] =	vst v0  }
0x43a: {  	v4 =	vsel vm11, v13, v14;
	v2 =	vsel vm12, v13, v14;
	v0 =	vsel vm6, v13, v14;
	[tilespmem:s6+$0x180E0] =	vst v1  }
0x43b: {  	s10 =	simm.s32 $0x0;
	s11 =	simm.s32 $0x0;
	s2 =	simm.s32 $0x3980;
	v3 =	vsel vm13, v13, v14;
	v1 =	vsel vm14, v13, v14;
	[tilespmem:s6+$0x180D0] =	vst v0;
	v0 =	vsel vm15, v13, v14  }
.LBB2_27:
0x43c: {  	v7 =	vld [tilespmem:s2+$0xFFFFE000];
	[tilespmem:s6+$0x18480] =	vst v6  }
0x43d: {  	s10 =	sadd.s32 $0x2, s10;
	v8 =	vld [tilespmem:s2+$0x0];
	[tilespmem:s6+$0x18490] =	vst v5  }
0x43e: {  	p0 =	slt.u32 s10, $0xE;
	v5 =	vld [tilespmem:s2+$0xFFFFDF80];
	[tilespmem:s6+$0x184A0] =	vst v4  }
0x43f: {  	v4 =	vld [tilespmem:s2+$0xFFFFFF80];
	[tilespmem:s6+$0x184B0] =	vst v2  }
0x440: {  	s5 =	sadd.s32 $0x100, s5;
	s11 =	sadd.s32 $0x800, s11;
	[tilespmem:s6+$0x184C0] =	vst v3  }
0x441: {  	s3 =	sand.u32 $0x2000, s11;
	s4 =	sand.u32 $0x300, s5;
	[tilespmem:s6+$0x184D0] =	vst v1  }
0x442: {  	v1 =	vsel vm1, v7, v8;
	v9 =	vsel vm2, v7, v8;
	v2 =	vsel vm0, v7, v8;
	[tilespmem:s6+$0x184E0] =	vst v0;
	s6 =	sor.u32 s4, s3  }
0x443: {  	v10 =	vsel vm3, v7, v8;
	v11 =	vsel vm4, v7, v8;
	v12 =	vsel vm5, v7, v8;
	[tilespmem:s6+$0x184F0] =	vst v2  }
0x444: {  	v0 =	vsel vm1, v5, v4;
	v2 =	vsel vm2, v5, v4;
	v3 =	vsel vm3, v5, v4;
	[tilespmem:s6+$0x18080] =	vst v1  }
0x445: {  	v1 =	vsel vm5, v5, v4;
	v6 =	vsel vm6, v5, v4;
	[tilespmem:s6+$0x18000] =	vst v0;
	v0 =	vsel vm4, v5, v4  }
0x446: {  	v13 =	vsel vm8, v5, v4;
	v14 =	vsel vm9, v5, v4;
	[tilespmem:s6+$0x18010] =	vst v2;
	v2 =	vsel vm7, v5, v4  }
0x447: {  	v15 =	vsel vm10, v5, v4;
	v16 =	vsel vm11, v5, v4;
	v17 =	vsel vm12, v5, v4;
	[tilespmem:s6+$0x18020] =	vst v3  }
0x448: {  	v18 =	vsel vm13, v5, v4;
	v19 =	vsel vm14, v5, v4;
	v20 =	vsel vm15, v5, v4;
	[tilespmem:s6+$0x18030] =	vst v0  }
0x449: {  	v22 =	vsel vm6, v7, v8;
	v23 =	vsel vm7, v7, v8;
	v21 =	vsel vm0, v5, v4;
	[tilespmem:s6+$0x18040] =	vst v1  }
0x44a: {  	v24 =	vsel vm8, v7, v8;
	v5 =	vsel vm10, v7, v8;
	[tilespmem:s6+$0x18050] =	vst v6;
	v6 =	vsel vm9, v7, v8  }
0x44b: {  	v4 =	vsel vm11, v7, v8;
	v3 =	vsel vm13, v7, v8;
	[tilespmem:s6+$0x18060] =	vst v2;
	v2 =	vsel vm12, v7, v8  }
0x44c: {  	v0 =	vsel vm15, v7, v8;
	v1 =	vsel vm14, v7, v8;
	[tilespmem:s6+$0x18070] =	vst v13  }
0x44d: {  	[tilespmem:s6+$0x18400] =	vst v14  }
0x44e: {  	[tilespmem:s6+$0x18410] =	vst v15  }
0x44f: {  	[tilespmem:s6+$0x18420] =	vst v16  }
0x450: {  	[tilespmem:s6+$0x18430] =	vst v17  }
0x451: {  	[tilespmem:s6+$0x18440] =	vst v18  }
0x452: {  	[tilespmem:s6+$0x18450] =	vst v19  }
0x453: {  	[tilespmem:s6+$0x18460] =	vst v20  }
0x454: {  	[tilespmem:s6+$0x18470] =	vst v21  }
0x455: {  	[tilespmem:s6+$0x18090] =	vst v9  }
0x456: {  	[tilespmem:s6+$0x180A0] =	vst v10  }
.Ltmp12:
0x457: {  	[tilespmem:s6+$0x180B0] =	vst v11;
	(pc) =	sbr.rel @p0 .LBB2_27-.Ltmp12, $4  }
0x458: {  	[tilespmem:s6+$0x180C0] =	vst v12  }
0x459: {  	[tilespmem:s6+$0x180D0] =	vst v22  }
0x45a: {  	[tilespmem:s6+$0x180E0] =	vst v23  }
0x45b: {  	s2 =	sadd.s32 $0x100, s2;
	[tilespmem:s6+$0x180F0] =	vst v24  }
0x45c: {  	[tilespmem:s6+$0x18480] =	vst v6  }
0x45d: {  	[tilespmem:s6+$0x18490] =	vst v5  }
0x45e: {  	[tilespmem:s6+$0x184A0] =	vst v4  }
0x45f: {  	[tilespmem:s6+$0x184B0] =	vst v2  }
0x460: {  	[tilespmem:s6+$0x184C0] =	vst v3  }
0x461: {  	[tilespmem:s6+$0x184D0] =	vst v1  }
0x462: {  	[tilespmem:s6+$0x184E0] =	vst v0  }
0x463: {  	v0 =	vld [tilespmem:s23+$0x800]  }
0x464: {  	v1 =	vld [tilespmem:s23+$0x810]  }
0x465: {  	v2 =	vld [tilespmem:s23+$0x820]  }
0x466: {  	v3 =	vld [tilespmem:s23+$0x830]  }
0x467: {  	v4 =	vld [tilespmem:s23+$0x840]  }
0x468: {  	v5 =	vld [tilespmem:s23+$0x850]  }
0x469: {  	v6 =	vld [tilespmem:s23+$0x860]  }
0x46a: {  	v7 =	vld [tilespmem:s23+$0x870]  }
0x46b: {  	v8 =	vld [tilespmem:s23+$0xC00]  }
0x46c: {  	v9 =	vld [tilespmem:s23+$0xC10]  }
0x46d: {  	v10 =	vld [tilespmem:s23+$0xC20]  }
0x46e: {  	s2 =	simm.s32 $0x3880;
	v12 =	vld [tilespmem:s23+$0xC70]  }
0x46f: {  	v13 =	vld [tilespmem:s2+$0xFFFFE000]  }
0x470: {  	v14 =	vld [tilespmem:s2+$0x0]  }
0x471: {  	v15 =	vld [tilespmem:s2+$0xFFFFDF80]  }
0x472: {  	v16 =	vld [tilespmem:s2+$0xFFFFFF80]  }
0x473: {  	s5 =	simm.s32 $0x0;
	v11 =	vld [tilespmem:s23+$0xC30]  }
0x474: {  	v17 =	vld [tilespmem:s23+$0xC40];
	s28 =	sand.u32 $0x2000, s5;
	s3 =	sand.u32 $0x300, s5;
	vm0 =	veq.s32 v12, $0x1  }
0x475: {  	v18 =	vld [tilespmem:s23+$0xC50];
	s6 =	sor.u32 s3, s28;
	vm1 =	veq.s32 v0, $0x1;
	v0 =	vsel vm0, v13, v14  }
0x476: {  	v63 =	vld [tilespmem:s23+$0xC60];
	vm2 =	veq.s32 v1, $0x1;
	v19 =	vsel vm1, v13, v14;
	[tilespmem:s6+$0x18CF0] =	vst v0  }
0x477: {  	vm8 =	veq.s32 v7, $0x1;
	v1 =	vsel vm2, v15, v16;
	[tilespmem:s6+$0x18880] =	vst v19  }
0x478: {  	v7 =	vsel vm8, v13, v14;
	[tilespmem:s6+$0x18810] =	vst v1  }
0x479: {  	vm4 =	veq.s32 v3, $0x1;
	v0 =	vsel vm1, v15, v16;
	[tilespmem:s6+$0x188F0] =	vst v7  }
0x47a: {  	vm3 =	veq.s32 v2, $0x1;
	v1 =	vsel vm4, v15, v16;
	[tilespmem:s6+$0x18800] =	vst v0  }
0x47b: {  	vm6 =	veq.s32 v5, $0x1;
	v0 =	vsel vm3, v15, v16;
	[tilespmem:s6+$0x18830] =	vst v1  }
0x47c: {  	vm5 =	veq.s32 v4, $0x1;
	v1 =	vsel vm6, v15, v16;
	[tilespmem:s6+$0x18820] =	vst v0  }
0x47d: {  	v0 =	vsel vm5, v15, v16;
	[tilespmem:s6+$0x18850] =	vst v1  }
0x47e: {  	vm7 =	veq.s32 v6, $0x1;
	v1 =	vsel vm8, v15, v16;
	[tilespmem:s6+$0x18840] =	vst v0  }
0x47f: {  	vm10 =	veq.s32 v9, $0x1;
	v0 =	vsel vm7, v15, v16;
	[tilespmem:s6+$0x18870] =	vst v1  }
0x480: {  	vm9 =	veq.s32 v8, $0x1;
	v1 =	vsel vm10, v15, v16;
	[tilespmem:s6+$0x18860] =	vst v0  }
0x481: {  	vm12 =	veq.s32 v11, $0x1;
	v0 =	vsel vm9, v15, v16;
	[tilespmem:s6+$0x18C10] =	vst v1  }
0x482: {  	vm11 =	veq.s32 v10, $0x1;
	v1 =	vsel vm12, v15, v16;
	[tilespmem:s6+$0x18C00] =	vst v0  }
0x483: {  	vm14 =	veq.s32 v18, $0x1;
	v0 =	vsel vm11, v15, v16;
	[tilespmem:s6+$0x18C30] =	vst v1  }
0x484: {  	vm13 =	veq.s32 v17, $0x1;
	v1 =	vsel vm14, v15, v16;
	[tilespmem:s6+$0x18C20] =	vst v0  }
0x485: {  	v0 =	vsel vm13, v15, v16;
	[tilespmem:s6+$0x18C50] =	vst v1  }
0x486: {  	vm15 =	veq.s32 v63, $0x1;
	v1 =	vsel vm0, v15, v16;
	[tilespmem:s6+$0x18C40] =	vst v0  }
0x487: {  	v0 =	vsel vm15, v15, v16;
	[tilespmem:s6+$0x18C70] =	vst v1  }
0x488: {  	v1 =	vsel vm3, v13, v14;
	[tilespmem:s6+$0x18C60] =	vst v0  }
0x489: {  	v0 =	vsel vm2, v13, v14;
	[tilespmem:s6+$0x188A0] =	vst v1  }
0x48a: {  	v1 =	vsel vm5, v13, v14;
	[tilespmem:s6+$0x18890] =	vst v0  }
0x48b: {  	v0 =	vsel vm4, v13, v14;
	[tilespmem:s6+$0x188C0] =	vst v1  }
0x48c: {  	v6 =	vsel vm9, v13, v14;
	v5 =	vsel vm10, v13, v14;
	v1 =	vsel vm7, v13, v14;
	[tilespmem:s6+$0x188B0] =	vst v0  }
0x48d: {  	v4 =	vsel vm11, v13, v14;
	v2 =	vsel vm12, v13, v14;
	v0 =	vsel vm6, v13, v14;
	[tilespmem:s6+$0x188E0] =	vst v1  }
0x48e: {  	s10 =	simm.s32 $0x0;
	s11 =	simm.s32 $0x0;
	s2 =	simm.s32 $0x3980;
	v3 =	vsel vm13, v13, v14;
	v1 =	vsel vm14, v13, v14;
	[tilespmem:s6+$0x188D0] =	vst v0;
	v0 =	vsel vm15, v13, v14  }
.LBB2_29:
0x48f: {  	v7 =	vld [tilespmem:s2+$0xFFFFE000];
	[tilespmem:s6+$0x18C80] =	vst v6  }
0x490: {  	s10 =	sadd.s32 $0x2, s10;
	v8 =	vld [tilespmem:s2+$0x0];
	[tilespmem:s6+$0x18C90] =	vst v5  }
0x491: {  	p0 =	slt.u32 s10, $0xE;
	v5 =	vld [tilespmem:s2+$0xFFFFDF80];
	[tilespmem:s6+$0x18CA0] =	vst v4  }
0x492: {  	v4 =	vld [tilespmem:s2+$0xFFFFFF80];
	[tilespmem:s6+$0x18CB0] =	vst v2  }
0x493: {  	s5 =	sadd.s32 $0x100, s5;
	s11 =	sadd.s32 $0x800, s11;
	[tilespmem:s6+$0x18CC0] =	vst v3  }
0x494: {  	s3 =	sand.u32 $0x2000, s11;
	s4 =	sand.u32 $0x300, s5;
	[tilespmem:s6+$0x18CD0] =	vst v1  }
0x495: {  	v1 =	vsel vm1, v7, v8;
	v9 =	vsel vm2, v7, v8;
	v2 =	vsel vm0, v7, v8;
	[tilespmem:s6+$0x18CE0] =	vst v0;
	s6 =	sor.u32 s4, s3  }
0x496: {  	v10 =	vsel vm3, v7, v8;
	v11 =	vsel vm4, v7, v8;
	v12 =	vsel vm5, v7, v8;
	[tilespmem:s6+$0x18CF0] =	vst v2  }
0x497: {  	v0 =	vsel vm1, v5, v4;
	v2 =	vsel vm2, v5, v4;
	v3 =	vsel vm3, v5, v4;
	[tilespmem:s6+$0x18880] =	vst v1  }
0x498: {  	v1 =	vsel vm5, v5, v4;
	v6 =	vsel vm6, v5, v4;
	[tilespmem:s6+$0x18800] =	vst v0;
	v0 =	vsel vm4, v5, v4  }
0x499: {  	v13 =	vsel vm8, v5, v4;
	v14 =	vsel vm9, v5, v4;
	[tilespmem:s6+$0x18810] =	vst v2;
	v2 =	vsel vm7, v5, v4  }
0x49a: {  	v15 =	vsel vm10, v5, v4;
	v16 =	vsel vm11, v5, v4;
	v17 =	vsel vm12, v5, v4;
	[tilespmem:s6+$0x18820] =	vst v3  }
0x49b: {  	v18 =	vsel vm13, v5, v4;
	v19 =	vsel vm14, v5, v4;
	v20 =	vsel vm15, v5, v4;
	[tilespmem:s6+$0x18830] =	vst v0  }
0x49c: {  	v22 =	vsel vm6, v7, v8;
	v23 =	vsel vm7, v7, v8;
	v21 =	vsel vm0, v5, v4;
	[tilespmem:s6+$0x18840] =	vst v1  }
0x49d: {  	v24 =	vsel vm8, v7, v8;
	v5 =	vsel vm10, v7, v8;
	[tilespmem:s6+$0x18850] =	vst v6;
	v6 =	vsel vm9, v7, v8  }
0x49e: {  	v4 =	vsel vm11, v7, v8;
	v3 =	vsel vm13, v7, v8;
	[tilespmem:s6+$0x18860] =	vst v2;
	v2 =	vsel vm12, v7, v8  }
0x49f: {  	v0 =	vsel vm15, v7, v8;
	v1 =	vsel vm14, v7, v8;
	[tilespmem:s6+$0x18870] =	vst v13  }
0x4a0: {  	[tilespmem:s6+$0x18C00] =	vst v14  }
0x4a1: {  	[tilespmem:s6+$0x18C10] =	vst v15  }
0x4a2: {  	[tilespmem:s6+$0x18C20] =	vst v16  }
0x4a3: {  	[tilespmem:s6+$0x18C30] =	vst v17  }
0x4a4: {  	[tilespmem:s6+$0x18C40] =	vst v18  }
0x4a5: {  	[tilespmem:s6+$0x18C50] =	vst v19  }
0x4a6: {  	[tilespmem:s6+$0x18C60] =	vst v20  }
0x4a7: {  	[tilespmem:s6+$0x18C70] =	vst v21  }
0x4a8: {  	[tilespmem:s6+$0x18890] =	vst v9  }
0x4a9: {  	[tilespmem:s6+$0x188A0] =	vst v10  }
.Ltmp13:
0x4aa: {  	[tilespmem:s6+$0x188B0] =	vst v11;
	(pc) =	sbr.rel @p0 .LBB2_29-.Ltmp13, $4  }
0x4ab: {  	[tilespmem:s6+$0x188C0] =	vst v12  }
0x4ac: {  	[tilespmem:s6+$0x188D0] =	vst v22  }
0x4ad: {  	[tilespmem:s6+$0x188E0] =	vst v23  }
0x4ae: {  	s2 =	sadd.s32 $0x100, s2;
	[tilespmem:s6+$0x188F0] =	vst v24  }
0x4af: {  	[tilespmem:s6+$0x18C80] =	vst v6  }
0x4b0: {  	[tilespmem:s6+$0x18C90] =	vst v5  }
0x4b1: {  	[tilespmem:s6+$0x18CA0] =	vst v4  }
0x4b2: {  	[tilespmem:s6+$0x18CB0] =	vst v2  }
0x4b3: {  	[tilespmem:s6+$0x18CC0] =	vst v3  }
0x4b4: {  	[tilespmem:s6+$0x18CD0] =	vst v1  }
0x4b5: {  	[tilespmem:s6+$0x18CE0] =	vst v0  }
0x4b6: {  	v0 =	vld [tilespmem:s23+$0x1000]  }
0x4b7: {  	v1 =	vld [tilespmem:s23+$0x1010]  }
0x4b8: {  	v2 =	vld [tilespmem:s23+$0x1020]  }
0x4b9: {  	v3 =	vld [tilespmem:s23+$0x1030]  }
0x4ba: {  	v4 =	vld [tilespmem:s23+$0x1040]  }
0x4bb: {  	v5 =	vld [tilespmem:s23+$0x1050]  }
0x4bc: {  	v6 =	vld [tilespmem:s23+$0x1060]  }
0x4bd: {  	v7 =	vld [tilespmem:s23+$0x1070]  }
0x4be: {  	v8 =	vld [tilespmem:s23+$0x1400]  }
0x4bf: {  	v9 =	vld [tilespmem:s23+$0x1410]  }
0x4c0: {  	v10 =	vld [tilespmem:s23+$0x1420]  }
0x4c1: {  	s2 =	simm.s32 $0x3880;
	v12 =	vld [tilespmem:s23+$0x1470]  }
0x4c2: {  	v13 =	vld [tilespmem:s2+$0xFFFFE000]  }
0x4c3: {  	v14 =	vld [tilespmem:s2+$0x0]  }
0x4c4: {  	v15 =	vld [tilespmem:s2+$0xFFFFDF80]  }
0x4c5: {  	v16 =	vld [tilespmem:s2+$0xFFFFFF80]  }
0x4c6: {  	s5 =	simm.s32 $0x0;
	v11 =	vld [tilespmem:s23+$0x1430]  }
0x4c7: {  	v17 =	vld [tilespmem:s23+$0x1440];
	s28 =	sand.u32 $0x2000, s5;
	s3 =	sand.u32 $0x300, s5;
	vm0 =	veq.s32 v12, $0x1  }
0x4c8: {  	v18 =	vld [tilespmem:s23+$0x1450];
	s6 =	sor.u32 s3, s28;
	vm1 =	veq.s32 v0, $0x1;
	v0 =	vsel vm0, v13, v14  }
0x4c9: {  	v63 =	vld [tilespmem:s23+$0x1460];
	vm2 =	veq.s32 v1, $0x1;
	v19 =	vsel vm1, v13, v14;
	[tilespmem:s6+$0x194F0] =	vst v0  }
0x4ca: {  	vm8 =	veq.s32 v7, $0x1;
	v1 =	vsel vm2, v15, v16;
	[tilespmem:s6+$0x19080] =	vst v19  }
0x4cb: {  	v7 =	vsel vm8, v13, v14;
	[tilespmem:s6+$0x19010] =	vst v1  }
0x4cc: {  	vm4 =	veq.s32 v3, $0x1;
	v0 =	vsel vm1, v15, v16;
	[tilespmem:s6+$0x190F0] =	vst v7  }
0x4cd: {  	vm3 =	veq.s32 v2, $0x1;
	v1 =	vsel vm4, v15, v16;
	[tilespmem:s6+$0x19000] =	vst v0  }
0x4ce: {  	vm6 =	veq.s32 v5, $0x1;
	v0 =	vsel vm3, v15, v16;
	[tilespmem:s6+$0x19030] =	vst v1  }
0x4cf: {  	vm5 =	veq.s32 v4, $0x1;
	v1 =	vsel vm6, v15, v16;
	[tilespmem:s6+$0x19020] =	vst v0  }
0x4d0: {  	v0 =	vsel vm5, v15, v16;
	[tilespmem:s6+$0x19050] =	vst v1  }
0x4d1: {  	vm7 =	veq.s32 v6, $0x1;
	v1 =	vsel vm8, v15, v16;
	[tilespmem:s6+$0x19040] =	vst v0  }
0x4d2: {  	vm10 =	veq.s32 v9, $0x1;
	v0 =	vsel vm7, v15, v16;
	[tilespmem:s6+$0x19070] =	vst v1  }
0x4d3: {  	vm9 =	veq.s32 v8, $0x1;
	v1 =	vsel vm10, v15, v16;
	[tilespmem:s6+$0x19060] =	vst v0  }
0x4d4: {  	vm12 =	veq.s32 v11, $0x1;
	v0 =	vsel vm9, v15, v16;
	[tilespmem:s6+$0x19410] =	vst v1  }
0x4d5: {  	vm11 =	veq.s32 v10, $0x1;
	v1 =	vsel vm12, v15, v16;
	[tilespmem:s6+$0x19400] =	vst v0  }
0x4d6: {  	vm14 =	veq.s32 v18, $0x1;
	v0 =	vsel vm11, v15, v16;
	[tilespmem:s6+$0x19430] =	vst v1  }
0x4d7: {  	vm13 =	veq.s32 v17, $0x1;
	v1 =	vsel vm14, v15, v16;
	[tilespmem:s6+$0x19420] =	vst v0  }
0x4d8: {  	v0 =	vsel vm13, v15, v16;
	[tilespmem:s6+$0x19450] =	vst v1  }
0x4d9: {  	vm15 =	veq.s32 v63, $0x1;
	v1 =	vsel vm0, v15, v16;
	[tilespmem:s6+$0x19440] =	vst v0  }
0x4da: {  	v0 =	vsel vm15, v15, v16;
	[tilespmem:s6+$0x19470] =	vst v1  }
0x4db: {  	v1 =	vsel vm3, v13, v14;
	[tilespmem:s6+$0x19460] =	vst v0  }
0x4dc: {  	v0 =	vsel vm2, v13, v14;
	[tilespmem:s6+$0x190A0] =	vst v1  }
0x4dd: {  	v1 =	vsel vm5, v13, v14;
	[tilespmem:s6+$0x19090] =	vst v0  }
0x4de: {  	v0 =	vsel vm4, v13, v14;
	[tilespmem:s6+$0x190C0] =	vst v1  }
0x4df: {  	v6 =	vsel vm9, v13, v14;
	v5 =	vsel vm10, v13, v14;
	v1 =	vsel vm7, v13, v14;
	[tilespmem:s6+$0x190B0] =	vst v0  }
0x4e0: {  	v4 =	vsel vm11, v13, v14;
	v2 =	vsel vm12, v13, v14;
	v0 =	vsel vm6, v13, v14;
	[tilespmem:s6+$0x190E0] =	vst v1  }
0x4e1: {  	s10 =	simm.s32 $0x0;
	s11 =	simm.s32 $0x0;
	s2 =	simm.s32 $0x3980;
	v3 =	vsel vm13, v13, v14;
	v1 =	vsel vm14, v13, v14;
	[tilespmem:s6+$0x190D0] =	vst v0;
	v0 =	vsel vm15, v13, v14  }
.LBB2_31:
0x4e2: {  	v7 =	vld [tilespmem:s2+$0xFFFFE000];
	[tilespmem:s6+$0x19480] =	vst v6  }
0x4e3: {  	s10 =	sadd.s32 $0x2, s10;
	v8 =	vld [tilespmem:s2+$0x0];
	[tilespmem:s6+$0x19490] =	vst v5  }
0x4e4: {  	p0 =	slt.u32 s10, $0xE;
	v5 =	vld [tilespmem:s2+$0xFFFFDF80];
	[tilespmem:s6+$0x194A0] =	vst v4  }
0x4e5: {  	v4 =	vld [tilespmem:s2+$0xFFFFFF80];
	[tilespmem:s6+$0x194B0] =	vst v2  }
0x4e6: {  	s5 =	sadd.s32 $0x100, s5;
	s11 =	sadd.s32 $0x800, s11;
	[tilespmem:s6+$0x194C0] =	vst v3  }
0x4e7: {  	s3 =	sand.u32 $0x2000, s11;
	s4 =	sand.u32 $0x300, s5;
	[tilespmem:s6+$0x194D0] =	vst v1  }
0x4e8: {  	v1 =	vsel vm1, v7, v8;
	v9 =	vsel vm2, v7, v8;
	v2 =	vsel vm0, v7, v8;
	[tilespmem:s6+$0x194E0] =	vst v0;
	s6 =	sor.u32 s4, s3  }
0x4e9: {  	v10 =	vsel vm3, v7, v8;
	v11 =	vsel vm4, v7, v8;
	v12 =	vsel vm5, v7, v8;
	[tilespmem:s6+$0x194F0] =	vst v2  }
0x4ea: {  	v0 =	vsel vm1, v5, v4;
	v2 =	vsel vm2, v5, v4;
	v3 =	vsel vm3, v5, v4;
	[tilespmem:s6+$0x19080] =	vst v1  }
0x4eb: {  	v1 =	vsel vm5, v5, v4;
	v6 =	vsel vm6, v5, v4;
	[tilespmem:s6+$0x19000] =	vst v0;
	v0 =	vsel vm4, v5, v4  }
0x4ec: {  	v13 =	vsel vm8, v5, v4;
	v14 =	vsel vm9, v5, v4;
	[tilespmem:s6+$0x19010] =	vst v2;
	v2 =	vsel vm7, v5, v4  }
0x4ed: {  	v15 =	vsel vm10, v5, v4;
	v16 =	vsel vm11, v5, v4;
	v17 =	vsel vm12, v5, v4;
	[tilespmem:s6+$0x19020] =	vst v3  }
0x4ee: {  	v18 =	vsel vm13, v5, v4;
	v19 =	vsel vm14, v5, v4;
	v20 =	vsel vm15, v5, v4;
	[tilespmem:s6+$0x19030] =	vst v0  }
0x4ef: {  	v22 =	vsel vm6, v7, v8;
	v23 =	vsel vm7, v7, v8;
	v21 =	vsel vm0, v5, v4;
	[tilespmem:s6+$0x19040] =	vst v1  }
0x4f0: {  	v24 =	vsel vm8, v7, v8;
	v5 =	vsel vm10, v7, v8;
	[tilespmem:s6+$0x19050] =	vst v6;
	v6 =	vsel vm9, v7, v8  }
0x4f1: {  	v4 =	vsel vm11, v7, v8;
	v3 =	vsel vm13, v7, v8;
	[tilespmem:s6+$0x19060] =	vst v2;
	v2 =	vsel vm12, v7, v8  }
0x4f2: {  	v0 =	vsel vm15, v7, v8;
	v1 =	vsel vm14, v7, v8;
	[tilespmem:s6+$0x19070] =	vst v13  }
0x4f3: {  	[tilespmem:s6+$0x19400] =	vst v14  }
0x4f4: {  	[tilespmem:s6+$0x19410] =	vst v15  }
0x4f5: {  	[tilespmem:s6+$0x19420] =	vst v16  }
0x4f6: {  	[tilespmem:s6+$0x19430] =	vst v17  }
0x4f7: {  	[tilespmem:s6+$0x19440] =	vst v18  }
0x4f8: {  	[tilespmem:s6+$0x19450] =	vst v19  }
0x4f9: {  	[tilespmem:s6+$0x19460] =	vst v20  }
0x4fa: {  	[tilespmem:s6+$0x19470] =	vst v21  }
0x4fb: {  	[tilespmem:s6+$0x19090] =	vst v9  }
0x4fc: {  	[tilespmem:s6+$0x190A0] =	vst v10  }
.Ltmp14:
0x4fd: {  	[tilespmem:s6+$0x190B0] =	vst v11;
	(pc) =	sbr.rel @p0 .LBB2_31-.Ltmp14, $4  }
0x4fe: {  	[tilespmem:s6+$0x190C0] =	vst v12  }
0x4ff: {  	[tilespmem:s6+$0x190D0] =	vst v22  }
0x500: {  	[tilespmem:s6+$0x190E0] =	vst v23  }
0x501: {  	s2 =	sadd.s32 $0x100, s2;
	[tilespmem:s6+$0x190F0] =	vst v24  }
0x502: {  	[tilespmem:s6+$0x19480] =	vst v6  }
0x503: {  	[tilespmem:s6+$0x19490] =	vst v5  }
0x504: {  	[tilespmem:s6+$0x194A0] =	vst v4  }
0x505: {  	[tilespmem:s6+$0x194B0] =	vst v2  }
0x506: {  	[tilespmem:s6+$0x194C0] =	vst v3  }
0x507: {  	[tilespmem:s6+$0x194D0] =	vst v1  }
0x508: {  	[tilespmem:s6+$0x194E0] =	vst v0  }
0x509: {  	v0 =	vld [tilespmem:s23+$0x1800]  }
0x50a: {  	v1 =	vld [tilespmem:s23+$0x1810]  }
0x50b: {  	v2 =	vld [tilespmem:s23+$0x1820]  }
0x50c: {  	v3 =	vld [tilespmem:s23+$0x1830]  }
0x50d: {  	v4 =	vld [tilespmem:s23+$0x1840]  }
0x50e: {  	v5 =	vld [tilespmem:s23+$0x1850]  }
0x50f: {  	v6 =	vld [tilespmem:s23+$0x1860]  }
0x510: {  	s28 =	simm.s32 $0x3880;
	v7 =	vld [tilespmem:s23+$0x1870]  }
0x511: {  	v11 =	vld [tilespmem:s28+$0xFFFFE000]  }
0x512: {  	v12 =	vld [tilespmem:s28+$0x0]  }
0x513: {  	v13 =	vld [tilespmem:s29+$0x4000]  }
0x514: {  	v14 =	vld [tilespmem:s30+$0x4000]  }
0x515: {  	s5 =	simm.s32 $0x0;
	v15 =	vld [tilespmem:s31+$0x4000]  }
0x516: {  	s2 =	rddreg [dreg:$0xc];
	s3 =	sand.u32 $0x3, s5;
	v16 =	vld [tilespmem:s0+$0x4000]  }
0x517: {  	s24 =	rddreg [dreg:$0xd];
	v8 =	vld [tilespmem:s2+$0x4000];
	s3 =	sshll.u32 s3, $0x8  }
0x518: {  	s25 =	rddreg [dreg:$0xe];
	v9 =	vld [tilespmem:s24+$0x4000];
	s0 =	sadd.s32 $0x0, s3;
	vm0 =	veq.s32 v0, $0x1  }
0x519: {  	v10 =	vld [tilespmem:s25+$0x4000];
	s4 =	sor.u32 $0x1880, s0;
	vm1 =	veq.s32 v1, $0x1;
	v1 =	vsel vm0, v11, v12  }
0x51a: {  	s6 =	sor.u32 $0x1890, s0;
	v0 =	vld [tilespmem:s1+$0x4000];
	vm2 =	veq.s32 v2, $0x1;
	[tilespmem:s4+$0x18000] =	vst v1;
	v1 =	vsel vm1, v11, v12  }
0x51b: {  	s7 =	sor.u32 $0x18A0, s0;
	vm3 =	veq.s32 v3, $0x1;
	[tilespmem:s6+$0x18000] =	vst v1;
	v1 =	vsel vm2, v11, v12  }
0x51c: {  	s8 =	sor.u32 $0x18B0, s0;
	vm4 =	veq.s32 v4, $0x1;
	[tilespmem:s7+$0x18000] =	vst v1;
	v1 =	vsel vm3, v11, v12  }
0x51d: {  	s9 =	sor.u32 $0x18C0, s0;
	vm5 =	veq.s32 v5, $0x1;
	[tilespmem:s8+$0x18000] =	vst v1;
	v1 =	vsel vm4, v11, v12  }
0x51e: {  	s10 =	sor.u32 $0x18D0, s0;
	vm6 =	veq.s32 v6, $0x1;
	[tilespmem:s9+$0x18000] =	vst v1;
	v1 =	vsel vm5, v11, v12  }
0x51f: {  	s11 =	sor.u32 $0x18E0, s0;
	vm7 =	veq.s32 v7, $0x1;
	[tilespmem:s10+$0x18000] =	vst v1;
	v1 =	vsel vm6, v11, v12  }
0x520: {  	s13 =	sor.u32 $0x18F0, s0;
	vm8 =	veq.s32 v8, $0x1;
	[tilespmem:s11+$0x18000] =	vst v1;
	v1 =	vsel vm7, v11, v12  }
0x521: {  	s14 =	sor.u32 $0x1C80, s0;
	vm9 =	veq.s32 v9, $0x1;
	[tilespmem:s13+$0x18000] =	vst v1;
	v1 =	vsel vm8, v11, v12  }
0x522: {  	s15 =	sor.u32 $0x1C90, s0;
	v4 =	vld [tilespmem:s28+$0xFFFFDF80];
	vm10 =	veq.s32 v10, $0x1;
	[tilespmem:s14+$0x18000] =	vst v1;
	v1 =	vsel vm9, v11, v12  }
0x523: {  	s16 =	sor.u32 $0x1CA0, s0;
	vm11 =	veq.s32 v13, $0x1;
	v7 =	vld [tilespmem:s28+$0xFFFFFF80];
	[tilespmem:s15+$0x18000] =	vst v1;
	v1 =	vsel vm10, v11, v12  }
0x524: {  	s17 =	sor.u32 $0x1CB0, s0;
	vm12 =	veq.s32 v14, $0x1;
	[tilespmem:s16+$0x18000] =	vst v1;
	v1 =	vsel vm11, v11, v12  }
0x525: {  	s18 =	sor.u32 $0x1CC0, s0;
	vm13 =	veq.s32 v15, $0x1;
	[tilespmem:s17+$0x18000] =	vst v1;
	v1 =	vsel vm12, v11, v12  }
0x526: {  	s19 =	sor.u32 $0x1CD0, s0;
	vm14 =	veq.s32 v16, $0x1;
	[tilespmem:s18+$0x18000] =	vst v1;
	v1 =	vsel vm13, v11, v12  }
0x527: {  	s20 =	sor.u32 $0x1CE0, s0;
	vm15 =	veq.s32 v0, $0x1;
	v0 =	vsel vm14, v11, v12;
	[tilespmem:s19+$0x18000] =	vst v1  }
0x528: {  	s23 =	sor.u32 $0x1800, s0;
	v1 =	vsel vm0, v4, v7;
	[tilespmem:s20+$0x18000] =	vst v0  }
0x529: {  	s21 =	sor.u32 $0x1CF0, s0;
	v0 =	vsel vm15, v11, v12;
	[tilespmem:s23+$0x18000] =	vst v1  }
0x52a: {  	s24 =	sor.u32 $0x1810, s0;
	[tilespmem:s21+$0x18000] =	vst v0;
	v0 =	vsel vm1, v4, v7  }
0x52b: {  	s25 =	sor.u32 $0x1820, s0;
	v1 =	vsel vm2, v4, v7;
	[tilespmem:s24+$0x18000] =	vst v0  }
0x52c: {  	s28 =	sor.u32 $0x1830, s0;
	v0 =	vsel vm3, v4, v7;
	[tilespmem:s25+$0x18000] =	vst v1  }
0x52d: {  	s29 =	sor.u32 $0x1840, s0;
	v1 =	vsel vm4, v4, v7;
	[tilespmem:s28+$0x18000] =	vst v0  }
0x52e: {  	s30 =	sor.u32 $0x1850, s0;
	s3 =	sor.u32 $0x1860, s0;
	v0 =	vsel vm5, v4, v7;
	[tilespmem:s29+$0x18000] =	vst v1  }
0x52f: {  	s31 =	sor.u32 $0x1C00, s0;
	s2 =	sor.u32 $0x1C50, s0;
	s1 =	simm.s32 $0x3980;
	v1 =	vsel vm6, v4, v7;
	[tilespmem:s30+$0x18000] =	vst v0  }
0x530: {  	s4 =	sor.u32 $0x1870, s0;
	s6 =	simm.s32 $0x0;
	v5 =	vsel vm7, v4, v7;
	v8 =	vsel vm8, v4, v7;
	v2 =	vsel vm11, v4, v7;
	s10 =	sor.u32 $0x1C10, s0;
	[tilespmem:s3+$0x18000] =	vst v1  }
0x531: {  	v3 =	vsel vm12, v4, v7;
	v6 =	vsel vm13, v4, v7;
	s11 =	sor.u32 $0x1C40, s0;
	s13 =	sor.u32 $0x1C60, s0;
	s17 =	sor.u32 $0x1C30, s0;
	v0 =	vsel vm9, v4, v7;
	[tilespmem:s4+$0x18000] =	vst v5  }
0x532: {  	s18 =	sor.u32 $0x1C70, s0;
	s19 =	sor.u32 $0x1C20, s0;
	s0 =	simm.s32 $0x0;
	v1 =	vsel vm10, v4, v7;
	v5 =	vsel vm14, v4, v7;
	v4 =	vsel vm15, v4, v7;
	[tilespmem:s31+$0x18000] =	vst v8  }
.LBB2_33:
0x533: {  	v7 =	vld [tilespmem:s1+$0xFFFFE000];
	[tilespmem:s10+$0x18000] =	vst v0  }
0x534: {  	v8 =	vld [tilespmem:s1+$0x0];
	[tilespmem:s19+$0x18000] =	vst v1  }
0x535: {  	s5 =	sadd.s32 $0x1, s5;
	v9 =	vld [tilespmem:s1+$0xFFFFDF80];
	[tilespmem:s17+$0x18000] =	vst v2  }
0x536: {  	s3 =	sand.u32 $0x3, s5;
	v10 =	vld [tilespmem:s1+$0xFFFFFF80];
	[tilespmem:s11+$0x18000] =	vst v3  }
0x537: {  	s6 =	sadd.s32 $0x800, s6;
	s3 =	sshll.u32 s3, $0x8;
	[tilespmem:s2+$0x18000] =	vst v6  }
0x538: {  	s4 =	sadd.s32 s3, s6;
	[tilespmem:s13+$0x18000] =	vst v5  }
0x539: {  	s15 =	sor.u32 $0x1800, s4;
	s14 =	sor.u32 $0x1810, s4;
	s2 =	sor.u32 $0x1880, s4;
	v0 =	vsel vm0, v7, v8;
	[tilespmem:s18+$0x18000] =	vst v4  }
0x53a: {  	s7 =	sor.u32 $0x1820, s4;
	s16 =	sor.u32 $0x1830, s4;
	[tilespmem:s2+$0x18000] =	vst v0;
	v0 =	vsel vm1, v7, v8;
	s2 =	sor.u32 $0x1890, s4  }
0x53b: {  	s9 =	sor.u32 $0x1840, s4;
	s8 =	sor.u32 $0x1850, s4;
	v11 =	vsel vm0, v9, v10;
	[tilespmem:s2+$0x18000] =	vst v0;
	v0 =	vsel vm2, v7, v8;
	s2 =	sor.u32 $0x18A0, s4  }
0x53c: {  	s20 =	sor.u32 $0x1860, s4;
	s3 =	sor.u32 $0x1870, s4;
	v12 =	vsel vm1, v9, v10;
	[tilespmem:s2+$0x18000] =	vst v0;
	v0 =	vsel vm3, v7, v8;
	s2 =	sor.u32 $0x18B0, s4  }
0x53d: {  	s21 =	sor.u32 $0x1C00, s4;
	s10 =	sor.u32 $0x1C10, s4;
	v13 =	vsel vm2, v9, v10;
	[tilespmem:s2+$0x18000] =	vst v0;
	v0 =	vsel vm4, v7, v8;
	s2 =	sor.u32 $0x18C0, s4  }
0x53e: {  	s19 =	sor.u32 $0x1C20, s4;
	s17 =	sor.u32 $0x1C30, s4;
	s13 =	sor.u32 $0x18D0, s4;
	v14 =	vsel vm3, v9, v10;
	[tilespmem:s2+$0x18000] =	vst v0;
	v0 =	vsel vm5, v7, v8  }
0x53f: {  	s11 =	sor.u32 $0x1C40, s4;
	s23 =	sor.u32 $0x18E0, s4;
	v15 =	vsel vm4, v9, v10;
	s2 =	sor.u32 $0x1C50, s4;
	[tilespmem:s13+$0x18000] =	vst v0;
	v0 =	vsel vm6, v7, v8  }
0x540: {  	s18 =	sor.u32 $0x1C70, s4;
	v16 =	vsel vm5, v9, v10;
	s13 =	sor.u32 $0x1C60, s4;
	[tilespmem:s23+$0x18000] =	vst v0;
	v0 =	vsel vm7, v7, v8;
	s23 =	sor.u32 $0x18F0, s4  }
0x541: {  	v17 =	vsel vm6, v9, v10;
	[tilespmem:s23+$0x18000] =	vst v0;
	v0 =	vsel vm8, v7, v8;
	s23 =	sor.u32 $0x1C80, s4  }
0x542: {  	v18 =	vsel vm7, v9, v10;
	[tilespmem:s23+$0x18000] =	vst v0;
	v0 =	vsel vm9, v7, v8;
	s23 =	sor.u32 $0x1C90, s4  }
0x543: {  	s0 =	sadd.s32 $0x2, s0;
	v1 =	vsel vm10, v7, v8;
	v19 =	vsel vm8, v9, v10;
	[tilespmem:s23+$0x18000] =	vst v0;
	s23 =	sor.u32 $0x1CA0, s4  }
0x544: {  	p0 =	slt.u32 s0, $0xE;
	v2 =	vsel vm11, v7, v8;
	v0 =	vsel vm9, v9, v10;
	[tilespmem:s23+$0x18000] =	vst v1;
	s23 =	sor.u32 $0x1CB0, s4  }
0x545: {  	v3 =	vsel vm12, v7, v8;
	v1 =	vsel vm10, v9, v10;
	[tilespmem:s23+$0x18000] =	vst v2;
	s23 =	sor.u32 $0x1CC0, s4  }
0x546: {  	v4 =	vsel vm13, v7, v8;
	v2 =	vsel vm11, v9, v10;
	[tilespmem:s23+$0x18000] =	vst v3;
	s23 =	sor.u32 $0x1CD0, s4  }
0x547: {  	v3 =	vsel vm12, v9, v10;
	[tilespmem:s23+$0x18000] =	vst v4;
	v4 =	vsel vm14, v7, v8;
	s23 =	sor.u32 $0x1CE0, s4  }
0x548: {  	v6 =	vsel vm13, v9, v10;
	v5 =	vsel vm14, v9, v10;
	v7 =	vsel vm15, v7, v8;
	s4 =	sor.u32 $0x1CF0, s4;
	[tilespmem:s23+$0x18000] =	vst v4  }
0x549: {  	v4 =	vsel vm15, v9, v10;
	[tilespmem:s4+$0x18000] =	vst v7  }
0x54a: {  	[tilespmem:s15+$0x18000] =	vst v11  }
0x54b: {  	[tilespmem:s14+$0x18000] =	vst v12  }
0x54c: {  	[tilespmem:s7+$0x18000] =	vst v13  }
0x54d: {  	[tilespmem:s16+$0x18000] =	vst v14  }
.Ltmp15:
0x54e: {  	[tilespmem:s9+$0x18000] =	vst v15;
	(pc) =	sbr.rel @p0 .LBB2_33-.Ltmp15, $4  }
0x54f: {  	[tilespmem:s8+$0x18000] =	vst v16  }
0x550: {  	[tilespmem:s20+$0x18000] =	vst v17  }
0x551: {  	[tilespmem:s3+$0x18000] =	vst v18  }
0x552: {  	s1 =	sadd.s32 $0x100, s1;
	[tilespmem:s21+$0x18000] =	vst v19  }
0x553: {  	[tilespmem:s10+$0x18000] =	vst v0  }
0x554: {  	[tilespmem:s19+$0x18000] =	vst v1  }
0x555: {  	[tilespmem:s17+$0x18000] =	vst v2  }
0x556: {  	s22 =	sadd.s32 $0x1, s22;
	[tilespmem:s11+$0x18000] =	vst v3  }
0x557: {  	p0 =	sne.s32 s22, $0x20;
	[tilespmem:s2+$0x18000] =	vst v6  }
.Ltmp16:
0x558: {  	[tilespmem:s13+$0x18000] =	vst v5;
	(pc) =	sbr.rel @p0 .LBB2_2-.Ltmp16, $4  }
0x559: {  	[tilespmem:s18+$0x18000] =	vst v4  }
0x55a: {  	s0 =	rddreg [dreg:$0x9]  }
0x55b: {  	s1 =	simm.s32 $0x18000;
	s0 =	sadd.s32 s12, s0  }
0x55c: {  	[hbm4b:s0+s26] =	stream.linear.scatter [tilespmem:s1], [sflag:$0x4], $0x4000, $0x38;
	[tilespmem:$0x1C000] =	vst v63  }
0x55d: {  	s0 =	simm.s32 $0x1  }
0x55e: {  	_ =	swait.ge [sflag:s0], $0x4000  }
0x55f: {  	[sflag:s0] =	ssyncset.done $0x0  }
0x560: {  	s29 =	simm.s32 $0x2;
	[sflag:s0] =	ssyncadd.s32 $0xFFFFC000  }
0x561: {  	_ =	swait.ge [sflag:s29], $0x4000  }
0x562: {  	[sflag:s29] =	ssyncset.done $0x0  }
0x563: {  	s30 =	simm.s32 $0x3;
	[sflag:s29] =	ssyncadd.s32 $0xFFFFC000  }
0x564: {  	_ =	swait.ge [sflag:s30], $0x4000  }
0x565: {  	[sflag:s30] =	ssyncset.done $0x0  }
0x566: {  	s1 =	simm.s32 $0x4;
	[sflag:s30] =	ssyncadd.s32 $0xFFFFC000  }
0x567: {  	_ =	swait.ge [sflag:s1], $0x4000  }
0x568: {  	s2 =	rddreg [dreg:$0xb]  }
0x569: {  	s31 =	rddreg [dreg:$0xa];
	s2 =	sadd.s32 $0x1, s2  }
0x56a: {  	p0 =	sne.s32 s2, s31  }
.Ltmp17:
0x56b: {  	_ = 	snop;
	(pc) =	sbr.rel @p0 .LBB2_1-.Ltmp17, $3  }
0x56c: {  	_ =	sdelay $0x1  }
0x56d: {  	[sflag:s1] =	ssyncset.done $0x0  }
0x56e: {  	[sflag:s1] =	ssyncadd.s32 $0xFFFFC000  }
0x56f: {  	_ =	sfence.sel $0x180000  }
0x570: {  	[bflag:$0x0] =	sbarrier.arrive $0xFFFF  }
0x571: {  	_ =	strace $0x90000047  }
0x572: {  	s0 =	stileid.u32;
	[bflag:$0x2] =	sbarrier.arrive $0xFFFF  }
0x573: {  	p0 =	sne.s32 s0, $0x0;
	s0 =	rddreg [dreg:$0x3]  }
0x574: {  	s0 =	sadd.s32 @!p0 $0x100000, s0  }
0x575: {  	[sflag:s0] =	ssyncadd.tile.s32 @!p0 $0x1;
	_ =	shalt  }
.Lfunc_end2:
_tile_overlayer_lowered:
.L_overlay_start_2:
0x576: {  	(tag) =	ssettag $0x2  }
0x577: {  	s0 =	rddreg [dreg:$0x0];
	s2 =	stileid.u32  }
0x578: {  	s1 =	rddreg [dreg:$0x1];
	p0 =	sne.s32 s2, $0x0  }
0x579: {  	s3 =	rddreg [dreg:$0x2];
	[bflag:$0x3] =	sbarrier.arrive $0xFFFF;
	s2 =	simm.s32 @!p0 $0x1C05  }
0x57a: {  	[timem:s3], [sflag:s2] =	dma.local @!p0 [hbm:s0], s1  }
0x57b: {  	s0 =	simm.s32 @!p0 $0x5  }
0x57c: {  	_ =	swait.ge @!p0 [sflag:s0], s1  }
0x57d: {  	s1 =	ssub.s32 @!p0 $0x0, s1;
	[sflag:s0] =	ssyncset.done @!p0 $0x0  }
0x57e: {  	[sflag:s0] =	ssyncadd.s32 @!p0 s1  }
0x57f: {  	[bflag:$0x3] =	sbarrier.arrive $0xFFFF  }
0x580: {  	_ =	shalt  }

</sc_bundles>
